<compile_context>
chip_gen: v7x
topology: tpu7x:2x2x1
jax: 0.10.2.dev20260603
libtpu: 0.0.44.dev20260713+nightly
codegen_flags: <defaults>
</compile_context>

<pallas_src>
import functools
import jax
import jax.numpy as jnp
from jax import lax
from jax.experimental import pallas as pl
from jax.experimental.pallas import tpu as pltpu
from jax.experimental.pallas import tpu_sc as plsc

N = 10000
E = 320000
D_IN = 128
D_H = 256
CLASSES = 10
G = 64

NS = 16
GPT = 160
E_PAD = NS * GPT * 128
N_PAD = 10112


def _make_segsum_sc(split_edges):
    mesh = plsc.VectorSubcoreMesh(core_axis_name="c", subcore_axis_name="s")
    gpw = (GPT * 2) // 2 if split_edges else GPT * 2
    C = 16
    NB = 4

    @functools.partial(
        pl.kernel,
        mesh=mesh,
        out_type=jax.ShapeDtypeStruct((2, N_PAD, 128), jnp.float32),
        scratch_types=[
            pltpu.VMEM((C, 64), jnp.int32),
            pltpu.VMEM((C, 64), jnp.int32),
            pltpu.VMEM((NB, 64, 128), jnp.float32),
            pltpu.VMEM_SHARED((N_PAD, 128), jnp.float32),
            pltpu.SemaphoreType.DMA,
            pltpu.SemaphoreType.DMA,
            pltpu.SemaphoreType.DMA,
            pltpu.SemaphoreType.DMA,
            pltpu.SemaphoreType.DMA,
        ],
    )
    def segsum(tables, src2, dst2, zeros, out, src_v, dst_v, rows_v, acc,
               sem_g0, sem_g1, sem_g2, sem_g3, sem_s):
        cid = lax.axis_index("c")
        sid = lax.axis_index("s")

        z0 = sid * (N_PAD // NS)
        pltpu.sync_copy(zeros, acc.at[pl.ds(z0, N_PAD // NS)])

        if split_edges:
            g0 = (cid * NS + sid) * gpw
            table = tables.at[0]
        else:
            g0 = sid * gpw
            table = tables.at[cid]
        plsc.subcore_barrier()

        sem_g = (sem_g0, sem_g1, sem_g2, sem_g3)

        def gather(j):
            return pltpu.async_copy(table.at[src_v.at[j]],
                                    rows_v.at[j % NB], sem_g[j % NB])

        def chunk_body(ci, carry):
            g0c = g0 + ci * C
            pltpu.sync_copy(src2.at[pl.ds(g0c, C)], src_v)
            pltpu.sync_copy(dst2.at[pl.ds(g0c, C)], dst_v)

            hg = [gather(j) for j in range(NB - 1)]
            hs = None
            for j in range(C):
                hg.pop(0).wait()
                if hs is not None:
                    hs.wait()
                hs = pltpu.async_copy(rows_v.at[j % NB],
                                      acc.at[dst_v.at[j]], sem_s, add=True)
                if j + NB - 1 < C:
                    hg.append(gather(j + NB - 1))
            hs.wait()
            return carry

        lax.fori_loop(0, gpw // C, chunk_body, 0)
        plsc.subcore_barrier()

        r0 = sid * (N_PAD // NS)
        pltpu.sync_copy(acc.at[pl.ds(r0, N_PAD // NS)],
                        out.at[cid].at[pl.ds(r0, N_PAD // NS)])

    return segsum

R1 = 400
R2 = 400


def _l1_body(eps_ref, x_ref, agg_ref, w_ref, m_ref, b_ref, z_ref):
    wm = w_ref[...] * m_ref[...]
    agg = agg_ref[0] + agg_ref[1]
    h = (1.0 + eps_ref[0, 0]) * x_ref[...] + agg
    out = lax.dot_general(h, wm, (((1,), (1,)), ((), ())),
                          preferred_element_type=jnp.float32)
    out = jnp.maximum(out + b_ref[...], 0.0)
    z_ref[0] = out[:, :128]
    z_ref[1] = out[:, 128:]


def _layer1_tc(x, agg1s, W1, mask1, b1, eps1):
    grid = (N // R1,)
    return pl.pallas_call(
        _l1_body,
        grid=grid,
        in_specs=[
            pl.BlockSpec((1, 1), lambda i: (0, 0)),
            pl.BlockSpec((R1, D_IN), lambda i: (i, 0)),
            pl.BlockSpec((2, R1, 128), lambda i: (0, i, 0)),
            pl.BlockSpec((D_H, D_IN), lambda i: (0, 0)),
            pl.BlockSpec((D_H, D_IN), lambda i: (0, 0)),
            pl.BlockSpec((1, D_H), lambda i: (0, 0)),
        ],
        out_specs=pl.BlockSpec((2, R1, 128), lambda i: (0, i, 0)),
        out_shape=jax.ShapeDtypeStruct((2, N, 128), jnp.float32),
    )(eps1.reshape(1, 1), x, agg1s, W1, mask1, b1.reshape(1, D_H))


def _l2_body(eps_ref, z_ref, a_ref, w_ref, m_ref, b_ref, batch_ref,
             wp_ref, bp_ref, out_ref, sums, counts):
    i = pl.program_id(0)

    @pl.when(i == 0)
    def _():
        sums[...] = jnp.zeros_like(sums)
        counts[...] = jnp.zeros_like(counts)

    wm = w_ref[...] * m_ref[...]
    z1 = jnp.concatenate([z_ref[0], z_ref[1]], axis=1)
    agg = jnp.concatenate([a_ref[0], a_ref[1]], axis=1)
    h = (1.0 + eps_ref[0, 0]) * z1 + agg
    z2 = lax.dot_general(h, wm, (((1,), (1,)), ((), ())),
                         preferred_element_type=jnp.float32)
    z2 = jnp.maximum(z2 + b_ref[...], 0.0)

    bvec = batch_ref[0, 0, :]
    gids = lax.broadcasted_iota(jnp.int32, (G, R2), 0)
    P = (gids == bvec[None, :]).astype(jnp.float32)
    sums[...] += lax.dot_general(P, z2, (((1,), (0,)), ((), ())),
                                 preferred_element_type=jnp.float32)
    counts[...] += jnp.sum(P, axis=1, keepdims=True)

    @pl.when(i == pl.num_programs(0) - 1)
    def _():
        gz = sums[...] / jnp.maximum(counts[...], 1.0)
        logit = lax.dot_general(gz, wp_ref[...], (((1,), (1,)), ((), ())),
                                preferred_element_type=jnp.float32)
        out_ref[...] = jax.nn.sigmoid(logit + bp_ref[...])


def _layer2_tc(z1s, agg2s, W2, mask2, b2, eps2, batch, Wp, bp):
    grid = (N // R2,)
    batch3 = batch.reshape(N // R2, 1, R2)
    return pl.pallas_call(
        _l2_body,
        grid=grid,
        in_specs=[
            pl.BlockSpec((1, 1), lambda i: (0, 0)),
            pl.BlockSpec((2, R2, 128), lambda i: (0, i, 0)),
            pl.BlockSpec((2, R2, 128), lambda i: (0, i, 0)),
            pl.BlockSpec((D_H, D_H), lambda i: (0, 0)),
            pl.BlockSpec((D_H, D_H), lambda i: (0, 0)),
            pl.BlockSpec((1, D_H), lambda i: (0, 0)),
            pl.BlockSpec((1, 1, R2), lambda i: (i, 0, 0)),
            pl.BlockSpec((CLASSES, D_H), lambda i: (0, 0)),
            pl.BlockSpec((1, CLASSES), lambda i: (0, 0)),
        ],
        out_specs=pl.BlockSpec((G, CLASSES), lambda i: (0, 0)),
        out_shape=jax.ShapeDtypeStruct((G, CLASSES), jnp.float32),
        scratch_shapes=[
            pltpu.VMEM((G, D_H), jnp.float32),
            pltpu.VMEM((G, 1), jnp.float32),
        ],
    )(eps2.reshape(1, 1), z1s, agg2s, W2, mask2, b2.reshape(1, D_H),
      batch3, Wp, bp.reshape(1, CLASSES))


_segsum_l1 = _make_segsum_sc(split_edges=True)
_segsum_l2 = _make_segsum_sc(split_edges=False)


def kernel(x, edge_index, batch, weights_mask1, weights_mask2,
           W1, b1, eps1, W2, b2, eps2, Wp, bp):
    src = edge_index[0]
    dst = edge_index[1]
    pad = E_PAD - E
    pad_i = jnp.arange(pad, dtype=jnp.int32)
    src2 = jnp.concatenate(
        [src, pad_i % 256]).reshape(NS * GPT * 2, 64)
    dst2 = jnp.concatenate(
        [dst, N + pad_i % (N_PAD - N)]).reshape(NS * GPT * 2, 64)
    zeros128 = jnp.zeros((N_PAD // NS, 128), jnp.float32)

    agg1s = _segsum_l1(x.reshape(1, N, D_IN), src2, dst2, zeros128)
    z1s = _layer1_tc(x, agg1s, W1, weights_mask1, b1, eps1)
    agg2s = _segsum_l2(z1s, src2, dst2, zeros128)
    return _layer2_tc(z1s, agg2s, W2, weights_mask2, b2, eps2,
                      batch, Wp, bp)

# --- scband reference (transcript-rebuilt; emitter-appended) ---
"""Pipeline reference for scband-mnist-predictor-39024072851730 (READ-ONLY COPY).

The authoritative reference and input builder live on the scoring server;
editing this copy changes nothing except your own understanding.
"""

import jax, jax.numpy as jnp
import numpy as np

N = 10000
E = 320000
D_IN = 128
D_H = 256
CLASSES = 10
G = 64


def setup_inputs(seed: int = 0) -> dict:
    key = jax.random.key(seed)
    ks = jax.random.split(key, 12)
    x = jax.random.normal(ks[0], (N, D_IN), dtype=jnp.float32)
    edge_index = jax.random.randint(ks[1], (2, E), 0, N, dtype=jnp.int32)
    batch = jnp.sort(jax.random.randint(ks[2], (N,), 0, G, dtype=jnp.int32))
    weights_mask1 = jax.random.uniform(ks[3], (D_H, D_IN), dtype=jnp.float32)
    weights_mask2 = jax.random.uniform(ks[4], (D_H, D_H), dtype=jnp.float32)
    W1 = jax.random.normal(ks[5], (D_H, D_IN), dtype=jnp.float32) * 0.05
    b1 = jnp.zeros((D_H,), dtype=jnp.float32)
    eps1 = jnp.zeros((), dtype=jnp.float32)
    W2 = jax.random.normal(ks[6], (D_H, D_H), dtype=jnp.float32) * 0.05
    b2 = jnp.zeros((D_H,), dtype=jnp.float32)
    eps2 = jnp.zeros((), dtype=jnp.float32)
    Wp = jax.random.normal(ks[7], (CLASSES, D_H), dtype=jnp.float32) * 0.05
    bp = jnp.zeros((CLASSES,), dtype=jnp.float32)
    return {
        'x': x, 'edge_index': edge_index, 'batch': batch,
        'weights_mask1': weights_mask1, 'weights_mask2': weights_mask2,
        'W1': W1, 'b1': b1, 'eps1': eps1,
        'W2': W2, 'b2': b2, 'eps2': eps2,
        'Wp': Wp, 'bp': bp,
    }


def _gin_conv(x, edge_index, W, b, eps):
    # GINConv with a Linear 'nn': out = Linear((1+eps)*x + sum_{j in N(i)} x_j)
    src = edge_index[0]
    dst = edge_index[1]
    msgs = jnp.take(x, src, axis=0)
    agg = jax.ops.segment_sum(msgs, dst, num_segments=x.shape[0])
    h = (1.0 + eps) * x + agg
    return h @ W.T + b


def reference(x, edge_index, batch, weights_mask1, weights_mask2,
              W1, b1, eps1, W2, b2, eps2, Wp, bp):
    # mask.set_mask(weights, gin1): elementwise mask applied to the linear weights
    z = jax.nn.relu(_gin_conv(x, edge_index, W1 * weights_mask1, b1, eps1))
    z = jax.nn.relu(_gin_conv(z, edge_index, W2 * weights_mask2, b2, eps2))
    # global_mean_pool over graph assignment
    sums = jax.ops.segment_sum(z, batch, num_segments=G)
    counts = jax.ops.segment_sum(jnp.ones((z.shape[0], 1), dtype=z.dtype), batch, num_segments=G)
    global_z = sums / jnp.maximum(counts, 1.0)
    logits = jax.nn.sigmoid(global_z @ Wp.T + bp)
    return logits

if __name__ == "__main__":
    import jax
    _d = setup_inputs()
    print(jax.jit(kernel)(*tuple(_d.values())))

</pallas_src>

<mosaic_0001>
#map = affine_map<(d0, d1) -> (0, 0, 0)>
#map1 = affine_map<(d0, d1) -> (0, 0)>
module attributes {stable_mosaic.version = 14 : i64} {
  func.func @segsum(%arg0: i32, %arg1: i32, %arg2: memref<2x10000x128xf32, #tpu.memory_space<hbm>>, %arg3: memref<5120x64xi32, #tpu.memory_space<hbm>>, %arg4: memref<5120x64xi32, #tpu.memory_space<hbm>>, %arg5: memref<632x128xf32, #tpu.memory_space<hbm>>, %arg6: memref<2x10112x128xf32, #tpu.memory_space<hbm>>, %arg7: memref<16x64xi32, #tpu.memory_space<vmem>>, %arg8: memref<16x64xi32, #tpu.memory_space<vmem>>, %arg9: memref<4x64x128xf32, #tpu.memory_space<vmem>>, %arg10: memref<10112x128xf32, #tpu.memory_space<vmem_shared>>, %arg11: memref<!tpu.dma_semaphore, #tpu.memory_space<semaphore_mem>>, %arg12: memref<!tpu.dma_semaphore, #tpu.memory_space<semaphore_mem>>, %arg13: memref<!tpu.dma_semaphore, #tpu.memory_space<semaphore_mem>>, %arg14: memref<!tpu.dma_semaphore, #tpu.memory_space<semaphore_mem>>, %arg15: memref<!tpu.dma_semaphore, #tpu.memory_space<semaphore_mem>>) attributes {dimension_semantics = [#tpu.dimension_semantics<core_parallel>, #tpu.dimension_semantics<subcore_parallel>], iteration_bounds = array<i64: 2, 16>, scalar_prefetch = 0 : i64, scratch_operands = 9 : i64, tpu.core_type = #tpu.core_type<sc_vector_subcore>, window_params = [{transform_indices = #map}, {transform_indices = #map1}, {transform_indices = #map1}, {transform_indices = #map1}, {transform_indices = #map}]} {
    %mul3A = arith.constant 632 : i32
    %mul3A_0 = arith.muli %arg1, %mul3A : i32
    "tpu.region"() ({
      %run_scoped3A = tpu.sem_alloc : memref<!tpu.dma_semaphore, #tpu.memory_space<semaphore_mem>>
      %dma_start3A = arith.constant 0 : i32
      %dma_start3A_11 = tpu.memref_slice %arg10[%mul3A_0, %dma_start3A] : memref<10112x128xf32, #tpu.memory_space<vmem_shared>> -> memref<632x128xf32, #tpu.memory_space<vmem_shared>>
      tpu.enqueue_dma source(%arg5 : memref<632x128xf32, #tpu.memory_space<hbm>>) target(%dma_start3A_11 : memref<632x128xf32, #tpu.memory_space<vmem_shared>>) target_semaphore(%run_scoped3A : memref<!tpu.dma_semaphore, #tpu.memory_space<semaphore_mem>>)
      %dma_wait3A = arith.constant 0 : i32
      %dma_wait3A_12 = tpu.memref_slice %arg10[%mul3A_0, %dma_wait3A] : memref<10112x128xf32, #tpu.memory_space<vmem_shared>> -> memref<632x128xf32, #tpu.memory_space<vmem_shared>>
      tpu.wait_dma2 semaphore(%run_scoped3A : memref<!tpu.dma_semaphore, #tpu.memory_space<semaphore_mem>>) src(%arg5 : memref<632x128xf32, #tpu.memory_space<hbm>>) dst(%dma_wait3A_12 : memref<632x128xf32, #tpu.memory_space<vmem_shared>>)
      tpu.yield
    }) : () -> ()
    %mul3A_1 = arith.constant 320 : i32
    %mul3A_2 = arith.muli %arg1, %mul3A_1 : i32
    %barrier3A = arith.constant 0 : index
    tpu.barrier barrier_id(%barrier3A)
    %scan3A = arith.constant 0 : i32
    %scan3A_3 = arith.constant 0 : i32
    %scan3A_4 = arith.constant 20 : i32
    %scan3A_5 = arith.addi %scan3A_3, %scan3A_4 : i32
    %scan3A_6 = arith.constant 1 : i32
    scf.for %scan3A_11 = %scan3A_3 to %scan3A_5 step %scan3A_6  : i32 {
      %mul3A_12 = arith.constant 16 : i32
      %mul3A_13 = arith.muli %scan3A_11, %mul3A_12 : i32
      %add3A = arith.addi %mul3A_2, %mul3A_13 : i32
      "tpu.region"() ({
        %run_scoped3A = tpu.sem_alloc : memref<!tpu.dma_semaphore, #tpu.memory_space<semaphore_mem>>
        %dma_start3A_908 = arith.constant 0 : i32
        %dma_start3A_909 = tpu.memref_slice %arg3[%add3A, %dma_start3A_908] : memref<5120x64xi32, #tpu.memory_space<hbm>> -> memref<16x64xi32, #tpu.memory_space<hbm>>
        %dma_start3A_910 = arith.constant 0 : i32
        %dma_start3A_911 = tpu.memref_slice %arg3[%add3A, %dma_start3A_910] : memref<5120x64xi32, #tpu.memory_space<hbm>> -> memref<16x64xi32, #tpu.memory_space<hbm>>
        tpu.enqueue_dma source(%dma_start3A_911 : memref<16x64xi32, #tpu.memory_space<hbm>>) target(%arg7 : memref<16x64xi32, #tpu.memory_space<vmem>>) target_semaphore(%run_scoped3A : memref<!tpu.dma_semaphore, #tpu.memory_space<semaphore_mem>>)
        %dma_wait3A_912 = arith.constant 0 : i32
        %dma_wait3A_913 = tpu.memref_slice %arg3[%add3A, %dma_wait3A_912] : memref<5120x64xi32, #tpu.memory_space<hbm>> -> memref<16x64xi32, #tpu.memory_space<hbm>>
        %dma_wait3A_914 = arith.constant 0 : i32
        %dma_wait3A_915 = tpu.memref_slice %arg3[%add3A, %dma_wait3A_914] : memref<5120x64xi32, #tpu.memory_space<hbm>> -> memref<16x64xi32, #tpu.memory_space<hbm>>
        tpu.wait_dma2 semaphore(%run_scoped3A : memref<!tpu.dma_semaphore, #tpu.memory_space<semaphore_mem>>) src(%dma_wait3A_915 : memref<16x64xi32, #tpu.memory_space<hbm>>) dst(%arg7 : memref<16x64xi32, #tpu.memory_space<vmem>>)
        tpu.yield
      }) : () -> ()
      "tpu.region"() ({
        %run_scoped3A = tpu.sem_alloc : memref<!tpu.dma_semaphore, #tpu.memory_space<semaphore_mem>>
        %dma_start3A_908 = arith.constant 0 : i32
        %dma_start3A_909 = tpu.memref_slice %arg4[%add3A, %dma_start3A_908] : memref<5120x64xi32, #tpu.memory_space<hbm>> -> memref<16x64xi32, #tpu.memory_space<hbm>>
        %dma_start3A_910 = arith.constant 0 : i32
        %dma_start3A_911 = tpu.memref_slice %arg4[%add3A, %dma_start3A_910] : memref<5120x64xi32, #tpu.memory_space<hbm>> -> memref<16x64xi32, #tpu.memory_space<hbm>>
        tpu.enqueue_dma source(%dma_start3A_911 : memref<16x64xi32, #tpu.memory_space<hbm>>) target(%arg8 : memref<16x64xi32, #tpu.memory_space<vmem>>) target_semaphore(%run_scoped3A : memref<!tpu.dma_semaphore, #tpu.memory_space<semaphore_mem>>)
        %dma_wait3A_912 = arith.constant 0 : i32
        %dma_wait3A_913 = tpu.memref_slice %arg4[%add3A, %dma_wait3A_912] : memref<5120x64xi32, #tpu.memory_space<hbm>> -> memref<16x64xi32, #tpu.memory_space<hbm>>
        %dma_wait3A_914 = arith.constant 0 : i32
        %dma_wait3A_915 = tpu.memref_slice %arg4[%add3A, %dma_wait3A_914] : memref<5120x64xi32, #tpu.memory_space<hbm>> -> memref<16x64xi32, #tpu.memory_space<hbm>>
        tpu.wait_dma2 semaphore(%run_scoped3A : memref<!tpu.dma_semaphore, #tpu.memory_space<semaphore_mem>>) src(%dma_wait3A_915 : memref<16x64xi32, #tpu.memory_space<hbm>>) dst(%arg8 : memref<16x64xi32, #tpu.memory_space<vmem>>)
        tpu.yield
      }) : () -> ()
      %dma_start3A = arith.constant 0 : i32
      %dma_start3A_14 = arith.constant 0 : i32
      %dma_start3A_15 = arith.constant 0 : i32
      %dma_start3A_16 = arith.constant 0 : i32
      %dma_start3A_17 = tpu.memref_slice %arg9[%dma_start3A_14, %dma_start3A_15, %dma_start3A_16] : memref<4x64x128xf32, #tpu.memory_space<vmem>> -> memref<1x64x128xf32, #tpu.memory_space<vmem>>
      %dma_start3A_18 = tpu.memref_squeeze %dma_start3A_17 : memref<1x64x128xf32, #tpu.memory_space<vmem>> -> memref<64x128xf32, #tpu.memory_space<vmem>>
      %dma_start3A_19 = arith.constant 0 : i32
      %dma_start3A_20 = tpu.memref_slice %arg7[%dma_start3A, %dma_start3A_19] : memref<16x64xi32, #tpu.memory_space<vmem>> -> memref<1x64xi32, #tpu.memory_space<vmem>>
      %dma_start3A_21 = tpu.memref_squeeze %dma_start3A_20 : memref<1x64xi32, #tpu.memory_space<vmem>> -> memref<64xi32, #tpu.memory_space<vmem>>
      %dma_start3A_22 = arith.constant 0 : i32
      %dma_start3A_23 = arith.constant 0 : i32
      %dma_start3A_24 = tpu.memref_slice %arg2[%arg0, %dma_start3A_22, %dma_start3A_23] : memref<2x10000x128xf32, #tpu.memory_space<hbm>> -> memref<1x10000x128xf32, #tpu.memory_space<hbm>>
      %dma_start3A_25 = tpu.memref_squeeze %dma_start3A_24 : memref<1x10000x128xf32, #tpu.memory_space<hbm>> -> memref<10000x128xf32, #tpu.memory_space<hbm>>
      %dma_start3A_26 = arith.constant 0 : i32
      %dma_start3A_27 = arith.constant 0 : i32
      %dma_start3A_28 = tpu.memref_slice %dma_start3A_25[%dma_start3A_26, %dma_start3A_27] : memref<10000x128xf32, #tpu.memory_space<hbm>> -> memref<10000x128xf32, #tpu.memory_space<hbm>>
      tpu.enqueue_indirect_dma source(%dma_start3A_28 : memref<10000x128xf32, #tpu.memory_space<hbm>>) target(%dma_start3A_18 : memref<64x128xf32, #tpu.memory_space<vmem>>) offsets(%dma_start3A_21 : memref<64xi32, #tpu.memory_space<vmem>>) semaphore(%arg11 : memref<!tpu.dma_semaphore, #tpu.memory_space<semaphore_mem>>)
      %dma_start3A_29 = arith.constant 1 : i32
      %dma_start3A_30 = arith.constant 1 : i32
      %dma_start3A_31 = arith.constant 0 : i32
      %dma_start3A_32 = arith.constant 0 : i32
      %dma_start3A_33 = tpu.memref_slice %arg9[%dma_start3A_30, %dma_start3A_31, %dma_start3A_32] : memref<4x64x128xf32, #tpu.memory_space<vmem>> -> memref<1x64x128xf32, #tpu.memory_space<vmem>>
      %dma_start3A_34 = tpu.memref_squeeze %dma_start3A_33 : memref<1x64x128xf32, #tpu.memory_space<vmem>> -> memref<64x128xf32, #tpu.memory_space<vmem>>
      %dma_start3A_35 = arith.constant 0 : i32
      %dma_start3A_36 = tpu.memref_slice %arg7[%dma_start3A_29, %dma_start3A_35] : memref<16x64xi32, #tpu.memory_space<vmem>> -> memref<1x64xi32, #tpu.memory_space<vmem>>
      %dma_start3A_37 = tpu.memref_squeeze %dma_start3A_36 : memref<1x64xi32, #tpu.memory_space<vmem>> -> memref<64xi32, #tpu.memory_space<vmem>>
      %dma_start3A_38 = arith.constant 0 : i32
      %dma_start3A_39 = arith.constant 0 : i32
      %dma_start3A_40 = tpu.memref_slice %arg2[%arg0, %dma_start3A_38, %dma_start3A_39] : memref<2x10000x128xf32, #tpu.memory_space<hbm>> -> memref<1x10000x128xf32, #tpu.memory_space<hbm>>
      %dma_start3A_41 = tpu.memref_squeeze %dma_start3A_40 : memref<1x10000x128xf32, #tpu.memory_space<hbm>> -> memref<10000x128xf32, #tpu.memory_space<hbm>>
      %dma_start3A_42 = arith.constant 0 : i32
      %dma_start3A_43 = arith.constant 0 : i32
      %dma_start3A_44 = tpu.memref_slice %dma_start3A_41[%dma_start3A_42, %dma_start3A_43] : memref<10000x128xf32, #tpu.memory_space<hbm>> -> memref<10000x128xf32, #tpu.memory_space<hbm>>
      tpu.enqueue_indirect_dma source(%dma_start3A_44 : memref<10000x128xf32, #tpu.memory_space<hbm>>) target(%dma_start3A_34 : memref<64x128xf32, #tpu.memory_space<vmem>>) offsets(%dma_start3A_37 : memref<64xi32, #tpu.memory_space<vmem>>) semaphore(%arg12 : memref<!tpu.dma_semaphore, #tpu.memory_space<semaphore_mem>>)
      %dma_start3A_45 = arith.constant 2 : i32
      %dma_start3A_46 = arith.constant 2 : i32
      %dma_start3A_47 = arith.constant 0 : i32
      %dma_start3A_48 = arith.constant 0 : i32
      %dma_start3A_49 = tpu.memref_slice %arg9[%dma_start3A_46, %dma_start3A_47, %dma_start3A_48] : memref<4x64x128xf32, #tpu.memory_space<vmem>> -> memref<1x64x128xf32, #tpu.memory_space<vmem>>
      %dma_start3A_50 = tpu.memref_squeeze %dma_start3A_49 : memref<1x64x128xf32, #tpu.memory_space<vmem>> -> memref<64x128xf32, #tpu.memory_space<vmem>>
      %dma_start3A_51 = arith.constant 0 : i32
      %dma_start3A_52 = tpu.memref_slice %arg7[%dma_start3A_45, %dma_start3A_51] : memref<16x64xi32, #tpu.memory_space<vmem>> -> memref<1x64xi32, #tpu.memory_space<vmem>>
      %dma_start3A_53 = tpu.memref_squeeze %dma_start3A_52 : memref<1x64xi32, #tpu.memory_space<vmem>> -> memref<64xi32, #tpu.memory_space<vmem>>
      %dma_start3A_54 = arith.constant 0 : i32
      %dma_start3A_55 = arith.constant 0 : i32
      %dma_start3A_56 = tpu.memref_slice %arg2[%arg0, %dma_start3A_54, %dma_start3A_55] : memref<2x10000x128xf32, #tpu.memory_space<hbm>> -> memref<1x10000x128xf32, #tpu.memory_space<hbm>>
      %dma_start3A_57 = tpu.memref_squeeze %dma_start3A_56 : memref<1x10000x128xf32, #tpu.memory_space<hbm>> -> memref<10000x128xf32, #tpu.memory_space<hbm>>
      %dma_start3A_58 = arith.constant 0 : i32
      %dma_start3A_59 = arith.constant 0 : i32
      %dma_start3A_60 = tpu.memref_slice %dma_start3A_57[%dma_start3A_58, %dma_start3A_59] : memref<10000x128xf32, #tpu.memory_space<hbm>> -> memref<10000x128xf32, #tpu.memory_space<hbm>>
      tpu.enqueue_indirect_dma source(%dma_start3A_60 : memref<10000x128xf32, #tpu.memory_space<hbm>>) target(%dma_start3A_50 : memref<64x128xf32, #tpu.memory_space<vmem>>) offsets(%dma_start3A_53 : memref<64xi32, #tpu.memory_space<vmem>>) semaphore(%arg13 : memref<!tpu.dma_semaphore, #tpu.memory_space<semaphore_mem>>)
      %dma_wait3A = arith.constant 0 : i32
      %dma_wait3A_61 = arith.constant 0 : i32
      %dma_wait3A_62 = arith.constant 0 : i32
      %dma_wait3A_63 = arith.constant 0 : i32
      %dma_wait3A_64 = tpu.memref_slice %arg9[%dma_wait3A_61, %dma_wait3A_62, %dma_wait3A_63] : memref<4x64x128xf32, #tpu.memory_space<vmem>> -> memref<1x64x128xf32, #tpu.memory_space<vmem>>
      %dma_wait3A_65 = tpu.memref_squeeze %dma_wait3A_64 : memref<1x64x128xf32, #tpu.memory_space<vmem>> -> memref<64x128xf32, #tpu.memory_space<vmem>>
      %dma_wait3A_66 = arith.constant 0 : i32
      %dma_wait3A_67 = tpu.memref_slice %arg7[%dma_wait3A, %dma_wait3A_66] : memref<16x64xi32, #tpu.memory_space<vmem>> -> memref<1x64xi32, #tpu.memory_space<vmem>>
      %dma_wait3A_68 = tpu.memref_squeeze %dma_wait3A_67 : memref<1x64xi32, #tpu.memory_space<vmem>> -> memref<64xi32, #tpu.memory_space<vmem>>
      %dma_wait3A_69 = arith.constant 0 : i32
      %dma_wait3A_70 = arith.constant 0 : i32
      %dma_wait3A_71 = tpu.memref_slice %arg2[%arg0, %dma_wait3A_69, %dma_wait3A_70] : memref<2x10000x128xf32, #tpu.memory_space<hbm>> -> memref<1x10000x128xf32, #tpu.memory_space<hbm>>
      %dma_wait3A_72 = tpu.memref_squeeze %dma_wait3A_71 : memref<1x10000x128xf32, #tpu.memory_space<hbm>> -> memref<10000x128xf32, #tpu.memory_space<hbm>>
      %dma_wait3A_73 = arith.constant 0 : i32
      %dma_wait3A_74 = arith.constant 0 : i32
      %dma_wait3A_75 = tpu.memref_slice %dma_wait3A_72[%dma_wait3A_73, %dma_wait3A_74] : memref<10000x128xf32, #tpu.memory_space<hbm>> -> memref<10000x128xf32, #tpu.memory_space<hbm>>
      tpu.wait_indirect_dma semaphore(%arg11 : memref<!tpu.dma_semaphore, #tpu.memory_space<semaphore_mem>>) src(%dma_wait3A_75 : memref<10000x128xf32, #tpu.memory_space<hbm>>) dst(%dma_wait3A_65 : memref<64x128xf32, #tpu.memory_space<vmem>>)
      %dma_start3A_76 = arith.constant 0 : i32
      %dma_start3A_77 = arith.constant 0 : i32
      %dma_start3A_78 = arith.constant 0 : i32
      %dma_start3A_79 = arith.constant 0 : i32
      %dma_start3A_80 = tpu.memref_slice %arg9[%dma_start3A_76, %dma_start3A_78, %dma_start3A_79] : memref<4x64x128xf32, #tpu.memory_space<vmem>> -> memref<1x64x128xf32, #tpu.memory_space<vmem>>
      %dma_start3A_81 = tpu.memref_squeeze %dma_start3A_80 : memref<1x64x128xf32, #tpu.memory_space<vmem>> -> memref<64x128xf32, #tpu.memory_space<vmem>>
      %dma_start3A_82 = arith.constant 0 : i32
      %dma_start3A_83 = tpu.memref_slice %arg8[%dma_start3A_77, %dma_start3A_82] : memref<16x64xi32, #tpu.memory_space<vmem>> -> memref<1x64xi32, #tpu.memory_space<vmem>>
      %dma_start3A_84 = tpu.memref_squeeze %dma_start3A_83 : memref<1x64xi32, #tpu.memory_space<vmem>> -> memref<64xi32, #tpu.memory_space<vmem>>
      %dma_start3A_85 = arith.constant 0 : i32
      %dma_start3A_86 = arith.constant 0 : i32
      %dma_start3A_87 = tpu.memref_slice %arg10[%dma_start3A_85, %dma_start3A_86] : memref<10112x128xf32, #tpu.memory_space<vmem_shared>> -> memref<10112x128xf32, #tpu.memory_space<vmem_shared>>
      tpu.enqueue_indirect_dma source(%dma_start3A_81 : memref<64x128xf32, #tpu.memory_space<vmem>>) target(%dma_start3A_87 : memref<10112x128xf32, #tpu.memory_space<vmem_shared>>) offsets(%dma_start3A_84 : memref<64xi32, #tpu.memory_space<vmem>>) semaphore(%arg15 : memref<!tpu.dma_semaphore, #tpu.memory_space<semaphore_mem>>) {add = true}
      %dma_start3A_88 = arith.constant 3 : i32
      %dma_start3A_89 = arith.constant 3 : i32
      %dma_start3A_90 = arith.constant 0 : i32
      %dma_start3A_91 = arith.constant 0 : i32
      %dma_start3A_92 = tpu.memref_slice %arg9[%dma_start3A_89, %dma_start3A_90, %dma_start3A_91] : memref<4x64x128xf32, #tpu.memory_space<vmem>> -> memref<1x64x128xf32, #tpu.memory_space<vmem>>
      %dma_start3A_93 = tpu.memref_squeeze %dma_start3A_92 : memref<1x64x128xf32, #tpu.memory_space<vmem>> -> memref<64x128xf32, #tpu.memory_space<vmem>>
      %dma_start3A_94 = arith.constant 0 : i32
      %dma_start3A_95 = tpu.memref_slice %arg7[%dma_start3A_88, %dma_start3A_94] : memref<16x64xi32, #tpu.memory_space<vmem>> -> memref<1x64xi32, #tpu.memory_space<vmem>>
      %dma_start3A_96 = tpu.memref_squeeze %dma_start3A_95 : memref<1x64xi32, #tpu.memory_space<vmem>> -> memref<64xi32, #tpu.memory_space<vmem>>
      %dma_start3A_97 = arith.constant 0 : i32
      %dma_start3A_98 = arith.constant 0 : i32
      %dma_start3A_99 = tpu.memref_slice %arg2[%arg0, %dma_start3A_97, %dma_start3A_98] : memref<2x10000x128xf32, #tpu.memory_space<hbm>> -> memref<1x10000x128xf32, #tpu.memory_space<hbm>>
      %dma_start3A_100 = tpu.memref_squeeze %dma_start3A_99 : memref<1x10000x128xf32, #tpu.memory_space<hbm>> -> memref<10000x128xf32, #tpu.memory_space<hbm>>
      %dma_start3A_101 = arith.constant 0 : i32
      %dma_start3A_102 = arith.constant 0 : i32
      %dma_start3A_103 = tpu.memref_slice %dma_start3A_100[%dma_start3A_101, %dma_start3A_102] : memref<10000x128xf32, #tpu.memory_space<hbm>> -> memref<10000x128xf32, #tpu.memory_space<hbm>>
      tpu.enqueue_indirect_dma source(%dma_start3A_103 : memref<10000x128xf32, #tpu.memory_space<hbm>>) target(%dma_start3A_93 : memref<64x128xf32, #tpu.memory_space<vmem>>) offsets(%dma_start3A_96 : memref<64xi32, #tpu.memory_space<vmem>>) semaphore(%arg14 : memref<!tpu.dma_semaphore, #tpu.memory_space<semaphore_mem>>)
      %dma_wait3A_104 = arith.constant 1 : i32
      %dma_wait3A_105 = arith.constant 1 : i32
      %dma_wait3A_106 = arith.constant 0 : i32
      %dma_wait3A_107 = arith.constant 0 : i32
      %dma_wait3A_108 = tpu.memref_slice %arg9[%dma_wait3A_105, %dma_wait3A_106, %dma_wait3A_107] : memref<4x64x128xf32, #tpu.memory_space<vmem>> -> memref<1x64x128xf32, #tpu.memory_space<vmem>>
      %dma_wait3A_109 = tpu.memref_squeeze %dma_wait3A_108 : memref<1x64x128xf32, #tpu.memory_space<vmem>> -> memref<64x128xf32, #tpu.memory_space<vmem>>
      %dma_wait3A_110 = arith.constant 0 : i32
      %dma_wait3A_111 = tpu.memref_slice %arg7[%dma_wait3A_104, %dma_wait3A_110] : memref<16x64xi32, #tpu.memory_space<vmem>> -> memref<1x64xi32, #tpu.memory_space<vmem>>
      %dma_wait3A_112 = tpu.memref_squeeze %dma_wait3A_111 : memref<1x64xi32, #tpu.memory_space<vmem>> -> memref<64xi32, #tpu.memory_space<vmem>>
      %dma_wait3A_113 = arith.constant 0 : i32
      %dma_wait3A_114 = arith.constant 0 : i32
      %dma_wait3A_115 = tpu.memref_slice %arg2[%arg0, %dma_wait3A_113, %dma_wait3A_114] : memref<2x10000x128xf32, #tpu.memory_space<hbm>> -> memref<1x10000x128xf32, #tpu.memory_space<hbm>>
      %dma_wait3A_116 = tpu.memref_squeeze %dma_wait3A_115 : memref<1x10000x128xf32, #tpu.memory_space<hbm>> -> memref<10000x128xf32, #tpu.memory_space<hbm>>
      %dma_wait3A_117 = arith.constant 0 : i32
      %dma_wait3A_118 = arith.constant 0 : i32
      %dma_wait3A_119 = tpu.memref_slice %dma_wait3A_116[%dma_wait3A_117, %dma_wait3A_118] : memref<10000x128xf32, #tpu.memory_space<hbm>> -> memref<10000x128xf32, #tpu.memory_space<hbm>>
      tpu.wait_indirect_dma semaphore(%arg12 : memref<!tpu.dma_semaphore, #tpu.memory_space<semaphore_mem>>) src(%dma_wait3A_119 : memref<10000x128xf32, #tpu.memory_space<hbm>>) dst(%dma_wait3A_109 : memref<64x128xf32, #tpu.memory_space<vmem>>)
      %dma_wait3A_120 = arith.constant 0 : i32
      %dma_wait3A_121 = arith.constant 0 : i32
      %dma_wait3A_122 = arith.constant 0 : i32
      %dma_wait3A_123 = arith.constant 0 : i32
      %dma_wait3A_124 = tpu.memref_slice %arg9[%dma_wait3A_120, %dma_wait3A_122, %dma_wait3A_123] : memref<4x64x128xf32, #tpu.memory_space<vmem>> -> memref<1x64x128xf32, #tpu.memory_space<vmem>>
      %dma_wait3A_125 = tpu.memref_squeeze %dma_wait3A_124 : memref<1x64x128xf32, #tpu.memory_space<vmem>> -> memref<64x128xf32, #tpu.memory_space<vmem>>
      %dma_wait3A_126 = arith.constant 0 : i32
      %dma_wait3A_127 = tpu.memref_slice %arg8[%dma_wait3A_121, %dma_wait3A_126] : memref<16x64xi32, #tpu.memory_space<vmem>> -> memref<1x64xi32, #tpu.memory_space<vmem>>
      %dma_wait3A_128 = tpu.memref_squeeze %dma_wait3A_127 : memref<1x64xi32, #tpu.memory_space<vmem>> -> memref<64xi32, #tpu.memory_space<vmem>>
      %dma_wait3A_129 = arith.constant 0 : i32
      %dma_wait3A_130 = arith.constant 0 : i32
      %dma_wait3A_131 = tpu.memref_slice %arg10[%dma_wait3A_129, %dma_wait3A_130] : memref<10112x128xf32, #tpu.memory_space<vmem_shared>> -> memref<10112x128xf32, #tpu.memory_space<vmem_shared>>
      tpu.wait_indirect_dma semaphore(%arg15 : memref<!tpu.dma_semaphore, #tpu.memory_space<semaphore_mem>>) src(%dma_wait3A_125 : memref<64x128xf32, #tpu.memory_space<vmem>>) dst(%dma_wait3A_131 : memref<10112x128xf32, #tpu.memory_space<vmem_shared>>)
      %dma_start3A_132 = arith.constant 1 : i32
      %dma_start3A_133 = arith.constant 1 : i32
      %dma_start3A_134 = arith.constant 0 : i32
      %dma_start3A_135 = arith.constant 0 : i32
      %dma_start3A_136 = tpu.memref_slice %arg9[%dma_start3A_132, %dma_start3A_134, %dma_start3A_135] : memref<4x64x128xf32, #tpu.memory_space<vmem>> -> memref<1x64x128xf32, #tpu.memory_space<vmem>>
      %dma_start3A_137 = tpu.memref_squeeze %dma_start3A_136 : memref<1x64x128xf32, #tpu.memory_space<vmem>> -> memref<64x128xf32, #tpu.memory_space<vmem>>
      %dma_start3A_138 = arith.constant 0 : i32
      %dma_start3A_139 = tpu.memref_slice %arg8[%dma_start3A_133, %dma_start3A_138] : memref<16x64xi32, #tpu.memory_space<vmem>> -> memref<1x64xi32, #tpu.memory_space<vmem>>
      %dma_start3A_140 = tpu.memref_squeeze %dma_start3A_139 : memref<1x64xi32, #tpu.memory_space<vmem>> -> memref<64xi32, #tpu.memory_space<vmem>>
      %dma_start3A_141 = arith.constant 0 : i32
      %dma_start3A_142 = arith.constant 0 : i32
      %dma_start3A_143 = tpu.memref_slice %arg10[%dma_start3A_141, %dma_start3A_142] : memref<10112x128xf32, #tpu.memory_space<vmem_shared>> -> memref<10112x128xf32, #tpu.memory_space<vmem_shared>>
      tpu.enqueue_indirect_dma source(%dma_start3A_137 : memref<64x128xf32, #tpu.memory_space<vmem>>) target(%dma_start3A_143 : memref<10112x128xf32, #tpu.memory_space<vmem_shared>>) offsets(%dma_start3A_140 : memref<64xi32, #tpu.memory_space<vmem>>) semaphore(%arg15 : memref<!tpu.dma_semaphore, #tpu.memory_space<semaphore_mem>>) {add = true}
      %dma_start3A_144 = arith.constant 4 : i32
      %dma_start3A_145 = arith.constant 0 : i32
      %dma_start3A_146 = arith.constant 0 : i32
      %dma_start3A_147 = arith.constant 0 : i32
      %dma_start3A_148 = tpu.memref_slice %arg9[%dma_start3A_145, %dma_start3A_146, %dma_start3A_147] : memref<4x64x128xf32, #tpu.memory_space<vmem>> -> memref<1x64x128xf32, #tpu.memory_space<vmem>>
      %dma_start3A_149 = tpu.memref_squeeze %dma_start3A_148 : memref<1x64x128xf32, #tpu.memory_space<vmem>> -> memref<64x128xf32, #tpu.memory_space<vmem>>
      %dma_start3A_150 = arith.constant 0 : i32
      %dma_start3A_151 = tpu.memref_slice %arg7[%dma_start3A_144, %dma_start3A_150] : memref<16x64xi32, #tpu.memory_space<vmem>> -> memref<1x64xi32, #tpu.memory_space<vmem>>
      %dma_start3A_152 = tpu.memref_squeeze %dma_start3A_151 : memref<1x64xi32, #tpu.memory_space<vmem>> -> memref<64xi32, #tpu.memory_space<vmem>>
      %dma_start3A_153 = arith.constant 0 : i32
      %dma_start3A_154 = arith.constant 0 : i32
      %dma_start3A_155 = tpu.memref_slice %arg2[%arg0, %dma_start3A_153, %dma_start3A_154] : memref<2x10000x128xf32, #tpu.memory_space<hbm>> -> memref<1x10000x128xf32, #tpu.memory_space<hbm>>
      %dma_start3A_156 = tpu.memref_squeeze %dma_start3A_155 : memref<1x10000x128xf32, #tpu.memory_space<hbm>> -> memref<10000x128xf32, #tpu.memory_space<hbm>>
      %dma_start3A_157 = arith.constant 0 : i32
      %dma_start3A_158 = arith.constant 0 : i32
      %dma_start3A_159 = tpu.memref_slice %dma_start3A_156[%dma_start3A_157, %dma_start3A_158] : memref<10000x128xf32, #tpu.memory_space<hbm>> -> memref<10000x128xf32, #tpu.memory_space<hbm>>
      tpu.enqueue_indirect_dma source(%dma_start3A_159 : memref<10000x128xf32, #tpu.memory_space<hbm>>) target(%dma_start3A_149 : memref<64x128xf32, #tpu.memory_space<vmem>>) offsets(%dma_start3A_152 : memref<64xi32, #tpu.memory_space<vmem>>) semaphore(%arg11 : memref<!tpu.dma_semaphore, #tpu.memory_space<semaphore_mem>>)
      %dma_wait3A_160 = arith.constant 2 : i32
      %dma_wait3A_161 = arith.constant 2 : i32
      %dma_wait3A_162 = arith.constant 0 : i32
      %dma_wait3A_163 = arith.constant 0 : i32
      %dma_wait3A_164 = tpu.memref_slice %arg9[%dma_wait3A_161, %dma_wait3A_162, %dma_wait3A_163] : memref<4x64x128xf32, #tpu.memory_space<vmem>> -> memref<1x64x128xf32, #tpu.memory_space<vmem>>
      %dma_wait3A_165 = tpu.memref_squeeze %dma_wait3A_164 : memref<1x64x128xf32, #tpu.memory_space<vmem>> -> memref<64x128xf32, #tpu.memory_space<vmem>>
      %dma_wait3A_166 = arith.constant 0 : i32
      %dma_wait3A_167 = tpu.memref_slice %arg7[%dma_wait3A_160, %dma_wait3A_166] : memref<16x64xi32, #tpu.memory_space<vmem>> -> memref<1x64xi32, #tpu.memory_space<vmem>>
      %dma_wait3A_168 = tpu.memref_squeeze %dma_wait3A_167 : memref<1x64xi32, #tpu.memory_space<vmem>> -> memref<64xi32, #tpu.memory_space<vmem>>
      %dma_wait3A_169 = arith.constant 0 : i32
      %dma_wait3A_170 = arith.constant 0 : i32
      %dma_wait3A_171 = tpu.memref_slice %arg2[%arg0, %dma_wait3A_169, %dma_wait3A_170] : memref<2x10000x128xf32, #tpu.memory_space<hbm>> -> memref<1x10000x128xf32, #tpu.memory_space<hbm>>
      %dma_wait3A_172 = tpu.memref_squeeze %dma_wait3A_171 : memref<1x10000x128xf32, #tpu.memory_space<hbm>> -> memref<10000x128xf32, #tpu.memory_space<hbm>>
      %dma_wait3A_173 = arith.constant 0 : i32
      %dma_wait3A_174 = arith.constant 0 : i32
      %dma_wait3A_175 = tpu.memref_slice %dma_wait3A_172[%dma_wait3A_173, %dma_wait3A_174] : memref<10000x128xf32, #tpu.memory_space<hbm>> -> memref<10000x128xf32, #tpu.memory_space<hbm>>
      tpu.wait_indirect_dma semaphore(%arg13 : memref<!tpu.dma_semaphore, #tpu.memory_space<semaphore_mem>>) src(%dma_wait3A_175 : memref<10000x128xf32, #tpu.memory_space<hbm>>) dst(%dma_wait3A_165 : memref<64x128xf32, #tpu.memory_space<vmem>>)
      %dma_wait3A_176 = arith.constant 1 : i32
      %dma_wait3A_177 = arith.constant 1 : i32
      %dma_wait3A_178 = arith.constant 0 : i32
      %dma_wait3A_179 = arith.constant 0 : i32
      %dma_wait3A_180 = tpu.memref_slice %arg9[%dma_wait3A_176, %dma_wait3A_178, %dma_wait3A_179] : memref<4x64x128xf32, #tpu.memory_space<vmem>> -> memref<1x64x128xf32, #tpu.memory_space<vmem>>
      %dma_wait3A_181 = tpu.memref_squeeze %dma_wait3A_180 : memref<1x64x128xf32, #tpu.memory_space<vmem>> -> memref<64x128xf32, #tpu.memory_space<vmem>>
      %dma_wait3A_182 = arith.constant 0 : i32
      %dma_wait3A_183 = tpu.memref_slice %arg8[%dma_wait3A_177, %dma_wait3A_182] : memref<16x64xi32, #tpu.memory_space<vmem>> -> memref<1x64xi32, #tpu.memory_space<vmem>>
      %dma_wait3A_184 = tpu.memref_squeeze %dma_wait3A_183 : memref<1x64xi32, #tpu.memory_space<vmem>> -> memref<64xi32, #tpu.memory_space<vmem>>
      %dma_wait3A_185 = arith.constant 0 : i32
      %dma_wait3A_186 = arith.constant 0 : i32
      %dma_wait3A_187 = tpu.memref_slice %arg10[%dma_wait3A_185, %dma_wait3A_186] : memref<10112x128xf32, #tpu.memory_space<vmem_shared>> -> memref<10112x128xf32, #tpu.memory_space<vmem_shared>>
      tpu.wait_indirect_dma semaphore(%arg15 : memref<!tpu.dma_semaphore, #tpu.memory_space<semaphore_mem>>) src(%dma_wait3A_181 : memref<64x128xf32, #tpu.memory_space<vmem>>) dst(%dma_wait3A_187 : memref<10112x128xf32, #tpu.memory_space<vmem_shared>>)
      %dma_start3A_188 = arith.constant 2 : i32
      %dma_start3A_189 = arith.constant 2 : i32
      %dma_start3A_190 = arith.constant 0 : i32
      %dma_start3A_191 = arith.constant 0 : i32
      %dma_start3A_192 = tpu.memref_slice %arg9[%dma_start3A_188, %dma_start3A_190, %dma_start3A_191] : memref<4x64x128xf32, #tpu.memory_space<vmem>> -> memref<1x64x128xf32, #tpu.memory_space<vmem>>
      %dma_start3A_193 = tpu.memref_squeeze %dma_start3A_192 : memref<1x64x128xf32, #tpu.memory_space<vmem>> -> memref<64x128xf32, #tpu.memory_space<vmem>>
      %dma_start3A_194 = arith.constant 0 : i32
      %dma_start3A_195 = tpu.memref_slice %arg8[%dma_start3A_189, %dma_start3A_194] : memref<16x64xi32, #tpu.memory_space<vmem>> -> memref<1x64xi32, #tpu.memory_space<vmem>>
      %dma_start3A_196 = tpu.memref_squeeze %dma_start3A_195 : memref<1x64xi32, #tpu.memory_space<vmem>> -> memref<64xi32, #tpu.memory_space<vmem>>
      %dma_start3A_197 = arith.constant 0 : i32
      %dma_start3A_198 = arith.constant 0 : i32
      %dma_start3A_199 = tpu.memref_slice %arg10[%dma_start3A_197, %dma_start3A_198] : memref<10112x128xf32, #tpu.memory_space<vmem_shared>> -> memref<10112x128xf32, #tpu.memory_space<vmem_shared>>
      tpu.enqueue_indirect_dma source(%dma_start3A_193 : memref<64x128xf32, #tpu.memory_space<vmem>>) target(%dma_start3A_199 : memref<10112x128xf32, #tpu.memory_space<vmem_shared>>) offsets(%dma_start3A_196 : memref<64xi32, #tpu.memory_space<vmem>>) semaphore(%arg15 : memref<!tpu.dma_semaphore, #tpu.memory_space<semaphore_mem>>) {add = true}
      %dma_start3A_200 = arith.constant 5 : i32
      %dma_start3A_201 = arith.constant 1 : i32
      %dma_start3A_202 = arith.constant 0 : i32
      %dma_start3A_203 = arith.constant 0 : i32
      %dma_start3A_204 = tpu.memref_slice %arg9[%dma_start3A_201, %dma_start3A_202, %dma_start3A_203] : memref<4x64x128xf32, #tpu.memory_space<vmem>> -> memref<1x64x128xf32, #tpu.memory_space<vmem>>
      %dma_start3A_205 = tpu.memref_squeeze %dma_start3A_204 : memref<1x64x128xf32, #tpu.memory_space<vmem>> -> memref<64x128xf32, #tpu.memory_space<vmem>>
      %dma_start3A_206 = arith.constant 0 : i32
      %dma_start3A_207 = tpu.memref_slice %arg7[%dma_start3A_200, %dma_start3A_206] : memref<16x64xi32, #tpu.memory_space<vmem>> -> memref<1x64xi32, #tpu.memory_space<vmem>>
      %dma_start3A_208 = tpu.memref_squeeze %dma_start3A_207 : memref<1x64xi32, #tpu.memory_space<vmem>> -> memref<64xi32, #tpu.memory_space<vmem>>
      %dma_start3A_209 = arith.constant 0 : i32
      %dma_start3A_210 = arith.constant 0 : i32
      %dma_start3A_211 = tpu.memref_slice %arg2[%arg0, %dma_start3A_209, %dma_start3A_210] : memref<2x10000x128xf32, #tpu.memory_space<hbm>> -> memref<1x10000x128xf32, #tpu.memory_space<hbm>>
      %dma_start3A_212 = tpu.memref_squeeze %dma_start3A_211 : memref<1x10000x128xf32, #tpu.memory_space<hbm>> -> memref<10000x128xf32, #tpu.memory_space<hbm>>
      %dma_start3A_213 = arith.constant 0 : i32
      %dma_start3A_214 = arith.constant 0 : i32
      %dma_start3A_215 = tpu.memref_slice %dma_start3A_212[%dma_start3A_213, %dma_start3A_214] : memref<10000x128xf32, #tpu.memory_space<hbm>> -> memref<10000x128xf32, #tpu.memory_space<hbm>>
      tpu.enqueue_indirect_dma source(%dma_start3A_215 : memref<10000x128xf32, #tpu.memory_space<hbm>>) target(%dma_start3A_205 : memref<64x128xf32, #tpu.memory_space<vmem>>) offsets(%dma_start3A_208 : memref<64xi32, #tpu.memory_space<vmem>>) semaphore(%arg12 : memref<!tpu.dma_semaphore, #tpu.memory_space<semaphore_mem>>)
      %dma_wait3A_216 = arith.constant 3 : i32
      %dma_wait3A_217 = arith.constant 3 : i32
      %dma_wait3A_218 = arith.constant 0 : i32
      %dma_wait3A_219 = arith.constant 0 : i32
      %dma_wait3A_220 = tpu.memref_slice %arg9[%dma_wait3A_217, %dma_wait3A_218, %dma_wait3A_219] : memref<4x64x128xf32, #tpu.memory_space<vmem>> -> memref<1x64x128xf32, #tpu.memory_space<vmem>>
      %dma_wait3A_221 = tpu.memref_squeeze %dma_wait3A_220 : memref<1x64x128xf32, #tpu.memory_space<vmem>> -> memref<64x128xf32, #tpu.memory_space<vmem>>
      %dma_wait3A_222 = arith.constant 0 : i32
      %dma_wait3A_223 = tpu.memref_slice %arg7[%dma_wait3A_216, %dma_wait3A_222] : memref<16x64xi32, #tpu.memory_space<vmem>> -> memref<1x64xi32, #tpu.memory_space<vmem>>
      %dma_wait3A_224 = tpu.memref_squeeze %dma_wait3A_223 : memref<1x64xi32, #tpu.memory_space<vmem>> -> memref<64xi32, #tpu.memory_space<vmem>>
      %dma_wait3A_225 = arith.constant 0 : i32
      %dma_wait3A_226 = arith.constant 0 : i32
      %dma_wait3A_227 = tpu.memref_slice %arg2[%arg0, %dma_wait3A_225, %dma_wait3A_226] : memref<2x10000x128xf32, #tpu.memory_space<hbm>> -> memref<1x10000x128xf32, #tpu.memory_space<hbm>>
      %dma_wait3A_228 = tpu.memref_squeeze %dma_wait3A_227 : memref<1x10000x128xf32, #tpu.memory_space<hbm>> -> memref<10000x128xf32, #tpu.memory_space<hbm>>
      %dma_wait3A_229 = arith.constant 0 : i32
      %dma_wait3A_230 = arith.constant 0 : i32
      %dma_wait3A_231 = tpu.memref_slice %dma_wait3A_228[%dma_wait3A_229, %dma_wait3A_230] : memref<10000x128xf32, #tpu.memory_space<hbm>> -> memref<10000x128xf32, #tpu.memory_space<hbm>>
      tpu.wait_indirect_dma semaphore(%arg14 : memref<!tpu.dma_semaphore, #tpu.memory_space<semaphore_mem>>) src(%dma_wait3A_231 : memref<10000x128xf32, #tpu.memory_space<hbm>>) dst(%dma_wait3A_221 : memref<64x128xf32, #tpu.memory_space<vmem>>)
      %dma_wait3A_232 = arith.constant 2 : i32
      %dma_wait3A_233 = arith.constant 2 : i32
      %dma_wait3A_234 = arith.constant 0 : i32
      %dma_wait3A_235 = arith.constant 0 : i32
      %dma_wait3A_236 = tpu.memref_slice %arg9[%dma_wait3A_232, %dma_wait3A_234, %dma_wait3A_235] : memref<4x64x128xf32, #tpu.memory_space<vmem>> -> memref<1x64x128xf32, #tpu.memory_space<vmem>>
      %dma_wait3A_237 = tpu.memref_squeeze %dma_wait3A_236 : memref<1x64x128xf32, #tpu.memory_space<vmem>> -> memref<64x128xf32, #tpu.memory_space<vmem>>
      %dma_wait3A_238 = arith.constant 0 : i32
      %dma_wait3A_239 = tpu.memref_slice %arg8[%dma_wait3A_233, %dma_wait3A_238] : memref<16x64xi32, #tpu.memory_space<vmem>> -> memref<1x64xi32, #tpu.memory_space<vmem>>
      %dma_wait3A_240 = tpu.memref_squeeze %dma_wait3A_239 : memref<1x64xi32, #tpu.memory_space<vmem>> -> memref<64xi32, #tpu.memory_space<vmem>>
      %dma_wait3A_241 = arith.constant 0 : i32
      %dma_wait3A_242 = arith.constant 0 : i32
      %dma_wait3A_243 = tpu.memref_slice %arg10[%dma_wait3A_241, %dma_wait3A_242] : memref<10112x128xf32, #tpu.memory_space<vmem_shared>> -> memref<10112x128xf32, #tpu.memory_space<vmem_shared>>
      tpu.wait_indirect_dma semaphore(%arg15 : memref<!tpu.dma_semaphore, #tpu.memory_space<semaphore_mem>>) src(%dma_wait3A_237 : memref<64x128xf32, #tpu.memory_space<vmem>>) dst(%dma_wait3A_243 : memref<10112x128xf32, #tpu.memory_space<vmem_shared>>)
      %dma_start3A_244 = arith.constant 3 : i32
      %dma_start3A_245 = arith.constant 3 : i32
      %dma_start3A_246 = arith.constant 0 : i32
      %dma_start3A_247 = arith.constant 0 : i32
      %dma_start3A_248 = tpu.memref_slice %arg9[%dma_start3A_244, %dma_start3A_246, %dma_start3A_247] : memref<4x64x128xf32, #tpu.memory_space<vmem>> -> memref<1x64x128xf32, #tpu.memory_space<vmem>>
      %dma_start3A_249 = tpu.memref_squeeze %dma_start3A_248 : memref<1x64x128xf32, #tpu.memory_space<vmem>> -> memref<64x128xf32, #tpu.memory_space<vmem>>
      %dma_start3A_250 = arith.constant 0 : i32
      %dma_start3A_251 = tpu.memref_slice %arg8[%dma_start3A_245, %dma_start3A_250] : memref<16x64xi32, #tpu.memory_space<vmem>> -> memref<1x64xi32, #tpu.memory_space<vmem>>
      %dma_start3A_252 = tpu.memref_squeeze %dma_start3A_251 : memref<1x64xi32, #tpu.memory_space<vmem>> -> memref<64xi32, #tpu.memory_space<vmem>>
      %dma_start3A_253 = arith.constant 0 : i32
      %dma_start3A_254 = arith.constant 0 : i32
      %dma_start3A_255 = tpu.memref_slice %arg10[%dma_start3A_253, %dma_start3A_254] : memref<10112x128xf32, #tpu.memory_space<vmem_shared>> -> memref<10112x128xf32, #tpu.memory_space<vmem_shared>>
      tpu.enqueue_indirect_dma source(%dma_start3A_249 : memref<64x128xf32, #tpu.memory_space<vmem>>) target(%dma_start3A_255 : memref<10112x128xf32, #tpu.memory_space<vmem_shared>>) offsets(%dma_start3A_252 : memref<64xi32, #tpu.memory_space<vmem>>) semaphore(%arg15 : memref<!tpu.dma_semaphore, #tpu.memory_space<semaphore_mem>>) {add = true}
      %dma_start3A_256 = arith.constant 6 : i32
      %dma_start3A_257 = arith.constant 2 : i32
      %dma_start3A_258 = arith.constant 0 : i32
      %dma_start3A_259 = arith.constant 0 : i32
      %dma_start3A_260 = tpu.memref_slice %arg9[%dma_start3A_257, %dma_start3A_258, %dma_start3A_259] : memref<4x64x128xf32, #tpu.memory_space<vmem>> -> memref<1x64x128xf32, #tpu.memory_space<vmem>>
      %dma_start3A_261 = tpu.memref_squeeze %dma_start3A_260 : memref<1x64x128xf32, #tpu.memory_space<vmem>> -> memref<64x128xf32, #tpu.memory_space<vmem>>
      %dma_start3A_262 = arith.constant 0 : i32
      %dma_start3A_263 = tpu.memref_slice %arg7[%dma_start3A_256, %dma_start3A_262] : memref<16x64xi32, #tpu.memory_space<vmem>> -> memref<1x64xi32, #tpu.memory_space<vmem>>
      %dma_start3A_264 = tpu.memref_squeeze %dma_start3A_263 : memref<1x64xi32, #tpu.memory_space<vmem>> -> memref<64xi32, #tpu.memory_space<vmem>>
      %dma_start3A_265 = arith.constant 0 : i32
      %dma_start3A_266 = arith.constant 0 : i32
      %dma_start3A_267 = tpu.memref_slice %arg2[%arg0, %dma_start3A_265, %dma_start3A_266] : memref<2x10000x128xf32, #tpu.memory_space<hbm>> -> memref<1x10000x128xf32, #tpu.memory_space<hbm>>
      %dma_start3A_268 = tpu.memref_squeeze %dma_start3A_267 : memref<1x10000x128xf32, #tpu.memory_space<hbm>> -> memref<10000x128xf32, #tpu.memory_space<hbm>>
      %dma_start3A_269 = arith.constant 0 : i32
      %dma_start3A_270 = arith.constant 0 : i32
      %dma_start3A_271 = tpu.memref_slice %dma_start3A_268[%dma_start3A_269, %dma_start3A_270] : memref<10000x128xf32, #tpu.memory_space<hbm>> -> memref<10000x128xf32, #tpu.memory_space<hbm>>
      tpu.enqueue_indirect_dma source(%dma_start3A_271 : memref<10000x128xf32, #tpu.memory_space<hbm>>) target(%dma_start3A_261 : memref<64x128xf32, #tpu.memory_space<vmem>>) offsets(%dma_start3A_264 : memref<64xi32, #tpu.memory_space<vmem>>) semaphore(%arg13 : memref<!tpu.dma_semaphore, #tpu.memory_space<semaphore_mem>>)
      %dma_wait3A_272 = arith.constant 4 : i32
      %dma_wait3A_273 = arith.constant 0 : i32
      %dma_wait3A_274 = arith.constant 0 : i32
      %dma_wait3A_275 = arith.constant 0 : i32
      %dma_wait3A_276 = tpu.memref_slice %arg9[%dma_wait3A_273, %dma_wait3A_274, %dma_wait3A_275] : memref<4x64x128xf32, #tpu.memory_space<vmem>> -> memref<1x64x128xf32, #tpu.memory_space<vmem>>
      %dma_wait3A_277 = tpu.memref_squeeze %dma_wait3A_276 : memref<1x64x128xf32, #tpu.memory_space<vmem>> -> memref<64x128xf32, #tpu.memory_space<vmem>>
      %dma_wait3A_278 = arith.constant 0 : i32
      %dma_wait3A_279 = tpu.memref_slice %arg7[%dma_wait3A_272, %dma_wait3A_278] : memref<16x64xi32, #tpu.memory_space<vmem>> -> memref<1x64xi32, #tpu.memory_space<vmem>>
      %dma_wait3A_280 = tpu.memref_squeeze %dma_wait3A_279 : memref<1x64xi32, #tpu.memory_space<vmem>> -> memref<64xi32, #tpu.memory_space<vmem>>
      %dma_wait3A_281 = arith.constant 0 : i32
      %dma_wait3A_282 = arith.constant 0 : i32
      %dma_wait3A_283 = tpu.memref_slice %arg2[%arg0, %dma_wait3A_281, %dma_wait3A_282] : memref<2x10000x128xf32, #tpu.memory_space<hbm>> -> memref<1x10000x128xf32, #tpu.memory_space<hbm>>
      %dma_wait3A_284 = tpu.memref_squeeze %dma_wait3A_283 : memref<1x10000x128xf32, #tpu.memory_space<hbm>> -> memref<10000x128xf32, #tpu.memory_space<hbm>>
      %dma_wait3A_285 = arith.constant 0 : i32
      %dma_wait3A_286 = arith.constant 0 : i32
      %dma_wait3A_287 = tpu.memref_slice %dma_wait3A_284[%dma_wait3A_285, %dma_wait3A_286] : memref<10000x128xf32, #tpu.memory_space<hbm>> -> memref<10000x128xf32, #tpu.memory_space<hbm>>
      tpu.wait_indirect_dma semaphore(%arg11 : memref<!tpu.dma_semaphore, #tpu.memory_space<semaphore_mem>>) src(%dma_wait3A_287 : memref<10000x128xf32, #tpu.memory_space<hbm>>) dst(%dma_wait3A_277 : memref<64x128xf32, #tpu.memory_space<vmem>>)
      %dma_wait3A_288 = arith.constant 3 : i32
      %dma_wait3A_289 = arith.constant 3 : i32
      %dma_wait3A_290 = arith.constant 0 : i32
      %dma_wait3A_291 = arith.constant 0 : i32
      %dma_wait3A_292 = tpu.memref_slice %arg9[%dma_wait3A_288, %dma_wait3A_290, %dma_wait3A_291] : memref<4x64x128xf32, #tpu.memory_space<vmem>> -> memref<1x64x128xf32, #tpu.memory_space<vmem>>
      %dma_wait3A_293 = tpu.memref_squeeze %dma_wait3A_292 : memref<1x64x128xf32, #tpu.memory_space<vmem>> -> memref<64x128xf32, #tpu.memory_space<vmem>>
      %dma_wait3A_294 = arith.constant 0 : i32
      %dma_wait3A_295 = tpu.memref_slice %arg8[%dma_wait3A_289, %dma_wait3A_294] : memref<16x64xi32, #tpu.memory_space<vmem>> -> memref<1x64xi32, #tpu.memory_space<vmem>>
      %dma_wait3A_296 = tpu.memref_squeeze %dma_wait3A_295 : memref<1x64xi32, #tpu.memory_space<vmem>> -> memref<64xi32, #tpu.memory_space<vmem>>
      %dma_wait3A_297 = arith.constant 0 : i32
      %dma_wait3A_298 = arith.constant 0 : i32
      %dma_wait3A_299 = tpu.memref_slice %arg10[%dma_wait3A_297, %dma_wait3A_298] : memref<10112x128xf32, #tpu.memory_space<vmem_shared>> -> memref<10112x128xf32, #tpu.memory_space<vmem_shared>>
      tpu.wait_indirect_dma semaphore(%arg15 : memref<!tpu.dma_semaphore, #tpu.memory_space<semaphore_mem>>) src(%dma_wait3A_293 : memref<64x128xf32, #tpu.memory_space<vmem>>) dst(%dma_wait3A_299 : memref<10112x128xf32, #tpu.memory_space<vmem_shared>>)
      %dma_start3A_300 = arith.constant 0 : i32
      %dma_start3A_301 = arith.constant 4 : i32
      %dma_start3A_302 = arith.constant 0 : i32
      %dma_start3A_303 = arith.constant 0 : i32
      %dma_start3A_304 = tpu.memref_slice %arg9[%dma_start3A_300, %dma_start3A_302, %dma_start3A_303] : memref<4x64x128xf32, #tpu.memory_space<vmem>> -> memref<1x64x128xf32, #tpu.memory_space<vmem>>
      %dma_start3A_305 = tpu.memref_squeeze %dma_start3A_304 : memref<1x64x128xf32, #tpu.memory_space<vmem>> -> memref<64x128xf32, #tpu.memory_space<vmem>>
      %dma_start3A_306 = arith.constant 0 : i32
      %dma_start3A_307 = tpu.memref_slice %arg8[%dma_start3A_301, %dma_start3A_306] : memref<16x64xi32, #tpu.memory_space<vmem>> -> memref<1x64xi32, #tpu.memory_space<vmem>>
      %dma_start3A_308 = tpu.memref_squeeze %dma_start3A_307 : memref<1x64xi32, #tpu.memory_space<vmem>> -> memref<64xi32, #tpu.memory_space<vmem>>
      %dma_start3A_309 = arith.constant 0 : i32
      %dma_start3A_310 = arith.constant 0 : i32
      %dma_start3A_311 = tpu.memref_slice %arg10[%dma_start3A_309, %dma_start3A_310] : memref<10112x128xf32, #tpu.memory_space<vmem_shared>> -> memref<10112x128xf32, #tpu.memory_space<vmem_shared>>
      tpu.enqueue_indirect_dma source(%dma_start3A_305 : memref<64x128xf32, #tpu.memory_space<vmem>>) target(%dma_start3A_311 : memref<10112x128xf32, #tpu.memory_space<vmem_shared>>) offsets(%dma_start3A_308 : memref<64xi32, #tpu.memory_space<vmem>>) semaphore(%arg15 : memref<!tpu.dma_semaphore, #tpu.memory_space<semaphore_mem>>) {add = true}
      %dma_start3A_312 = arith.constant 7 : i32
      %dma_start3A_313 = arith.constant 3 : i32
      %dma_start3A_314 = arith.constant 0 : i32
      %dma_start3A_315 = arith.constant 0 : i32
      %dma_start3A_316 = tpu.memref_slice %arg9[%dma_start3A_313, %dma_start3A_314, %dma_start3A_315] : memref<4x64x128xf32, #tpu.memory_space<vmem>> -> memref<1x64x128xf32, #tpu.memory_space<vmem>>
      %dma_start3A_317 = tpu.memref_squeeze %dma_start3A_316 : memref<1x64x128xf32, #tpu.memory_space<vmem>> -> memref<64x128xf32, #tpu.memory_space<vmem>>
      %dma_start3A_318 = arith.constant 0 : i32
      %dma_start3A_319 = tpu.memref_slice %arg7[%dma_start3A_312, %dma_start3A_318] : memref<16x64xi32, #tpu.memory_space<vmem>> -> memref<1x64xi32, #tpu.memory_space<vmem>>
      %dma_start3A_320 = tpu.memref_squeeze %dma_start3A_319 : memref<1x64xi32, #tpu.memory_space<vmem>> -> memref<64xi32, #tpu.memory_space<vmem>>
      %dma_start3A_321 = arith.constant 0 : i32
      %dma_start3A_322 = arith.constant 0 : i32
      %dma_start3A_323 = tpu.memref_slice %arg2[%arg0, %dma_start3A_321, %dma_start3A_322] : memref<2x10000x128xf32, #tpu.memory_space<hbm>> -> memref<1x10000x128xf32, #tpu.memory_space<hbm>>
      %dma_start3A_324 = tpu.memref_squeeze %dma_start3A_323 : memref<1x10000x128xf32, #tpu.memory_space<hbm>> -> memref<10000x128xf32, #tpu.memory_space<hbm>>
      %dma_start3A_325 = arith.constant 0 : i32
      %dma_start3A_326 = arith.constant 0 : i32
      %dma_start3A_327 = tpu.memref_slice %dma_start3A_324[%dma_start3A_325, %dma_start3A_326] : memref<10000x128xf32, #tpu.memory_space<hbm>> -> memref<10000x128xf32, #tpu.memory_space<hbm>>
      tpu.enqueue_indirect_dma source(%dma_start3A_327 : memref<10000x128xf32, #tpu.memory_space<hbm>>) target(%dma_start3A_317 : memref<64x128xf32, #tpu.memory_space<vmem>>) offsets(%dma_start3A_320 : memref<64xi32, #tpu.memory_space<vmem>>) semaphore(%arg14 : memref<!tpu.dma_semaphore, #tpu.memory_space<semaphore_mem>>)
      %dma_wait3A_328 = arith.constant 5 : i32
      %dma_wait3A_329 = arith.constant 1 : i32
      %dma_wait3A_330 = arith.constant 0 : i32
      %dma_wait3A_331 = arith.constant 0 : i32
      %dma_wait3A_332 = tpu.memref_slice %arg9[%dma_wait3A_329, %dma_wait3A_330, %dma_wait3A_331] : memref<4x64x128xf32, #tpu.memory_space<vmem>> -> memref<1x64x128xf32, #tpu.memory_space<vmem>>
      %dma_wait3A_333 = tpu.memref_squeeze %dma_wait3A_332 : memref<1x64x128xf32, #tpu.memory_space<vmem>> -> memref<64x128xf32, #tpu.memory_space<vmem>>
      %dma_wait3A_334 = arith.constant 0 : i32
      %dma_wait3A_335 = tpu.memref_slice %arg7[%dma_wait3A_328, %dma_wait3A_334] : memref<16x64xi32, #tpu.memory_space<vmem>> -> memref<1x64xi32, #tpu.memory_space<vmem>>
      %dma_wait3A_336 = tpu.memref_squeeze %dma_wait3A_335 : memref<1x64xi32, #tpu.memory_space<vmem>> -> memref<64xi32, #tpu.memory_space<vmem>>
      %dma_wait3A_337 = arith.constant 0 : i32
      %dma_wait3A_338 = arith.constant 0 : i32
      %dma_wait3A_339 = tpu.memref_slice %arg2[%arg0, %dma_wait3A_337, %dma_wait3A_338] : memref<2x10000x128xf32, #tpu.memory_space<hbm>> -> memref<1x10000x128xf32, #tpu.memory_space<hbm>>
      %dma_wait3A_340 = tpu.memref_squeeze %dma_wait3A_339 : memref<1x10000x128xf32, #tpu.memory_space<hbm>> -> memref<10000x128xf32, #tpu.memory_space<hbm>>
      %dma_wait3A_341 = arith.constant 0 : i32
      %dma_wait3A_342 = arith.constant 0 : i32
      %dma_wait3A_343 = tpu.memref_slice %dma_wait3A_340[%dma_wait3A_341, %dma_wait3A_342] : memref<10000x128xf32, #tpu.memory_space<hbm>> -> memref<10000x128xf32, #tpu.memory_space<hbm>>
      tpu.wait_indirect_dma semaphore(%arg12 : memref<!tpu.dma_semaphore, #tpu.memory_space<semaphore_mem>>) src(%dma_wait3A_343 : memref<10000x128xf32, #tpu.memory_space<hbm>>) dst(%dma_wait3A_333 : memref<64x128xf32, #tpu.memory_space<vmem>>)
      %dma_wait3A_344 = arith.constant 0 : i32
      %dma_wait3A_345 = arith.constant 4 : i32
      %dma_wait3A_346 = arith.constant 0 : i32
      %dma_wait3A_347 = arith.constant 0 : i32
      %dma_wait3A_348 = tpu.memref_slice %arg9[%dma_wait3A_344, %dma_wait3A_346, %dma_wait3A_347] : memref<4x64x128xf32, #tpu.memory_space<vmem>> -> memref<1x64x128xf32, #tpu.memory_space<vmem>>
      %dma_wait3A_349 = tpu.memref_squeeze %dma_wait3A_348 : memref<1x64x128xf32, #tpu.memory_space<vmem>> -> memref<64x128xf32, #tpu.memory_space<vmem>>
      %dma_wait3A_350 = arith.constant 0 : i32
      %dma_wait3A_351 = tpu.memref_slice %arg8[%dma_wait3A_345, %dma_wait3A_350] : memref<16x64xi32, #tpu.memory_space<vmem>> -> memref<1x64xi32, #tpu.memory_space<vmem>>
      %dma_wait3A_352 = tpu.memref_squeeze %dma_wait3A_351 : memref<1x64xi32, #tpu.memory_space<vmem>> -> memref<64xi32, #tpu.memory_space<vmem>>
      %dma_wait3A_353 = arith.constant 0 : i32
      %dma_wait3A_354 = arith.constant 0 : i32
      %dma_wait3A_355 = tpu.memref_slice %arg10[%dma_wait3A_353, %dma_wait3A_354] : memref<10112x128xf32, #tpu.memory_space<vmem_shared>> -> memref<10112x128xf32, #tpu.memory_space<vmem_shared>>
      tpu.wait_indirect_dma semaphore(%arg15 : memref<!tpu.dma_semaphore, #tpu.memory_space<semaphore_mem>>) src(%dma_wait3A_349 : memref<64x128xf32, #tpu.memory_space<vmem>>) dst(%dma_wait3A_355 : memref<10112x128xf32, #tpu.memory_space<vmem_shared>>)
      %dma_start3A_356 = arith.constant 1 : i32
      %dma_start3A_357 = arith.constant 5 : i32
      %dma_start3A_358 = arith.constant 0 : i32
      %dma_start3A_359 = arith.constant 0 : i32
      %dma_start3A_360 = tpu.memref_slice %arg9[%dma_start3A_356, %dma_start3A_358, %dma_start3A_359] : memref<4x64x128xf32, #tpu.memory_space<vmem>> -> memref<1x64x128xf32, #tpu.memory_space<vmem>>
      %dma_start3A_361 = tpu.memref_squeeze %dma_start3A_360 : memref<1x64x128xf32, #tpu.memory_space<vmem>> -> memref<64x128xf32, #tpu.memory_space<vmem>>
      %dma_start3A_362 = arith.constant 0 : i32
      %dma_start3A_363 = tpu.memref_slice %arg8[%dma_start3A_357, %dma_start3A_362] : memref<16x64xi32, #tpu.memory_space<vmem>> -> memref<1x64xi32, #tpu.memory_space<vmem>>
      %dma_start3A_364 = tpu.memref_squeeze %dma_start3A_363 : memref<1x64xi32, #tpu.memory_space<vmem>> -> memref<64xi32, #tpu.memory_space<vmem>>
      %dma_start3A_365 = arith.constant 0 : i32
      %dma_start3A_366 = arith.constant 0 : i32
      %dma_start3A_367 = tpu.memref_slice %arg10[%dma_start3A_365, %dma_start3A_366] : memref<10112x128xf32, #tpu.memory_space<vmem_shared>> -> memref<10112x128xf32, #tpu.memory_space<vmem_shared>>
      tpu.enqueue_indirect_dma source(%dma_start3A_361 : memref<64x128xf32, #tpu.memory_space<vmem>>) target(%dma_start3A_367 : memref<10112x128xf32, #tpu.memory_space<vmem_shared>>) offsets(%dma_start3A_364 : memref<64xi32, #tpu.memory_space<vmem>>) semaphore(%arg15 : memref<!tpu.dma_semaphore, #tpu.memory_space<semaphore_mem>>) {add = true}
      %dma_start3A_368 = arith.constant 8 : i32
      %dma_start3A_369 = arith.constant 0 : i32
      %dma_start3A_370 = arith.constant 0 : i32
      %dma_start3A_371 = arith.constant 0 : i32
      %dma_start3A_372 = tpu.memref_slice %arg9[%dma_start3A_369, %dma_start3A_370, %dma_start3A_371] : memref<4x64x128xf32, #tpu.memory_space<vmem>> -> memref<1x64x128xf32, #tpu.memory_space<vmem>>
      %dma_start3A_373 = tpu.memref_squeeze %dma_start3A_372 : memref<1x64x128xf32, #tpu.memory_space<vmem>> -> memref<64x128xf32, #tpu.memory_space<vmem>>
      %dma_start3A_374 = arith.constant 0 : i32
      %dma_start3A_375 = tpu.memref_slice %arg7[%dma_start3A_368, %dma_start3A_374] : memref<16x64xi32, #tpu.memory_space<vmem>> -> memref<1x64xi32, #tpu.memory_space<vmem>>
      %dma_start3A_376 = tpu.memref_squeeze %dma_start3A_375 : memref<1x64xi32, #tpu.memory_space<vmem>> -> memref<64xi32, #tpu.memory_space<vmem>>
      %dma_start3A_377 = arith.constant 0 : i32
      %dma_start3A_378 = arith.constant 0 : i32
      %dma_start3A_379 = tpu.memref_slice %arg2[%arg0, %dma_start3A_377, %dma_start3A_378] : memref<2x10000x128xf32, #tpu.memory_space<hbm>> -> memref<1x10000x128xf32, #tpu.memory_space<hbm>>
      %dma_start3A_380 = tpu.memref_squeeze %dma_start3A_379 : memref<1x10000x128xf32, #tpu.memory_space<hbm>> -> memref<10000x128xf32, #tpu.memory_space<hbm>>
      %dma_start3A_381 = arith.constant 0 : i32
      %dma_start3A_382 = arith.constant 0 : i32
      %dma_start3A_383 = tpu.memref_slice %dma_start3A_380[%dma_start3A_381, %dma_start3A_382] : memref<10000x128xf32, #tpu.memory_space<hbm>> -> memref<10000x128xf32, #tpu.memory_space<hbm>>
      tpu.enqueue_indirect_dma source(%dma_start3A_383 : memref<10000x128xf32, #tpu.memory_space<hbm>>) target(%dma_start3A_373 : memref<64x128xf32, #tpu.memory_space<vmem>>) offsets(%dma_start3A_376 : memref<64xi32, #tpu.memory_space<vmem>>) semaphore(%arg11 : memref<!tpu.dma_semaphore, #tpu.memory_space<semaphore_mem>>)
      %dma_wait3A_384 = arith.constant 6 : i32
      %dma_wait3A_385 = arith.constant 2 : i32
      %dma_wait3A_386 = arith.constant 0 : i32
      %dma_wait3A_387 = arith.constant 0 : i32
      %dma_wait3A_388 = tpu.memref_slice %arg9[%dma_wait3A_385, %dma_wait3A_386, %dma_wait3A_387] : memref<4x64x128xf32, #tpu.memory_space<vmem>> -> memref<1x64x128xf32, #tpu.memory_space<vmem>>
      %dma_wait3A_389 = tpu.memref_squeeze %dma_wait3A_388 : memref<1x64x128xf32, #tpu.memory_space<vmem>> -> memref<64x128xf32, #tpu.memory_space<vmem>>
      %dma_wait3A_390 = arith.constant 0 : i32
      %dma_wait3A_391 = tpu.memref_slice %arg7[%dma_wait3A_384, %dma_wait3A_390] : memref<16x64xi32, #tpu.memory_space<vmem>> -> memref<1x64xi32, #tpu.memory_space<vmem>>
      %dma_wait3A_392 = tpu.memref_squeeze %dma_wait3A_391 : memref<1x64xi32, #tpu.memory_space<vmem>> -> memref<64xi32, #tpu.memory_space<vmem>>
      %dma_wait3A_393 = arith.constant 0 : i32
      %dma_wait3A_394 = arith.constant 0 : i32
      %dma_wait3A_395 = tpu.memref_slice %arg2[%arg0, %dma_wait3A_393, %dma_wait3A_394] : memref<2x10000x128xf32, #tpu.memory_space<hbm>> -> memref<1x10000x128xf32, #tpu.memory_space<hbm>>
      %dma_wait3A_396 = tpu.memref_squeeze %dma_wait3A_395 : memref<1x10000x128xf32, #tpu.memory_space<hbm>> -> memref<10000x128xf32, #tpu.memory_space<hbm>>
      %dma_wait3A_397 = arith.constant 0 : i32
      %dma_wait3A_398 = arith.constant 0 : i32
      %dma_wait3A_399 = tpu.memref_slice %dma_wait3A_396[%dma_wait3A_397, %dma_wait3A_398] : memref<10000x128xf32, #tpu.memory_space<hbm>> -> memref<10000x128xf32, #tpu.memory_space<hbm>>
      tpu.wait_indirect_dma semaphore(%arg13 : memref<!tpu.dma_semaphore, #tpu.memory_space<semaphore_mem>>) src(%dma_wait3A_399 : memref<10000x128xf32, #tpu.memory_space<hbm>>) dst(%dma_wait3A_389 : memref<64x128xf32, #tpu.memory_space<vmem>>)
      %dma_wait3A_400 = arith.constant 1 : i32
      %dma_wait3A_401 = arith.constant 5 : i32
      %dma_wait3A_402 = arith.constant 0 : i32
      %dma_wait3A_403 = arith.constant 0 : i32
      %dma_wait3A_404 = tpu.memref_slice %arg9[%dma_wait3A_400, %dma_wait3A_402, %dma_wait3A_403] : memref<4x64x128xf32, #tpu.memory_space<vmem>> -> memref<1x64x128xf32, #tpu.memory_space<vmem>>
      %dma_wait3A_405 = tpu.memref_squeeze %dma_wait3A_404 : memref<1x64x128xf32, #tpu.memory_space<vmem>> -> memref<64x128xf32, #tpu.memory_space<vmem>>
      %dma_wait3A_406 = arith.constant 0 : i32
      %dma_wait3A_407 = tpu.memref_slice %arg8[%dma_wait3A_401, %dma_wait3A_406] : memref<16x64xi32, #tpu.memory_space<vmem>> -> memref<1x64xi32, #tpu.memory_space<vmem>>
      %dma_wait3A_408 = tpu.memref_squeeze %dma_wait3A_407 : memref<1x64xi32, #tpu.memory_space<vmem>> -> memref<64xi32, #tpu.memory_space<vmem>>
      %dma_wait3A_409 = arith.constant 0 : i32
      %dma_wait3A_410 = arith.constant 0 : i32
      %dma_wait3A_411 = tpu.memref_slice %arg10[%dma_wait3A_409, %dma_wait3A_410] : memref<10112x128xf32, #tpu.memory_space<vmem_shared>> -> memref<10112x128xf32, #tpu.memory_space<vmem_shared>>
      tpu.wait_indirect_dma semaphore(%arg15 : memref<!tpu.dma_semaphore, #tpu.memory_space<semaphore_mem>>) src(%dma_wait3A_405 : memref<64x128xf32, #tpu.memory_space<vmem>>) dst(%dma_wait3A_411 : memref<10112x128xf32, #tpu.memory_space<vmem_shared>>)
      %dma_start3A_412 = arith.constant 2 : i32
      %dma_start3A_413 = arith.constant 6 : i32
      %dma_start3A_414 = arith.constant 0 : i32
      %dma_start3A_415 = arith.constant 0 : i32
      %dma_start3A_416 = tpu.memref_slice %arg9[%dma_start3A_412, %dma_start3A_414, %dma_start3A_415] : memref<4x64x128xf32, #tpu.memory_space<vmem>> -> memref<1x64x128xf32, #tpu.memory_space<vmem>>
      %dma_start3A_417 = tpu.memref_squeeze %dma_start3A_416 : memref<1x64x128xf32, #tpu.memory_space<vmem>> -> memref<64x128xf32, #tpu.memory_space<vmem>>
      %dma_start3A_418 = arith.constant 0 : i32
      %dma_start3A_419 = tpu.memref_slice %arg8[%dma_start3A_413, %dma_start3A_418] : memref<16x64xi32, #tpu.memory_space<vmem>> -> memref<1x64xi32, #tpu.memory_space<vmem>>
      %dma_start3A_420 = tpu.memref_squeeze %dma_start3A_419 : memref<1x64xi32, #tpu.memory_space<vmem>> -> memref<64xi32, #tpu.memory_space<vmem>>
      %dma_start3A_421 = arith.constant 0 : i32
      %dma_start3A_422 = arith.constant 0 : i32
      %dma_start3A_423 = tpu.memref_slice %arg10[%dma_start3A_421, %dma_start3A_422] : memref<10112x128xf32, #tpu.memory_space<vmem_shared>> -> memref<10112x128xf32, #tpu.memory_space<vmem_shared>>
      tpu.enqueue_indirect_dma source(%dma_start3A_417 : memref<64x128xf32, #tpu.memory_space<vmem>>) target(%dma_start3A_423 : memref<10112x128xf32, #tpu.memory_space<vmem_shared>>) offsets(%dma_start3A_420 : memref<64xi32, #tpu.memory_space<vmem>>) semaphore(%arg15 : memref<!tpu.dma_semaphore, #tpu.memory_space<semaphore_mem>>) {add = true}
      %dma_start3A_424 = arith.constant 9 : i32
      %dma_start3A_425 = arith.constant 1 : i32
      %dma_start3A_426 = arith.constant 0 : i32
      %dma_start3A_427 = arith.constant 0 : i32
      %dma_start3A_428 = tpu.memref_slice %arg9[%dma_start3A_425, %dma_start3A_426, %dma_start3A_427] : memref<4x64x128xf32, #tpu.memory_space<vmem>> -> memref<1x64x128xf32, #tpu.memory_space<vmem>>
      %dma_start3A_429 = tpu.memref_squeeze %dma_start3A_428 : memref<1x64x128xf32, #tpu.memory_space<vmem>> -> memref<64x128xf32, #tpu.memory_space<vmem>>
      %dma_start3A_430 = arith.constant 0 : i32
      %dma_start3A_431 = tpu.memref_slice %arg7[%dma_start3A_424, %dma_start3A_430] : memref<16x64xi32, #tpu.memory_space<vmem>> -> memref<1x64xi32, #tpu.memory_space<vmem>>
      %dma_start3A_432 = tpu.memref_squeeze %dma_start3A_431 : memref<1x64xi32, #tpu.memory_space<vmem>> -> memref<64xi32, #tpu.memory_space<vmem>>
      %dma_start3A_433 = arith.constant 0 : i32
      %dma_start3A_434 = arith.constant 0 : i32
      %dma_start3A_435 = tpu.memref_slice %arg2[%arg0, %dma_start3A_433, %dma_start3A_434] : memref<2x10000x128xf32, #tpu.memory_space<hbm>> -> memref<1x10000x128xf32, #tpu.memory_space<hbm>>
      %dma_start3A_436 = tpu.memref_squeeze %dma_start3A_435 : memref<1x10000x128xf32, #tpu.memory_space<hbm>> -> memref<10000x128xf32, #tpu.memory_space<hbm>>
      %dma_start3A_437 = arith.constant 0 : i32
      %dma_start3A_438 = arith.constant 0 : i32
      %dma_start3A_439 = tpu.memref_slice %dma_start3A_436[%dma_start3A_437, %dma_start3A_438] : memref<10000x128xf32, #tpu.memory_space<hbm>> -> memref<10000x128xf32, #tpu.memory_space<hbm>>
      tpu.enqueue_indirect_dma source(%dma_start3A_439 : memref<10000x128xf32, #tpu.memory_space<hbm>>) target(%dma_start3A_429 : memref<64x128xf32, #tpu.memory_space<vmem>>) offsets(%dma_start3A_432 : memref<64xi32, #tpu.memory_space<vmem>>) semaphore(%arg12 : memref<!tpu.dma_semaphore, #tpu.memory_space<semaphore_mem>>)
      %dma_wait3A_440 = arith.constant 7 : i32
      %dma_wait3A_441 = arith.constant 3 : i32
      %dma_wait3A_442 = arith.constant 0 : i32
      %dma_wait3A_443 = arith.constant 0 : i32
      %dma_wait3A_444 = tpu.memref_slice %arg9[%dma_wait3A_441, %dma_wait3A_442, %dma_wait3A_443] : memref<4x64x128xf32, #tpu.memory_space<vmem>> -> memref<1x64x128xf32, #tpu.memory_space<vmem>>
      %dma_wait3A_445 = tpu.memref_squeeze %dma_wait3A_444 : memref<1x64x128xf32, #tpu.memory_space<vmem>> -> memref<64x128xf32, #tpu.memory_space<vmem>>
      %dma_wait3A_446 = arith.constant 0 : i32
      %dma_wait3A_447 = tpu.memref_slice %arg7[%dma_wait3A_440, %dma_wait3A_446] : memref<16x64xi32, #tpu.memory_space<vmem>> -> memref<1x64xi32, #tpu.memory_space<vmem>>
      %dma_wait3A_448 = tpu.memref_squeeze %dma_wait3A_447 : memref<1x64xi32, #tpu.memory_space<vmem>> -> memref<64xi32, #tpu.memory_space<vmem>>
      %dma_wait3A_449 = arith.constant 0 : i32
      %dma_wait3A_450 = arith.constant 0 : i32
      %dma_wait3A_451 = tpu.memref_slice %arg2[%arg0, %dma_wait3A_449, %dma_wait3A_450] : memref<2x10000x128xf32, #tpu.memory_space<hbm>> -> memref<1x10000x128xf32, #tpu.memory_space<hbm>>
      %dma_wait3A_452 = tpu.memref_squeeze %dma_wait3A_451 : memref<1x10000x128xf32, #tpu.memory_space<hbm>> -> memref<10000x128xf32, #tpu.memory_space<hbm>>
      %dma_wait3A_453 = arith.constant 0 : i32
      %dma_wait3A_454 = arith.constant 0 : i32
      %dma_wait3A_455 = tpu.memref_slice %dma_wait3A_452[%dma_wait3A_453, %dma_wait3A_454] : memref<10000x128xf32, #tpu.memory_space<hbm>> -> memref<10000x128xf32, #tpu.memory_space<hbm>>
      tpu.wait_indirect_dma semaphore(%arg14 : memref<!tpu.dma_semaphore, #tpu.memory_space<semaphore_mem>>) src(%dma_wait3A_455 : memref<10000x128xf32, #tpu.memory_space<hbm>>) dst(%dma_wait3A_445 : memref<64x128xf32, #tpu.memory_space<vmem>>)
      %dma_wait3A_456 = arith.constant 2 : i32
      %dma_wait3A_457 = arith.constant 6 : i32
      %dma_wait3A_458 = arith.constant 0 : i32
      %dma_wait3A_459 = arith.constant 0 : i32
      %dma_wait3A_460 = tpu.memref_slice %arg9[%dma_wait3A_456, %dma_wait3A_458, %dma_wait3A_459] : memref<4x64x128xf32, #tpu.memory_space<vmem>> -> memref<1x64x128xf32, #tpu.memory_space<vmem>>
      %dma_wait3A_461 = tpu.memref_squeeze %dma_wait3A_460 : memref<1x64x128xf32, #tpu.memory_space<vmem>> -> memref<64x128xf32, #tpu.memory_space<vmem>>
      %dma_wait3A_462 = arith.constant 0 : i32
      %dma_wait3A_463 = tpu.memref_slice %arg8[%dma_wait3A_457, %dma_wait3A_462] : memref<16x64xi32, #tpu.memory_space<vmem>> -> memref<1x64xi32, #tpu.memory_space<vmem>>
      %dma_wait3A_464 = tpu.memref_squeeze %dma_wait3A_463 : memref<1x64xi32, #tpu.memory_space<vmem>> -> memref<64xi32, #tpu.memory_space<vmem>>
      %dma_wait3A_465 = arith.constant 0 : i32
      %dma_wait3A_466 = arith.constant 0 : i32
      %dma_wait3A_467 = tpu.memref_slice %arg10[%dma_wait3A_465, %dma_wait3A_466] : memref<10112x128xf32, #tpu.memory_space<vmem_shared>> -> memref<10112x128xf32, #tpu.memory_space<vmem_shared>>
      tpu.wait_indirect_dma semaphore(%arg15 : memref<!tpu.dma_semaphore, #tpu.memory_space<semaphore_mem>>) src(%dma_wait3A_461 : memref<64x128xf32, #tpu.memory_space<vmem>>) dst(%dma_wait3A_467 : memref<10112x128xf32, #tpu.memory_space<vmem_shared>>)
      %dma_start3A_468 = arith.constant 3 : i32
      %dma_start3A_469 = arith.constant 7 : i32
      %dma_start3A_470 = arith.constant 0 : i32
      %dma_start3A_471 = arith.constant 0 : i32
      %dma_start3A_472 = tpu.memref_slice %arg9[%dma_start3A_468, %dma_start3A_470, %dma_start3A_471] : memref<4x64x128xf32, #tpu.memory_space<vmem>> -> memref<1x64x128xf32, #tpu.memory_space<vmem>>
      %dma_start3A_473 = tpu.memref_squeeze %dma_start3A_472 : memref<1x64x128xf32, #tpu.memory_space<vmem>> -> memref<64x128xf32, #tpu.memory_space<vmem>>
      %dma_start3A_474 = arith.constant 0 : i32
      %dma_start3A_475 = tpu.memref_slice %arg8[%dma_start3A_469, %dma_start3A_474] : memref<16x64xi32, #tpu.memory_space<vmem>> -> memref<1x64xi32, #tpu.memory_space<vmem>>
      %dma_start3A_476 = tpu.memref_squeeze %dma_start3A_475 : memref<1x64xi32, #tpu.memory_space<vmem>> -> memref<64xi32, #tpu.memory_space<vmem>>
      %dma_start3A_477 = arith.constant 0 : i32
      %dma_start3A_478 = arith.constant 0 : i32
      %dma_start3A_479 = tpu.memref_slice %arg10[%dma_start3A_477, %dma_start3A_478] : memref<10112x128xf32, #tpu.memory_space<vmem_shared>> -> memref<10112x128xf32, #tpu.memory_space<vmem_shared>>
      tpu.enqueue_indirect_dma source(%dma_start3A_473 : memref<64x128xf32, #tpu.memory_space<vmem>>) target(%dma_start3A_479 : memref<10112x128xf32, #tpu.memory_space<vmem_shared>>) offsets(%dma_start3A_476 : memref<64xi32, #tpu.memory_space<vmem>>) semaphore(%arg15 : memref<!tpu.dma_semaphore, #tpu.memory_space<semaphore_mem>>) {add = true}
      %dma_start3A_480 = arith.constant 10 : i32
      %dma_start3A_481 = arith.constant 2 : i32
      %dma_start3A_482 = arith.constant 0 : i32
      %dma_start3A_483 = arith.constant 0 : i32
      %dma_start3A_484 = tpu.memref_slice %arg9[%dma_start3A_481, %dma_start3A_482, %dma_start3A_483] : memref<4x64x128xf32, #tpu.memory_space<vmem>> -> memref<1x64x128xf32, #tpu.memory_space<vmem>>
      %dma_start3A_485 = tpu.memref_squeeze %dma_start3A_484 : memref<1x64x128xf32, #tpu.memory_space<vmem>> -> memref<64x128xf32, #tpu.memory_space<vmem>>
      %dma_start3A_486 = arith.constant 0 : i32
      %dma_start3A_487 = tpu.memref_slice %arg7[%dma_start3A_480, %dma_start3A_486] : memref<16x64xi32, #tpu.memory_space<vmem>> -> memref<1x64xi32, #tpu.memory_space<vmem>>
      %dma_start3A_488 = tpu.memref_squeeze %dma_start3A_487 : memref<1x64xi32, #tpu.memory_space<vmem>> -> memref<64xi32, #tpu.memory_space<vmem>>
      %dma_start3A_489 = arith.constant 0 : i32
      %dma_start3A_490 = arith.constant 0 : i32
      %dma_start3A_491 = tpu.memref_slice %arg2[%arg0, %dma_start3A_489, %dma_start3A_490] : memref<2x10000x128xf32, #tpu.memory_space<hbm>> -> memref<1x10000x128xf32, #tpu.memory_space<hbm>>
      %dma_start3A_492 = tpu.memref_squeeze %dma_start3A_491 : memref<1x10000x128xf32, #tpu.memory_space<hbm>> -> memref<10000x128xf32, #tpu.memory_space<hbm>>
      %dma_start3A_493 = arith.constant 0 : i32
      %dma_start3A_494 = arith.constant 0 : i32
      %dma_start3A_495 = tpu.memref_slice %dma_start3A_492[%dma_start3A_493, %dma_start3A_494] : memref<10000x128xf32, #tpu.memory_space<hbm>> -> memref<10000x128xf32, #tpu.memory_space<hbm>>
      tpu.enqueue_indirect_dma source(%dma_start3A_495 : memref<10000x128xf32, #tpu.memory_space<hbm>>) target(%dma_start3A_485 : memref<64x128xf32, #tpu.memory_space<vmem>>) offsets(%dma_start3A_488 : memref<64xi32, #tpu.memory_space<vmem>>) semaphore(%arg13 : memref<!tpu.dma_semaphore, #tpu.memory_space<semaphore_mem>>)
      %dma_wait3A_496 = arith.constant 8 : i32
      %dma_wait3A_497 = arith.constant 0 : i32
      %dma_wait3A_498 = arith.constant 0 : i32
      %dma_wait3A_499 = arith.constant 0 : i32
      %dma_wait3A_500 = tpu.memref_slice %arg9[%dma_wait3A_497, %dma_wait3A_498, %dma_wait3A_499] : memref<4x64x128xf32, #tpu.memory_space<vmem>> -> memref<1x64x128xf32, #tpu.memory_space<vmem>>
      %dma_wait3A_501 = tpu.memref_squeeze %dma_wait3A_500 : memref<1x64x128xf32, #tpu.memory_space<vmem>> -> memref<64x128xf32, #tpu.memory_space<vmem>>
      %dma_wait3A_502 = arith.constant 0 : i32
      %dma_wait3A_503 = tpu.memref_slice %arg7[%dma_wait3A_496, %dma_wait3A_502] : memref<16x64xi32, #tpu.memory_space<vmem>> -> memref<1x64xi32, #tpu.memory_space<vmem>>
      %dma_wait3A_504 = tpu.memref_squeeze %dma_wait3A_503 : memref<1x64xi32, #tpu.memory_space<vmem>> -> memref<64xi32, #tpu.memory_space<vmem>>
      %dma_wait3A_505 = arith.constant 0 : i32
      %dma_wait3A_506 = arith.constant 0 : i32
      %dma_wait3A_507 = tpu.memref_slice %arg2[%arg0, %dma_wait3A_505, %dma_wait3A_506] : memref<2x10000x128xf32, #tpu.memory_space<hbm>> -> memref<1x10000x128xf32, #tpu.memory_space<hbm>>
      %dma_wait3A_508 = tpu.memref_squeeze %dma_wait3A_507 : memref<1x10000x128xf32, #tpu.memory_space<hbm>> -> memref<10000x128xf32, #tpu.memory_space<hbm>>
      %dma_wait3A_509 = arith.constant 0 : i32
      %dma_wait3A_510 = arith.constant 0 : i32
      %dma_wait3A_511 = tpu.memref_slice %dma_wait3A_508[%dma_wait3A_509, %dma_wait3A_510] : memref<10000x128xf32, #tpu.memory_space<hbm>> -> memref<10000x128xf32, #tpu.memory_space<hbm>>
      tpu.wait_indirect_dma semaphore(%arg11 : memref<!tpu.dma_semaphore, #tpu.memory_space<semaphore_mem>>) src(%dma_wait3A_511 : memref<10000x128xf32, #tpu.memory_space<hbm>>) dst(%dma_wait3A_501 : memref<64x128xf32, #tpu.memory_space<vmem>>)
      %dma_wait3A_512 = arith.constant 3 : i32
      %dma_wait3A_513 = arith.constant 7 : i32
      %dma_wait3A_514 = arith.constant 0 : i32
      %dma_wait3A_515 = arith.constant 0 : i32
      %dma_wait3A_516 = tpu.memref_slice %arg9[%dma_wait3A_512, %dma_wait3A_514, %dma_wait3A_515] : memref<4x64x128xf32, #tpu.memory_space<vmem>> -> memref<1x64x128xf32, #tpu.memory_space<vmem>>
      %dma_wait3A_517 = tpu.memref_squeeze %dma_wait3A_516 : memref<1x64x128xf32, #tpu.memory_space<vmem>> -> memref<64x128xf32, #tpu.memory_space<vmem>>
      %dma_wait3A_518 = arith.constant 0 : i32
      %dma_wait3A_519 = tpu.memref_slice %arg8[%dma_wait3A_513, %dma_wait3A_518] : memref<16x64xi32, #tpu.memory_space<vmem>> -> memref<1x64xi32, #tpu.memory_space<vmem>>
      %dma_wait3A_520 = tpu.memref_squeeze %dma_wait3A_519 : memref<1x64xi32, #tpu.memory_space<vmem>> -> memref<64xi32, #tpu.memory_space<vmem>>
      %dma_wait3A_521 = arith.constant 0 : i32
      %dma_wait3A_522 = arith.constant 0 : i32
      %dma_wait3A_523 = tpu.memref_slice %arg10[%dma_wait3A_521, %dma_wait3A_522] : memref<10112x128xf32, #tpu.memory_space<vmem_shared>> -> memref<10112x128xf32, #tpu.memory_space<vmem_shared>>
      tpu.wait_indirect_dma semaphore(%arg15 : memref<!tpu.dma_semaphore, #tpu.memory_space<semaphore_mem>>) src(%dma_wait3A_517 : memref<64x128xf32, #tpu.memory_space<vmem>>) dst(%dma_wait3A_523 : memref<10112x128xf32, #tpu.memory_space<vmem_shared>>)
      %dma_start3A_524 = arith.constant 0 : i32
      %dma_start3A_525 = arith.constant 8 : i32
      %dma_start3A_526 = arith.constant 0 : i32
      %dma_start3A_527 = arith.constant 0 : i32
      %dma_start3A_528 = tpu.memref_slice %arg9[%dma_start3A_524, %dma_start3A_526, %dma_start3A_527] : memref<4x64x128xf32, #tpu.memory_space<vmem>> -> memref<1x64x128xf32, #tpu.memory_space<vmem>>
      %dma_start3A_529 = tpu.memref_squeeze %dma_start3A_528 : memref<1x64x128xf32, #tpu.memory_space<vmem>> -> memref<64x128xf32, #tpu.memory_space<vmem>>
      %dma_start3A_530 = arith.constant 0 : i32
      %dma_start3A_531 = tpu.memref_slice %arg8[%dma_start3A_525, %dma_start3A_530] : memref<16x64xi32, #tpu.memory_space<vmem>> -> memref<1x64xi32, #tpu.memory_space<vmem>>
      %dma_start3A_532 = tpu.memref_squeeze %dma_start3A_531 : memref<1x64xi32, #tpu.memory_space<vmem>> -> memref<64xi32, #tpu.memory_space<vmem>>
      %dma_start3A_533 = arith.constant 0 : i32
      %dma_start3A_534 = arith.constant 0 : i32
      %dma_start3A_535 = tpu.memref_slice %arg10[%dma_start3A_533, %dma_start3A_534] : memref<10112x128xf32, #tpu.memory_space<vmem_shared>> -> memref<10112x128xf32, #tpu.memory_space<vmem_shared>>
      tpu.enqueue_indirect_dma source(%dma_start3A_529 : memref<64x128xf32, #tpu.memory_space<vmem>>) target(%dma_start3A_535 : memref<10112x128xf32, #tpu.memory_space<vmem_shared>>) offsets(%dma_start3A_532 : memref<64xi32, #tpu.memory_space<vmem>>) semaphore(%arg15 : memref<!tpu.dma_semaphore, #tpu.memory_space<semaphore_mem>>) {add = true}
      %dma_start3A_536 = arith.constant 11 : i32
      %dma_start3A_537 = arith.constant 3 : i32
      %dma_start3A_538 = arith.constant 0 : i32
      %dma_start3A_539 = arith.constant 0 : i32
      %dma_start3A_540 = tpu.memref_slice %arg9[%dma_start3A_537, %dma_start3A_538, %dma_start3A_539] : memref<4x64x128xf32, #tpu.memory_space<vmem>> -> memref<1x64x128xf32, #tpu.memory_space<vmem>>
      %dma_start3A_541 = tpu.memref_squeeze %dma_start3A_540 : memref<1x64x128xf32, #tpu.memory_space<vmem>> -> memref<64x128xf32, #tpu.memory_space<vmem>>
      %dma_start3A_542 = arith.constant 0 : i32
      %dma_start3A_543 = tpu.memref_slice %arg7[%dma_start3A_536, %dma_start3A_542] : memref<16x64xi32, #tpu.memory_space<vmem>> -> memref<1x64xi32, #tpu.memory_space<vmem>>
      %dma_start3A_544 = tpu.memref_squeeze %dma_start3A_543 : memref<1x64xi32, #tpu.memory_space<vmem>> -> memref<64xi32, #tpu.memory_space<vmem>>
      %dma_start3A_545 = arith.constant 0 : i32
      %dma_start3A_546 = arith.constant 0 : i32
      %dma_start3A_547 = tpu.memref_slice %arg2[%arg0, %dma_start3A_545, %dma_start3A_546] : memref<2x10000x128xf32, #tpu.memory_space<hbm>> -> memref<1x10000x128xf32, #tpu.memory_space<hbm>>
      %dma_start3A_548 = tpu.memref_squeeze %dma_start3A_547 : memref<1x10000x128xf32, #tpu.memory_space<hbm>> -> memref<10000x128xf32, #tpu.memory_space<hbm>>
      %dma_start3A_549 = arith.constant 0 : i32
      %dma_start3A_550 = arith.constant 0 : i32
      %dma_start3A_551 = tpu.memref_slice %dma_start3A_548[%dma_start3A_549, %dma_start3A_550] : memref<10000x128xf32, #tpu.memory_space<hbm>> -> memref<10000x128xf32, #tpu.memory_space<hbm>>
      tpu.enqueue_indirect_dma source(%dma_start3A_551 : memref<10000x128xf32, #tpu.memory_space<hbm>>) target(%dma_start3A_541 : memref<64x128xf32, #tpu.memory_space<vmem>>) offsets(%dma_start3A_544 : memref<64xi32, #tpu.memory_space<vmem>>) semaphore(%arg14 : memref<!tpu.dma_semaphore, #tpu.memory_space<semaphore_mem>>)
      %dma_wait3A_552 = arith.constant 9 : i32
      %dma_wait3A_553 = arith.constant 1 : i32
      %dma_wait3A_554 = arith.constant 0 : i32
      %dma_wait3A_555 = arith.constant 0 : i32
      %dma_wait3A_556 = tpu.memref_slice %arg9[%dma_wait3A_553, %dma_wait3A_554, %dma_wait3A_555] : memref<4x64x128xf32, #tpu.memory_space<vmem>> -> memref<1x64x128xf32, #tpu.memory_space<vmem>>
      %dma_wait3A_557 = tpu.memref_squeeze %dma_wait3A_556 : memref<1x64x128xf32, #tpu.memory_space<vmem>> -> memref<64x128xf32, #tpu.memory_space<vmem>>
      %dma_wait3A_558 = arith.constant 0 : i32
      %dma_wait3A_559 = tpu.memref_slice %arg7[%dma_wait3A_552, %dma_wait3A_558] : memref<16x64xi32, #tpu.memory_space<vmem>> -> memref<1x64xi32, #tpu.memory_space<vmem>>
      %dma_wait3A_560 = tpu.memref_squeeze %dma_wait3A_559 : memref<1x64xi32, #tpu.memory_space<vmem>> -> memref<64xi32, #tpu.memory_space<vmem>>
      %dma_wait3A_561 = arith.constant 0 : i32
      %dma_wait3A_562 = arith.constant 0 : i32
      %dma_wait3A_563 = tpu.memref_slice %arg2[%arg0, %dma_wait3A_561, %dma_wait3A_562] : memref<2x10000x128xf32, #tpu.memory_space<hbm>> -> memref<1x10000x128xf32, #tpu.memory_space<hbm>>
      %dma_wait3A_564 = tpu.memref_squeeze %dma_wait3A_563 : memref<1x10000x128xf32, #tpu.memory_space<hbm>> -> memref<10000x128xf32, #tpu.memory_space<hbm>>
      %dma_wait3A_565 = arith.constant 0 : i32
      %dma_wait3A_566 = arith.constant 0 : i32
      %dma_wait3A_567 = tpu.memref_slice %dma_wait3A_564[%dma_wait3A_565, %dma_wait3A_566] : memref<10000x128xf32, #tpu.memory_space<hbm>> -> memref<10000x128xf32, #tpu.memory_space<hbm>>
      tpu.wait_indirect_dma semaphore(%arg12 : memref<!tpu.dma_semaphore, #tpu.memory_space<semaphore_mem>>) src(%dma_wait3A_567 : memref<10000x128xf32, #tpu.memory_space<hbm>>) dst(%dma_wait3A_557 : memref<64x128xf32, #tpu.memory_space<vmem>>)
      %dma_wait3A_568 = arith.constant 0 : i32
      %dma_wait3A_569 = arith.constant 8 : i32
      %dma_wait3A_570 = arith.constant 0 : i32
      %dma_wait3A_571 = arith.constant 0 : i32
      %dma_wait3A_572 = tpu.memref_slice %arg9[%dma_wait3A_568, %dma_wait3A_570, %dma_wait3A_571] : memref<4x64x128xf32, #tpu.memory_space<vmem>> -> memref<1x64x128xf32, #tpu.memory_space<vmem>>
      %dma_wait3A_573 = tpu.memref_squeeze %dma_wait3A_572 : memref<1x64x128xf32, #tpu.memory_space<vmem>> -> memref<64x128xf32, #tpu.memory_space<vmem>>
      %dma_wait3A_574 = arith.constant 0 : i32
      %dma_wait3A_575 = tpu.memref_slice %arg8[%dma_wait3A_569, %dma_wait3A_574] : memref<16x64xi32, #tpu.memory_space<vmem>> -> memref<1x64xi32, #tpu.memory_space<vmem>>
      %dma_wait3A_576 = tpu.memref_squeeze %dma_wait3A_575 : memref<1x64xi32, #tpu.memory_space<vmem>> -> memref<64xi32, #tpu.memory_space<vmem>>
      %dma_wait3A_577 = arith.constant 0 : i32
      %dma_wait3A_578 = arith.constant 0 : i32
      %dma_wait3A_579 = tpu.memref_slice %arg10[%dma_wait3A_577, %dma_wait3A_578] : memref<10112x128xf32, #tpu.memory_space<vmem_shared>> -> memref<10112x128xf32, #tpu.memory_space<vmem_shared>>
      tpu.wait_indirect_dma semaphore(%arg15 : memref<!tpu.dma_semaphore, #tpu.memory_space<semaphore_mem>>) src(%dma_wait3A_573 : memref<64x128xf32, #tpu.memory_space<vmem>>) dst(%dma_wait3A_579 : memref<10112x128xf32, #tpu.memory_space<vmem_shared>>)
      %dma_start3A_580 = arith.constant 1 : i32
      %dma_start3A_581 = arith.constant 9 : i32
      %dma_start3A_582 = arith.constant 0 : i32
      %dma_start3A_583 = arith.constant 0 : i32
      %dma_start3A_584 = tpu.memref_slice %arg9[%dma_start3A_580, %dma_start3A_582, %dma_start3A_583] : memref<4x64x128xf32, #tpu.memory_space<vmem>> -> memref<1x64x128xf32, #tpu.memory_space<vmem>>
      %dma_start3A_585 = tpu.memref_squeeze %dma_start3A_584 : memref<1x64x128xf32, #tpu.memory_space<vmem>> -> memref<64x128xf32, #tpu.memory_space<vmem>>
      %dma_start3A_586 = arith.constant 0 : i32
      %dma_start3A_587 = tpu.memref_slice %arg8[%dma_start3A_581, %dma_start3A_586] : memref<16x64xi32, #tpu.memory_space<vmem>> -> memref<1x64xi32, #tpu.memory_space<vmem>>
      %dma_start3A_588 = tpu.memref_squeeze %dma_start3A_587 : memref<1x64xi32, #tpu.memory_space<vmem>> -> memref<64xi32, #tpu.memory_space<vmem>>
      %dma_start3A_589 = arith.constant 0 : i32
      %dma_start3A_590 = arith.constant 0 : i32
      %dma_start3A_591 = tpu.memref_slice %arg10[%dma_start3A_589, %dma_start3A_590] : memref<10112x128xf32, #tpu.memory_space<vmem_shared>> -> memref<10112x128xf32, #tpu.memory_space<vmem_shared>>
      tpu.enqueue_indirect_dma source(%dma_start3A_585 : memref<64x128xf32, #tpu.memory_space<vmem>>) target(%dma_start3A_591 : memref<10112x128xf32, #tpu.memory_space<vmem_shared>>) offsets(%dma_start3A_588 : memref<64xi32, #tpu.memory_space<vmem>>) semaphore(%arg15 : memref<!tpu.dma_semaphore, #tpu.memory_space<semaphore_mem>>) {add = true}
      %dma_start3A_592 = arith.constant 12 : i32
      %dma_start3A_593 = arith.constant 0 : i32
      %dma_start3A_594 = arith.constant 0 : i32
      %dma_start3A_595 = arith.constant 0 : i32
      %dma_start3A_596 = tpu.memref_slice %arg9[%dma_start3A_593, %dma_start3A_594, %dma_start3A_595] : memref<4x64x128xf32, #tpu.memory_space<vmem>> -> memref<1x64x128xf32, #tpu.memory_space<vmem>>
      %dma_start3A_597 = tpu.memref_squeeze %dma_start3A_596 : memref<1x64x128xf32, #tpu.memory_space<vmem>> -> memref<64x128xf32, #tpu.memory_space<vmem>>
      %dma_start3A_598 = arith.constant 0 : i32
      %dma_start3A_599 = tpu.memref_slice %arg7[%dma_start3A_592, %dma_start3A_598] : memref<16x64xi32, #tpu.memory_space<vmem>> -> memref<1x64xi32, #tpu.memory_space<vmem>>
      %dma_start3A_600 = tpu.memref_squeeze %dma_start3A_599 : memref<1x64xi32, #tpu.memory_space<vmem>> -> memref<64xi32, #tpu.memory_space<vmem>>
      %dma_start3A_601 = arith.constant 0 : i32
      %dma_start3A_602 = arith.constant 0 : i32
      %dma_start3A_603 = tpu.memref_slice %arg2[%arg0, %dma_start3A_601, %dma_start3A_602] : memref<2x10000x128xf32, #tpu.memory_space<hbm>> -> memref<1x10000x128xf32, #tpu.memory_space<hbm>>
      %dma_start3A_604 = tpu.memref_squeeze %dma_start3A_603 : memref<1x10000x128xf32, #tpu.memory_space<hbm>> -> memref<10000x128xf32, #tpu.memory_space<hbm>>
      %dma_start3A_605 = arith.constant 0 : i32
      %dma_start3A_606 = arith.constant 0 : i32
      %dma_start3A_607 = tpu.memref_slice %dma_start3A_604[%dma_start3A_605, %dma_start3A_606] : memref<10000x128xf32, #tpu.memory_space<hbm>> -> memref<10000x128xf32, #tpu.memory_space<hbm>>
      tpu.enqueue_indirect_dma source(%dma_start3A_607 : memref<10000x128xf32, #tpu.memory_space<hbm>>) target(%dma_start3A_597 : memref<64x128xf32, #tpu.memory_space<vmem>>) offsets(%dma_start3A_600 : memref<64xi32, #tpu.memory_space<vmem>>) semaphore(%arg11 : memref<!tpu.dma_semaphore, #tpu.memory_space<semaphore_mem>>)
      %dma_wait3A_608 = arith.constant 10 : i32
      %dma_wait3A_609 = arith.constant 2 : i32
      %dma_wait3A_610 = arith.constant 0 : i32
      %dma_wait3A_611 = arith.constant 0 : i32
      %dma_wait3A_612 = tpu.memref_slice %arg9[%dma_wait3A_609, %dma_wait3A_610, %dma_wait3A_611] : memref<4x64x128xf32, #tpu.memory_space<vmem>> -> memref<1x64x128xf32, #tpu.memory_space<vmem>>
      %dma_wait3A_613 = tpu.memref_squeeze %dma_wait3A_612 : memref<1x64x128xf32, #tpu.memory_space<vmem>> -> memref<64x128xf32, #tpu.memory_space<vmem>>
      %dma_wait3A_614 = arith.constant 0 : i32
      %dma_wait3A_615 = tpu.memref_slice %arg7[%dma_wait3A_608, %dma_wait3A_614] : memref<16x64xi32, #tpu.memory_space<vmem>> -> memref<1x64xi32, #tpu.memory_space<vmem>>
      %dma_wait3A_616 = tpu.memref_squeeze %dma_wait3A_615 : memref<1x64xi32, #tpu.memory_space<vmem>> -> memref<64xi32, #tpu.memory_space<vmem>>
      %dma_wait3A_617 = arith.constant 0 : i32
      %dma_wait3A_618 = arith.constant 0 : i32
      %dma_wait3A_619 = tpu.memref_slice %arg2[%arg0, %dma_wait3A_617, %dma_wait3A_618] : memref<2x10000x128xf32, #tpu.memory_space<hbm>> -> memref<1x10000x128xf32, #tpu.memory_space<hbm>>
      %dma_wait3A_620 = tpu.memref_squeeze %dma_wait3A_619 : memref<1x10000x128xf32, #tpu.memory_space<hbm>> -> memref<10000x128xf32, #tpu.memory_space<hbm>>
      %dma_wait3A_621 = arith.constant 0 : i32
      %dma_wait3A_622 = arith.constant 0 : i32
      %dma_wait3A_623 = tpu.memref_slice %dma_wait3A_620[%dma_wait3A_621, %dma_wait3A_622] : memref<10000x128xf32, #tpu.memory_space<hbm>> -> memref<10000x128xf32, #tpu.memory_space<hbm>>
      tpu.wait_indirect_dma semaphore(%arg13 : memref<!tpu.dma_semaphore, #tpu.memory_space<semaphore_mem>>) src(%dma_wait3A_623 : memref<10000x128xf32, #tpu.memory_space<hbm>>) dst(%dma_wait3A_613 : memref<64x128xf32, #tpu.memory_space<vmem>>)
      %dma_wait3A_624 = arith.constant 1 : i32
      %dma_wait3A_625 = arith.constant 9 : i32
      %dma_wait3A_626 = arith.constant 0 : i32
      %dma_wait3A_627 = arith.constant 0 : i32
      %dma_wait3A_628 = tpu.memref_slice %arg9[%dma_wait3A_624, %dma_wait3A_626, %dma_wait3A_627] : memref<4x64x128xf32, #tpu.memory_space<vmem>> -> memref<1x64x128xf32, #tpu.memory_space<vmem>>
      %dma_wait3A_629 = tpu.memref_squeeze %dma_wait3A_628 : memref<1x64x128xf32, #tpu.memory_space<vmem>> -> memref<64x128xf32, #tpu.memory_space<vmem>>
      %dma_wait3A_630 = arith.constant 0 : i32
      %dma_wait3A_631 = tpu.memref_slice %arg8[%dma_wait3A_625, %dma_wait3A_630] : memref<16x64xi32, #tpu.memory_space<vmem>> -> memref<1x64xi32, #tpu.memory_space<vmem>>
      %dma_wait3A_632 = tpu.memref_squeeze %dma_wait3A_631 : memref<1x64xi32, #tpu.memory_space<vmem>> -> memref<64xi32, #tpu.memory_space<vmem>>
      %dma_wait3A_633 = arith.constant 0 : i32
      %dma_wait3A_634 = arith.constant 0 : i32
      %dma_wait3A_635 = tpu.memref_slice %arg10[%dma_wait3A_633, %dma_wait3A_634] : memref<10112x128xf32, #tpu.memory_space<vmem_shared>> -> memref<10112x128xf32, #tpu.memory_space<vmem_shared>>
      tpu.wait_indirect_dma semaphore(%arg15 : memref<!tpu.dma_semaphore, #tpu.memory_space<semaphore_mem>>) src(%dma_wait3A_629 : memref<64x128xf32, #tpu.memory_space<vmem>>) dst(%dma_wait3A_635 : memref<10112x128xf32, #tpu.memory_space<vmem_shared>>)
      %dma_start3A_636 = arith.constant 2 : i32
      %dma_start3A_637 = arith.constant 10 : i32
      %dma_start3A_638 = arith.constant 0 : i32
      %dma_start3A_639 = arith.constant 0 : i32
      %dma_start3A_640 = tpu.memref_slice %arg9[%dma_start3A_636, %dma_start3A_638, %dma_start3A_639] : memref<4x64x128xf32, #tpu.memory_space<vmem>> -> memref<1x64x128xf32, #tpu.memory_space<vmem>>
      %dma_start3A_641 = tpu.memref_squeeze %dma_start3A_640 : memref<1x64x128xf32, #tpu.memory_space<vmem>> -> memref<64x128xf32, #tpu.memory_space<vmem>>
      %dma_start3A_642 = arith.constant 0 : i32
      %dma_start3A_643 = tpu.memref_slice %arg8[%dma_start3A_637, %dma_start3A_642] : memref<16x64xi32, #tpu.memory_space<vmem>> -> memref<1x64xi32, #tpu.memory_space<vmem>>
      %dma_start3A_644 = tpu.memref_squeeze %dma_start3A_643 : memref<1x64xi32, #tpu.memory_space<vmem>> -> memref<64xi32, #tpu.memory_space<vmem>>
      %dma_start3A_645 = arith.constant 0 : i32
      %dma_start3A_646 = arith.constant 0 : i32
      %dma_start3A_647 = tpu.memref_slice %arg10[%dma_start3A_645, %dma_start3A_646] : memref<10112x128xf32, #tpu.memory_space<vmem_shared>> -> memref<10112x128xf32, #tpu.memory_space<vmem_shared>>
      tpu.enqueue_indirect_dma source(%dma_start3A_641 : memref<64x128xf32, #tpu.memory_space<vmem>>) target(%dma_start3A_647 : memref<10112x128xf32, #tpu.memory_space<vmem_shared>>) offsets(%dma_start3A_644 : memref<64xi32, #tpu.memory_space<vmem>>) semaphore(%arg15 : memref<!tpu.dma_semaphore, #tpu.memory_space<semaphore_mem>>) {add = true}
      %dma_start3A_648 = arith.constant 13 : i32
      %dma_start3A_649 = arith.constant 1 : i32
      %dma_start3A_650 = arith.constant 0 : i32
      %dma_start3A_651 = arith.constant 0 : i32
      %dma_start3A_652 = tpu.memref_slice %arg9[%dma_start3A_649, %dma_start3A_650, %dma_start3A_651] : memref<4x64x128xf32, #tpu.memory_space<vmem>> -> memref<1x64x128xf32, #tpu.memory_space<vmem>>
      %dma_start3A_653 = tpu.memref_squeeze %dma_start3A_652 : memref<1x64x128xf32, #tpu.memory_space<vmem>> -> memref<64x128xf32, #tpu.memory_space<vmem>>
      %dma_start3A_654 = arith.constant 0 : i32
      %dma_start3A_655 = tpu.memref_slice %arg7[%dma_start3A_648, %dma_start3A_654] : memref<16x64xi32, #tpu.memory_space<vmem>> -> memref<1x64xi32, #tpu.memory_space<vmem>>
      %dma_start3A_656 = tpu.memref_squeeze %dma_start3A_655 : memref<1x64xi32, #tpu.memory_space<vmem>> -> memref<64xi32, #tpu.memory_space<vmem>>
      %dma_start3A_657 = arith.constant 0 : i32
      %dma_start3A_658 = arith.constant 0 : i32
      %dma_start3A_659 = tpu.memref_slice %arg2[%arg0, %dma_start3A_657, %dma_start3A_658] : memref<2x10000x128xf32, #tpu.memory_space<hbm>> -> memref<1x10000x128xf32, #tpu.memory_space<hbm>>
      %dma_start3A_660 = tpu.memref_squeeze %dma_start3A_659 : memref<1x10000x128xf32, #tpu.memory_space<hbm>> -> memref<10000x128xf32, #tpu.memory_space<hbm>>
      %dma_start3A_661 = arith.constant 0 : i32
      %dma_start3A_662 = arith.constant 0 : i32
      %dma_start3A_663 = tpu.memref_slice %dma_start3A_660[%dma_start3A_661, %dma_start3A_662] : memref<10000x128xf32, #tpu.memory_space<hbm>> -> memref<10000x128xf32, #tpu.memory_space<hbm>>
      tpu.enqueue_indirect_dma source(%dma_start3A_663 : memref<10000x128xf32, #tpu.memory_space<hbm>>) target(%dma_start3A_653 : memref<64x128xf32, #tpu.memory_space<vmem>>) offsets(%dma_start3A_656 : memref<64xi32, #tpu.memory_space<vmem>>) semaphore(%arg12 : memref<!tpu.dma_semaphore, #tpu.memory_space<semaphore_mem>>)
      %dma_wait3A_664 = arith.constant 11 : i32
      %dma_wait3A_665 = arith.constant 3 : i32
      %dma_wait3A_666 = arith.constant 0 : i32
      %dma_wait3A_667 = arith.constant 0 : i32
      %dma_wait3A_668 = tpu.memref_slice %arg9[%dma_wait3A_665, %dma_wait3A_666, %dma_wait3A_667] : memref<4x64x128xf32, #tpu.memory_space<vmem>> -> memref<1x64x128xf32, #tpu.memory_space<vmem>>
      %dma_wait3A_669 = tpu.memref_squeeze %dma_wait3A_668 : memref<1x64x128xf32, #tpu.memory_space<vmem>> -> memref<64x128xf32, #tpu.memory_space<vmem>>
      %dma_wait3A_670 = arith.constant 0 : i32
      %dma_wait3A_671 = tpu.memref_slice %arg7[%dma_wait3A_664, %dma_wait3A_670] : memref<16x64xi32, #tpu.memory_space<vmem>> -> memref<1x64xi32, #tpu.memory_space<vmem>>
      %dma_wait3A_672 = tpu.memref_squeeze %dma_wait3A_671 : memref<1x64xi32, #tpu.memory_space<vmem>> -> memref<64xi32, #tpu.memory_space<vmem>>
      %dma_wait3A_673 = arith.constant 0 : i32
      %dma_wait3A_674 = arith.constant 0 : i32
      %dma_wait3A_675 = tpu.memref_slice %arg2[%arg0, %dma_wait3A_673, %dma_wait3A_674] : memref<2x10000x128xf32, #tpu.memory_space<hbm>> -> memref<1x10000x128xf32, #tpu.memory_space<hbm>>
      %dma_wait3A_676 = tpu.memref_squeeze %dma_wait3A_675 : memref<1x10000x128xf32, #tpu.memory_space<hbm>> -> memref<10000x128xf32, #tpu.memory_space<hbm>>
      %dma_wait3A_677 = arith.constant 0 : i32
      %dma_wait3A_678 = arith.constant 0 : i32
      %dma_wait3A_679 = tpu.memref_slice %dma_wait3A_676[%dma_wait3A_677, %dma_wait3A_678] : memref<10000x128xf32, #tpu.memory_space<hbm>> -> memref<10000x128xf32, #tpu.memory_space<hbm>>
      tpu.wait_indirect_dma semaphore(%arg14 : memref<!tpu.dma_semaphore, #tpu.memory_space<semaphore_mem>>) src(%dma_wait3A_679 : memref<10000x128xf32, #tpu.memory_space<hbm>>) dst(%dma_wait3A_669 : memref<64x128xf32, #tpu.memory_space<vmem>>)
      %dma_wait3A_680 = arith.constant 2 : i32
      %dma_wait3A_681 = arith.constant 10 : i32
      %dma_wait3A_682 = arith.constant 0 : i32
      %dma_wait3A_683 = arith.constant 0 : i32
      %dma_wait3A_684 = tpu.memref_slice %arg9[%dma_wait3A_680, %dma_wait3A_682, %dma_wait3A_683] : memref<4x64x128xf32, #tpu.memory_space<vmem>> -> memref<1x64x128xf32, #tpu.memory_space<vmem>>
      %dma_wait3A_685 = tpu.memref_squeeze %dma_wait3A_684 : memref<1x64x128xf32, #tpu.memory_space<vmem>> -> memref<64x128xf32, #tpu.memory_space<vmem>>
      %dma_wait3A_686 = arith.constant 0 : i32
      %dma_wait3A_687 = tpu.memref_slice %arg8[%dma_wait3A_681, %dma_wait3A_686] : memref<16x64xi32, #tpu.memory_space<vmem>> -> memref<1x64xi32, #tpu.memory_space<vmem>>
      %dma_wait3A_688 = tpu.memref_squeeze %dma_wait3A_687 : memref<1x64xi32, #tpu.memory_space<vmem>> -> memref<64xi32, #tpu.memory_space<vmem>>
      %dma_wait3A_689 = arith.constant 0 : i32
      %dma_wait3A_690 = arith.constant 0 : i32
      %dma_wait3A_691 = tpu.memref_slice %arg10[%dma_wait3A_689, %dma_wait3A_690] : memref<10112x128xf32, #tpu.memory_space<vmem_shared>> -> memref<10112x128xf32, #tpu.memory_space<vmem_shared>>
      tpu.wait_indirect_dma semaphore(%arg15 : memref<!tpu.dma_semaphore, #tpu.memory_space<semaphore_mem>>) src(%dma_wait3A_685 : memref<64x128xf32, #tpu.memory_space<vmem>>) dst(%dma_wait3A_691 : memref<10112x128xf32, #tpu.memory_space<vmem_shared>>)
      %dma_start3A_692 = arith.constant 3 : i32
      %dma_start3A_693 = arith.constant 11 : i32
      %dma_start3A_694 = arith.constant 0 : i32
      %dma_start3A_695 = arith.constant 0 : i32
      %dma_start3A_696 = tpu.memref_slice %arg9[%dma_start3A_692, %dma_start3A_694, %dma_start3A_695] : memref<4x64x128xf32, #tpu.memory_space<vmem>> -> memref<1x64x128xf32, #tpu.memory_space<vmem>>
      %dma_start3A_697 = tpu.memref_squeeze %dma_start3A_696 : memref<1x64x128xf32, #tpu.memory_space<vmem>> -> memref<64x128xf32, #tpu.memory_space<vmem>>
      %dma_start3A_698 = arith.constant 0 : i32
      %dma_start3A_699 = tpu.memref_slice %arg8[%dma_start3A_693, %dma_start3A_698] : memref<16x64xi32, #tpu.memory_space<vmem>> -> memref<1x64xi32, #tpu.memory_space<vmem>>
      %dma_start3A_700 = tpu.memref_squeeze %dma_start3A_699 : memref<1x64xi32, #tpu.memory_space<vmem>> -> memref<64xi32, #tpu.memory_space<vmem>>
      %dma_start3A_701 = arith.constant 0 : i32
      %dma_start3A_702 = arith.constant 0 : i32
      %dma_start3A_703 = tpu.memref_slice %arg10[%dma_start3A_701, %dma_start3A_702] : memref<10112x128xf32, #tpu.memory_space<vmem_shared>> -> memref<10112x128xf32, #tpu.memory_space<vmem_shared>>
      tpu.enqueue_indirect_dma source(%dma_start3A_697 : memref<64x128xf32, #tpu.memory_space<vmem>>) target(%dma_start3A_703 : memref<10112x128xf32, #tpu.memory_space<vmem_shared>>) offsets(%dma_start3A_700 : memref<64xi32, #tpu.memory_space<vmem>>) semaphore(%arg15 : memref<!tpu.dma_semaphore, #tpu.memory_space<semaphore_mem>>) {add = true}
      %dma_start3A_704 = arith.constant 14 : i32
      %dma_start3A_705 = arith.constant 2 : i32
      %dma_start3A_706 = arith.constant 0 : i32
      %dma_start3A_707 = arith.constant 0 : i32
      %dma_start3A_708 = tpu.memref_slice %arg9[%dma_start3A_705, %dma_start3A_706, %dma_start3A_707] : memref<4x64x128xf32, #tpu.memory_space<vmem>> -> memref<1x64x128xf32, #tpu.memory_space<vmem>>
      %dma_start3A_709 = tpu.memref_squeeze %dma_start3A_708 : memref<1x64x128xf32, #tpu.memory_space<vmem>> -> memref<64x128xf32, #tpu.memory_space<vmem>>
      %dma_start3A_710 = arith.constant 0 : i32
      %dma_start3A_711 = tpu.memref_slice %arg7[%dma_start3A_704, %dma_start3A_710] : memref<16x64xi32, #tpu.memory_space<vmem>> -> memref<1x64xi32, #tpu.memory_space<vmem>>
      %dma_start3A_712 = tpu.memref_squeeze %dma_start3A_711 : memref<1x64xi32, #tpu.memory_space<vmem>> -> memref<64xi32, #tpu.memory_space<vmem>>
      %dma_start3A_713 = arith.constant 0 : i32
      %dma_start3A_714 = arith.constant 0 : i32
      %dma_start3A_715 = tpu.memref_slice %arg2[%arg0, %dma_start3A_713, %dma_start3A_714] : memref<2x10000x128xf32, #tpu.memory_space<hbm>> -> memref<1x10000x128xf32, #tpu.memory_space<hbm>>
      %dma_start3A_716 = tpu.memref_squeeze %dma_start3A_715 : memref<1x10000x128xf32, #tpu.memory_space<hbm>> -> memref<10000x128xf32, #tpu.memory_space<hbm>>
      %dma_start3A_717 = arith.constant 0 : i32
      %dma_start3A_718 = arith.constant 0 : i32
      %dma_start3A_719 = tpu.memref_slice %dma_start3A_716[%dma_start3A_717, %dma_start3A_718] : memref<10000x128xf32, #tpu.memory_space<hbm>> -> memref<10000x128xf32, #tpu.memory_space<hbm>>
      tpu.enqueue_indirect_dma source(%dma_start3A_719 : memref<10000x128xf32, #tpu.memory_space<hbm>>) target(%dma_start3A_709 : memref<64x128xf32, #tpu.memory_space<vmem>>) offsets(%dma_start3A_712 : memref<64xi32, #tpu.memory_space<vmem>>) semaphore(%arg13 : memref<!tpu.dma_semaphore, #tpu.memory_space<semaphore_mem>>)
      %dma_wait3A_720 = arith.constant 12 : i32
      %dma_wait3A_721 = arith.constant 0 : i32
      %dma_wait3A_722 = arith.constant 0 : i32
      %dma_wait3A_723 = arith.constant 0 : i32
      %dma_wait3A_724 = tpu.memref_slice %arg9[%dma_wait3A_721, %dma_wait3A_722, %dma_wait3A_723] : memref<4x64x128xf32, #tpu.memory_space<vmem>> -> memref<1x64x128xf32, #tpu.memory_space<vmem>>
      %dma_wait3A_725 = tpu.memref_squeeze %dma_wait3A_724 : memref<1x64x128xf32, #tpu.memory_space<vmem>> -> memref<64x128xf32, #tpu.memory_space<vmem>>
      %dma_wait3A_726 = arith.constant 0 : i32
      %dma_wait3A_727 = tpu.memref_slice %arg7[%dma_wait3A_720, %dma_wait3A_726] : memref<16x64xi32, #tpu.memory_space<vmem>> -> memref<1x64xi32, #tpu.memory_space<vmem>>
      %dma_wait3A_728 = tpu.memref_squeeze %dma_wait3A_727 : memref<1x64xi32, #tpu.memory_space<vmem>> -> memref<64xi32, #tpu.memory_space<vmem>>
      %dma_wait3A_729 = arith.constant 0 : i32
      %dma_wait3A_730 = arith.constant 0 : i32
      %dma_wait3A_731 = tpu.memref_slice %arg2[%arg0, %dma_wait3A_729, %dma_wait3A_730] : memref<2x10000x128xf32, #tpu.memory_space<hbm>> -> memref<1x10000x128xf32, #tpu.memory_space<hbm>>
      %dma_wait3A_732 = tpu.memref_squeeze %dma_wait3A_731 : memref<1x10000x128xf32, #tpu.memory_space<hbm>> -> memref<10000x128xf32, #tpu.memory_space<hbm>>
      %dma_wait3A_733 = arith.constant 0 : i32
      %dma_wait3A_734 = arith.constant 0 : i32
      %dma_wait3A_735 = tpu.memref_slice %dma_wait3A_732[%dma_wait3A_733, %dma_wait3A_734] : memref<10000x128xf32, #tpu.memory_space<hbm>> -> memref<10000x128xf32, #tpu.memory_space<hbm>>
      tpu.wait_indirect_dma semaphore(%arg11 : memref<!tpu.dma_semaphore, #tpu.memory_space<semaphore_mem>>) src(%dma_wait3A_735 : memref<10000x128xf32, #tpu.memory_space<hbm>>) dst(%dma_wait3A_725 : memref<64x128xf32, #tpu.memory_space<vmem>>)
      %dma_wait3A_736 = arith.constant 3 : i32
      %dma_wait3A_737 = arith.constant 11 : i32
      %dma_wait3A_738 = arith.constant 0 : i32
      %dma_wait3A_739 = arith.constant 0 : i32
      %dma_wait3A_740 = tpu.memref_slice %arg9[%dma_wait3A_736, %dma_wait3A_738, %dma_wait3A_739] : memref<4x64x128xf32, #tpu.memory_space<vmem>> -> memref<1x64x128xf32, #tpu.memory_space<vmem>>
      %dma_wait3A_741 = tpu.memref_squeeze %dma_wait3A_740 : memref<1x64x128xf32, #tpu.memory_space<vmem>> -> memref<64x128xf32, #tpu.memory_space<vmem>>
      %dma_wait3A_742 = arith.constant 0 : i32
      %dma_wait3A_743 = tpu.memref_slice %arg8[%dma_wait3A_737, %dma_wait3A_742] : memref<16x64xi32, #tpu.memory_space<vmem>> -> memref<1x64xi32, #tpu.memory_space<vmem>>
      %dma_wait3A_744 = tpu.memref_squeeze %dma_wait3A_743 : memref<1x64xi32, #tpu.memory_space<vmem>> -> memref<64xi32, #tpu.memory_space<vmem>>
      %dma_wait3A_745 = arith.constant 0 : i32
      %dma_wait3A_746 = arith.constant 0 : i32
      %dma_wait3A_747 = tpu.memref_slice %arg10[%dma_wait3A_745, %dma_wait3A_746] : memref<10112x128xf32, #tpu.memory_space<vmem_shared>> -> memref<10112x128xf32, #tpu.memory_space<vmem_shared>>
      tpu.wait_indirect_dma semaphore(%arg15 : memref<!tpu.dma_semaphore, #tpu.memory_space<semaphore_mem>>) src(%dma_wait3A_741 : memref<64x128xf32, #tpu.memory_space<vmem>>) dst(%dma_wait3A_747 : memref<10112x128xf32, #tpu.memory_space<vmem_shared>>)
      %dma_start3A_748 = arith.constant 0 : i32
      %dma_start3A_749 = arith.constant 12 : i32
      %dma_start3A_750 = arith.constant 0 : i32
      %dma_start3A_751 = arith.constant 0 : i32
      %dma_start3A_752 = tpu.memref_slice %arg9[%dma_start3A_748, %dma_start3A_750, %dma_start3A_751] : memref<4x64x128xf32, #tpu.memory_space<vmem>> -> memref<1x64x128xf32, #tpu.memory_space<vmem>>
      %dma_start3A_753 = tpu.memref_squeeze %dma_start3A_752 : memref<1x64x128xf32, #tpu.memory_space<vmem>> -> memref<64x128xf32, #tpu.memory_space<vmem>>
      %dma_start3A_754 = arith.constant 0 : i32
      %dma_start3A_755 = tpu.memref_slice %arg8[%dma_start3A_749, %dma_start3A_754] : memref<16x64xi32, #tpu.memory_space<vmem>> -> memref<1x64xi32, #tpu.memory_space<vmem>>
      %dma_start3A_756 = tpu.memref_squeeze %dma_start3A_755 : memref<1x64xi32, #tpu.memory_space<vmem>> -> memref<64xi32, #tpu.memory_space<vmem>>
      %dma_start3A_757 = arith.constant 0 : i32
      %dma_start3A_758 = arith.constant 0 : i32
      %dma_start3A_759 = tpu.memref_slice %arg10[%dma_start3A_757, %dma_start3A_758] : memref<10112x128xf32, #tpu.memory_space<vmem_shared>> -> memref<10112x128xf32, #tpu.memory_space<vmem_shared>>
      tpu.enqueue_indirect_dma source(%dma_start3A_753 : memref<64x128xf32, #tpu.memory_space<vmem>>) target(%dma_start3A_759 : memref<10112x128xf32, #tpu.memory_space<vmem_shared>>) offsets(%dma_start3A_756 : memref<64xi32, #tpu.memory_space<vmem>>) semaphore(%arg15 : memref<!tpu.dma_semaphore, #tpu.memory_space<semaphore_mem>>) {add = true}
      %dma_start3A_760 = arith.constant 15 : i32
      %dma_start3A_761 = arith.constant 3 : i32
      %dma_start3A_762 = arith.constant 0 : i32
      %dma_start3A_763 = arith.constant 0 : i32
      %dma_start3A_764 = tpu.memref_slice %arg9[%dma_start3A_761, %dma_start3A_762, %dma_start3A_763] : memref<4x64x128xf32, #tpu.memory_space<vmem>> -> memref<1x64x128xf32, #tpu.memory_space<vmem>>
      %dma_start3A_765 = tpu.memref_squeeze %dma_start3A_764 : memref<1x64x128xf32, #tpu.memory_space<vmem>> -> memref<64x128xf32, #tpu.memory_space<vmem>>
      %dma_start3A_766 = arith.constant 0 : i32
      %dma_start3A_767 = tpu.memref_slice %arg7[%dma_start3A_760, %dma_start3A_766] : memref<16x64xi32, #tpu.memory_space<vmem>> -> memref<1x64xi32, #tpu.memory_space<vmem>>
      %dma_start3A_768 = tpu.memref_squeeze %dma_start3A_767 : memref<1x64xi32, #tpu.memory_space<vmem>> -> memref<64xi32, #tpu.memory_space<vmem>>
      %dma_start3A_769 = arith.constant 0 : i32
      %dma_start3A_770 = arith.constant 0 : i32
      %dma_start3A_771 = tpu.memref_slice %arg2[%arg0, %dma_start3A_769, %dma_start3A_770] : memref<2x10000x128xf32, #tpu.memory_space<hbm>> -> memref<1x10000x128xf32, #tpu.memory_space<hbm>>
      %dma_start3A_772 = tpu.memref_squeeze %dma_start3A_771 : memref<1x10000x128xf32, #tpu.memory_space<hbm>> -> memref<10000x128xf32, #tpu.memory_space<hbm>>
      %dma_start3A_773 = arith.constant 0 : i32
      %dma_start3A_774 = arith.constant 0 : i32
      %dma_start3A_775 = tpu.memref_slice %dma_start3A_772[%dma_start3A_773, %dma_start3A_774] : memref<10000x128xf32, #tpu.memory_space<hbm>> -> memref<10000x128xf32, #tpu.memory_space<hbm>>
      tpu.enqueue_indirect_dma source(%dma_start3A_775 : memref<10000x128xf32, #tpu.memory_space<hbm>>) target(%dma_start3A_765 : memref<64x128xf32, #tpu.memory_space<vmem>>) offsets(%dma_start3A_768 : memref<64xi32, #tpu.memory_space<vmem>>) semaphore(%arg14 : memref<!tpu.dma_semaphore, #tpu.memory_space<semaphore_mem>>)
      %dma_wait3A_776 = arith.constant 13 : i32
      %dma_wait3A_777 = arith.constant 1 : i32
      %dma_wait3A_778 = arith.constant 0 : i32
      %dma_wait3A_779 = arith.constant 0 : i32
      %dma_wait3A_780 = tpu.memref_slice %arg9[%dma_wait3A_777, %dma_wait3A_778, %dma_wait3A_779] : memref<4x64x128xf32, #tpu.memory_space<vmem>> -> memref<1x64x128xf32, #tpu.memory_space<vmem>>
      %dma_wait3A_781 = tpu.memref_squeeze %dma_wait3A_780 : memref<1x64x128xf32, #tpu.memory_space<vmem>> -> memref<64x128xf32, #tpu.memory_space<vmem>>
      %dma_wait3A_782 = arith.constant 0 : i32
      %dma_wait3A_783 = tpu.memref_slice %arg7[%dma_wait3A_776, %dma_wait3A_782] : memref<16x64xi32, #tpu.memory_space<vmem>> -> memref<1x64xi32, #tpu.memory_space<vmem>>
      %dma_wait3A_784 = tpu.memref_squeeze %dma_wait3A_783 : memref<1x64xi32, #tpu.memory_space<vmem>> -> memref<64xi32, #tpu.memory_space<vmem>>
      %dma_wait3A_785 = arith.constant 0 : i32
      %dma_wait3A_786 = arith.constant 0 : i32
      %dma_wait3A_787 = tpu.memref_slice %arg2[%arg0, %dma_wait3A_785, %dma_wait3A_786] : memref<2x10000x128xf32, #tpu.memory_space<hbm>> -> memref<1x10000x128xf32, #tpu.memory_space<hbm>>
      %dma_wait3A_788 = tpu.memref_squeeze %dma_wait3A_787 : memref<1x10000x128xf32, #tpu.memory_space<hbm>> -> memref<10000x128xf32, #tpu.memory_space<hbm>>
      %dma_wait3A_789 = arith.constant 0 : i32
      %dma_wait3A_790 = arith.constant 0 : i32
      %dma_wait3A_791 = tpu.memref_slice %dma_wait3A_788[%dma_wait3A_789, %dma_wait3A_790] : memref<10000x128xf32, #tpu.memory_space<hbm>> -> memref<10000x128xf32, #tpu.memory_space<hbm>>
      tpu.wait_indirect_dma semaphore(%arg12 : memref<!tpu.dma_semaphore, #tpu.memory_space<semaphore_mem>>) src(%dma_wait3A_791 : memref<10000x128xf32, #tpu.memory_space<hbm>>) dst(%dma_wait3A_781 : memref<64x128xf32, #tpu.memory_space<vmem>>)
      %dma_wait3A_792 = arith.constant 0 : i32
      %dma_wait3A_793 = arith.constant 12 : i32
      %dma_wait3A_794 = arith.constant 0 : i32
      %dma_wait3A_795 = arith.constant 0 : i32
      %dma_wait3A_796 = tpu.memref_slice %arg9[%dma_wait3A_792, %dma_wait3A_794, %dma_wait3A_795] : memref<4x64x128xf32, #tpu.memory_space<vmem>> -> memref<1x64x128xf32, #tpu.memory_space<vmem>>
      %dma_wait3A_797 = tpu.memref_squeeze %dma_wait3A_796 : memref<1x64x128xf32, #tpu.memory_space<vmem>> -> memref<64x128xf32, #tpu.memory_space<vmem>>
      %dma_wait3A_798 = arith.constant 0 : i32
      %dma_wait3A_799 = tpu.memref_slice %arg8[%dma_wait3A_793, %dma_wait3A_798] : memref<16x64xi32, #tpu.memory_space<vmem>> -> memref<1x64xi32, #tpu.memory_space<vmem>>
      %dma_wait3A_800 = tpu.memref_squeeze %dma_wait3A_799 : memref<1x64xi32, #tpu.memory_space<vmem>> -> memref<64xi32, #tpu.memory_space<vmem>>
      %dma_wait3A_801 = arith.constant 0 : i32
      %dma_wait3A_802 = arith.constant 0 : i32
      %dma_wait3A_803 = tpu.memref_slice %arg10[%dma_wait3A_801, %dma_wait3A_802] : memref<10112x128xf32, #tpu.memory_space<vmem_shared>> -> memref<10112x128xf32, #tpu.memory_space<vmem_shared>>
      tpu.wait_indirect_dma semaphore(%arg15 : memref<!tpu.dma_semaphore, #tpu.memory_space<semaphore_mem>>) src(%dma_wait3A_797 : memref<64x128xf32, #tpu.memory_space<vmem>>) dst(%dma_wait3A_803 : memref<10112x128xf32, #tpu.memory_space<vmem_shared>>)
      %dma_start3A_804 = arith.constant 1 : i32
      %dma_start3A_805 = arith.constant 13 : i32
      %dma_start3A_806 = arith.constant 0 : i32
      %dma_start3A_807 = arith.constant 0 : i32
      %dma_start3A_808 = tpu.memref_slice %arg9[%dma_start3A_804, %dma_start3A_806, %dma_start3A_807] : memref<4x64x128xf32, #tpu.memory_space<vmem>> -> memref<1x64x128xf32, #tpu.memory_space<vmem>>
      %dma_start3A_809 = tpu.memref_squeeze %dma_start3A_808 : memref<1x64x128xf32, #tpu.memory_space<vmem>> -> memref<64x128xf32, #tpu.memory_space<vmem>>
      %dma_start3A_810 = arith.constant 0 : i32
      %dma_start3A_811 = tpu.memref_slice %arg8[%dma_start3A_805, %dma_start3A_810] : memref<16x64xi32, #tpu.memory_space<vmem>> -> memref<1x64xi32, #tpu.memory_space<vmem>>
      %dma_start3A_812 = tpu.memref_squeeze %dma_start3A_811 : memref<1x64xi32, #tpu.memory_space<vmem>> -> memref<64xi32, #tpu.memory_space<vmem>>
      %dma_start3A_813 = arith.constant 0 : i32
      %dma_start3A_814 = arith.constant 0 : i32
      %dma_start3A_815 = tpu.memref_slice %arg10[%dma_start3A_813, %dma_start3A_814] : memref<10112x128xf32, #tpu.memory_space<vmem_shared>> -> memref<10112x128xf32, #tpu.memory_space<vmem_shared>>
      tpu.enqueue_indirect_dma source(%dma_start3A_809 : memref<64x128xf32, #tpu.memory_space<vmem>>) target(%dma_start3A_815 : memref<10112x128xf32, #tpu.memory_space<vmem_shared>>) offsets(%dma_start3A_812 : memref<64xi32, #tpu.memory_space<vmem>>) semaphore(%arg15 : memref<!tpu.dma_semaphore, #tpu.memory_space<semaphore_mem>>) {add = true}
      %dma_wait3A_816 = arith.constant 14 : i32
      %dma_wait3A_817 = arith.constant 2 : i32
      %dma_wait3A_818 = arith.constant 0 : i32
      %dma_wait3A_819 = arith.constant 0 : i32
      %dma_wait3A_820 = tpu.memref_slice %arg9[%dma_wait3A_817, %dma_wait3A_818, %dma_wait3A_819] : memref<4x64x128xf32, #tpu.memory_space<vmem>> -> memref<1x64x128xf32, #tpu.memory_space<vmem>>
      %dma_wait3A_821 = tpu.memref_squeeze %dma_wait3A_820 : memref<1x64x128xf32, #tpu.memory_space<vmem>> -> memref<64x128xf32, #tpu.memory_space<vmem>>
      %dma_wait3A_822 = arith.constant 0 : i32
      %dma_wait3A_823 = tpu.memref_slice %arg7[%dma_wait3A_816, %dma_wait3A_822] : memref<16x64xi32, #tpu.memory_space<vmem>> -> memref<1x64xi32, #tpu.memory_space<vmem>>
      %dma_wait3A_824 = tpu.memref_squeeze %dma_wait3A_823 : memref<1x64xi32, #tpu.memory_space<vmem>> -> memref<64xi32, #tpu.memory_space<vmem>>
      %dma_wait3A_825 = arith.constant 0 : i32
      %dma_wait3A_826 = arith.constant 0 : i32
      %dma_wait3A_827 = tpu.memref_slice %arg2[%arg0, %dma_wait3A_825, %dma_wait3A_826] : memref<2x10000x128xf32, #tpu.memory_space<hbm>> -> memref<1x10000x128xf32, #tpu.memory_space<hbm>>
      %dma_wait3A_828 = tpu.memref_squeeze %dma_wait3A_827 : memref<1x10000x128xf32, #tpu.memory_space<hbm>> -> memref<10000x128xf32, #tpu.memory_space<hbm>>
      %dma_wait3A_829 = arith.constant 0 : i32
      %dma_wait3A_830 = arith.constant 0 : i32
      %dma_wait3A_831 = tpu.memref_slice %dma_wait3A_828[%dma_wait3A_829, %dma_wait3A_830] : memref<10000x128xf32, #tpu.memory_space<hbm>> -> memref<10000x128xf32, #tpu.memory_space<hbm>>
      tpu.wait_indirect_dma semaphore(%arg13 : memref<!tpu.dma_semaphore, #tpu.memory_space<semaphore_mem>>) src(%dma_wait3A_831 : memref<10000x128xf32, #tpu.memory_space<hbm>>) dst(%dma_wait3A_821 : memref<64x128xf32, #tpu.memory_space<vmem>>)
      %dma_wait3A_832 = arith.constant 1 : i32
      %dma_wait3A_833 = arith.constant 13 : i32
      %dma_wait3A_834 = arith.constant 0 : i32
      %dma_wait3A_835 = arith.constant 0 : i32
      %dma_wait3A_836 = tpu.memref_slice %arg9[%dma_wait3A_832, %dma_wait3A_834, %dma_wait3A_835] : memref<4x64x128xf32, #tpu.memory_space<vmem>> -> memref<1x64x128xf32, #tpu.memory_space<vmem>>
      %dma_wait3A_837 = tpu.memref_squeeze %dma_wait3A_836 : memref<1x64x128xf32, #tpu.memory_space<vmem>> -> memref<64x128xf32, #tpu.memory_space<vmem>>
      %dma_wait3A_838 = arith.constant 0 : i32
      %dma_wait3A_839 = tpu.memref_slice %arg8[%dma_wait3A_833, %dma_wait3A_838] : memref<16x64xi32, #tpu.memory_space<vmem>> -> memref<1x64xi32, #tpu.memory_space<vmem>>
      %dma_wait3A_840 = tpu.memref_squeeze %dma_wait3A_839 : memref<1x64xi32, #tpu.memory_space<vmem>> -> memref<64xi32, #tpu.memory_space<vmem>>
      %dma_wait3A_841 = arith.constant 0 : i32
      %dma_wait3A_842 = arith.constant 0 : i32
      %dma_wait3A_843 = tpu.memref_slice %arg10[%dma_wait3A_841, %dma_wait3A_842] : memref<10112x128xf32, #tpu.memory_space<vmem_shared>> -> memref<10112x128xf32, #tpu.memory_space<vmem_shared>>
      tpu.wait_indirect_dma semaphore(%arg15 : memref<!tpu.dma_semaphore, #tpu.memory_space<semaphore_mem>>) src(%dma_wait3A_837 : memref<64x128xf32, #tpu.memory_space<vmem>>) dst(%dma_wait3A_843 : memref<10112x128xf32, #tpu.memory_space<vmem_shared>>)
      %dma_start3A_844 = arith.constant 2 : i32
      %dma_start3A_845 = arith.constant 14 : i32
      %dma_start3A_846 = arith.constant 0 : i32
      %dma_start3A_847 = arith.constant 0 : i32
      %dma_start3A_848 = tpu.memref_slice %arg9[%dma_start3A_844, %dma_start3A_846, %dma_start3A_847] : memref<4x64x128xf32, #tpu.memory_space<vmem>> -> memref<1x64x128xf32, #tpu.memory_space<vmem>>
      %dma_start3A_849 = tpu.memref_squeeze %dma_start3A_848 : memref<1x64x128xf32, #tpu.memory_space<vmem>> -> memref<64x128xf32, #tpu.memory_space<vmem>>
      %dma_start3A_850 = arith.constant 0 : i32
      %dma_start3A_851 = tpu.memref_slice %arg8[%dma_start3A_845, %dma_start3A_850] : memref<16x64xi32, #tpu.memory_space<vmem>> -> memref<1x64xi32, #tpu.memory_space<vmem>>
      %dma_start3A_852 = tpu.memref_squeeze %dma_start3A_851 : memref<1x64xi32, #tpu.memory_space<vmem>> -> memref<64xi32, #tpu.memory_space<vmem>>
      %dma_start3A_853 = arith.constant 0 : i32
      %dma_start3A_854 = arith.constant 0 : i32
      %dma_start3A_855 = tpu.memref_slice %arg10[%dma_start3A_853, %dma_start3A_854] : memref<10112x128xf32, #tpu.memory_space<vmem_shared>> -> memref<10112x128xf32, #tpu.memory_space<vmem_shared>>
      tpu.enqueue_indirect_dma source(%dma_start3A_849 : memref<64x128xf32, #tpu.memory_space<vmem>>) target(%dma_start3A_855 : memref<10112x128xf32, #tpu.memory_space<vmem_shared>>) offsets(%dma_start3A_852 : memref<64xi32, #tpu.memory_space<vmem>>) semaphore(%arg15 : memref<!tpu.dma_semaphore, #tpu.memory_space<semaphore_mem>>) {add = true}
      %dma_wait3A_856 = arith.constant 15 : i32
      %dma_wait3A_857 = arith.constant 3 : i32
      %dma_wait3A_858 = arith.constant 0 : i32
      %dma_wait3A_859 = arith.constant 0 : i32
      %dma_wait3A_860 = tpu.memref_slice %arg9[%dma_wait3A_857, %dma_wait3A_858, %dma_wait3A_859] : memref<4x64x128xf32, #tpu.memory_space<vmem>> -> memref<1x64x128xf32, #tpu.memory_space<vmem>>
      %dma_wait3A_861 = tpu.memref_squeeze %dma_wait3A_860 : memref<1x64x128xf32, #tpu.memory_space<vmem>> -> memref<64x128xf32, #tpu.memory_space<vmem>>
      %dma_wait3A_862 = arith.constant 0 : i32
      %dma_wait3A_863 = tpu.memref_slice %arg7[%dma_wait3A_856, %dma_wait3A_862] : memref<16x64xi32, #tpu.memory_space<vmem>> -> memref<1x64xi32, #tpu.memory_space<vmem>>
      %dma_wait3A_864 = tpu.memref_squeeze %dma_wait3A_863 : memref<1x64xi32, #tpu.memory_space<vmem>> -> memref<64xi32, #tpu.memory_space<vmem>>
      %dma_wait3A_865 = arith.constant 0 : i32
      %dma_wait3A_866 = arith.constant 0 : i32
      %dma_wait3A_867 = tpu.memref_slice %arg2[%arg0, %dma_wait3A_865, %dma_wait3A_866] : memref<2x10000x128xf32, #tpu.memory_space<hbm>> -> memref<1x10000x128xf32, #tpu.memory_space<hbm>>
      %dma_wait3A_868 = tpu.memref_squeeze %dma_wait3A_867 : memref<1x10000x128xf32, #tpu.memory_space<hbm>> -> memref<10000x128xf32, #tpu.memory_space<hbm>>
      %dma_wait3A_869 = arith.constant 0 : i32
      %dma_wait3A_870 = arith.constant 0 : i32
      %dma_wait3A_871 = tpu.memref_slice %dma_wait3A_868[%dma_wait3A_869, %dma_wait3A_870] : memref<10000x128xf32, #tpu.memory_space<hbm>> -> memref<10000x128xf32, #tpu.memory_space<hbm>>
      tpu.wait_indirect_dma semaphore(%arg14 : memref<!tpu.dma_semaphore, #tpu.memory_space<semaphore_mem>>) src(%dma_wait3A_871 : memref<10000x128xf32, #tpu.memory_space<hbm>>) dst(%dma_wait3A_861 : memref<64x128xf32, #tpu.memory_space<vmem>>)
      %dma_wait3A_872 = arith.constant 2 : i32
      %dma_wait3A_873 = arith.constant 14 : i32
      %dma_wait3A_874 = arith.constant 0 : i32
      %dma_wait3A_875 = arith.constant 0 : i32
      %dma_wait3A_876 = tpu.memref_slice %arg9[%dma_wait3A_872, %dma_wait3A_874, %dma_wait3A_875] : memref<4x64x128xf32, #tpu.memory_space<vmem>> -> memref<1x64x128xf32, #tpu.memory_space<vmem>>
      %dma_wait3A_877 = tpu.memref_squeeze %dma_wait3A_876 : memref<1x64x128xf32, #tpu.memory_space<vmem>> -> memref<64x128xf32, #tpu.memory_space<vmem>>
      %dma_wait3A_878 = arith.constant 0 : i32
      %dma_wait3A_879 = tpu.memref_slice %arg8[%dma_wait3A_873, %dma_wait3A_878] : memref<16x64xi32, #tpu.memory_space<vmem>> -> memref<1x64xi32, #tpu.memory_space<vmem>>
      %dma_wait3A_880 = tpu.memref_squeeze %dma_wait3A_879 : memref<1x64xi32, #tpu.memory_space<vmem>> -> memref<64xi32, #tpu.memory_space<vmem>>
      %dma_wait3A_881 = arith.constant 0 : i32
      %dma_wait3A_882 = arith.constant 0 : i32
      %dma_wait3A_883 = tpu.memref_slice %arg10[%dma_wait3A_881, %dma_wait3A_882] : memref<10112x128xf32, #tpu.memory_space<vmem_shared>> -> memref<10112x128xf32, #tpu.memory_space<vmem_shared>>
      tpu.wait_indirect_dma semaphore(%arg15 : memref<!tpu.dma_semaphore, #tpu.memory_space<semaphore_mem>>) src(%dma_wait3A_877 : memref<64x128xf32, #tpu.memory_space<vmem>>) dst(%dma_wait3A_883 : memref<10112x128xf32, #tpu.memory_space<vmem_shared>>)
      %dma_start3A_884 = arith.constant 3 : i32
      %dma_start3A_885 = arith.constant 15 : i32
      %dma_start3A_886 = arith.constant 0 : i32
      %dma_start3A_887 = arith.constant 0 : i32
      %dma_start3A_888 = tpu.memref_slice %arg9[%dma_start3A_884, %dma_start3A_886, %dma_start3A_887] : memref<4x64x128xf32, #tpu.memory_space<vmem>> -> memref<1x64x128xf32, #tpu.memory_space<vmem>>
      %dma_start3A_889 = tpu.memref_squeeze %dma_start3A_888 : memref<1x64x128xf32, #tpu.memory_space<vmem>> -> memref<64x128xf32, #tpu.memory_space<vmem>>
      %dma_start3A_890 = arith.constant 0 : i32
      %dma_start3A_891 = tpu.memref_slice %arg8[%dma_start3A_885, %dma_start3A_890] : memref<16x64xi32, #tpu.memory_space<vmem>> -> memref<1x64xi32, #tpu.memory_space<vmem>>
      %dma_start3A_892 = tpu.memref_squeeze %dma_start3A_891 : memref<1x64xi32, #tpu.memory_space<vmem>> -> memref<64xi32, #tpu.memory_space<vmem>>
      %dma_start3A_893 = arith.constant 0 : i32
      %dma_start3A_894 = arith.constant 0 : i32
      %dma_start3A_895 = tpu.memref_slice %arg10[%dma_start3A_893, %dma_start3A_894] : memref<10112x128xf32, #tpu.memory_space<vmem_shared>> -> memref<10112x128xf32, #tpu.memory_space<vmem_shared>>
      tpu.enqueue_indirect_dma source(%dma_start3A_889 : memref<64x128xf32, #tpu.memory_space<vmem>>) target(%dma_start3A_895 : memref<10112x128xf32, #tpu.memory_space<vmem_shared>>) offsets(%dma_start3A_892 : memref<64xi32, #tpu.memory_space<vmem>>) semaphore(%arg15 : memref<!tpu.dma_semaphore, #tpu.memory_space<semaphore_mem>>) {add = true}
      %dma_wait3A_896 = arith.constant 3 : i32
      %dma_wait3A_897 = arith.constant 15 : i32
      %dma_wait3A_898 = arith.constant 0 : i32
      %dma_wait3A_899 = arith.constant 0 : i32
      %dma_wait3A_900 = tpu.memref_slice %arg9[%dma_wait3A_896, %dma_wait3A_898, %dma_wait3A_899] : memref<4x64x128xf32, #tpu.memory_space<vmem>> -> memref<1x64x128xf32, #tpu.memory_space<vmem>>
      %dma_wait3A_901 = tpu.memref_squeeze %dma_wait3A_900 : memref<1x64x128xf32, #tpu.memory_space<vmem>> -> memref<64x128xf32, #tpu.memory_space<vmem>>
      %dma_wait3A_902 = arith.constant 0 : i32
      %dma_wait3A_903 = tpu.memref_slice %arg8[%dma_wait3A_897, %dma_wait3A_902] : memref<16x64xi32, #tpu.memory_space<vmem>> -> memref<1x64xi32, #tpu.memory_space<vmem>>
      %dma_wait3A_904 = tpu.memref_squeeze %dma_wait3A_903 : memref<1x64xi32, #tpu.memory_space<vmem>> -> memref<64xi32, #tpu.memory_space<vmem>>
      %dma_wait3A_905 = arith.constant 0 : i32
      %dma_wait3A_906 = arith.constant 0 : i32
      %dma_wait3A_907 = tpu.memref_slice %arg10[%dma_wait3A_905, %dma_wait3A_906] : memref<10112x128xf32, #tpu.memory_space<vmem_shared>> -> memref<10112x128xf32, #tpu.memory_space<vmem_shared>>
      tpu.wait_indirect_dma semaphore(%arg15 : memref<!tpu.dma_semaphore, #tpu.memory_space<semaphore_mem>>) src(%dma_wait3A_901 : memref<64x128xf32, #tpu.memory_space<vmem>>) dst(%dma_wait3A_907 : memref<10112x128xf32, #tpu.memory_space<vmem_shared>>)
    }
    %scan3A_7 = arith.constant 20 : i32
    %barrier3A_8 = arith.constant 0 : index
    tpu.barrier barrier_id(%barrier3A_8)
    %mul3A_9 = arith.constant 632 : i32
    %mul3A_10 = arith.muli %arg1, %mul3A_9 : i32
    "tpu.region"() ({
      %run_scoped3A = tpu.sem_alloc : memref<!tpu.dma_semaphore, #tpu.memory_space<semaphore_mem>>
      %dma_start3A = arith.constant 0 : i32
      %dma_start3A_11 = arith.constant 0 : i32
      %dma_start3A_12 = tpu.memref_slice %arg6[%arg0, %dma_start3A, %dma_start3A_11] : memref<2x10112x128xf32, #tpu.memory_space<hbm>> -> memref<1x10112x128xf32, #tpu.memory_space<hbm>>
      %dma_start3A_13 = tpu.memref_squeeze %dma_start3A_12 : memref<1x10112x128xf32, #tpu.memory_space<hbm>> -> memref<10112x128xf32, #tpu.memory_space<hbm>>
      %dma_start3A_14 = arith.constant 0 : i32
      %dma_start3A_15 = tpu.memref_slice %dma_start3A_13[%mul3A_10, %dma_start3A_14] : memref<10112x128xf32, #tpu.memory_space<hbm>> -> memref<632x128xf32, #tpu.memory_space<hbm>>
      %dma_start3A_16 = arith.constant 0 : i32
      %dma_start3A_17 = tpu.memref_slice %arg10[%mul3A_10, %dma_start3A_16] : memref<10112x128xf32, #tpu.memory_space<vmem_shared>> -> memref<632x128xf32, #tpu.memory_space<vmem_shared>>
      tpu.enqueue_dma source(%dma_start3A_17 : memref<632x128xf32, #tpu.memory_space<vmem_shared>>) target(%dma_start3A_15 : memref<632x128xf32, #tpu.memory_space<hbm>>) target_semaphore(%run_scoped3A : memref<!tpu.dma_semaphore, #tpu.memory_space<semaphore_mem>>)
      %dma_wait3A = arith.constant 0 : i32
      %dma_wait3A_18 = arith.constant 0 : i32
      %dma_wait3A_19 = tpu.memref_slice %arg6[%arg0, %dma_wait3A, %dma_wait3A_18] : memref<2x10112x128xf32, #tpu.memory_space<hbm>> -> memref<1x10112x128xf32, #tpu.memory_space<hbm>>
      %dma_wait3A_20 = tpu.memref_squeeze %dma_wait3A_19 : memref<1x10112x128xf32, #tpu.memory_space<hbm>> -> memref<10112x128xf32, #tpu.memory_space<hbm>>
      %dma_wait3A_21 = arith.constant 0 : i32
      %dma_wait3A_22 = tpu.memref_slice %dma_wait3A_20[%mul3A_10, %dma_wait3A_21] : memref<10112x128xf32, #tpu.memory_space<hbm>> -> memref<632x128xf32, #tpu.memory_space<hbm>>
      %dma_wait3A_23 = arith.constant 0 : i32
      %dma_wait3A_24 = tpu.memref_slice %arg10[%mul3A_10, %dma_wait3A_23] : memref<10112x128xf32, #tpu.memory_space<vmem_shared>> -> memref<632x128xf32, #tpu.memory_space<vmem_shared>>
      tpu.wait_dma2 semaphore(%run_scoped3A : memref<!tpu.dma_semaphore, #tpu.memory_space<semaphore_mem>>) src(%dma_wait3A_24 : memref<632x128xf32, #tpu.memory_space<vmem_shared>>) dst(%dma_wait3A_22 : memref<632x128xf32, #tpu.memory_space<hbm>>)
      tpu.yield
    }) : () -> ()
    return
  }
}

#map = affine_map<(d0, d1) -> (0, 0, 0)>
#map1 = affine_map<(d0, d1) -> (0, 0)>
module attributes {stable_mosaic.version = 14 : i64} {
  func.func @segsum(%arg0: i32, %arg1: i32, %arg2: memref<1x10000x128xf32, #tpu.memory_space<hbm>>, %arg3: memref<5120x64xi32, #tpu.memory_space<hbm>>, %arg4: memref<5120x64xi32, #tpu.memory_space<hbm>>, %arg5: memref<632x128xf32, #tpu.memory_space<hbm>>, %arg6: memref<2x10112x128xf32, #tpu.memory_space<hbm>>, %arg7: memref<16x64xi32, #tpu.memory_space<vmem>>, %arg8: memref<16x64xi32, #tpu.memory_space<vmem>>, %arg9: memref<4x64x128xf32, #tpu.memory_space<vmem>>, %arg10: memref<10112x128xf32, #tpu.memory_space<vmem_shared>>, %arg11: memref<!tpu.dma_semaphore, #tpu.memory_space<semaphore_mem>>, %arg12: memref<!tpu.dma_semaphore, #tpu.memory_space<semaphore_mem>>, %arg13: memref<!tpu.dma_semaphore, #tpu.memory_space<semaphore_mem>>, %arg14: memref<!tpu.dma_semaphore, #tpu.memory_space<semaphore_mem>>, %arg15: memref<!tpu.dma_semaphore, #tpu.memory_space<semaphore_mem>>) attributes {dimension_semantics = [#tpu.dimension_semantics<core_parallel>, #tpu.dimension_semantics<subcore_parallel>], iteration_bounds = array<i64: 2, 16>, scalar_prefetch = 0 : i64, scratch_operands = 9 : i64, tpu.core_type = #tpu.core_type<sc_vector_subcore>, window_params = [{transform_indices = #map}, {transform_indices = #map1}, {transform_indices = #map1}, {transform_indices = #map1}, {transform_indices = #map}]} {
    %mul3A = arith.constant 632 : i32
    %mul3A_0 = arith.muli %arg1, %mul3A : i32
    "tpu.region"() ({
      %run_scoped3A = tpu.sem_alloc : memref<!tpu.dma_semaphore, #tpu.memory_space<semaphore_mem>>
      %dma_start3A = arith.constant 0 : i32
      %dma_start3A_14 = tpu.memref_slice %arg10[%mul3A_0, %dma_start3A] : memref<10112x128xf32, #tpu.memory_space<vmem_shared>> -> memref<632x128xf32, #tpu.memory_space<vmem_shared>>
      tpu.enqueue_dma source(%arg5 : memref<632x128xf32, #tpu.memory_space<hbm>>) target(%dma_start3A_14 : memref<632x128xf32, #tpu.memory_space<vmem_shared>>) target_semaphore(%run_scoped3A : memref<!tpu.dma_semaphore, #tpu.memory_space<semaphore_mem>>)
      %dma_wait3A = arith.constant 0 : i32
      %dma_wait3A_15 = tpu.memref_slice %arg10[%mul3A_0, %dma_wait3A] : memref<10112x128xf32, #tpu.memory_space<vmem_shared>> -> memref<632x128xf32, #tpu.memory_space<vmem_shared>>
      tpu.wait_dma2 semaphore(%run_scoped3A : memref<!tpu.dma_semaphore, #tpu.memory_space<semaphore_mem>>) src(%arg5 : memref<632x128xf32, #tpu.memory_space<hbm>>) dst(%dma_wait3A_15 : memref<632x128xf32, #tpu.memory_space<vmem_shared>>)
      tpu.yield
    }) : () -> ()
    %mul3A_1 = arith.constant 16 : i32
    %mul3A_2 = arith.muli %arg0, %mul3A_1 : i32
    %add3A = arith.addi %mul3A_2, %arg1 : i32
    %mul3A_3 = arith.constant 160 : i32
    %mul3A_4 = arith.muli %add3A, %mul3A_3 : i32
    %barrier3A = arith.constant 0 : index
    tpu.barrier barrier_id(%barrier3A)
    %scan3A = arith.constant 0 : i32
    %scan3A_5 = arith.constant 0 : i32
    %scan3A_6 = arith.constant 0 : i32
    %scan3A_7 = arith.constant 10 : i32
    %scan3A_8 = arith.addi %scan3A_6, %scan3A_7 : i32
    %scan3A_9 = arith.constant 1 : i32
    scf.for %scan3A_14 = %scan3A_6 to %scan3A_8 step %scan3A_9  : i32 {
      %mul3A_15 = arith.constant 16 : i32
      %mul3A_16 = arith.muli %scan3A_14, %mul3A_15 : i32
      %add3A_17 = arith.addi %mul3A_4, %mul3A_16 : i32
      "tpu.region"() ({
        %run_scoped3A = tpu.sem_alloc : memref<!tpu.dma_semaphore, #tpu.memory_space<semaphore_mem>>
        %dma_start3A_912 = arith.constant 0 : i32
        %dma_start3A_913 = tpu.memref_slice %arg3[%add3A_17, %dma_start3A_912] : memref<5120x64xi32, #tpu.memory_space<hbm>> -> memref<16x64xi32, #tpu.memory_space<hbm>>
        %dma_start3A_914 = arith.constant 0 : i32
        %dma_start3A_915 = tpu.memref_slice %arg3[%add3A_17, %dma_start3A_914] : memref<5120x64xi32, #tpu.memory_space<hbm>> -> memref<16x64xi32, #tpu.memory_space<hbm>>
        tpu.enqueue_dma source(%dma_start3A_915 : memref<16x64xi32, #tpu.memory_space<hbm>>) target(%arg7 : memref<16x64xi32, #tpu.memory_space<vmem>>) target_semaphore(%run_scoped3A : memref<!tpu.dma_semaphore, #tpu.memory_space<semaphore_mem>>)
        %dma_wait3A_916 = arith.constant 0 : i32
        %dma_wait3A_917 = tpu.memref_slice %arg3[%add3A_17, %dma_wait3A_916] : memref<5120x64xi32, #tpu.memory_space<hbm>> -> memref<16x64xi32, #tpu.memory_space<hbm>>
        %dma_wait3A_918 = arith.constant 0 : i32
        %dma_wait3A_919 = tpu.memref_slice %arg3[%add3A_17, %dma_wait3A_918] : memref<5120x64xi32, #tpu.memory_space<hbm>> -> memref<16x64xi32, #tpu.memory_space<hbm>>
        tpu.wait_dma2 semaphore(%run_scoped3A : memref<!tpu.dma_semaphore, #tpu.memory_space<semaphore_mem>>) src(%dma_wait3A_919 : memref<16x64xi32, #tpu.memory_space<hbm>>) dst(%arg7 : memref<16x64xi32, #tpu.memory_space<vmem>>)
        tpu.yield
      }) : () -> ()
      "tpu.region"() ({
        %run_scoped3A = tpu.sem_alloc : memref<!tpu.dma_semaphore, #tpu.memory_space<semaphore_mem>>
        %dma_start3A_912 = arith.constant 0 : i32
        %dma_start3A_913 = tpu.memref_slice %arg4[%add3A_17, %dma_start3A_912] : memref<5120x64xi32, #tpu.memory_space<hbm>> -> memref<16x64xi32, #tpu.memory_space<hbm>>
        %dma_start3A_914 = arith.constant 0 : i32
        %dma_start3A_915 = tpu.memref_slice %arg4[%add3A_17, %dma_start3A_914] : memref<5120x64xi32, #tpu.memory_space<hbm>> -> memref<16x64xi32, #tpu.memory_space<hbm>>
        tpu.enqueue_dma source(%dma_start3A_915 : memref<16x64xi32, #tpu.memory_space<hbm>>) target(%arg8 : memref<16x64xi32, #tpu.memory_space<vmem>>) target_semaphore(%run_scoped3A : memref<!tpu.dma_semaphore, #tpu.memory_space<semaphore_mem>>)
        %dma_wait3A_916 = arith.constant 0 : i32
        %dma_wait3A_917 = tpu.memref_slice %arg4[%add3A_17, %dma_wait3A_916] : memref<5120x64xi32, #tpu.memory_space<hbm>> -> memref<16x64xi32, #tpu.memory_space<hbm>>
        %dma_wait3A_918 = arith.constant 0 : i32
        %dma_wait3A_919 = tpu.memref_slice %arg4[%add3A_17, %dma_wait3A_918] : memref<5120x64xi32, #tpu.memory_space<hbm>> -> memref<16x64xi32, #tpu.memory_space<hbm>>
        tpu.wait_dma2 semaphore(%run_scoped3A : memref<!tpu.dma_semaphore, #tpu.memory_space<semaphore_mem>>) src(%dma_wait3A_919 : memref<16x64xi32, #tpu.memory_space<hbm>>) dst(%arg8 : memref<16x64xi32, #tpu.memory_space<vmem>>)
        tpu.yield
      }) : () -> ()
      %dma_start3A = arith.constant 0 : i32
      %dma_start3A_18 = arith.constant 0 : i32
      %dma_start3A_19 = arith.constant 0 : i32
      %dma_start3A_20 = arith.constant 0 : i32
      %dma_start3A_21 = tpu.memref_slice %arg9[%dma_start3A_18, %dma_start3A_19, %dma_start3A_20] : memref<4x64x128xf32, #tpu.memory_space<vmem>> -> memref<1x64x128xf32, #tpu.memory_space<vmem>>
      %dma_start3A_22 = tpu.memref_squeeze %dma_start3A_21 : memref<1x64x128xf32, #tpu.memory_space<vmem>> -> memref<64x128xf32, #tpu.memory_space<vmem>>
      %dma_start3A_23 = arith.constant 0 : i32
      %dma_start3A_24 = tpu.memref_slice %arg7[%dma_start3A, %dma_start3A_23] : memref<16x64xi32, #tpu.memory_space<vmem>> -> memref<1x64xi32, #tpu.memory_space<vmem>>
      %dma_start3A_25 = tpu.memref_squeeze %dma_start3A_24 : memref<1x64xi32, #tpu.memory_space<vmem>> -> memref<64xi32, #tpu.memory_space<vmem>>
      %dma_start3A_26 = arith.constant 0 : i32
      %dma_start3A_27 = arith.constant 0 : i32
      %dma_start3A_28 = tpu.memref_slice %arg2[%scan3A_5, %dma_start3A_26, %dma_start3A_27] : memref<1x10000x128xf32, #tpu.memory_space<hbm>> -> memref<1x10000x128xf32, #tpu.memory_space<hbm>>
      %dma_start3A_29 = tpu.memref_squeeze %dma_start3A_28 : memref<1x10000x128xf32, #tpu.memory_space<hbm>> -> memref<10000x128xf32, #tpu.memory_space<hbm>>
      %dma_start3A_30 = arith.constant 0 : i32
      %dma_start3A_31 = arith.constant 0 : i32
      %dma_start3A_32 = tpu.memref_slice %dma_start3A_29[%dma_start3A_30, %dma_start3A_31] : memref<10000x128xf32, #tpu.memory_space<hbm>> -> memref<10000x128xf32, #tpu.memory_space<hbm>>
      tpu.enqueue_indirect_dma source(%dma_start3A_32 : memref<10000x128xf32, #tpu.memory_space<hbm>>) target(%dma_start3A_22 : memref<64x128xf32, #tpu.memory_space<vmem>>) offsets(%dma_start3A_25 : memref<64xi32, #tpu.memory_space<vmem>>) semaphore(%arg11 : memref<!tpu.dma_semaphore, #tpu.memory_space<semaphore_mem>>)
      %dma_start3A_33 = arith.constant 1 : i32
      %dma_start3A_34 = arith.constant 1 : i32
      %dma_start3A_35 = arith.constant 0 : i32
      %dma_start3A_36 = arith.constant 0 : i32
      %dma_start3A_37 = tpu.memref_slice %arg9[%dma_start3A_34, %dma_start3A_35, %dma_start3A_36] : memref<4x64x128xf32, #tpu.memory_space<vmem>> -> memref<1x64x128xf32, #tpu.memory_space<vmem>>
      %dma_start3A_38 = tpu.memref_squeeze %dma_start3A_37 : memref<1x64x128xf32, #tpu.memory_space<vmem>> -> memref<64x128xf32, #tpu.memory_space<vmem>>
      %dma_start3A_39 = arith.constant 0 : i32
      %dma_start3A_40 = tpu.memref_slice %arg7[%dma_start3A_33, %dma_start3A_39] : memref<16x64xi32, #tpu.memory_space<vmem>> -> memref<1x64xi32, #tpu.memory_space<vmem>>
      %dma_start3A_41 = tpu.memref_squeeze %dma_start3A_40 : memref<1x64xi32, #tpu.memory_space<vmem>> -> memref<64xi32, #tpu.memory_space<vmem>>
      %dma_start3A_42 = arith.constant 0 : i32
      %dma_start3A_43 = arith.constant 0 : i32
      %dma_start3A_44 = tpu.memref_slice %arg2[%scan3A_5, %dma_start3A_42, %dma_start3A_43] : memref<1x10000x128xf32, #tpu.memory_space<hbm>> -> memref<1x10000x128xf32, #tpu.memory_space<hbm>>
      %dma_start3A_45 = tpu.memref_squeeze %dma_start3A_44 : memref<1x10000x128xf32, #tpu.memory_space<hbm>> -> memref<10000x128xf32, #tpu.memory_space<hbm>>
      %dma_start3A_46 = arith.constant 0 : i32
      %dma_start3A_47 = arith.constant 0 : i32
      %dma_start3A_48 = tpu.memref_slice %dma_start3A_45[%dma_start3A_46, %dma_start3A_47] : memref<10000x128xf32, #tpu.memory_space<hbm>> -> memref<10000x128xf32, #tpu.memory_space<hbm>>
      tpu.enqueue_indirect_dma source(%dma_start3A_48 : memref<10000x128xf32, #tpu.memory_space<hbm>>) target(%dma_start3A_38 : memref<64x128xf32, #tpu.memory_space<vmem>>) offsets(%dma_start3A_41 : memref<64xi32, #tpu.memory_space<vmem>>) semaphore(%arg12 : memref<!tpu.dma_semaphore, #tpu.memory_space<semaphore_mem>>)
      %dma_start3A_49 = arith.constant 2 : i32
      %dma_start3A_50 = arith.constant 2 : i32
      %dma_start3A_51 = arith.constant 0 : i32
      %dma_start3A_52 = arith.constant 0 : i32
      %dma_start3A_53 = tpu.memref_slice %arg9[%dma_start3A_50, %dma_start3A_51, %dma_start3A_52] : memref<4x64x128xf32, #tpu.memory_space<vmem>> -> memref<1x64x128xf32, #tpu.memory_space<vmem>>
      %dma_start3A_54 = tpu.memref_squeeze %dma_start3A_53 : memref<1x64x128xf32, #tpu.memory_space<vmem>> -> memref<64x128xf32, #tpu.memory_space<vmem>>
      %dma_start3A_55 = arith.constant 0 : i32
      %dma_start3A_56 = tpu.memref_slice %arg7[%dma_start3A_49, %dma_start3A_55] : memref<16x64xi32, #tpu.memory_space<vmem>> -> memref<1x64xi32, #tpu.memory_space<vmem>>
      %dma_start3A_57 = tpu.memref_squeeze %dma_start3A_56 : memref<1x64xi32, #tpu.memory_space<vmem>> -> memref<64xi32, #tpu.memory_space<vmem>>
      %dma_start3A_58 = arith.constant 0 : i32
      %dma_start3A_59 = arith.constant 0 : i32
      %dma_start3A_60 = tpu.memref_slice %arg2[%scan3A_5, %dma_start3A_58, %dma_start3A_59] : memref<1x10000x128xf32, #tpu.memory_space<hbm>> -> memref<1x10000x128xf32, #tpu.memory_space<hbm>>
      %dma_start3A_61 = tpu.memref_squeeze %dma_start3A_60 : memref<1x10000x128xf32, #tpu.memory_space<hbm>> -> memref<10000x128xf32, #tpu.memory_space<hbm>>
      %dma_start3A_62 = arith.constant 0 : i32
      %dma_start3A_63 = arith.constant 0 : i32
      %dma_start3A_64 = tpu.memref_slice %dma_start3A_61[%dma_start3A_62, %dma_start3A_63] : memref<10000x128xf32, #tpu.memory_space<hbm>> -> memref<10000x128xf32, #tpu.memory_space<hbm>>
      tpu.enqueue_indirect_dma source(%dma_start3A_64 : memref<10000x128xf32, #tpu.memory_space<hbm>>) target(%dma_start3A_54 : memref<64x128xf32, #tpu.memory_space<vmem>>) offsets(%dma_start3A_57 : memref<64xi32, #tpu.memory_space<vmem>>) semaphore(%arg13 : memref<!tpu.dma_semaphore, #tpu.memory_space<semaphore_mem>>)
      %dma_wait3A = arith.constant 0 : i32
      %dma_wait3A_65 = arith.constant 0 : i32
      %dma_wait3A_66 = arith.constant 0 : i32
      %dma_wait3A_67 = arith.constant 0 : i32
      %dma_wait3A_68 = tpu.memref_slice %arg9[%dma_wait3A_65, %dma_wait3A_66, %dma_wait3A_67] : memref<4x64x128xf32, #tpu.memory_space<vmem>> -> memref<1x64x128xf32, #tpu.memory_space<vmem>>
      %dma_wait3A_69 = tpu.memref_squeeze %dma_wait3A_68 : memref<1x64x128xf32, #tpu.memory_space<vmem>> -> memref<64x128xf32, #tpu.memory_space<vmem>>
      %dma_wait3A_70 = arith.constant 0 : i32
      %dma_wait3A_71 = tpu.memref_slice %arg7[%dma_wait3A, %dma_wait3A_70] : memref<16x64xi32, #tpu.memory_space<vmem>> -> memref<1x64xi32, #tpu.memory_space<vmem>>
      %dma_wait3A_72 = tpu.memref_squeeze %dma_wait3A_71 : memref<1x64xi32, #tpu.memory_space<vmem>> -> memref<64xi32, #tpu.memory_space<vmem>>
      %dma_wait3A_73 = arith.constant 0 : i32
      %dma_wait3A_74 = arith.constant 0 : i32
      %dma_wait3A_75 = tpu.memref_slice %arg2[%scan3A_5, %dma_wait3A_73, %dma_wait3A_74] : memref<1x10000x128xf32, #tpu.memory_space<hbm>> -> memref<1x10000x128xf32, #tpu.memory_space<hbm>>
      %dma_wait3A_76 = tpu.memref_squeeze %dma_wait3A_75 : memref<1x10000x128xf32, #tpu.memory_space<hbm>> -> memref<10000x128xf32, #tpu.memory_space<hbm>>
      %dma_wait3A_77 = arith.constant 0 : i32
      %dma_wait3A_78 = arith.constant 0 : i32
      %dma_wait3A_79 = tpu.memref_slice %dma_wait3A_76[%dma_wait3A_77, %dma_wait3A_78] : memref<10000x128xf32, #tpu.memory_space<hbm>> -> memref<10000x128xf32, #tpu.memory_space<hbm>>
      tpu.wait_indirect_dma semaphore(%arg11 : memref<!tpu.dma_semaphore, #tpu.memory_space<semaphore_mem>>) src(%dma_wait3A_79 : memref<10000x128xf32, #tpu.memory_space<hbm>>) dst(%dma_wait3A_69 : memref<64x128xf32, #tpu.memory_space<vmem>>)
      %dma_start3A_80 = arith.constant 0 : i32
      %dma_start3A_81 = arith.constant 0 : i32
      %dma_start3A_82 = arith.constant 0 : i32
      %dma_start3A_83 = arith.constant 0 : i32
      %dma_start3A_84 = tpu.memref_slice %arg9[%dma_start3A_80, %dma_start3A_82, %dma_start3A_83] : memref<4x64x128xf32, #tpu.memory_space<vmem>> -> memref<1x64x128xf32, #tpu.memory_space<vmem>>
      %dma_start3A_85 = tpu.memref_squeeze %dma_start3A_84 : memref<1x64x128xf32, #tpu.memory_space<vmem>> -> memref<64x128xf32, #tpu.memory_space<vmem>>
      %dma_start3A_86 = arith.constant 0 : i32
      %dma_start3A_87 = tpu.memref_slice %arg8[%dma_start3A_81, %dma_start3A_86] : memref<16x64xi32, #tpu.memory_space<vmem>> -> memref<1x64xi32, #tpu.memory_space<vmem>>
      %dma_start3A_88 = tpu.memref_squeeze %dma_start3A_87 : memref<1x64xi32, #tpu.memory_space<vmem>> -> memref<64xi32, #tpu.memory_space<vmem>>
      %dma_start3A_89 = arith.constant 0 : i32
      %dma_start3A_90 = arith.constant 0 : i32
      %dma_start3A_91 = tpu.memref_slice %arg10[%dma_start3A_89, %dma_start3A_90] : memref<10112x128xf32, #tpu.memory_space<vmem_shared>> -> memref<10112x128xf32, #tpu.memory_space<vmem_shared>>
      tpu.enqueue_indirect_dma source(%dma_start3A_85 : memref<64x128xf32, #tpu.memory_space<vmem>>) target(%dma_start3A_91 : memref<10112x128xf32, #tpu.memory_space<vmem_shared>>) offsets(%dma_start3A_88 : memref<64xi32, #tpu.memory_space<vmem>>) semaphore(%arg15 : memref<!tpu.dma_semaphore, #tpu.memory_space<semaphore_mem>>) {add = true}
      %dma_start3A_92 = arith.constant 3 : i32
      %dma_start3A_93 = arith.constant 3 : i32
      %dma_start3A_94 = arith.constant 0 : i32
      %dma_start3A_95 = arith.constant 0 : i32
      %dma_start3A_96 = tpu.memref_slice %arg9[%dma_start3A_93, %dma_start3A_94, %dma_start3A_95] : memref<4x64x128xf32, #tpu.memory_space<vmem>> -> memref<1x64x128xf32, #tpu.memory_space<vmem>>
      %dma_start3A_97 = tpu.memref_squeeze %dma_start3A_96 : memref<1x64x128xf32, #tpu.memory_space<vmem>> -> memref<64x128xf32, #tpu.memory_space<vmem>>
      %dma_start3A_98 = arith.constant 0 : i32
      %dma_start3A_99 = tpu.memref_slice %arg7[%dma_start3A_92, %dma_start3A_98] : memref<16x64xi32, #tpu.memory_space<vmem>> -> memref<1x64xi32, #tpu.memory_space<vmem>>
      %dma_start3A_100 = tpu.memref_squeeze %dma_start3A_99 : memref<1x64xi32, #tpu.memory_space<vmem>> -> memref<64xi32, #tpu.memory_space<vmem>>
      %dma_start3A_101 = arith.constant 0 : i32
      %dma_start3A_102 = arith.constant 0 : i32
      %dma_start3A_103 = tpu.memref_slice %arg2[%scan3A_5, %dma_start3A_101, %dma_start3A_102] : memref<1x10000x128xf32, #tpu.memory_space<hbm>> -> memref<1x10000x128xf32, #tpu.memory_space<hbm>>
      %dma_start3A_104 = tpu.memref_squeeze %dma_start3A_103 : memref<1x10000x128xf32, #tpu.memory_space<hbm>> -> memref<10000x128xf32, #tpu.memory_space<hbm>>
      %dma_start3A_105 = arith.constant 0 : i32
      %dma_start3A_106 = arith.constant 0 : i32
      %dma_start3A_107 = tpu.memref_slice %dma_start3A_104[%dma_start3A_105, %dma_start3A_106] : memref<10000x128xf32, #tpu.memory_space<hbm>> -> memref<10000x128xf32, #tpu.memory_space<hbm>>
      tpu.enqueue_indirect_dma source(%dma_start3A_107 : memref<10000x128xf32, #tpu.memory_space<hbm>>) target(%dma_start3A_97 : memref<64x128xf32, #tpu.memory_space<vmem>>) offsets(%dma_start3A_100 : memref<64xi32, #tpu.memory_space<vmem>>) semaphore(%arg14 : memref<!tpu.dma_semaphore, #tpu.memory_space<semaphore_mem>>)
      %dma_wait3A_108 = arith.constant 1 : i32
      %dma_wait3A_109 = arith.constant 1 : i32
      %dma_wait3A_110 = arith.constant 0 : i32
      %dma_wait3A_111 = arith.constant 0 : i32
      %dma_wait3A_112 = tpu.memref_slice %arg9[%dma_wait3A_109, %dma_wait3A_110, %dma_wait3A_111] : memref<4x64x128xf32, #tpu.memory_space<vmem>> -> memref<1x64x128xf32, #tpu.memory_space<vmem>>
      %dma_wait3A_113 = tpu.memref_squeeze %dma_wait3A_112 : memref<1x64x128xf32, #tpu.memory_space<vmem>> -> memref<64x128xf32, #tpu.memory_space<vmem>>
      %dma_wait3A_114 = arith.constant 0 : i32
      %dma_wait3A_115 = tpu.memref_slice %arg7[%dma_wait3A_108, %dma_wait3A_114] : memref<16x64xi32, #tpu.memory_space<vmem>> -> memref<1x64xi32, #tpu.memory_space<vmem>>
      %dma_wait3A_116 = tpu.memref_squeeze %dma_wait3A_115 : memref<1x64xi32, #tpu.memory_space<vmem>> -> memref<64xi32, #tpu.memory_space<vmem>>
      %dma_wait3A_117 = arith.constant 0 : i32
      %dma_wait3A_118 = arith.constant 0 : i32
      %dma_wait3A_119 = tpu.memref_slice %arg2[%scan3A_5, %dma_wait3A_117, %dma_wait3A_118] : memref<1x10000x128xf32, #tpu.memory_space<hbm>> -> memref<1x10000x128xf32, #tpu.memory_space<hbm>>
      %dma_wait3A_120 = tpu.memref_squeeze %dma_wait3A_119 : memref<1x10000x128xf32, #tpu.memory_space<hbm>> -> memref<10000x128xf32, #tpu.memory_space<hbm>>
      %dma_wait3A_121 = arith.constant 0 : i32
      %dma_wait3A_122 = arith.constant 0 : i32
      %dma_wait3A_123 = tpu.memref_slice %dma_wait3A_120[%dma_wait3A_121, %dma_wait3A_122] : memref<10000x128xf32, #tpu.memory_space<hbm>> -> memref<10000x128xf32, #tpu.memory_space<hbm>>
      tpu.wait_indirect_dma semaphore(%arg12 : memref<!tpu.dma_semaphore, #tpu.memory_space<semaphore_mem>>) src(%dma_wait3A_123 : memref<10000x128xf32, #tpu.memory_space<hbm>>) dst(%dma_wait3A_113 : memref<64x128xf32, #tpu.memory_space<vmem>>)
      %dma_wait3A_124 = arith.constant 0 : i32
      %dma_wait3A_125 = arith.constant 0 : i32
      %dma_wait3A_126 = arith.constant 0 : i32
      %dma_wait3A_127 = arith.constant 0 : i32
      %dma_wait3A_128 = tpu.memref_slice %arg9[%dma_wait3A_124, %dma_wait3A_126, %dma_wait3A_127] : memref<4x64x128xf32, #tpu.memory_space<vmem>> -> memref<1x64x128xf32, #tpu.memory_space<vmem>>
      %dma_wait3A_129 = tpu.memref_squeeze %dma_wait3A_128 : memref<1x64x128xf32, #tpu.memory_space<vmem>> -> memref<64x128xf32, #tpu.memory_space<vmem>>
      %dma_wait3A_130 = arith.constant 0 : i32
      %dma_wait3A_131 = tpu.memref_slice %arg8[%dma_wait3A_125, %dma_wait3A_130] : memref<16x64xi32, #tpu.memory_space<vmem>> -> memref<1x64xi32, #tpu.memory_space<vmem>>
      %dma_wait3A_132 = tpu.memref_squeeze %dma_wait3A_131 : memref<1x64xi32, #tpu.memory_space<vmem>> -> memref<64xi32, #tpu.memory_space<vmem>>
      %dma_wait3A_133 = arith.constant 0 : i32
      %dma_wait3A_134 = arith.constant 0 : i32
      %dma_wait3A_135 = tpu.memref_slice %arg10[%dma_wait3A_133, %dma_wait3A_134] : memref<10112x128xf32, #tpu.memory_space<vmem_shared>> -> memref<10112x128xf32, #tpu.memory_space<vmem_shared>>
      tpu.wait_indirect_dma semaphore(%arg15 : memref<!tpu.dma_semaphore, #tpu.memory_space<semaphore_mem>>) src(%dma_wait3A_129 : memref<64x128xf32, #tpu.memory_space<vmem>>) dst(%dma_wait3A_135 : memref<10112x128xf32, #tpu.memory_space<vmem_shared>>)
      %dma_start3A_136 = arith.constant 1 : i32
      %dma_start3A_137 = arith.constant 1 : i32
      %dma_start3A_138 = arith.constant 0 : i32
      %dma_start3A_139 = arith.constant 0 : i32
      %dma_start3A_140 = tpu.memref_slice %arg9[%dma_start3A_136, %dma_start3A_138, %dma_start3A_139] : memref<4x64x128xf32, #tpu.memory_space<vmem>> -> memref<1x64x128xf32, #tpu.memory_space<vmem>>
      %dma_start3A_141 = tpu.memref_squeeze %dma_start3A_140 : memref<1x64x128xf32, #tpu.memory_space<vmem>> -> memref<64x128xf32, #tpu.memory_space<vmem>>
      %dma_start3A_142 = arith.constant 0 : i32
      %dma_start3A_143 = tpu.memref_slice %arg8[%dma_start3A_137, %dma_start3A_142] : memref<16x64xi32, #tpu.memory_space<vmem>> -> memref<1x64xi32, #tpu.memory_space<vmem>>
      %dma_start3A_144 = tpu.memref_squeeze %dma_start3A_143 : memref<1x64xi32, #tpu.memory_space<vmem>> -> memref<64xi32, #tpu.memory_space<vmem>>
      %dma_start3A_145 = arith.constant 0 : i32
      %dma_start3A_146 = arith.constant 0 : i32
      %dma_start3A_147 = tpu.memref_slice %arg10[%dma_start3A_145, %dma_start3A_146] : memref<10112x128xf32, #tpu.memory_space<vmem_shared>> -> memref<10112x128xf32, #tpu.memory_space<vmem_shared>>
      tpu.enqueue_indirect_dma source(%dma_start3A_141 : memref<64x128xf32, #tpu.memory_space<vmem>>) target(%dma_start3A_147 : memref<10112x128xf32, #tpu.memory_space<vmem_shared>>) offsets(%dma_start3A_144 : memref<64xi32, #tpu.memory_space<vmem>>) semaphore(%arg15 : memref<!tpu.dma_semaphore, #tpu.memory_space<semaphore_mem>>) {add = true}
      %dma_start3A_148 = arith.constant 4 : i32
      %dma_start3A_149 = arith.constant 0 : i32
      %dma_start3A_150 = arith.constant 0 : i32
      %dma_start3A_151 = arith.constant 0 : i32
      %dma_start3A_152 = tpu.memref_slice %arg9[%dma_start3A_149, %dma_start3A_150, %dma_start3A_151] : memref<4x64x128xf32, #tpu.memory_space<vmem>> -> memref<1x64x128xf32, #tpu.memory_space<vmem>>
      %dma_start3A_153 = tpu.memref_squeeze %dma_start3A_152 : memref<1x64x128xf32, #tpu.memory_space<vmem>> -> memref<64x128xf32, #tpu.memory_space<vmem>>
      %dma_start3A_154 = arith.constant 0 : i32
      %dma_start3A_155 = tpu.memref_slice %arg7[%dma_start3A_148, %dma_start3A_154] : memref<16x64xi32, #tpu.memory_space<vmem>> -> memref<1x64xi32, #tpu.memory_space<vmem>>
      %dma_start3A_156 = tpu.memref_squeeze %dma_start3A_155 : memref<1x64xi32, #tpu.memory_space<vmem>> -> memref<64xi32, #tpu.memory_space<vmem>>
      %dma_start3A_157 = arith.constant 0 : i32
      %dma_start3A_158 = arith.constant 0 : i32
      %dma_start3A_159 = tpu.memref_slice %arg2[%scan3A_5, %dma_start3A_157, %dma_start3A_158] : memref<1x10000x128xf32, #tpu.memory_space<hbm>> -> memref<1x10000x128xf32, #tpu.memory_space<hbm>>
      %dma_start3A_160 = tpu.memref_squeeze %dma_start3A_159 : memref<1x10000x128xf32, #tpu.memory_space<hbm>> -> memref<10000x128xf32, #tpu.memory_space<hbm>>
      %dma_start3A_161 = arith.constant 0 : i32
      %dma_start3A_162 = arith.constant 0 : i32
      %dma_start3A_163 = tpu.memref_slice %dma_start3A_160[%dma_start3A_161, %dma_start3A_162] : memref<10000x128xf32, #tpu.memory_space<hbm>> -> memref<10000x128xf32, #tpu.memory_space<hbm>>
      tpu.enqueue_indirect_dma source(%dma_start3A_163 : memref<10000x128xf32, #tpu.memory_space<hbm>>) target(%dma_start3A_153 : memref<64x128xf32, #tpu.memory_space<vmem>>) offsets(%dma_start3A_156 : memref<64xi32, #tpu.memory_space<vmem>>) semaphore(%arg11 : memref<!tpu.dma_semaphore, #tpu.memory_space<semaphore_mem>>)
      %dma_wait3A_164 = arith.constant 2 : i32
      %dma_wait3A_165 = arith.constant 2 : i32
      %dma_wait3A_166 = arith.constant 0 : i32
      %dma_wait3A_167 = arith.constant 0 : i32
      %dma_wait3A_168 = tpu.memref_slice %arg9[%dma_wait3A_165, %dma_wait3A_166, %dma_wait3A_167] : memref<4x64x128xf32, #tpu.memory_space<vmem>> -> memref<1x64x128xf32, #tpu.memory_space<vmem>>
      %dma_wait3A_169 = tpu.memref_squeeze %dma_wait3A_168 : memref<1x64x128xf32, #tpu.memory_space<vmem>> -> memref<64x128xf32, #tpu.memory_space<vmem>>
      %dma_wait3A_170 = arith.constant 0 : i32
      %dma_wait3A_171 = tpu.memref_slice %arg7[%dma_wait3A_164, %dma_wait3A_170] : memref<16x64xi32, #tpu.memory_space<vmem>> -> memref<1x64xi32, #tpu.memory_space<vmem>>
      %dma_wait3A_172 = tpu.memref_squeeze %dma_wait3A_171 : memref<1x64xi32, #tpu.memory_space<vmem>> -> memref<64xi32, #tpu.memory_space<vmem>>
      %dma_wait3A_173 = arith.constant 0 : i32
      %dma_wait3A_174 = arith.constant 0 : i32
      %dma_wait3A_175 = tpu.memref_slice %arg2[%scan3A_5, %dma_wait3A_173, %dma_wait3A_174] : memref<1x10000x128xf32, #tpu.memory_space<hbm>> -> memref<1x10000x128xf32, #tpu.memory_space<hbm>>
      %dma_wait3A_176 = tpu.memref_squeeze %dma_wait3A_175 : memref<1x10000x128xf32, #tpu.memory_space<hbm>> -> memref<10000x128xf32, #tpu.memory_space<hbm>>
      %dma_wait3A_177 = arith.constant 0 : i32
      %dma_wait3A_178 = arith.constant 0 : i32
      %dma_wait3A_179 = tpu.memref_slice %dma_wait3A_176[%dma_wait3A_177, %dma_wait3A_178] : memref<10000x128xf32, #tpu.memory_space<hbm>> -> memref<10000x128xf32, #tpu.memory_space<hbm>>
      tpu.wait_indirect_dma semaphore(%arg13 : memref<!tpu.dma_semaphore, #tpu.memory_space<semaphore_mem>>) src(%dma_wait3A_179 : memref<10000x128xf32, #tpu.memory_space<hbm>>) dst(%dma_wait3A_169 : memref<64x128xf32, #tpu.memory_space<vmem>>)
      %dma_wait3A_180 = arith.constant 1 : i32
      %dma_wait3A_181 = arith.constant 1 : i32
      %dma_wait3A_182 = arith.constant 0 : i32
      %dma_wait3A_183 = arith.constant 0 : i32
      %dma_wait3A_184 = tpu.memref_slice %arg9[%dma_wait3A_180, %dma_wait3A_182, %dma_wait3A_183] : memref<4x64x128xf32, #tpu.memory_space<vmem>> -> memref<1x64x128xf32, #tpu.memory_space<vmem>>
      %dma_wait3A_185 = tpu.memref_squeeze %dma_wait3A_184 : memref<1x64x128xf32, #tpu.memory_space<vmem>> -> memref<64x128xf32, #tpu.memory_space<vmem>>
      %dma_wait3A_186 = arith.constant 0 : i32
      %dma_wait3A_187 = tpu.memref_slice %arg8[%dma_wait3A_181, %dma_wait3A_186] : memref<16x64xi32, #tpu.memory_space<vmem>> -> memref<1x64xi32, #tpu.memory_space<vmem>>
      %dma_wait3A_188 = tpu.memref_squeeze %dma_wait3A_187 : memref<1x64xi32, #tpu.memory_space<vmem>> -> memref<64xi32, #tpu.memory_space<vmem>>
      %dma_wait3A_189 = arith.constant 0 : i32
      %dma_wait3A_190 = arith.constant 0 : i32
      %dma_wait3A_191 = tpu.memref_slice %arg10[%dma_wait3A_189, %dma_wait3A_190] : memref<10112x128xf32, #tpu.memory_space<vmem_shared>> -> memref<10112x128xf32, #tpu.memory_space<vmem_shared>>
      tpu.wait_indirect_dma semaphore(%arg15 : memref<!tpu.dma_semaphore, #tpu.memory_space<semaphore_mem>>) src(%dma_wait3A_185 : memref<64x128xf32, #tpu.memory_space<vmem>>) dst(%dma_wait3A_191 : memref<10112x128xf32, #tpu.memory_space<vmem_shared>>)
      %dma_start3A_192 = arith.constant 2 : i32
      %dma_start3A_193 = arith.constant 2 : i32
      %dma_start3A_194 = arith.constant 0 : i32
      %dma_start3A_195 = arith.constant 0 : i32
      %dma_start3A_196 = tpu.memref_slice %arg9[%dma_start3A_192, %dma_start3A_194, %dma_start3A_195] : memref<4x64x128xf32, #tpu.memory_space<vmem>> -> memref<1x64x128xf32, #tpu.memory_space<vmem>>
      %dma_start3A_197 = tpu.memref_squeeze %dma_start3A_196 : memref<1x64x128xf32, #tpu.memory_space<vmem>> -> memref<64x128xf32, #tpu.memory_space<vmem>>
      %dma_start3A_198 = arith.constant 0 : i32
      %dma_start3A_199 = tpu.memref_slice %arg8[%dma_start3A_193, %dma_start3A_198] : memref<16x64xi32, #tpu.memory_space<vmem>> -> memref<1x64xi32, #tpu.memory_space<vmem>>
      %dma_start3A_200 = tpu.memref_squeeze %dma_start3A_199 : memref<1x64xi32, #tpu.memory_space<vmem>> -> memref<64xi32, #tpu.memory_space<vmem>>
      %dma_start3A_201 = arith.constant 0 : i32
      %dma_start3A_202 = arith.constant 0 : i32
      %dma_start3A_203 = tpu.memref_slice %arg10[%dma_start3A_201, %dma_start3A_202] : memref<10112x128xf32, #tpu.memory_space<vmem_shared>> -> memref<10112x128xf32, #tpu.memory_space<vmem_shared>>
      tpu.enqueue_indirect_dma source(%dma_start3A_197 : memref<64x128xf32, #tpu.memory_space<vmem>>) target(%dma_start3A_203 : memref<10112x128xf32, #tpu.memory_space<vmem_shared>>) offsets(%dma_start3A_200 : memref<64xi32, #tpu.memory_space<vmem>>) semaphore(%arg15 : memref<!tpu.dma_semaphore, #tpu.memory_space<semaphore_mem>>) {add = true}
      %dma_start3A_204 = arith.constant 5 : i32
      %dma_start3A_205 = arith.constant 1 : i32
      %dma_start3A_206 = arith.constant 0 : i32
      %dma_start3A_207 = arith.constant 0 : i32
      %dma_start3A_208 = tpu.memref_slice %arg9[%dma_start3A_205, %dma_start3A_206, %dma_start3A_207] : memref<4x64x128xf32, #tpu.memory_space<vmem>> -> memref<1x64x128xf32, #tpu.memory_space<vmem>>
      %dma_start3A_209 = tpu.memref_squeeze %dma_start3A_208 : memref<1x64x128xf32, #tpu.memory_space<vmem>> -> memref<64x128xf32, #tpu.memory_space<vmem>>
      %dma_start3A_210 = arith.constant 0 : i32
      %dma_start3A_211 = tpu.memref_slice %arg7[%dma_start3A_204, %dma_start3A_210] : memref<16x64xi32, #tpu.memory_space<vmem>> -> memref<1x64xi32, #tpu.memory_space<vmem>>
      %dma_start3A_212 = tpu.memref_squeeze %dma_start3A_211 : memref<1x64xi32, #tpu.memory_space<vmem>> -> memref<64xi32, #tpu.memory_space<vmem>>
      %dma_start3A_213 = arith.constant 0 : i32
      %dma_start3A_214 = arith.constant 0 : i32
      %dma_start3A_215 = tpu.memref_slice %arg2[%scan3A_5, %dma_start3A_213, %dma_start3A_214] : memref<1x10000x128xf32, #tpu.memory_space<hbm>> -> memref<1x10000x128xf32, #tpu.memory_space<hbm>>
      %dma_start3A_216 = tpu.memref_squeeze %dma_start3A_215 : memref<1x10000x128xf32, #tpu.memory_space<hbm>> -> memref<10000x128xf32, #tpu.memory_space<hbm>>
      %dma_start3A_217 = arith.constant 0 : i32
      %dma_start3A_218 = arith.constant 0 : i32
      %dma_start3A_219 = tpu.memref_slice %dma_start3A_216[%dma_start3A_217, %dma_start3A_218] : memref<10000x128xf32, #tpu.memory_space<hbm>> -> memref<10000x128xf32, #tpu.memory_space<hbm>>
      tpu.enqueue_indirect_dma source(%dma_start3A_219 : memref<10000x128xf32, #tpu.memory_space<hbm>>) target(%dma_start3A_209 : memref<64x128xf32, #tpu.memory_space<vmem>>) offsets(%dma_start3A_212 : memref<64xi32, #tpu.memory_space<vmem>>) semaphore(%arg12 : memref<!tpu.dma_semaphore, #tpu.memory_space<semaphore_mem>>)
      %dma_wait3A_220 = arith.constant 3 : i32
      %dma_wait3A_221 = arith.constant 3 : i32
      %dma_wait3A_222 = arith.constant 0 : i32
      %dma_wait3A_223 = arith.constant 0 : i32
      %dma_wait3A_224 = tpu.memref_slice %arg9[%dma_wait3A_221, %dma_wait3A_222, %dma_wait3A_223] : memref<4x64x128xf32, #tpu.memory_space<vmem>> -> memref<1x64x128xf32, #tpu.memory_space<vmem>>
      %dma_wait3A_225 = tpu.memref_squeeze %dma_wait3A_224 : memref<1x64x128xf32, #tpu.memory_space<vmem>> -> memref<64x128xf32, #tpu.memory_space<vmem>>
      %dma_wait3A_226 = arith.constant 0 : i32
      %dma_wait3A_227 = tpu.memref_slice %arg7[%dma_wait3A_220, %dma_wait3A_226] : memref<16x64xi32, #tpu.memory_space<vmem>> -> memref<1x64xi32, #tpu.memory_space<vmem>>
      %dma_wait3A_228 = tpu.memref_squeeze %dma_wait3A_227 : memref<1x64xi32, #tpu.memory_space<vmem>> -> memref<64xi32, #tpu.memory_space<vmem>>
      %dma_wait3A_229 = arith.constant 0 : i32
      %dma_wait3A_230 = arith.constant 0 : i32
      %dma_wait3A_231 = tpu.memref_slice %arg2[%scan3A_5, %dma_wait3A_229, %dma_wait3A_230] : memref<1x10000x128xf32, #tpu.memory_space<hbm>> -> memref<1x10000x128xf32, #tpu.memory_space<hbm>>
      %dma_wait3A_232 = tpu.memref_squeeze %dma_wait3A_231 : memref<1x10000x128xf32, #tpu.memory_space<hbm>> -> memref<10000x128xf32, #tpu.memory_space<hbm>>
      %dma_wait3A_233 = arith.constant 0 : i32
      %dma_wait3A_234 = arith.constant 0 : i32
      %dma_wait3A_235 = tpu.memref_slice %dma_wait3A_232[%dma_wait3A_233, %dma_wait3A_234] : memref<10000x128xf32, #tpu.memory_space<hbm>> -> memref<10000x128xf32, #tpu.memory_space<hbm>>
      tpu.wait_indirect_dma semaphore(%arg14 : memref<!tpu.dma_semaphore, #tpu.memory_space<semaphore_mem>>) src(%dma_wait3A_235 : memref<10000x128xf32, #tpu.memory_space<hbm>>) dst(%dma_wait3A_225 : memref<64x128xf32, #tpu.memory_space<vmem>>)
      %dma_wait3A_236 = arith.constant 2 : i32
      %dma_wait3A_237 = arith.constant 2 : i32
      %dma_wait3A_238 = arith.constant 0 : i32
      %dma_wait3A_239 = arith.constant 0 : i32
      %dma_wait3A_240 = tpu.memref_slice %arg9[%dma_wait3A_236, %dma_wait3A_238, %dma_wait3A_239] : memref<4x64x128xf32, #tpu.memory_space<vmem>> -> memref<1x64x128xf32, #tpu.memory_space<vmem>>
      %dma_wait3A_241 = tpu.memref_squeeze %dma_wait3A_240 : memref<1x64x128xf32, #tpu.memory_space<vmem>> -> memref<64x128xf32, #tpu.memory_space<vmem>>
      %dma_wait3A_242 = arith.constant 0 : i32
      %dma_wait3A_243 = tpu.memref_slice %arg8[%dma_wait3A_237, %dma_wait3A_242] : memref<16x64xi32, #tpu.memory_space<vmem>> -> memref<1x64xi32, #tpu.memory_space<vmem>>
      %dma_wait3A_244 = tpu.memref_squeeze %dma_wait3A_243 : memref<1x64xi32, #tpu.memory_space<vmem>> -> memref<64xi32, #tpu.memory_space<vmem>>
      %dma_wait3A_245 = arith.constant 0 : i32
      %dma_wait3A_246 = arith.constant 0 : i32
      %dma_wait3A_247 = tpu.memref_slice %arg10[%dma_wait3A_245, %dma_wait3A_246] : memref<10112x128xf32, #tpu.memory_space<vmem_shared>> -> memref<10112x128xf32, #tpu.memory_space<vmem_shared>>
      tpu.wait_indirect_dma semaphore(%arg15 : memref<!tpu.dma_semaphore, #tpu.memory_space<semaphore_mem>>) src(%dma_wait3A_241 : memref<64x128xf32, #tpu.memory_space<vmem>>) dst(%dma_wait3A_247 : memref<10112x128xf32, #tpu.memory_space<vmem_shared>>)
      %dma_start3A_248 = arith.constant 3 : i32
      %dma_start3A_249 = arith.constant 3 : i32
      %dma_start3A_250 = arith.constant 0 : i32
      %dma_start3A_251 = arith.constant 0 : i32
      %dma_start3A_252 = tpu.memref_slice %arg9[%dma_start3A_248, %dma_start3A_250, %dma_start3A_251] : memref<4x64x128xf32, #tpu.memory_space<vmem>> -> memref<1x64x128xf32, #tpu.memory_space<vmem>>
      %dma_start3A_253 = tpu.memref_squeeze %dma_start3A_252 : memref<1x64x128xf32, #tpu.memory_space<vmem>> -> memref<64x128xf32, #tpu.memory_space<vmem>>
      %dma_start3A_254 = arith.constant 0 : i32
      %dma_start3A_255 = tpu.memref_slice %arg8[%dma_start3A_249, %dma_start3A_254] : memref<16x64xi32, #tpu.memory_space<vmem>> -> memref<1x64xi32, #tpu.memory_space<vmem>>
      %dma_start3A_256 = tpu.memref_squeeze %dma_start3A_255 : memref<1x64xi32, #tpu.memory_space<vmem>> -> memref<64xi32, #tpu.memory_space<vmem>>
      %dma_start3A_257 = arith.constant 0 : i32
      %dma_start3A_258 = arith.constant 0 : i32
      %dma_start3A_259 = tpu.memref_slice %arg10[%dma_start3A_257, %dma_start3A_258] : memref<10112x128xf32, #tpu.memory_space<vmem_shared>> -> memref<10112x128xf32, #tpu.memory_space<vmem_shared>>
      tpu.enqueue_indirect_dma source(%dma_start3A_253 : memref<64x128xf32, #tpu.memory_space<vmem>>) target(%dma_start3A_259 : memref<10112x128xf32, #tpu.memory_space<vmem_shared>>) offsets(%dma_start3A_256 : memref<64xi32, #tpu.memory_space<vmem>>) semaphore(%arg15 : memref<!tpu.dma_semaphore, #tpu.memory_space<semaphore_mem>>) {add = true}
      %dma_start3A_260 = arith.constant 6 : i32
      %dma_start3A_261 = arith.constant 2 : i32
      %dma_start3A_262 = arith.constant 0 : i32
      %dma_start3A_263 = arith.constant 0 : i32
      %dma_start3A_264 = tpu.memref_slice %arg9[%dma_start3A_261, %dma_start3A_262, %dma_start3A_263] : memref<4x64x128xf32, #tpu.memory_space<vmem>> -> memref<1x64x128xf32, #tpu.memory_space<vmem>>
      %dma_start3A_265 = tpu.memref_squeeze %dma_start3A_264 : memref<1x64x128xf32, #tpu.memory_space<vmem>> -> memref<64x128xf32, #tpu.memory_space<vmem>>
      %dma_start3A_266 = arith.constant 0 : i32
      %dma_start3A_267 = tpu.memref_slice %arg7[%dma_start3A_260, %dma_start3A_266] : memref<16x64xi32, #tpu.memory_space<vmem>> -> memref<1x64xi32, #tpu.memory_space<vmem>>
      %dma_start3A_268 = tpu.memref_squeeze %dma_start3A_267 : memref<1x64xi32, #tpu.memory_space<vmem>> -> memref<64xi32, #tpu.memory_space<vmem>>
      %dma_start3A_269 = arith.constant 0 : i32
      %dma_start3A_270 = arith.constant 0 : i32
      %dma_start3A_271 = tpu.memref_slice %arg2[%scan3A_5, %dma_start3A_269, %dma_start3A_270] : memref<1x10000x128xf32, #tpu.memory_space<hbm>> -> memref<1x10000x128xf32, #tpu.memory_space<hbm>>
      %dma_start3A_272 = tpu.memref_squeeze %dma_start3A_271 : memref<1x10000x128xf32, #tpu.memory_space<hbm>> -> memref<10000x128xf32, #tpu.memory_space<hbm>>
      %dma_start3A_273 = arith.constant 0 : i32
      %dma_start3A_274 = arith.constant 0 : i32
      %dma_start3A_275 = tpu.memref_slice %dma_start3A_272[%dma_start3A_273, %dma_start3A_274] : memref<10000x128xf32, #tpu.memory_space<hbm>> -> memref<10000x128xf32, #tpu.memory_space<hbm>>
      tpu.enqueue_indirect_dma source(%dma_start3A_275 : memref<10000x128xf32, #tpu.memory_space<hbm>>) target(%dma_start3A_265 : memref<64x128xf32, #tpu.memory_space<vmem>>) offsets(%dma_start3A_268 : memref<64xi32, #tpu.memory_space<vmem>>) semaphore(%arg13 : memref<!tpu.dma_semaphore, #tpu.memory_space<semaphore_mem>>)
      %dma_wait3A_276 = arith.constant 4 : i32
      %dma_wait3A_277 = arith.constant 0 : i32
      %dma_wait3A_278 = arith.constant 0 : i32
      %dma_wait3A_279 = arith.constant 0 : i32
      %dma_wait3A_280 = tpu.memref_slice %arg9[%dma_wait3A_277, %dma_wait3A_278, %dma_wait3A_279] : memref<4x64x128xf32, #tpu.memory_space<vmem>> -> memref<1x64x128xf32, #tpu.memory_space<vmem>>
      %dma_wait3A_281 = tpu.memref_squeeze %dma_wait3A_280 : memref<1x64x128xf32, #tpu.memory_space<vmem>> -> memref<64x128xf32, #tpu.memory_space<vmem>>
      %dma_wait3A_282 = arith.constant 0 : i32
      %dma_wait3A_283 = tpu.memref_slice %arg7[%dma_wait3A_276, %dma_wait3A_282] : memref<16x64xi32, #tpu.memory_space<vmem>> -> memref<1x64xi32, #tpu.memory_space<vmem>>
      %dma_wait3A_284 = tpu.memref_squeeze %dma_wait3A_283 : memref<1x64xi32, #tpu.memory_space<vmem>> -> memref<64xi32, #tpu.memory_space<vmem>>
      %dma_wait3A_285 = arith.constant 0 : i32
      %dma_wait3A_286 = arith.constant 0 : i32
      %dma_wait3A_287 = tpu.memref_slice %arg2[%scan3A_5, %dma_wait3A_285, %dma_wait3A_286] : memref<1x10000x128xf32, #tpu.memory_space<hbm>> -> memref<1x10000x128xf32, #tpu.memory_space<hbm>>
      %dma_wait3A_288 = tpu.memref_squeeze %dma_wait3A_287 : memref<1x10000x128xf32, #tpu.memory_space<hbm>> -> memref<10000x128xf32, #tpu.memory_space<hbm>>
      %dma_wait3A_289 = arith.constant 0 : i32
      %dma_wait3A_290 = arith.constant 0 : i32
      %dma_wait3A_291 = tpu.memref_slice %dma_wait3A_288[%dma_wait3A_289, %dma_wait3A_290] : memref<10000x128xf32, #tpu.memory_space<hbm>> -> memref<10000x128xf32, #tpu.memory_space<hbm>>
      tpu.wait_indirect_dma semaphore(%arg11 : memref<!tpu.dma_semaphore, #tpu.memory_space<semaphore_mem>>) src(%dma_wait3A_291 : memref<10000x128xf32, #tpu.memory_space<hbm>>) dst(%dma_wait3A_281 : memref<64x128xf32, #tpu.memory_space<vmem>>)
      %dma_wait3A_292 = arith.constant 3 : i32
      %dma_wait3A_293 = arith.constant 3 : i32
      %dma_wait3A_294 = arith.constant 0 : i32
      %dma_wait3A_295 = arith.constant 0 : i32
      %dma_wait3A_296 = tpu.memref_slice %arg9[%dma_wait3A_292, %dma_wait3A_294, %dma_wait3A_295] : memref<4x64x128xf32, #tpu.memory_space<vmem>> -> memref<1x64x128xf32, #tpu.memory_space<vmem>>
      %dma_wait3A_297 = tpu.memref_squeeze %dma_wait3A_296 : memref<1x64x128xf32, #tpu.memory_space<vmem>> -> memref<64x128xf32, #tpu.memory_space<vmem>>
      %dma_wait3A_298 = arith.constant 0 : i32
      %dma_wait3A_299 = tpu.memref_slice %arg8[%dma_wait3A_293, %dma_wait3A_298] : memref<16x64xi32, #tpu.memory_space<vmem>> -> memref<1x64xi32, #tpu.memory_space<vmem>>
      %dma_wait3A_300 = tpu.memref_squeeze %dma_wait3A_299 : memref<1x64xi32, #tpu.memory_space<vmem>> -> memref<64xi32, #tpu.memory_space<vmem>>
      %dma_wait3A_301 = arith.constant 0 : i32
      %dma_wait3A_302 = arith.constant 0 : i32
      %dma_wait3A_303 = tpu.memref_slice %arg10[%dma_wait3A_301, %dma_wait3A_302] : memref<10112x128xf32, #tpu.memory_space<vmem_shared>> -> memref<10112x128xf32, #tpu.memory_space<vmem_shared>>
      tpu.wait_indirect_dma semaphore(%arg15 : memref<!tpu.dma_semaphore, #tpu.memory_space<semaphore_mem>>) src(%dma_wait3A_297 : memref<64x128xf32, #tpu.memory_space<vmem>>) dst(%dma_wait3A_303 : memref<10112x128xf32, #tpu.memory_space<vmem_shared>>)
      %dma_start3A_304 = arith.constant 0 : i32
      %dma_start3A_305 = arith.constant 4 : i32
      %dma_start3A_306 = arith.constant 0 : i32
      %dma_start3A_307 = arith.constant 0 : i32
      %dma_start3A_308 = tpu.memref_slice %arg9[%dma_start3A_304, %dma_start3A_306, %dma_start3A_307] : memref<4x64x128xf32, #tpu.memory_space<vmem>> -> memref<1x64x128xf32, #tpu.memory_space<vmem>>
      %dma_start3A_309 = tpu.memref_squeeze %dma_start3A_308 : memref<1x64x128xf32, #tpu.memory_space<vmem>> -> memref<64x128xf32, #tpu.memory_space<vmem>>
      %dma_start3A_310 = arith.constant 0 : i32
      %dma_start3A_311 = tpu.memref_slice %arg8[%dma_start3A_305, %dma_start3A_310] : memref<16x64xi32, #tpu.memory_space<vmem>> -> memref<1x64xi32, #tpu.memory_space<vmem>>
      %dma_start3A_312 = tpu.memref_squeeze %dma_start3A_311 : memref<1x64xi32, #tpu.memory_space<vmem>> -> memref<64xi32, #tpu.memory_space<vmem>>
      %dma_start3A_313 = arith.constant 0 : i32
      %dma_start3A_314 = arith.constant 0 : i32
      %dma_start3A_315 = tpu.memref_slice %arg10[%dma_start3A_313, %dma_start3A_314] : memref<10112x128xf32, #tpu.memory_space<vmem_shared>> -> memref<10112x128xf32, #tpu.memory_space<vmem_shared>>
      tpu.enqueue_indirect_dma source(%dma_start3A_309 : memref<64x128xf32, #tpu.memory_space<vmem>>) target(%dma_start3A_315 : memref<10112x128xf32, #tpu.memory_space<vmem_shared>>) offsets(%dma_start3A_312 : memref<64xi32, #tpu.memory_space<vmem>>) semaphore(%arg15 : memref<!tpu.dma_semaphore, #tpu.memory_space<semaphore_mem>>) {add = true}
      %dma_start3A_316 = arith.constant 7 : i32
      %dma_start3A_317 = arith.constant 3 : i32
      %dma_start3A_318 = arith.constant 0 : i32
      %dma_start3A_319 = arith.constant 0 : i32
      %dma_start3A_320 = tpu.memref_slice %arg9[%dma_start3A_317, %dma_start3A_318, %dma_start3A_319] : memref<4x64x128xf32, #tpu.memory_space<vmem>> -> memref<1x64x128xf32, #tpu.memory_space<vmem>>
      %dma_start3A_321 = tpu.memref_squeeze %dma_start3A_320 : memref<1x64x128xf32, #tpu.memory_space<vmem>> -> memref<64x128xf32, #tpu.memory_space<vmem>>
      %dma_start3A_322 = arith.constant 0 : i32
      %dma_start3A_323 = tpu.memref_slice %arg7[%dma_start3A_316, %dma_start3A_322] : memref<16x64xi32, #tpu.memory_space<vmem>> -> memref<1x64xi32, #tpu.memory_space<vmem>>
      %dma_start3A_324 = tpu.memref_squeeze %dma_start3A_323 : memref<1x64xi32, #tpu.memory_space<vmem>> -> memref<64xi32, #tpu.memory_space<vmem>>
      %dma_start3A_325 = arith.constant 0 : i32
      %dma_start3A_326 = arith.constant 0 : i32
      %dma_start3A_327 = tpu.memref_slice %arg2[%scan3A_5, %dma_start3A_325, %dma_start3A_326] : memref<1x10000x128xf32, #tpu.memory_space<hbm>> -> memref<1x10000x128xf32, #tpu.memory_space<hbm>>
      %dma_start3A_328 = tpu.memref_squeeze %dma_start3A_327 : memref<1x10000x128xf32, #tpu.memory_space<hbm>> -> memref<10000x128xf32, #tpu.memory_space<hbm>>
      %dma_start3A_329 = arith.constant 0 : i32
      %dma_start3A_330 = arith.constant 0 : i32
      %dma_start3A_331 = tpu.memref_slice %dma_start3A_328[%dma_start3A_329, %dma_start3A_330] : memref<10000x128xf32, #tpu.memory_space<hbm>> -> memref<10000x128xf32, #tpu.memory_space<hbm>>
      tpu.enqueue_indirect_dma source(%dma_start3A_331 : memref<10000x128xf32, #tpu.memory_space<hbm>>) target(%dma_start3A_321 : memref<64x128xf32, #tpu.memory_space<vmem>>) offsets(%dma_start3A_324 : memref<64xi32, #tpu.memory_space<vmem>>) semaphore(%arg14 : memref<!tpu.dma_semaphore, #tpu.memory_space<semaphore_mem>>)
      %dma_wait3A_332 = arith.constant 5 : i32
      %dma_wait3A_333 = arith.constant 1 : i32
      %dma_wait3A_334 = arith.constant 0 : i32
      %dma_wait3A_335 = arith.constant 0 : i32
      %dma_wait3A_336 = tpu.memref_slice %arg9[%dma_wait3A_333, %dma_wait3A_334, %dma_wait3A_335] : memref<4x64x128xf32, #tpu.memory_space<vmem>> -> memref<1x64x128xf32, #tpu.memory_space<vmem>>
      %dma_wait3A_337 = tpu.memref_squeeze %dma_wait3A_336 : memref<1x64x128xf32, #tpu.memory_space<vmem>> -> memref<64x128xf32, #tpu.memory_space<vmem>>
      %dma_wait3A_338 = arith.constant 0 : i32
      %dma_wait3A_339 = tpu.memref_slice %arg7[%dma_wait3A_332, %dma_wait3A_338] : memref<16x64xi32, #tpu.memory_space<vmem>> -> memref<1x64xi32, #tpu.memory_space<vmem>>
      %dma_wait3A_340 = tpu.memref_squeeze %dma_wait3A_339 : memref<1x64xi32, #tpu.memory_space<vmem>> -> memref<64xi32, #tpu.memory_space<vmem>>
      %dma_wait3A_341 = arith.constant 0 : i32
      %dma_wait3A_342 = arith.constant 0 : i32
      %dma_wait3A_343 = tpu.memref_slice %arg2[%scan3A_5, %dma_wait3A_341, %dma_wait3A_342] : memref<1x10000x128xf32, #tpu.memory_space<hbm>> -> memref<1x10000x128xf32, #tpu.memory_space<hbm>>
      %dma_wait3A_344 = tpu.memref_squeeze %dma_wait3A_343 : memref<1x10000x128xf32, #tpu.memory_space<hbm>> -> memref<10000x128xf32, #tpu.memory_space<hbm>>
      %dma_wait3A_345 = arith.constant 0 : i32
      %dma_wait3A_346 = arith.constant 0 : i32
      %dma_wait3A_347 = tpu.memref_slice %dma_wait3A_344[%dma_wait3A_345, %dma_wait3A_346] : memref<10000x128xf32, #tpu.memory_space<hbm>> -> memref<10000x128xf32, #tpu.memory_space<hbm>>
      tpu.wait_indirect_dma semaphore(%arg12 : memref<!tpu.dma_semaphore, #tpu.memory_space<semaphore_mem>>) src(%dma_wait3A_347 : memref<10000x128xf32, #tpu.memory_space<hbm>>) dst(%dma_wait3A_337 : memref<64x128xf32, #tpu.memory_space<vmem>>)
      %dma_wait3A_348 = arith.constant 0 : i32
      %dma_wait3A_349 = arith.constant 4 : i32
      %dma_wait3A_350 = arith.constant 0 : i32
      %dma_wait3A_351 = arith.constant 0 : i32
      %dma_wait3A_352 = tpu.memref_slice %arg9[%dma_wait3A_348, %dma_wait3A_350, %dma_wait3A_351] : memref<4x64x128xf32, #tpu.memory_space<vmem>> -> memref<1x64x128xf32, #tpu.memory_space<vmem>>
      %dma_wait3A_353 = tpu.memref_squeeze %dma_wait3A_352 : memref<1x64x128xf32, #tpu.memory_space<vmem>> -> memref<64x128xf32, #tpu.memory_space<vmem>>
      %dma_wait3A_354 = arith.constant 0 : i32
      %dma_wait3A_355 = tpu.memref_slice %arg8[%dma_wait3A_349, %dma_wait3A_354] : memref<16x64xi32, #tpu.memory_space<vmem>> -> memref<1x64xi32, #tpu.memory_space<vmem>>
      %dma_wait3A_356 = tpu.memref_squeeze %dma_wait3A_355 : memref<1x64xi32, #tpu.memory_space<vmem>> -> memref<64xi32, #tpu.memory_space<vmem>>
      %dma_wait3A_357 = arith.constant 0 : i32
      %dma_wait3A_358 = arith.constant 0 : i32
      %dma_wait3A_359 = tpu.memref_slice %arg10[%dma_wait3A_357, %dma_wait3A_358] : memref<10112x128xf32, #tpu.memory_space<vmem_shared>> -> memref<10112x128xf32, #tpu.memory_space<vmem_shared>>
      tpu.wait_indirect_dma semaphore(%arg15 : memref<!tpu.dma_semaphore, #tpu.memory_space<semaphore_mem>>) src(%dma_wait3A_353 : memref<64x128xf32, #tpu.memory_space<vmem>>) dst(%dma_wait3A_359 : memref<10112x128xf32, #tpu.memory_space<vmem_shared>>)
      %dma_start3A_360 = arith.constant 1 : i32
      %dma_start3A_361 = arith.constant 5 : i32
      %dma_start3A_362 = arith.constant 0 : i32
      %dma_start3A_363 = arith.constant 0 : i32
      %dma_start3A_364 = tpu.memref_slice %arg9[%dma_start3A_360, %dma_start3A_362, %dma_start3A_363] : memref<4x64x128xf32, #tpu.memory_space<vmem>> -> memref<1x64x128xf32, #tpu.memory_space<vmem>>
      %dma_start3A_365 = tpu.memref_squeeze %dma_start3A_364 : memref<1x64x128xf32, #tpu.memory_space<vmem>> -> memref<64x128xf32, #tpu.memory_space<vmem>>
      %dma_start3A_366 = arith.constant 0 : i32
      %dma_start3A_367 = tpu.memref_slice %arg8[%dma_start3A_361, %dma_start3A_366] : memref<16x64xi32, #tpu.memory_space<vmem>> -> memref<1x64xi32, #tpu.memory_space<vmem>>
      %dma_start3A_368 = tpu.memref_squeeze %dma_start3A_367 : memref<1x64xi32, #tpu.memory_space<vmem>> -> memref<64xi32, #tpu.memory_space<vmem>>
      %dma_start3A_369 = arith.constant 0 : i32
      %dma_start3A_370 = arith.constant 0 : i32
      %dma_start3A_371 = tpu.memref_slice %arg10[%dma_start3A_369, %dma_start3A_370] : memref<10112x128xf32, #tpu.memory_space<vmem_shared>> -> memref<10112x128xf32, #tpu.memory_space<vmem_shared>>
      tpu.enqueue_indirect_dma source(%dma_start3A_365 : memref<64x128xf32, #tpu.memory_space<vmem>>) target(%dma_start3A_371 : memref<10112x128xf32, #tpu.memory_space<vmem_shared>>) offsets(%dma_start3A_368 : memref<64xi32, #tpu.memory_space<vmem>>) semaphore(%arg15 : memref<!tpu.dma_semaphore, #tpu.memory_space<semaphore_mem>>) {add = true}
      %dma_start3A_372 = arith.constant 8 : i32
      %dma_start3A_373 = arith.constant 0 : i32
      %dma_start3A_374 = arith.constant 0 : i32
      %dma_start3A_375 = arith.constant 0 : i32
      %dma_start3A_376 = tpu.memref_slice %arg9[%dma_start3A_373, %dma_start3A_374, %dma_start3A_375] : memref<4x64x128xf32, #tpu.memory_space<vmem>> -> memref<1x64x128xf32, #tpu.memory_space<vmem>>
      %dma_start3A_377 = tpu.memref_squeeze %dma_start3A_376 : memref<1x64x128xf32, #tpu.memory_space<vmem>> -> memref<64x128xf32, #tpu.memory_space<vmem>>
      %dma_start3A_378 = arith.constant 0 : i32
      %dma_start3A_379 = tpu.memref_slice %arg7[%dma_start3A_372, %dma_start3A_378] : memref<16x64xi32, #tpu.memory_space<vmem>> -> memref<1x64xi32, #tpu.memory_space<vmem>>
      %dma_start3A_380 = tpu.memref_squeeze %dma_start3A_379 : memref<1x64xi32, #tpu.memory_space<vmem>> -> memref<64xi32, #tpu.memory_space<vmem>>
      %dma_start3A_381 = arith.constant 0 : i32
      %dma_start3A_382 = arith.constant 0 : i32
      %dma_start3A_383 = tpu.memref_slice %arg2[%scan3A_5, %dma_start3A_381, %dma_start3A_382] : memref<1x10000x128xf32, #tpu.memory_space<hbm>> -> memref<1x10000x128xf32, #tpu.memory_space<hbm>>
      %dma_start3A_384 = tpu.memref_squeeze %dma_start3A_383 : memref<1x10000x128xf32, #tpu.memory_space<hbm>> -> memref<10000x128xf32, #tpu.memory_space<hbm>>
      %dma_start3A_385 = arith.constant 0 : i32
      %dma_start3A_386 = arith.constant 0 : i32
      %dma_start3A_387 = tpu.memref_slice %dma_start3A_384[%dma_start3A_385, %dma_start3A_386] : memref<10000x128xf32, #tpu.memory_space<hbm>> -> memref<10000x128xf32, #tpu.memory_space<hbm>>
      tpu.enqueue_indirect_dma source(%dma_start3A_387 : memref<10000x128xf32, #tpu.memory_space<hbm>>) target(%dma_start3A_377 : memref<64x128xf32, #tpu.memory_space<vmem>>) offsets(%dma_start3A_380 : memref<64xi32, #tpu.memory_space<vmem>>) semaphore(%arg11 : memref<!tpu.dma_semaphore, #tpu.memory_space<semaphore_mem>>)
      %dma_wait3A_388 = arith.constant 6 : i32
      %dma_wait3A_389 = arith.constant 2 : i32
      %dma_wait3A_390 = arith.constant 0 : i32
      %dma_wait3A_391 = arith.constant 0 : i32
      %dma_wait3A_392 = tpu.memref_slice %arg9[%dma_wait3A_389, %dma_wait3A_390, %dma_wait3A_391] : memref<4x64x128xf32, #tpu.memory_space<vmem>> -> memref<1x64x128xf32, #tpu.memory_space<vmem>>
      %dma_wait3A_393 = tpu.memref_squeeze %dma_wait3A_392 : memref<1x64x128xf32, #tpu.memory_space<vmem>> -> memref<64x128xf32, #tpu.memory_space<vmem>>
      %dma_wait3A_394 = arith.constant 0 : i32
      %dma_wait3A_395 = tpu.memref_slice %arg7[%dma_wait3A_388, %dma_wait3A_394] : memref<16x64xi32, #tpu.memory_space<vmem>> -> memref<1x64xi32, #tpu.memory_space<vmem>>
      %dma_wait3A_396 = tpu.memref_squeeze %dma_wait3A_395 : memref<1x64xi32, #tpu.memory_space<vmem>> -> memref<64xi32, #tpu.memory_space<vmem>>
      %dma_wait3A_397 = arith.constant 0 : i32
      %dma_wait3A_398 = arith.constant 0 : i32
      %dma_wait3A_399 = tpu.memref_slice %arg2[%scan3A_5, %dma_wait3A_397, %dma_wait3A_398] : memref<1x10000x128xf32, #tpu.memory_space<hbm>> -> memref<1x10000x128xf32, #tpu.memory_space<hbm>>
      %dma_wait3A_400 = tpu.memref_squeeze %dma_wait3A_399 : memref<1x10000x128xf32, #tpu.memory_space<hbm>> -> memref<10000x128xf32, #tpu.memory_space<hbm>>
      %dma_wait3A_401 = arith.constant 0 : i32
      %dma_wait3A_402 = arith.constant 0 : i32
      %dma_wait3A_403 = tpu.memref_slice %dma_wait3A_400[%dma_wait3A_401, %dma_wait3A_402] : memref<10000x128xf32, #tpu.memory_space<hbm>> -> memref<10000x128xf32, #tpu.memory_space<hbm>>
      tpu.wait_indirect_dma semaphore(%arg13 : memref<!tpu.dma_semaphore, #tpu.memory_space<semaphore_mem>>) src(%dma_wait3A_403 : memref<10000x128xf32, #tpu.memory_space<hbm>>) dst(%dma_wait3A_393 : memref<64x128xf32, #tpu.memory_space<vmem>>)
      %dma_wait3A_404 = arith.constant 1 : i32
      %dma_wait3A_405 = arith.constant 5 : i32
      %dma_wait3A_406 = arith.constant 0 : i32
      %dma_wait3A_407 = arith.constant 0 : i32
      %dma_wait3A_408 = tpu.memref_slice %arg9[%dma_wait3A_404, %dma_wait3A_406, %dma_wait3A_407] : memref<4x64x128xf32, #tpu.memory_space<vmem>> -> memref<1x64x128xf32, #tpu.memory_space<vmem>>
      %dma_wait3A_409 = tpu.memref_squeeze %dma_wait3A_408 : memref<1x64x128xf32, #tpu.memory_space<vmem>> -> memref<64x128xf32, #tpu.memory_space<vmem>>
      %dma_wait3A_410 = arith.constant 0 : i32
      %dma_wait3A_411 = tpu.memref_slice %arg8[%dma_wait3A_405, %dma_wait3A_410] : memref<16x64xi32, #tpu.memory_space<vmem>> -> memref<1x64xi32, #tpu.memory_space<vmem>>
      %dma_wait3A_412 = tpu.memref_squeeze %dma_wait3A_411 : memref<1x64xi32, #tpu.memory_space<vmem>> -> memref<64xi32, #tpu.memory_space<vmem>>
      %dma_wait3A_413 = arith.constant 0 : i32
      %dma_wait3A_414 = arith.constant 0 : i32
      %dma_wait3A_415 = tpu.memref_slice %arg10[%dma_wait3A_413, %dma_wait3A_414] : memref<10112x128xf32, #tpu.memory_space<vmem_shared>> -> memref<10112x128xf32, #tpu.memory_space<vmem_shared>>
      tpu.wait_indirect_dma semaphore(%arg15 : memref<!tpu.dma_semaphore, #tpu.memory_space<semaphore_mem>>) src(%dma_wait3A_409 : memref<64x128xf32, #tpu.memory_space<vmem>>) dst(%dma_wait3A_415 : memref<10112x128xf32, #tpu.memory_space<vmem_shared>>)
      %dma_start3A_416 = arith.constant 2 : i32
      %dma_start3A_417 = arith.constant 6 : i32
      %dma_start3A_418 = arith.constant 0 : i32
      %dma_start3A_419 = arith.constant 0 : i32
      %dma_start3A_420 = tpu.memref_slice %arg9[%dma_start3A_416, %dma_start3A_418, %dma_start3A_419] : memref<4x64x128xf32, #tpu.memory_space<vmem>> -> memref<1x64x128xf32, #tpu.memory_space<vmem>>
      %dma_start3A_421 = tpu.memref_squeeze %dma_start3A_420 : memref<1x64x128xf32, #tpu.memory_space<vmem>> -> memref<64x128xf32, #tpu.memory_space<vmem>>
      %dma_start3A_422 = arith.constant 0 : i32
      %dma_start3A_423 = tpu.memref_slice %arg8[%dma_start3A_417, %dma_start3A_422] : memref<16x64xi32, #tpu.memory_space<vmem>> -> memref<1x64xi32, #tpu.memory_space<vmem>>
      %dma_start3A_424 = tpu.memref_squeeze %dma_start3A_423 : memref<1x64xi32, #tpu.memory_space<vmem>> -> memref<64xi32, #tpu.memory_space<vmem>>
      %dma_start3A_425 = arith.constant 0 : i32
      %dma_start3A_426 = arith.constant 0 : i32
      %dma_start3A_427 = tpu.memref_slice %arg10[%dma_start3A_425, %dma_start3A_426] : memref<10112x128xf32, #tpu.memory_space<vmem_shared>> -> memref<10112x128xf32, #tpu.memory_space<vmem_shared>>
      tpu.enqueue_indirect_dma source(%dma_start3A_421 : memref<64x128xf32, #tpu.memory_space<vmem>>) target(%dma_start3A_427 : memref<10112x128xf32, #tpu.memory_space<vmem_shared>>) offsets(%dma_start3A_424 : memref<64xi32, #tpu.memory_space<vmem>>) semaphore(%arg15 : memref<!tpu.dma_semaphore, #tpu.memory_space<semaphore_mem>>) {add = true}
      %dma_start3A_428 = arith.constant 9 : i32
      %dma_start3A_429 = arith.constant 1 : i32
      %dma_start3A_430 = arith.constant 0 : i32
      %dma_start3A_431 = arith.constant 0 : i32
      %dma_start3A_432 = tpu.memref_slice %arg9[%dma_start3A_429, %dma_start3A_430, %dma_start3A_431] : memref<4x64x128xf32, #tpu.memory_space<vmem>> -> memref<1x64x128xf32, #tpu.memory_space<vmem>>
      %dma_start3A_433 = tpu.memref_squeeze %dma_start3A_432 : memref<1x64x128xf32, #tpu.memory_space<vmem>> -> memref<64x128xf32, #tpu.memory_space<vmem>>
      %dma_start3A_434 = arith.constant 0 : i32
      %dma_start3A_435 = tpu.memref_slice %arg7[%dma_start3A_428, %dma_start3A_434] : memref<16x64xi32, #tpu.memory_space<vmem>> -> memref<1x64xi32, #tpu.memory_space<vmem>>
      %dma_start3A_436 = tpu.memref_squeeze %dma_start3A_435 : memref<1x64xi32, #tpu.memory_space<vmem>> -> memref<64xi32, #tpu.memory_space<vmem>>
      %dma_start3A_437 = arith.constant 0 : i32
      %dma_start3A_438 = arith.constant 0 : i32
      %dma_start3A_439 = tpu.memref_slice %arg2[%scan3A_5, %dma_start3A_437, %dma_start3A_438] : memref<1x10000x128xf32, #tpu.memory_space<hbm>> -> memref<1x10000x128xf32, #tpu.memory_space<hbm>>
      %dma_start3A_440 = tpu.memref_squeeze %dma_start3A_439 : memref<1x10000x128xf32, #tpu.memory_space<hbm>> -> memref<10000x128xf32, #tpu.memory_space<hbm>>
      %dma_start3A_441 = arith.constant 0 : i32
      %dma_start3A_442 = arith.constant 0 : i32
      %dma_start3A_443 = tpu.memref_slice %dma_start3A_440[%dma_start3A_441, %dma_start3A_442] : memref<10000x128xf32, #tpu.memory_space<hbm>> -> memref<10000x128xf32, #tpu.memory_space<hbm>>
      tpu.enqueue_indirect_dma source(%dma_start3A_443 : memref<10000x128xf32, #tpu.memory_space<hbm>>) target(%dma_start3A_433 : memref<64x128xf32, #tpu.memory_space<vmem>>) offsets(%dma_start3A_436 : memref<64xi32, #tpu.memory_space<vmem>>) semaphore(%arg12 : memref<!tpu.dma_semaphore, #tpu.memory_space<semaphore_mem>>)
      %dma_wait3A_444 = arith.constant 7 : i32
      %dma_wait3A_445 = arith.constant 3 : i32
      %dma_wait3A_446 = arith.constant 0 : i32
      %dma_wait3A_447 = arith.constant 0 : i32
      %dma_wait3A_448 = tpu.memref_slice %arg9[%dma_wait3A_445, %dma_wait3A_446, %dma_wait3A_447] : memref<4x64x128xf32, #tpu.memory_space<vmem>> -> memref<1x64x128xf32, #tpu.memory_space<vmem>>
      %dma_wait3A_449 = tpu.memref_squeeze %dma_wait3A_448 : memref<1x64x128xf32, #tpu.memory_space<vmem>> -> memref<64x128xf32, #tpu.memory_space<vmem>>
      %dma_wait3A_450 = arith.constant 0 : i32
      %dma_wait3A_451 = tpu.memref_slice %arg7[%dma_wait3A_444, %dma_wait3A_450] : memref<16x64xi32, #tpu.memory_space<vmem>> -> memref<1x64xi32, #tpu.memory_space<vmem>>
      %dma_wait3A_452 = tpu.memref_squeeze %dma_wait3A_451 : memref<1x64xi32, #tpu.memory_space<vmem>> -> memref<64xi32, #tpu.memory_space<vmem>>
      %dma_wait3A_453 = arith.constant 0 : i32
      %dma_wait3A_454 = arith.constant 0 : i32
      %dma_wait3A_455 = tpu.memref_slice %arg2[%scan3A_5, %dma_wait3A_453, %dma_wait3A_454] : memref<1x10000x128xf32, #tpu.memory_space<hbm>> -> memref<1x10000x128xf32, #tpu.memory_space<hbm>>
      %dma_wait3A_456 = tpu.memref_squeeze %dma_wait3A_455 : memref<1x10000x128xf32, #tpu.memory_space<hbm>> -> memref<10000x128xf32, #tpu.memory_space<hbm>>
      %dma_wait3A_457 = arith.constant 0 : i32
      %dma_wait3A_458 = arith.constant 0 : i32
      %dma_wait3A_459 = tpu.memref_slice %dma_wait3A_456[%dma_wait3A_457, %dma_wait3A_458] : memref<10000x128xf32, #tpu.memory_space<hbm>> -> memref<10000x128xf32, #tpu.memory_space<hbm>>
      tpu.wait_indirect_dma semaphore(%arg14 : memref<!tpu.dma_semaphore, #tpu.memory_space<semaphore_mem>>) src(%dma_wait3A_459 : memref<10000x128xf32, #tpu.memory_space<hbm>>) dst(%dma_wait3A_449 : memref<64x128xf32, #tpu.memory_space<vmem>>)
      %dma_wait3A_460 = arith.constant 2 : i32
      %dma_wait3A_461 = arith.constant 6 : i32
      %dma_wait3A_462 = arith.constant 0 : i32
      %dma_wait3A_463 = arith.constant 0 : i32
      %dma_wait3A_464 = tpu.memref_slice %arg9[%dma_wait3A_460, %dma_wait3A_462, %dma_wait3A_463] : memref<4x64x128xf32, #tpu.memory_space<vmem>> -> memref<1x64x128xf32, #tpu.memory_space<vmem>>
      %dma_wait3A_465 = tpu.memref_squeeze %dma_wait3A_464 : memref<1x64x128xf32, #tpu.memory_space<vmem>> -> memref<64x128xf32, #tpu.memory_space<vmem>>
      %dma_wait3A_466 = arith.constant 0 : i32
      %dma_wait3A_467 = tpu.memref_slice %arg8[%dma_wait3A_461, %dma_wait3A_466] : memref<16x64xi32, #tpu.memory_space<vmem>> -> memref<1x64xi32, #tpu.memory_space<vmem>>
      %dma_wait3A_468 = tpu.memref_squeeze %dma_wait3A_467 : memref<1x64xi32, #tpu.memory_space<vmem>> -> memref<64xi32, #tpu.memory_space<vmem>>
      %dma_wait3A_469 = arith.constant 0 : i32
      %dma_wait3A_470 = arith.constant 0 : i32
      %dma_wait3A_471 = tpu.memref_slice %arg10[%dma_wait3A_469, %dma_wait3A_470] : memref<10112x128xf32, #tpu.memory_space<vmem_shared>> -> memref<10112x128xf32, #tpu.memory_space<vmem_shared>>
      tpu.wait_indirect_dma semaphore(%arg15 : memref<!tpu.dma_semaphore, #tpu.memory_space<semaphore_mem>>) src(%dma_wait3A_465 : memref<64x128xf32, #tpu.memory_space<vmem>>) dst(%dma_wait3A_471 : memref<10112x128xf32, #tpu.memory_space<vmem_shared>>)
      %dma_start3A_472 = arith.constant 3 : i32
      %dma_start3A_473 = arith.constant 7 : i32
      %dma_start3A_474 = arith.constant 0 : i32
      %dma_start3A_475 = arith.constant 0 : i32
      %dma_start3A_476 = tpu.memref_slice %arg9[%dma_start3A_472, %dma_start3A_474, %dma_start3A_475] : memref<4x64x128xf32, #tpu.memory_space<vmem>> -> memref<1x64x128xf32, #tpu.memory_space<vmem>>
      %dma_start3A_477 = tpu.memref_squeeze %dma_start3A_476 : memref<1x64x128xf32, #tpu.memory_space<vmem>> -> memref<64x128xf32, #tpu.memory_space<vmem>>
      %dma_start3A_478 = arith.constant 0 : i32
      %dma_start3A_479 = tpu.memref_slice %arg8[%dma_start3A_473, %dma_start3A_478] : memref<16x64xi32, #tpu.memory_space<vmem>> -> memref<1x64xi32, #tpu.memory_space<vmem>>
      %dma_start3A_480 = tpu.memref_squeeze %dma_start3A_479 : memref<1x64xi32, #tpu.memory_space<vmem>> -> memref<64xi32, #tpu.memory_space<vmem>>
      %dma_start3A_481 = arith.constant 0 : i32
      %dma_start3A_482 = arith.constant 0 : i32
      %dma_start3A_483 = tpu.memref_slice %arg10[%dma_start3A_481, %dma_start3A_482] : memref<10112x128xf32, #tpu.memory_space<vmem_shared>> -> memref<10112x128xf32, #tpu.memory_space<vmem_shared>>
      tpu.enqueue_indirect_dma source(%dma_start3A_477 : memref<64x128xf32, #tpu.memory_space<vmem>>) target(%dma_start3A_483 : memref<10112x128xf32, #tpu.memory_space<vmem_shared>>) offsets(%dma_start3A_480 : memref<64xi32, #tpu.memory_space<vmem>>) semaphore(%arg15 : memref<!tpu.dma_semaphore, #tpu.memory_space<semaphore_mem>>) {add = true}
      %dma_start3A_484 = arith.constant 10 : i32
      %dma_start3A_485 = arith.constant 2 : i32
      %dma_start3A_486 = arith.constant 0 : i32
      %dma_start3A_487 = arith.constant 0 : i32
      %dma_start3A_488 = tpu.memref_slice %arg9[%dma_start3A_485, %dma_start3A_486, %dma_start3A_487] : memref<4x64x128xf32, #tpu.memory_space<vmem>> -> memref<1x64x128xf32, #tpu.memory_space<vmem>>
      %dma_start3A_489 = tpu.memref_squeeze %dma_start3A_488 : memref<1x64x128xf32, #tpu.memory_space<vmem>> -> memref<64x128xf32, #tpu.memory_space<vmem>>
      %dma_start3A_490 = arith.constant 0 : i32
      %dma_start3A_491 = tpu.memref_slice %arg7[%dma_start3A_484, %dma_start3A_490] : memref<16x64xi32, #tpu.memory_space<vmem>> -> memref<1x64xi32, #tpu.memory_space<vmem>>
      %dma_start3A_492 = tpu.memref_squeeze %dma_start3A_491 : memref<1x64xi32, #tpu.memory_space<vmem>> -> memref<64xi32, #tpu.memory_space<vmem>>
      %dma_start3A_493 = arith.constant 0 : i32
      %dma_start3A_494 = arith.constant 0 : i32
      %dma_start3A_495 = tpu.memref_slice %arg2[%scan3A_5, %dma_start3A_493, %dma_start3A_494] : memref<1x10000x128xf32, #tpu.memory_space<hbm>> -> memref<1x10000x128xf32, #tpu.memory_space<hbm>>
      %dma_start3A_496 = tpu.memref_squeeze %dma_start3A_495 : memref<1x10000x128xf32, #tpu.memory_space<hbm>> -> memref<10000x128xf32, #tpu.memory_space<hbm>>
      %dma_start3A_497 = arith.constant 0 : i32
      %dma_start3A_498 = arith.constant 0 : i32
      %dma_start3A_499 = tpu.memref_slice %dma_start3A_496[%dma_start3A_497, %dma_start3A_498] : memref<10000x128xf32, #tpu.memory_space<hbm>> -> memref<10000x128xf32, #tpu.memory_space<hbm>>
      tpu.enqueue_indirect_dma source(%dma_start3A_499 : memref<10000x128xf32, #tpu.memory_space<hbm>>) target(%dma_start3A_489 : memref<64x128xf32, #tpu.memory_space<vmem>>) offsets(%dma_start3A_492 : memref<64xi32, #tpu.memory_space<vmem>>) semaphore(%arg13 : memref<!tpu.dma_semaphore, #tpu.memory_space<semaphore_mem>>)
      %dma_wait3A_500 = arith.constant 8 : i32
      %dma_wait3A_501 = arith.constant 0 : i32
      %dma_wait3A_502 = arith.constant 0 : i32
      %dma_wait3A_503 = arith.constant 0 : i32
      %dma_wait3A_504 = tpu.memref_slice %arg9[%dma_wait3A_501, %dma_wait3A_502, %dma_wait3A_503] : memref<4x64x128xf32, #tpu.memory_space<vmem>> -> memref<1x64x128xf32, #tpu.memory_space<vmem>>
      %dma_wait3A_505 = tpu.memref_squeeze %dma_wait3A_504 : memref<1x64x128xf32, #tpu.memory_space<vmem>> -> memref<64x128xf32, #tpu.memory_space<vmem>>
      %dma_wait3A_506 = arith.constant 0 : i32
      %dma_wait3A_507 = tpu.memref_slice %arg7[%dma_wait3A_500, %dma_wait3A_506] : memref<16x64xi32, #tpu.memory_space<vmem>> -> memref<1x64xi32, #tpu.memory_space<vmem>>
      %dma_wait3A_508 = tpu.memref_squeeze %dma_wait3A_507 : memref<1x64xi32, #tpu.memory_space<vmem>> -> memref<64xi32, #tpu.memory_space<vmem>>
      %dma_wait3A_509 = arith.constant 0 : i32
      %dma_wait3A_510 = arith.constant 0 : i32
      %dma_wait3A_511 = tpu.memref_slice %arg2[%scan3A_5, %dma_wait3A_509, %dma_wait3A_510] : memref<1x10000x128xf32, #tpu.memory_space<hbm>> -> memref<1x10000x128xf32, #tpu.memory_space<hbm>>
      %dma_wait3A_512 = tpu.memref_squeeze %dma_wait3A_511 : memref<1x10000x128xf32, #tpu.memory_space<hbm>> -> memref<10000x128xf32, #tpu.memory_space<hbm>>
      %dma_wait3A_513 = arith.constant 0 : i32
      %dma_wait3A_514 = arith.constant 0 : i32
      %dma_wait3A_515 = tpu.memref_slice %dma_wait3A_512[%dma_wait3A_513, %dma_wait3A_514] : memref<10000x128xf32, #tpu.memory_space<hbm>> -> memref<10000x128xf32, #tpu.memory_space<hbm>>
      tpu.wait_indirect_dma semaphore(%arg11 : memref<!tpu.dma_semaphore, #tpu.memory_space<semaphore_mem>>) src(%dma_wait3A_515 : memref<10000x128xf32, #tpu.memory_space<hbm>>) dst(%dma_wait3A_505 : memref<64x128xf32, #tpu.memory_space<vmem>>)
      %dma_wait3A_516 = arith.constant 3 : i32
      %dma_wait3A_517 = arith.constant 7 : i32
      %dma_wait3A_518 = arith.constant 0 : i32
      %dma_wait3A_519 = arith.constant 0 : i32
      %dma_wait3A_520 = tpu.memref_slice %arg9[%dma_wait3A_516, %dma_wait3A_518, %dma_wait3A_519] : memref<4x64x128xf32, #tpu.memory_space<vmem>> -> memref<1x64x128xf32, #tpu.memory_space<vmem>>
      %dma_wait3A_521 = tpu.memref_squeeze %dma_wait3A_520 : memref<1x64x128xf32, #tpu.memory_space<vmem>> -> memref<64x128xf32, #tpu.memory_space<vmem>>
      %dma_wait3A_522 = arith.constant 0 : i32
      %dma_wait3A_523 = tpu.memref_slice %arg8[%dma_wait3A_517, %dma_wait3A_522] : memref<16x64xi32, #tpu.memory_space<vmem>> -> memref<1x64xi32, #tpu.memory_space<vmem>>
      %dma_wait3A_524 = tpu.memref_squeeze %dma_wait3A_523 : memref<1x64xi32, #tpu.memory_space<vmem>> -> memref<64xi32, #tpu.memory_space<vmem>>
      %dma_wait3A_525 = arith.constant 0 : i32
      %dma_wait3A_526 = arith.constant 0 : i32
      %dma_wait3A_527 = tpu.memref_slice %arg10[%dma_wait3A_525, %dma_wait3A_526] : memref<10112x128xf32, #tpu.memory_space<vmem_shared>> -> memref<10112x128xf32, #tpu.memory_space<vmem_shared>>
      tpu.wait_indirect_dma semaphore(%arg15 : memref<!tpu.dma_semaphore, #tpu.memory_space<semaphore_mem>>) src(%dma_wait3A_521 : memref<64x128xf32, #tpu.memory_space<vmem>>) dst(%dma_wait3A_527 : memref<10112x128xf32, #tpu.memory_space<vmem_shared>>)
      %dma_start3A_528 = arith.constant 0 : i32
      %dma_start3A_529 = arith.constant 8 : i32
      %dma_start3A_530 = arith.constant 0 : i32
      %dma_start3A_531 = arith.constant 0 : i32
      %dma_start3A_532 = tpu.memref_slice %arg9[%dma_start3A_528, %dma_start3A_530, %dma_start3A_531] : memref<4x64x128xf32, #tpu.memory_space<vmem>> -> memref<1x64x128xf32, #tpu.memory_space<vmem>>
      %dma_start3A_533 = tpu.memref_squeeze %dma_start3A_532 : memref<1x64x128xf32, #tpu.memory_space<vmem>> -> memref<64x128xf32, #tpu.memory_space<vmem>>
      %dma_start3A_534 = arith.constant 0 : i32
      %dma_start3A_535 = tpu.memref_slice %arg8[%dma_start3A_529, %dma_start3A_534] : memref<16x64xi32, #tpu.memory_space<vmem>> -> memref<1x64xi32, #tpu.memory_space<vmem>>
      %dma_start3A_536 = tpu.memref_squeeze %dma_start3A_535 : memref<1x64xi32, #tpu.memory_space<vmem>> -> memref<64xi32, #tpu.memory_space<vmem>>
      %dma_start3A_537 = arith.constant 0 : i32
      %dma_start3A_538 = arith.constant 0 : i32
      %dma_start3A_539 = tpu.memref_slice %arg10[%dma_start3A_537, %dma_start3A_538] : memref<10112x128xf32, #tpu.memory_space<vmem_shared>> -> memref<10112x128xf32, #tpu.memory_space<vmem_shared>>
      tpu.enqueue_indirect_dma source(%dma_start3A_533 : memref<64x128xf32, #tpu.memory_space<vmem>>) target(%dma_start3A_539 : memref<10112x128xf32, #tpu.memory_space<vmem_shared>>) offsets(%dma_start3A_536 : memref<64xi32, #tpu.memory_space<vmem>>) semaphore(%arg15 : memref<!tpu.dma_semaphore, #tpu.memory_space<semaphore_mem>>) {add = true}
      %dma_start3A_540 = arith.constant 11 : i32
      %dma_start3A_541 = arith.constant 3 : i32
      %dma_start3A_542 = arith.constant 0 : i32
      %dma_start3A_543 = arith.constant 0 : i32
      %dma_start3A_544 = tpu.memref_slice %arg9[%dma_start3A_541, %dma_start3A_542, %dma_start3A_543] : memref<4x64x128xf32, #tpu.memory_space<vmem>> -> memref<1x64x128xf32, #tpu.memory_space<vmem>>
      %dma_start3A_545 = tpu.memref_squeeze %dma_start3A_544 : memref<1x64x128xf32, #tpu.memory_space<vmem>> -> memref<64x128xf32, #tpu.memory_space<vmem>>
      %dma_start3A_546 = arith.constant 0 : i32
      %dma_start3A_547 = tpu.memref_slice %arg7[%dma_start3A_540, %dma_start3A_546] : memref<16x64xi32, #tpu.memory_space<vmem>> -> memref<1x64xi32, #tpu.memory_space<vmem>>
      %dma_start3A_548 = tpu.memref_squeeze %dma_start3A_547 : memref<1x64xi32, #tpu.memory_space<vmem>> -> memref<64xi32, #tpu.memory_space<vmem>>
      %dma_start3A_549 = arith.constant 0 : i32
      %dma_start3A_550 = arith.constant 0 : i32
      %dma_start3A_551 = tpu.memref_slice %arg2[%scan3A_5, %dma_start3A_549, %dma_start3A_550] : memref<1x10000x128xf32, #tpu.memory_space<hbm>> -> memref<1x10000x128xf32, #tpu.memory_space<hbm>>
      %dma_start3A_552 = tpu.memref_squeeze %dma_start3A_551 : memref<1x10000x128xf32, #tpu.memory_space<hbm>> -> memref<10000x128xf32, #tpu.memory_space<hbm>>
      %dma_start3A_553 = arith.constant 0 : i32
      %dma_start3A_554 = arith.constant 0 : i32
      %dma_start3A_555 = tpu.memref_slice %dma_start3A_552[%dma_start3A_553, %dma_start3A_554] : memref<10000x128xf32, #tpu.memory_space<hbm>> -> memref<10000x128xf32, #tpu.memory_space<hbm>>
      tpu.enqueue_indirect_dma source(%dma_start3A_555 : memref<10000x128xf32, #tpu.memory_space<hbm>>) target(%dma_start3A_545 : memref<64x128xf32, #tpu.memory_space<vmem>>) offsets(%dma_start3A_548 : memref<64xi32, #tpu.memory_space<vmem>>) semaphore(%arg14 : memref<!tpu.dma_semaphore, #tpu.memory_space<semaphore_mem>>)
      %dma_wait3A_556 = arith.constant 9 : i32
      %dma_wait3A_557 = arith.constant 1 : i32
      %dma_wait3A_558 = arith.constant 0 : i32
      %dma_wait3A_559 = arith.constant 0 : i32
      %dma_wait3A_560 = tpu.memref_slice %arg9[%dma_wait3A_557, %dma_wait3A_558, %dma_wait3A_559] : memref<4x64x128xf32, #tpu.memory_space<vmem>> -> memref<1x64x128xf32, #tpu.memory_space<vmem>>
      %dma_wait3A_561 = tpu.memref_squeeze %dma_wait3A_560 : memref<1x64x128xf32, #tpu.memory_space<vmem>> -> memref<64x128xf32, #tpu.memory_space<vmem>>
      %dma_wait3A_562 = arith.constant 0 : i32
      %dma_wait3A_563 = tpu.memref_slice %arg7[%dma_wait3A_556, %dma_wait3A_562] : memref<16x64xi32, #tpu.memory_space<vmem>> -> memref<1x64xi32, #tpu.memory_space<vmem>>
      %dma_wait3A_564 = tpu.memref_squeeze %dma_wait3A_563 : memref<1x64xi32, #tpu.memory_space<vmem>> -> memref<64xi32, #tpu.memory_space<vmem>>
      %dma_wait3A_565 = arith.constant 0 : i32
      %dma_wait3A_566 = arith.constant 0 : i32
      %dma_wait3A_567 = tpu.memref_slice %arg2[%scan3A_5, %dma_wait3A_565, %dma_wait3A_566] : memref<1x10000x128xf32, #tpu.memory_space<hbm>> -> memref<1x10000x128xf32, #tpu.memory_space<hbm>>
      %dma_wait3A_568 = tpu.memref_squeeze %dma_wait3A_567 : memref<1x10000x128xf32, #tpu.memory_space<hbm>> -> memref<10000x128xf32, #tpu.memory_space<hbm>>
      %dma_wait3A_569 = arith.constant 0 : i32
      %dma_wait3A_570 = arith.constant 0 : i32
      %dma_wait3A_571 = tpu.memref_slice %dma_wait3A_568[%dma_wait3A_569, %dma_wait3A_570] : memref<10000x128xf32, #tpu.memory_space<hbm>> -> memref<10000x128xf32, #tpu.memory_space<hbm>>
      tpu.wait_indirect_dma semaphore(%arg12 : memref<!tpu.dma_semaphore, #tpu.memory_space<semaphore_mem>>) src(%dma_wait3A_571 : memref<10000x128xf32, #tpu.memory_space<hbm>>) dst(%dma_wait3A_561 : memref<64x128xf32, #tpu.memory_space<vmem>>)
      %dma_wait3A_572 = arith.constant 0 : i32
      %dma_wait3A_573 = arith.constant 8 : i32
      %dma_wait3A_574 = arith.constant 0 : i32
      %dma_wait3A_575 = arith.constant 0 : i32
      %dma_wait3A_576 = tpu.memref_slice %arg9[%dma_wait3A_572, %dma_wait3A_574, %dma_wait3A_575] : memref<4x64x128xf32, #tpu.memory_space<vmem>> -> memref<1x64x128xf32, #tpu.memory_space<vmem>>
      %dma_wait3A_577 = tpu.memref_squeeze %dma_wait3A_576 : memref<1x64x128xf32, #tpu.memory_space<vmem>> -> memref<64x128xf32, #tpu.memory_space<vmem>>
      %dma_wait3A_578 = arith.constant 0 : i32
      %dma_wait3A_579 = tpu.memref_slice %arg8[%dma_wait3A_573, %dma_wait3A_578] : memref<16x64xi32, #tpu.memory_space<vmem>> -> memref<1x64xi32, #tpu.memory_space<vmem>>
      %dma_wait3A_580 = tpu.memref_squeeze %dma_wait3A_579 : memref<1x64xi32, #tpu.memory_space<vmem>> -> memref<64xi32, #tpu.memory_space<vmem>>
      %dma_wait3A_581 = arith.constant 0 : i32
      %dma_wait3A_582 = arith.constant 0 : i32
      %dma_wait3A_583 = tpu.memref_slice %arg10[%dma_wait3A_581, %dma_wait3A_582] : memref<10112x128xf32, #tpu.memory_space<vmem_shared>> -> memref<10112x128xf32, #tpu.memory_space<vmem_shared>>
      tpu.wait_indirect_dma semaphore(%arg15 : memref<!tpu.dma_semaphore, #tpu.memory_space<semaphore_mem>>) src(%dma_wait3A_577 : memref<64x128xf32, #tpu.memory_space<vmem>>) dst(%dma_wait3A_583 : memref<10112x128xf32, #tpu.memory_space<vmem_shared>>)
      %dma_start3A_584 = arith.constant 1 : i32
      %dma_start3A_585 = arith.constant 9 : i32
      %dma_start3A_586 = arith.constant 0 : i32
      %dma_start3A_587 = arith.constant 0 : i32
      %dma_start3A_588 = tpu.memref_slice %arg9[%dma_start3A_584, %dma_start3A_586, %dma_start3A_587] : memref<4x64x128xf32, #tpu.memory_space<vmem>> -> memref<1x64x128xf32, #tpu.memory_space<vmem>>
      %dma_start3A_589 = tpu.memref_squeeze %dma_start3A_588 : memref<1x64x128xf32, #tpu.memory_space<vmem>> -> memref<64x128xf32, #tpu.memory_space<vmem>>
      %dma_start3A_590 = arith.constant 0 : i32
      %dma_start3A_591 = tpu.memref_slice %arg8[%dma_start3A_585, %dma_start3A_590] : memref<16x64xi32, #tpu.memory_space<vmem>> -> memref<1x64xi32, #tpu.memory_space<vmem>>
      %dma_start3A_592 = tpu.memref_squeeze %dma_start3A_591 : memref<1x64xi32, #tpu.memory_space<vmem>> -> memref<64xi32, #tpu.memory_space<vmem>>
      %dma_start3A_593 = arith.constant 0 : i32
      %dma_start3A_594 = arith.constant 0 : i32
      %dma_start3A_595 = tpu.memref_slice %arg10[%dma_start3A_593, %dma_start3A_594] : memref<10112x128xf32, #tpu.memory_space<vmem_shared>> -> memref<10112x128xf32, #tpu.memory_space<vmem_shared>>
      tpu.enqueue_indirect_dma source(%dma_start3A_589 : memref<64x128xf32, #tpu.memory_space<vmem>>) target(%dma_start3A_595 : memref<10112x128xf32, #tpu.memory_space<vmem_shared>>) offsets(%dma_start3A_592 : memref<64xi32, #tpu.memory_space<vmem>>) semaphore(%arg15 : memref<!tpu.dma_semaphore, #tpu.memory_space<semaphore_mem>>) {add = true}
      %dma_start3A_596 = arith.constant 12 : i32
      %dma_start3A_597 = arith.constant 0 : i32
      %dma_start3A_598 = arith.constant 0 : i32
      %dma_start3A_599 = arith.constant 0 : i32
      %dma_start3A_600 = tpu.memref_slice %arg9[%dma_start3A_597, %dma_start3A_598, %dma_start3A_599] : memref<4x64x128xf32, #tpu.memory_space<vmem>> -> memref<1x64x128xf32, #tpu.memory_space<vmem>>
      %dma_start3A_601 = tpu.memref_squeeze %dma_start3A_600 : memref<1x64x128xf32, #tpu.memory_space<vmem>> -> memref<64x128xf32, #tpu.memory_space<vmem>>
      %dma_start3A_602 = arith.constant 0 : i32
      %dma_start3A_603 = tpu.memref_slice %arg7[%dma_start3A_596, %dma_start3A_602] : memref<16x64xi32, #tpu.memory_space<vmem>> -> memref<1x64xi32, #tpu.memory_space<vmem>>
      %dma_start3A_604 = tpu.memref_squeeze %dma_start3A_603 : memref<1x64xi32, #tpu.memory_space<vmem>> -> memref<64xi32, #tpu.memory_space<vmem>>
      %dma_start3A_605 = arith.constant 0 : i32
      %dma_start3A_606 = arith.constant 0 : i32
      %dma_start3A_607 = tpu.memref_slice %arg2[%scan3A_5, %dma_start3A_605, %dma_start3A_606] : memref<1x10000x128xf32, #tpu.memory_space<hbm>> -> memref<1x10000x128xf32, #tpu.memory_space<hbm>>
      %dma_start3A_608 = tpu.memref_squeeze %dma_start3A_607 : memref<1x10000x128xf32, #tpu.memory_space<hbm>> -> memref<10000x128xf32, #tpu.memory_space<hbm>>
      %dma_start3A_609 = arith.constant 0 : i32
      %dma_start3A_610 = arith.constant 0 : i32
      %dma_start3A_611 = tpu.memref_slice %dma_start3A_608[%dma_start3A_609, %dma_start3A_610] : memref<10000x128xf32, #tpu.memory_space<hbm>> -> memref<10000x128xf32, #tpu.memory_space<hbm>>
      tpu.enqueue_indirect_dma source(%dma_start3A_611 : memref<10000x128xf32, #tpu.memory_space<hbm>>) target(%dma_start3A_601 : memref<64x128xf32, #tpu.memory_space<vmem>>) offsets(%dma_start3A_604 : memref<64xi32, #tpu.memory_space<vmem>>) semaphore(%arg11 : memref<!tpu.dma_semaphore, #tpu.memory_space<semaphore_mem>>)
      %dma_wait3A_612 = arith.constant 10 : i32
      %dma_wait3A_613 = arith.constant 2 : i32
      %dma_wait3A_614 = arith.constant 0 : i32
      %dma_wait3A_615 = arith.constant 0 : i32
      %dma_wait3A_616 = tpu.memref_slice %arg9[%dma_wait3A_613, %dma_wait3A_614, %dma_wait3A_615] : memref<4x64x128xf32, #tpu.memory_space<vmem>> -> memref<1x64x128xf32, #tpu.memory_space<vmem>>
      %dma_wait3A_617 = tpu.memref_squeeze %dma_wait3A_616 : memref<1x64x128xf32, #tpu.memory_space<vmem>> -> memref<64x128xf32, #tpu.memory_space<vmem>>
      %dma_wait3A_618 = arith.constant 0 : i32
      %dma_wait3A_619 = tpu.memref_slice %arg7[%dma_wait3A_612, %dma_wait3A_618] : memref<16x64xi32, #tpu.memory_space<vmem>> -> memref<1x64xi32, #tpu.memory_space<vmem>>
      %dma_wait3A_620 = tpu.memref_squeeze %dma_wait3A_619 : memref<1x64xi32, #tpu.memory_space<vmem>> -> memref<64xi32, #tpu.memory_space<vmem>>
      %dma_wait3A_621 = arith.constant 0 : i32
      %dma_wait3A_622 = arith.constant 0 : i32
      %dma_wait3A_623 = tpu.memref_slice %arg2[%scan3A_5, %dma_wait3A_621, %dma_wait3A_622] : memref<1x10000x128xf32, #tpu.memory_space<hbm>> -> memref<1x10000x128xf32, #tpu.memory_space<hbm>>
      %dma_wait3A_624 = tpu.memref_squeeze %dma_wait3A_623 : memref<1x10000x128xf32, #tpu.memory_space<hbm>> -> memref<10000x128xf32, #tpu.memory_space<hbm>>
      %dma_wait3A_625 = arith.constant 0 : i32
      %dma_wait3A_626 = arith.constant 0 : i32
      %dma_wait3A_627 = tpu.memref_slice %dma_wait3A_624[%dma_wait3A_625, %dma_wait3A_626] : memref<10000x128xf32, #tpu.memory_space<hbm>> -> memref<10000x128xf32, #tpu.memory_space<hbm>>
      tpu.wait_indirect_dma semaphore(%arg13 : memref<!tpu.dma_semaphore, #tpu.memory_space<semaphore_mem>>) src(%dma_wait3A_627 : memref<10000x128xf32, #tpu.memory_space<hbm>>) dst(%dma_wait3A_617 : memref<64x128xf32, #tpu.memory_space<vmem>>)
      %dma_wait3A_628 = arith.constant 1 : i32
      %dma_wait3A_629 = arith.constant 9 : i32
      %dma_wait3A_630 = arith.constant 0 : i32
      %dma_wait3A_631 = arith.constant 0 : i32
      %dma_wait3A_632 = tpu.memref_slice %arg9[%dma_wait3A_628, %dma_wait3A_630, %dma_wait3A_631] : memref<4x64x128xf32, #tpu.memory_space<vmem>> -> memref<1x64x128xf32, #tpu.memory_space<vmem>>
      %dma_wait3A_633 = tpu.memref_squeeze %dma_wait3A_632 : memref<1x64x128xf32, #tpu.memory_space<vmem>> -> memref<64x128xf32, #tpu.memory_space<vmem>>
      %dma_wait3A_634 = arith.constant 0 : i32
      %dma_wait3A_635 = tpu.memref_slice %arg8[%dma_wait3A_629, %dma_wait3A_634] : memref<16x64xi32, #tpu.memory_space<vmem>> -> memref<1x64xi32, #tpu.memory_space<vmem>>
      %dma_wait3A_636 = tpu.memref_squeeze %dma_wait3A_635 : memref<1x64xi32, #tpu.memory_space<vmem>> -> memref<64xi32, #tpu.memory_space<vmem>>
      %dma_wait3A_637 = arith.constant 0 : i32
      %dma_wait3A_638 = arith.constant 0 : i32
      %dma_wait3A_639 = tpu.memref_slice %arg10[%dma_wait3A_637, %dma_wait3A_638] : memref<10112x128xf32, #tpu.memory_space<vmem_shared>> -> memref<10112x128xf32, #tpu.memory_space<vmem_shared>>
      tpu.wait_indirect_dma semaphore(%arg15 : memref<!tpu.dma_semaphore, #tpu.memory_space<semaphore_mem>>) src(%dma_wait3A_633 : memref<64x128xf32, #tpu.memory_space<vmem>>) dst(%dma_wait3A_639 : memref<10112x128xf32, #tpu.memory_space<vmem_shared>>)
      %dma_start3A_640 = arith.constant 2 : i32
      %dma_start3A_641 = arith.constant 10 : i32
      %dma_start3A_642 = arith.constant 0 : i32
      %dma_start3A_643 = arith.constant 0 : i32
      %dma_start3A_644 = tpu.memref_slice %arg9[%dma_start3A_640, %dma_start3A_642, %dma_start3A_643] : memref<4x64x128xf32, #tpu.memory_space<vmem>> -> memref<1x64x128xf32, #tpu.memory_space<vmem>>
      %dma_start3A_645 = tpu.memref_squeeze %dma_start3A_644 : memref<1x64x128xf32, #tpu.memory_space<vmem>> -> memref<64x128xf32, #tpu.memory_space<vmem>>
      %dma_start3A_646 = arith.constant 0 : i32
      %dma_start3A_647 = tpu.memref_slice %arg8[%dma_start3A_641, %dma_start3A_646] : memref<16x64xi32, #tpu.memory_space<vmem>> -> memref<1x64xi32, #tpu.memory_space<vmem>>
      %dma_start3A_648 = tpu.memref_squeeze %dma_start3A_647 : memref<1x64xi32, #tpu.memory_space<vmem>> -> memref<64xi32, #tpu.memory_space<vmem>>
      %dma_start3A_649 = arith.constant 0 : i32
      %dma_start3A_650 = arith.constant 0 : i32
      %dma_start3A_651 = tpu.memref_slice %arg10[%dma_start3A_649, %dma_start3A_650] : memref<10112x128xf32, #tpu.memory_space<vmem_shared>> -> memref<10112x128xf32, #tpu.memory_space<vmem_shared>>
      tpu.enqueue_indirect_dma source(%dma_start3A_645 : memref<64x128xf32, #tpu.memory_space<vmem>>) target(%dma_start3A_651 : memref<10112x128xf32, #tpu.memory_space<vmem_shared>>) offsets(%dma_start3A_648 : memref<64xi32, #tpu.memory_space<vmem>>) semaphore(%arg15 : memref<!tpu.dma_semaphore, #tpu.memory_space<semaphore_mem>>) {add = true}
      %dma_start3A_652 = arith.constant 13 : i32
      %dma_start3A_653 = arith.constant 1 : i32
      %dma_start3A_654 = arith.constant 0 : i32
      %dma_start3A_655 = arith.constant 0 : i32
      %dma_start3A_656 = tpu.memref_slice %arg9[%dma_start3A_653, %dma_start3A_654, %dma_start3A_655] : memref<4x64x128xf32, #tpu.memory_space<vmem>> -> memref<1x64x128xf32, #tpu.memory_space<vmem>>
      %dma_start3A_657 = tpu.memref_squeeze %dma_start3A_656 : memref<1x64x128xf32, #tpu.memory_space<vmem>> -> memref<64x128xf32, #tpu.memory_space<vmem>>
      %dma_start3A_658 = arith.constant 0 : i32
      %dma_start3A_659 = tpu.memref_slice %arg7[%dma_start3A_652, %dma_start3A_658] : memref<16x64xi32, #tpu.memory_space<vmem>> -> memref<1x64xi32, #tpu.memory_space<vmem>>
      %dma_start3A_660 = tpu.memref_squeeze %dma_start3A_659 : memref<1x64xi32, #tpu.memory_space<vmem>> -> memref<64xi32, #tpu.memory_space<vmem>>
      %dma_start3A_661 = arith.constant 0 : i32
      %dma_start3A_662 = arith.constant 0 : i32
      %dma_start3A_663 = tpu.memref_slice %arg2[%scan3A_5, %dma_start3A_661, %dma_start3A_662] : memref<1x10000x128xf32, #tpu.memory_space<hbm>> -> memref<1x10000x128xf32, #tpu.memory_space<hbm>>
      %dma_start3A_664 = tpu.memref_squeeze %dma_start3A_663 : memref<1x10000x128xf32, #tpu.memory_space<hbm>> -> memref<10000x128xf32, #tpu.memory_space<hbm>>
      %dma_start3A_665 = arith.constant 0 : i32
      %dma_start3A_666 = arith.constant 0 : i32
      %dma_start3A_667 = tpu.memref_slice %dma_start3A_664[%dma_start3A_665, %dma_start3A_666] : memref<10000x128xf32, #tpu.memory_space<hbm>> -> memref<10000x128xf32, #tpu.memory_space<hbm>>
      tpu.enqueue_indirect_dma source(%dma_start3A_667 : memref<10000x128xf32, #tpu.memory_space<hbm>>) target(%dma_start3A_657 : memref<64x128xf32, #tpu.memory_space<vmem>>) offsets(%dma_start3A_660 : memref<64xi32, #tpu.memory_space<vmem>>) semaphore(%arg12 : memref<!tpu.dma_semaphore, #tpu.memory_space<semaphore_mem>>)
      %dma_wait3A_668 = arith.constant 11 : i32
      %dma_wait3A_669 = arith.constant 3 : i32
      %dma_wait3A_670 = arith.constant 0 : i32
      %dma_wait3A_671 = arith.constant 0 : i32
      %dma_wait3A_672 = tpu.memref_slice %arg9[%dma_wait3A_669, %dma_wait3A_670, %dma_wait3A_671] : memref<4x64x128xf32, #tpu.memory_space<vmem>> -> memref<1x64x128xf32, #tpu.memory_space<vmem>>
      %dma_wait3A_673 = tpu.memref_squeeze %dma_wait3A_672 : memref<1x64x128xf32, #tpu.memory_space<vmem>> -> memref<64x128xf32, #tpu.memory_space<vmem>>
      %dma_wait3A_674 = arith.constant 0 : i32
      %dma_wait3A_675 = tpu.memref_slice %arg7[%dma_wait3A_668, %dma_wait3A_674] : memref<16x64xi32, #tpu.memory_space<vmem>> -> memref<1x64xi32, #tpu.memory_space<vmem>>
      %dma_wait3A_676 = tpu.memref_squeeze %dma_wait3A_675 : memref<1x64xi32, #tpu.memory_space<vmem>> -> memref<64xi32, #tpu.memory_space<vmem>>
      %dma_wait3A_677 = arith.constant 0 : i32
      %dma_wait3A_678 = arith.constant 0 : i32
      %dma_wait3A_679 = tpu.memref_slice %arg2[%scan3A_5, %dma_wait3A_677, %dma_wait3A_678] : memref<1x10000x128xf32, #tpu.memory_space<hbm>> -> memref<1x10000x128xf32, #tpu.memory_space<hbm>>
      %dma_wait3A_680 = tpu.memref_squeeze %dma_wait3A_679 : memref<1x10000x128xf32, #tpu.memory_space<hbm>> -> memref<10000x128xf32, #tpu.memory_space<hbm>>
      %dma_wait3A_681 = arith.constant 0 : i32
      %dma_wait3A_682 = arith.constant 0 : i32
      %dma_wait3A_683 = tpu.memref_slice %dma_wait3A_680[%dma_wait3A_681, %dma_wait3A_682] : memref<10000x128xf32, #tpu.memory_space<hbm>> -> memref<10000x128xf32, #tpu.memory_space<hbm>>
      tpu.wait_indirect_dma semaphore(%arg14 : memref<!tpu.dma_semaphore, #tpu.memory_space<semaphore_mem>>) src(%dma_wait3A_683 : memref<10000x128xf32, #tpu.memory_space<hbm>>) dst(%dma_wait3A_673 : memref<64x128xf32, #tpu.memory_space<vmem>>)
      %dma_wait3A_684 = arith.constant 2 : i32
      %dma_wait3A_685 = arith.constant 10 : i32
      %dma_wait3A_686 = arith.constant 0 : i32
      %dma_wait3A_687 = arith.constant 0 : i32
      %dma_wait3A_688 = tpu.memref_slice %arg9[%dma_wait3A_684, %dma_wait3A_686, %dma_wait3A_687] : memref<4x64x128xf32, #tpu.memory_space<vmem>> -> memref<1x64x128xf32, #tpu.memory_space<vmem>>
      %dma_wait3A_689 = tpu.memref_squeeze %dma_wait3A_688 : memref<1x64x128xf32, #tpu.memory_space<vmem>> -> memref<64x128xf32, #tpu.memory_space<vmem>>
      %dma_wait3A_690 = arith.constant 0 : i32
      %dma_wait3A_691 = tpu.memref_slice %arg8[%dma_wait3A_685, %dma_wait3A_690] : memref<16x64xi32, #tpu.memory_space<vmem>> -> memref<1x64xi32, #tpu.memory_space<vmem>>
      %dma_wait3A_692 = tpu.memref_squeeze %dma_wait3A_691 : memref<1x64xi32, #tpu.memory_space<vmem>> -> memref<64xi32, #tpu.memory_space<vmem>>
      %dma_wait3A_693 = arith.constant 0 : i32
      %dma_wait3A_694 = arith.constant 0 : i32
      %dma_wait3A_695 = tpu.memref_slice %arg10[%dma_wait3A_693, %dma_wait3A_694] : memref<10112x128xf32, #tpu.memory_space<vmem_shared>> -> memref<10112x128xf32, #tpu.memory_space<vmem_shared>>
      tpu.wait_indirect_dma semaphore(%arg15 : memref<!tpu.dma_semaphore, #tpu.memory_space<semaphore_mem>>) src(%dma_wait3A_689 : memref<64x128xf32, #tpu.memory_space<vmem>>) dst(%dma_wait3A_695 : memref<10112x128xf32, #tpu.memory_space<vmem_shared>>)
      %dma_start3A_696 = arith.constant 3 : i32
      %dma_start3A_697 = arith.constant 11 : i32
      %dma_start3A_698 = arith.constant 0 : i32
      %dma_start3A_699 = arith.constant 0 : i32
      %dma_start3A_700 = tpu.memref_slice %arg9[%dma_start3A_696, %dma_start3A_698, %dma_start3A_699] : memref<4x64x128xf32, #tpu.memory_space<vmem>> -> memref<1x64x128xf32, #tpu.memory_space<vmem>>
      %dma_start3A_701 = tpu.memref_squeeze %dma_start3A_700 : memref<1x64x128xf32, #tpu.memory_space<vmem>> -> memref<64x128xf32, #tpu.memory_space<vmem>>
      %dma_start3A_702 = arith.constant 0 : i32
      %dma_start3A_703 = tpu.memref_slice %arg8[%dma_start3A_697, %dma_start3A_702] : memref<16x64xi32, #tpu.memory_space<vmem>> -> memref<1x64xi32, #tpu.memory_space<vmem>>
      %dma_start3A_704 = tpu.memref_squeeze %dma_start3A_703 : memref<1x64xi32, #tpu.memory_space<vmem>> -> memref<64xi32, #tpu.memory_space<vmem>>
      %dma_start3A_705 = arith.constant 0 : i32
      %dma_start3A_706 = arith.constant 0 : i32
      %dma_start3A_707 = tpu.memref_slice %arg10[%dma_start3A_705, %dma_start3A_706] : memref<10112x128xf32, #tpu.memory_space<vmem_shared>> -> memref<10112x128xf32, #tpu.memory_space<vmem_shared>>
      tpu.enqueue_indirect_dma source(%dma_start3A_701 : memref<64x128xf32, #tpu.memory_space<vmem>>) target(%dma_start3A_707 : memref<10112x128xf32, #tpu.memory_space<vmem_shared>>) offsets(%dma_start3A_704 : memref<64xi32, #tpu.memory_space<vmem>>) semaphore(%arg15 : memref<!tpu.dma_semaphore, #tpu.memory_space<semaphore_mem>>) {add = true}
      %dma_start3A_708 = arith.constant 14 : i32
      %dma_start3A_709 = arith.constant 2 : i32
      %dma_start3A_710 = arith.constant 0 : i32
      %dma_start3A_711 = arith.constant 0 : i32
      %dma_start3A_712 = tpu.memref_slice %arg9[%dma_start3A_709, %dma_start3A_710, %dma_start3A_711] : memref<4x64x128xf32, #tpu.memory_space<vmem>> -> memref<1x64x128xf32, #tpu.memory_space<vmem>>
      %dma_start3A_713 = tpu.memref_squeeze %dma_start3A_712 : memref<1x64x128xf32, #tpu.memory_space<vmem>> -> memref<64x128xf32, #tpu.memory_space<vmem>>
      %dma_start3A_714 = arith.constant 0 : i32
      %dma_start3A_715 = tpu.memref_slice %arg7[%dma_start3A_708, %dma_start3A_714] : memref<16x64xi32, #tpu.memory_space<vmem>> -> memref<1x64xi32, #tpu.memory_space<vmem>>
      %dma_start3A_716 = tpu.memref_squeeze %dma_start3A_715 : memref<1x64xi32, #tpu.memory_space<vmem>> -> memref<64xi32, #tpu.memory_space<vmem>>
      %dma_start3A_717 = arith.constant 0 : i32
      %dma_start3A_718 = arith.constant 0 : i32
      %dma_start3A_719 = tpu.memref_slice %arg2[%scan3A_5, %dma_start3A_717, %dma_start3A_718] : memref<1x10000x128xf32, #tpu.memory_space<hbm>> -> memref<1x10000x128xf32, #tpu.memory_space<hbm>>
      %dma_start3A_720 = tpu.memref_squeeze %dma_start3A_719 : memref<1x10000x128xf32, #tpu.memory_space<hbm>> -> memref<10000x128xf32, #tpu.memory_space<hbm>>
      %dma_start3A_721 = arith.constant 0 : i32
      %dma_start3A_722 = arith.constant 0 : i32
      %dma_start3A_723 = tpu.memref_slice %dma_start3A_720[%dma_start3A_721, %dma_start3A_722] : memref<10000x128xf32, #tpu.memory_space<hbm>> -> memref<10000x128xf32, #tpu.memory_space<hbm>>
      tpu.enqueue_indirect_dma source(%dma_start3A_723 : memref<10000x128xf32, #tpu.memory_space<hbm>>) target(%dma_start3A_713 : memref<64x128xf32, #tpu.memory_space<vmem>>) offsets(%dma_start3A_716 : memref<64xi32, #tpu.memory_space<vmem>>) semaphore(%arg13 : memref<!tpu.dma_semaphore, #tpu.memory_space<semaphore_mem>>)
      %dma_wait3A_724 = arith.constant 12 : i32
      %dma_wait3A_725 = arith.constant 0 : i32
      %dma_wait3A_726 = arith.constant 0 : i32
      %dma_wait3A_727 = arith.constant 0 : i32
      %dma_wait3A_728 = tpu.memref_slice %arg9[%dma_wait3A_725, %dma_wait3A_726, %dma_wait3A_727] : memref<4x64x128xf32, #tpu.memory_space<vmem>> -> memref<1x64x128xf32, #tpu.memory_space<vmem>>
      %dma_wait3A_729 = tpu.memref_squeeze %dma_wait3A_728 : memref<1x64x128xf32, #tpu.memory_space<vmem>> -> memref<64x128xf32, #tpu.memory_space<vmem>>
      %dma_wait3A_730 = arith.constant 0 : i32
      %dma_wait3A_731 = tpu.memref_slice %arg7[%dma_wait3A_724, %dma_wait3A_730] : memref<16x64xi32, #tpu.memory_space<vmem>> -> memref<1x64xi32, #tpu.memory_space<vmem>>
      %dma_wait3A_732 = tpu.memref_squeeze %dma_wait3A_731 : memref<1x64xi32, #tpu.memory_space<vmem>> -> memref<64xi32, #tpu.memory_space<vmem>>
      %dma_wait3A_733 = arith.constant 0 : i32
      %dma_wait3A_734 = arith.constant 0 : i32
      %dma_wait3A_735 = tpu.memref_slice %arg2[%scan3A_5, %dma_wait3A_733, %dma_wait3A_734] : memref<1x10000x128xf32, #tpu.memory_space<hbm>> -> memref<1x10000x128xf32, #tpu.memory_space<hbm>>
      %dma_wait3A_736 = tpu.memref_squeeze %dma_wait3A_735 : memref<1x10000x128xf32, #tpu.memory_space<hbm>> -> memref<10000x128xf32, #tpu.memory_space<hbm>>
      %dma_wait3A_737 = arith.constant 0 : i32
      %dma_wait3A_738 = arith.constant 0 : i32
      %dma_wait3A_739 = tpu.memref_slice %dma_wait3A_736[%dma_wait3A_737, %dma_wait3A_738] : memref<10000x128xf32, #tpu.memory_space<hbm>> -> memref<10000x128xf32, #tpu.memory_space<hbm>>
      tpu.wait_indirect_dma semaphore(%arg11 : memref<!tpu.dma_semaphore, #tpu.memory_space<semaphore_mem>>) src(%dma_wait3A_739 : memref<10000x128xf32, #tpu.memory_space<hbm>>) dst(%dma_wait3A_729 : memref<64x128xf32, #tpu.memory_space<vmem>>)
      %dma_wait3A_740 = arith.constant 3 : i32
      %dma_wait3A_741 = arith.constant 11 : i32
      %dma_wait3A_742 = arith.constant 0 : i32
      %dma_wait3A_743 = arith.constant 0 : i32
      %dma_wait3A_744 = tpu.memref_slice %arg9[%dma_wait3A_740, %dma_wait3A_742, %dma_wait3A_743] : memref<4x64x128xf32, #tpu.memory_space<vmem>> -> memref<1x64x128xf32, #tpu.memory_space<vmem>>
      %dma_wait3A_745 = tpu.memref_squeeze %dma_wait3A_744 : memref<1x64x128xf32, #tpu.memory_space<vmem>> -> memref<64x128xf32, #tpu.memory_space<vmem>>
      %dma_wait3A_746 = arith.constant 0 : i32
      %dma_wait3A_747 = tpu.memref_slice %arg8[%dma_wait3A_741, %dma_wait3A_746] : memref<16x64xi32, #tpu.memory_space<vmem>> -> memref<1x64xi32, #tpu.memory_space<vmem>>
      %dma_wait3A_748 = tpu.memref_squeeze %dma_wait3A_747 : memref<1x64xi32, #tpu.memory_space<vmem>> -> memref<64xi32, #tpu.memory_space<vmem>>
      %dma_wait3A_749 = arith.constant 0 : i32
      %dma_wait3A_750 = arith.constant 0 : i32
      %dma_wait3A_751 = tpu.memref_slice %arg10[%dma_wait3A_749, %dma_wait3A_750] : memref<10112x128xf32, #tpu.memory_space<vmem_shared>> -> memref<10112x128xf32, #tpu.memory_space<vmem_shared>>
      tpu.wait_indirect_dma semaphore(%arg15 : memref<!tpu.dma_semaphore, #tpu.memory_space<semaphore_mem>>) src(%dma_wait3A_745 : memref<64x128xf32, #tpu.memory_space<vmem>>) dst(%dma_wait3A_751 : memref<10112x128xf32, #tpu.memory_space<vmem_shared>>)
      %dma_start3A_752 = arith.constant 0 : i32
      %dma_start3A_753 = arith.constant 12 : i32
      %dma_start3A_754 = arith.constant 0 : i32
      %dma_start3A_755 = arith.constant 0 : i32
      %dma_start3A_756 = tpu.memref_slice %arg9[%dma_start3A_752, %dma_start3A_754, %dma_start3A_755] : memref<4x64x128xf32, #tpu.memory_space<vmem>> -> memref<1x64x128xf32, #tpu.memory_space<vmem>>
      %dma_start3A_757 = tpu.memref_squeeze %dma_start3A_756 : memref<1x64x128xf32, #tpu.memory_space<vmem>> -> memref<64x128xf32, #tpu.memory_space<vmem>>
      %dma_start3A_758 = arith.constant 0 : i32
      %dma_start3A_759 = tpu.memref_slice %arg8[%dma_start3A_753, %dma_start3A_758] : memref<16x64xi32, #tpu.memory_space<vmem>> -> memref<1x64xi32, #tpu.memory_space<vmem>>
      %dma_start3A_760 = tpu.memref_squeeze %dma_start3A_759 : memref<1x64xi32, #tpu.memory_space<vmem>> -> memref<64xi32, #tpu.memory_space<vmem>>
      %dma_start3A_761 = arith.constant 0 : i32
      %dma_start3A_762 = arith.constant 0 : i32
      %dma_start3A_763 = tpu.memref_slice %arg10[%dma_start3A_761, %dma_start3A_762] : memref<10112x128xf32, #tpu.memory_space<vmem_shared>> -> memref<10112x128xf32, #tpu.memory_space<vmem_shared>>
      tpu.enqueue_indirect_dma source(%dma_start3A_757 : memref<64x128xf32, #tpu.memory_space<vmem>>) target(%dma_start3A_763 : memref<10112x128xf32, #tpu.memory_space<vmem_shared>>) offsets(%dma_start3A_760 : memref<64xi32, #tpu.memory_space<vmem>>) semaphore(%arg15 : memref<!tpu.dma_semaphore, #tpu.memory_space<semaphore_mem>>) {add = true}
      %dma_start3A_764 = arith.constant 15 : i32
      %dma_start3A_765 = arith.constant 3 : i32
      %dma_start3A_766 = arith.constant 0 : i32
      %dma_start3A_767 = arith.constant 0 : i32
      %dma_start3A_768 = tpu.memref_slice %arg9[%dma_start3A_765, %dma_start3A_766, %dma_start3A_767] : memref<4x64x128xf32, #tpu.memory_space<vmem>> -> memref<1x64x128xf32, #tpu.memory_space<vmem>>
      %dma_start3A_769 = tpu.memref_squeeze %dma_start3A_768 : memref<1x64x128xf32, #tpu.memory_space<vmem>> -> memref<64x128xf32, #tpu.memory_space<vmem>>
      %dma_start3A_770 = arith.constant 0 : i32
      %dma_start3A_771 = tpu.memref_slice %arg7[%dma_start3A_764, %dma_start3A_770] : memref<16x64xi32, #tpu.memory_space<vmem>> -> memref<1x64xi32, #tpu.memory_space<vmem>>
      %dma_start3A_772 = tpu.memref_squeeze %dma_start3A_771 : memref<1x64xi32, #tpu.memory_space<vmem>> -> memref<64xi32, #tpu.memory_space<vmem>>
      %dma_start3A_773 = arith.constant 0 : i32
      %dma_start3A_774 = arith.constant 0 : i32
      %dma_start3A_775 = tpu.memref_slice %arg2[%scan3A_5, %dma_start3A_773, %dma_start3A_774] : memref<1x10000x128xf32, #tpu.memory_space<hbm>> -> memref<1x10000x128xf32, #tpu.memory_space<hbm>>
      %dma_start3A_776 = tpu.memref_squeeze %dma_start3A_775 : memref<1x10000x128xf32, #tpu.memory_space<hbm>> -> memref<10000x128xf32, #tpu.memory_space<hbm>>
      %dma_start3A_777 = arith.constant 0 : i32
      %dma_start3A_778 = arith.constant 0 : i32
      %dma_start3A_779 = tpu.memref_slice %dma_start3A_776[%dma_start3A_777, %dma_start3A_778] : memref<10000x128xf32, #tpu.memory_space<hbm>> -> memref<10000x128xf32, #tpu.memory_space<hbm>>
      tpu.enqueue_indirect_dma source(%dma_start3A_779 : memref<10000x128xf32, #tpu.memory_space<hbm>>) target(%dma_start3A_769 : memref<64x128xf32, #tpu.memory_space<vmem>>) offsets(%dma_start3A_772 : memref<64xi32, #tpu.memory_space<vmem>>) semaphore(%arg14 : memref<!tpu.dma_semaphore, #tpu.memory_space<semaphore_mem>>)
      %dma_wait3A_780 = arith.constant 13 : i32
      %dma_wait3A_781 = arith.constant 1 : i32
      %dma_wait3A_782 = arith.constant 0 : i32
      %dma_wait3A_783 = arith.constant 0 : i32
      %dma_wait3A_784 = tpu.memref_slice %arg9[%dma_wait3A_781, %dma_wait3A_782, %dma_wait3A_783] : memref<4x64x128xf32, #tpu.memory_space<vmem>> -> memref<1x64x128xf32, #tpu.memory_space<vmem>>
      %dma_wait3A_785 = tpu.memref_squeeze %dma_wait3A_784 : memref<1x64x128xf32, #tpu.memory_space<vmem>> -> memref<64x128xf32, #tpu.memory_space<vmem>>
      %dma_wait3A_786 = arith.constant 0 : i32
      %dma_wait3A_787 = tpu.memref_slice %arg7[%dma_wait3A_780, %dma_wait3A_786] : memref<16x64xi32, #tpu.memory_space<vmem>> -> memref<1x64xi32, #tpu.memory_space<vmem>>
      %dma_wait3A_788 = tpu.memref_squeeze %dma_wait3A_787 : memref<1x64xi32, #tpu.memory_space<vmem>> -> memref<64xi32, #tpu.memory_space<vmem>>
      %dma_wait3A_789 = arith.constant 0 : i32
      %dma_wait3A_790 = arith.constant 0 : i32
      %dma_wait3A_791 = tpu.memref_slice %arg2[%scan3A_5, %dma_wait3A_789, %dma_wait3A_790] : memref<1x10000x128xf32, #tpu.memory_space<hbm>> -> memref<1x10000x128xf32, #tpu.memory_space<hbm>>
      %dma_wait3A_792 = tpu.memref_squeeze %dma_wait3A_791 : memref<1x10000x128xf32, #tpu.memory_space<hbm>> -> memref<10000x128xf32, #tpu.memory_space<hbm>>
      %dma_wait3A_793 = arith.constant 0 : i32
      %dma_wait3A_794 = arith.constant 0 : i32
      %dma_wait3A_795 = tpu.memref_slice %dma_wait3A_792[%dma_wait3A_793, %dma_wait3A_794] : memref<10000x128xf32, #tpu.memory_space<hbm>> -> memref<10000x128xf32, #tpu.memory_space<hbm>>
      tpu.wait_indirect_dma semaphore(%arg12 : memref<!tpu.dma_semaphore, #tpu.memory_space<semaphore_mem>>) src(%dma_wait3A_795 : memref<10000x128xf32, #tpu.memory_space<hbm>>) dst(%dma_wait3A_785 : memref<64x128xf32, #tpu.memory_space<vmem>>)
      %dma_wait3A_796 = arith.constant 0 : i32
      %dma_wait3A_797 = arith.constant 12 : i32
      %dma_wait3A_798 = arith.constant 0 : i32
      %dma_wait3A_799 = arith.constant 0 : i32
      %dma_wait3A_800 = tpu.memref_slice %arg9[%dma_wait3A_796, %dma_wait3A_798, %dma_wait3A_799] : memref<4x64x128xf32, #tpu.memory_space<vmem>> -> memref<1x64x128xf32, #tpu.memory_space<vmem>>
      %dma_wait3A_801 = tpu.memref_squeeze %dma_wait3A_800 : memref<1x64x128xf32, #tpu.memory_space<vmem>> -> memref<64x128xf32, #tpu.memory_space<vmem>>
      %dma_wait3A_802 = arith.constant 0 : i32
      %dma_wait3A_803 = tpu.memref_slice %arg8[%dma_wait3A_797, %dma_wait3A_802] : memref<16x64xi32, #tpu.memory_space<vmem>> -> memref<1x64xi32, #tpu.memory_space<vmem>>
      %dma_wait3A_804 = tpu.memref_squeeze %dma_wait3A_803 : memref<1x64xi32, #tpu.memory_space<vmem>> -> memref<64xi32, #tpu.memory_space<vmem>>
      %dma_wait3A_805 = arith.constant 0 : i32
      %dma_wait3A_806 = arith.constant 0 : i32
      %dma_wait3A_807 = tpu.memref_slice %arg10[%dma_wait3A_805, %dma_wait3A_806] : memref<10112x128xf32, #tpu.memory_space<vmem_shared>> -> memref<10112x128xf32, #tpu.memory_space<vmem_shared>>
      tpu.wait_indirect_dma semaphore(%arg15 : memref<!tpu.dma_semaphore, #tpu.memory_space<semaphore_mem>>) src(%dma_wait3A_801 : memref<64x128xf32, #tpu.memory_space<vmem>>) dst(%dma_wait3A_807 : memref<10112x128xf32, #tpu.memory_space<vmem_shared>>)
      %dma_start3A_808 = arith.constant 1 : i32
      %dma_start3A_809 = arith.constant 13 : i32
      %dma_start3A_810 = arith.constant 0 : i32
      %dma_start3A_811 = arith.constant 0 : i32
      %dma_start3A_812 = tpu.memref_slice %arg9[%dma_start3A_808, %dma_start3A_810, %dma_start3A_811] : memref<4x64x128xf32, #tpu.memory_space<vmem>> -> memref<1x64x128xf32, #tpu.memory_space<vmem>>
      %dma_start3A_813 = tpu.memref_squeeze %dma_start3A_812 : memref<1x64x128xf32, #tpu.memory_space<vmem>> -> memref<64x128xf32, #tpu.memory_space<vmem>>
      %dma_start3A_814 = arith.constant 0 : i32
      %dma_start3A_815 = tpu.memref_slice %arg8[%dma_start3A_809, %dma_start3A_814] : memref<16x64xi32, #tpu.memory_space<vmem>> -> memref<1x64xi32, #tpu.memory_space<vmem>>
      %dma_start3A_816 = tpu.memref_squeeze %dma_start3A_815 : memref<1x64xi32, #tpu.memory_space<vmem>> -> memref<64xi32, #tpu.memory_space<vmem>>
      %dma_start3A_817 = arith.constant 0 : i32
      %dma_start3A_818 = arith.constant 0 : i32
      %dma_start3A_819 = tpu.memref_slice %arg10[%dma_start3A_817, %dma_start3A_818] : memref<10112x128xf32, #tpu.memory_space<vmem_shared>> -> memref<10112x128xf32, #tpu.memory_space<vmem_shared>>
      tpu.enqueue_indirect_dma source(%dma_start3A_813 : memref<64x128xf32, #tpu.memory_space<vmem>>) target(%dma_start3A_819 : memref<10112x128xf32, #tpu.memory_space<vmem_shared>>) offsets(%dma_start3A_816 : memref<64xi32, #tpu.memory_space<vmem>>) semaphore(%arg15 : memref<!tpu.dma_semaphore, #tpu.memory_space<semaphore_mem>>) {add = true}
      %dma_wait3A_820 = arith.constant 14 : i32
      %dma_wait3A_821 = arith.constant 2 : i32
      %dma_wait3A_822 = arith.constant 0 : i32
      %dma_wait3A_823 = arith.constant 0 : i32
      %dma_wait3A_824 = tpu.memref_slice %arg9[%dma_wait3A_821, %dma_wait3A_822, %dma_wait3A_823] : memref<4x64x128xf32, #tpu.memory_space<vmem>> -> memref<1x64x128xf32, #tpu.memory_space<vmem>>
      %dma_wait3A_825 = tpu.memref_squeeze %dma_wait3A_824 : memref<1x64x128xf32, #tpu.memory_space<vmem>> -> memref<64x128xf32, #tpu.memory_space<vmem>>
      %dma_wait3A_826 = arith.constant 0 : i32
      %dma_wait3A_827 = tpu.memref_slice %arg7[%dma_wait3A_820, %dma_wait3A_826] : memref<16x64xi32, #tpu.memory_space<vmem>> -> memref<1x64xi32, #tpu.memory_space<vmem>>
      %dma_wait3A_828 = tpu.memref_squeeze %dma_wait3A_827 : memref<1x64xi32, #tpu.memory_space<vmem>> -> memref<64xi32, #tpu.memory_space<vmem>>
      %dma_wait3A_829 = arith.constant 0 : i32
      %dma_wait3A_830 = arith.constant 0 : i32
      %dma_wait3A_831 = tpu.memref_slice %arg2[%scan3A_5, %dma_wait3A_829, %dma_wait3A_830] : memref<1x10000x128xf32, #tpu.memory_space<hbm>> -> memref<1x10000x128xf32, #tpu.memory_space<hbm>>
      %dma_wait3A_832 = tpu.memref_squeeze %dma_wait3A_831 : memref<1x10000x128xf32, #tpu.memory_space<hbm>> -> memref<10000x128xf32, #tpu.memory_space<hbm>>
      %dma_wait3A_833 = arith.constant 0 : i32
      %dma_wait3A_834 = arith.constant 0 : i32
      %dma_wait3A_835 = tpu.memref_slice %dma_wait3A_832[%dma_wait3A_833, %dma_wait3A_834] : memref<10000x128xf32, #tpu.memory_space<hbm>> -> memref<10000x128xf32, #tpu.memory_space<hbm>>
      tpu.wait_indirect_dma semaphore(%arg13 : memref<!tpu.dma_semaphore, #tpu.memory_space<semaphore_mem>>) src(%dma_wait3A_835 : memref<10000x128xf32, #tpu.memory_space<hbm>>) dst(%dma_wait3A_825 : memref<64x128xf32, #tpu.memory_space<vmem>>)
      %dma_wait3A_836 = arith.constant 1 : i32
      %dma_wait3A_837 = arith.constant 13 : i32
      %dma_wait3A_838 = arith.constant 0 : i32
      %dma_wait3A_839 = arith.constant 0 : i32
      %dma_wait3A_840 = tpu.memref_slice %arg9[%dma_wait3A_836, %dma_wait3A_838, %dma_wait3A_839] : memref<4x64x128xf32, #tpu.memory_space<vmem>> -> memref<1x64x128xf32, #tpu.memory_space<vmem>>
      %dma_wait3A_841 = tpu.memref_squeeze %dma_wait3A_840 : memref<1x64x128xf32, #tpu.memory_space<vmem>> -> memref<64x128xf32, #tpu.memory_space<vmem>>
      %dma_wait3A_842 = arith.constant 0 : i32
      %dma_wait3A_843 = tpu.memref_slice %arg8[%dma_wait3A_837, %dma_wait3A_842] : memref<16x64xi32, #tpu.memory_space<vmem>> -> memref<1x64xi32, #tpu.memory_space<vmem>>
      %dma_wait3A_844 = tpu.memref_squeeze %dma_wait3A_843 : memref<1x64xi32, #tpu.memory_space<vmem>> -> memref<64xi32, #tpu.memory_space<vmem>>
      %dma_wait3A_845 = arith.constant 0 : i32
      %dma_wait3A_846 = arith.constant 0 : i32
      %dma_wait3A_847 = tpu.memref_slice %arg10[%dma_wait3A_845, %dma_wait3A_846] : memref<10112x128xf32, #tpu.memory_space<vmem_shared>> -> memref<10112x128xf32, #tpu.memory_space<vmem_shared>>
      tpu.wait_indirect_dma semaphore(%arg15 : memref<!tpu.dma_semaphore, #tpu.memory_space<semaphore_mem>>) src(%dma_wait3A_841 : memref<64x128xf32, #tpu.memory_space<vmem>>) dst(%dma_wait3A_847 : memref<10112x128xf32, #tpu.memory_space<vmem_shared>>)
      %dma_start3A_848 = arith.constant 2 : i32
      %dma_start3A_849 = arith.constant 14 : i32
      %dma_start3A_850 = arith.constant 0 : i32
      %dma_start3A_851 = arith.constant 0 : i32
      %dma_start3A_852 = tpu.memref_slice %arg9[%dma_start3A_848, %dma_start3A_850, %dma_start3A_851] : memref<4x64x128xf32, #tpu.memory_space<vmem>> -> memref<1x64x128xf32, #tpu.memory_space<vmem>>
      %dma_start3A_853 = tpu.memref_squeeze %dma_start3A_852 : memref<1x64x128xf32, #tpu.memory_space<vmem>> -> memref<64x128xf32, #tpu.memory_space<vmem>>
      %dma_start3A_854 = arith.constant 0 : i32
      %dma_start3A_855 = tpu.memref_slice %arg8[%dma_start3A_849, %dma_start3A_854] : memref<16x64xi32, #tpu.memory_space<vmem>> -> memref<1x64xi32, #tpu.memory_space<vmem>>
      %dma_start3A_856 = tpu.memref_squeeze %dma_start3A_855 : memref<1x64xi32, #tpu.memory_space<vmem>> -> memref<64xi32, #tpu.memory_space<vmem>>
      %dma_start3A_857 = arith.constant 0 : i32
      %dma_start3A_858 = arith.constant 0 : i32
      %dma_start3A_859 = tpu.memref_slice %arg10[%dma_start3A_857, %dma_start3A_858] : memref<10112x128xf32, #tpu.memory_space<vmem_shared>> -> memref<10112x128xf32, #tpu.memory_space<vmem_shared>>
      tpu.enqueue_indirect_dma source(%dma_start3A_853 : memref<64x128xf32, #tpu.memory_space<vmem>>) target(%dma_start3A_859 : memref<10112x128xf32, #tpu.memory_space<vmem_shared>>) offsets(%dma_start3A_856 : memref<64xi32, #tpu.memory_space<vmem>>) semaphore(%arg15 : memref<!tpu.dma_semaphore, #tpu.memory_space<semaphore_mem>>) {add = true}
      %dma_wait3A_860 = arith.constant 15 : i32
      %dma_wait3A_861 = arith.constant 3 : i32
      %dma_wait3A_862 = arith.constant 0 : i32
      %dma_wait3A_863 = arith.constant 0 : i32
      %dma_wait3A_864 = tpu.memref_slice %arg9[%dma_wait3A_861, %dma_wait3A_862, %dma_wait3A_863] : memref<4x64x128xf32, #tpu.memory_space<vmem>> -> memref<1x64x128xf32, #tpu.memory_space<vmem>>
      %dma_wait3A_865 = tpu.memref_squeeze %dma_wait3A_864 : memref<1x64x128xf32, #tpu.memory_space<vmem>> -> memref<64x128xf32, #tpu.memory_space<vmem>>
      %dma_wait3A_866 = arith.constant 0 : i32
      %dma_wait3A_867 = tpu.memref_slice %arg7[%dma_wait3A_860, %dma_wait3A_866] : memref<16x64xi32, #tpu.memory_space<vmem>> -> memref<1x64xi32, #tpu.memory_space<vmem>>
      %dma_wait3A_868 = tpu.memref_squeeze %dma_wait3A_867 : memref<1x64xi32, #tpu.memory_space<vmem>> -> memref<64xi32, #tpu.memory_space<vmem>>
      %dma_wait3A_869 = arith.constant 0 : i32
      %dma_wait3A_870 = arith.constant 0 : i32
      %dma_wait3A_871 = tpu.memref_slice %arg2[%scan3A_5, %dma_wait3A_869, %dma_wait3A_870] : memref<1x10000x128xf32, #tpu.memory_space<hbm>> -> memref<1x10000x128xf32, #tpu.memory_space<hbm>>
      %dma_wait3A_872 = tpu.memref_squeeze %dma_wait3A_871 : memref<1x10000x128xf32, #tpu.memory_space<hbm>> -> memref<10000x128xf32, #tpu.memory_space<hbm>>
      %dma_wait3A_873 = arith.constant 0 : i32
      %dma_wait3A_874 = arith.constant 0 : i32
      %dma_wait3A_875 = tpu.memref_slice %dma_wait3A_872[%dma_wait3A_873, %dma_wait3A_874] : memref<10000x128xf32, #tpu.memory_space<hbm>> -> memref<10000x128xf32, #tpu.memory_space<hbm>>
      tpu.wait_indirect_dma semaphore(%arg14 : memref<!tpu.dma_semaphore, #tpu.memory_space<semaphore_mem>>) src(%dma_wait3A_875 : memref<10000x128xf32, #tpu.memory_space<hbm>>) dst(%dma_wait3A_865 : memref<64x128xf32, #tpu.memory_space<vmem>>)
      %dma_wait3A_876 = arith.constant 2 : i32
      %dma_wait3A_877 = arith.constant 14 : i32
      %dma_wait3A_878 = arith.constant 0 : i32
      %dma_wait3A_879 = arith.constant 0 : i32
      %dma_wait3A_880 = tpu.memref_slice %arg9[%dma_wait3A_876, %dma_wait3A_878, %dma_wait3A_879] : memref<4x64x128xf32, #tpu.memory_space<vmem>> -> memref<1x64x128xf32, #tpu.memory_space<vmem>>
      %dma_wait3A_881 = tpu.memref_squeeze %dma_wait3A_880 : memref<1x64x128xf32, #tpu.memory_space<vmem>> -> memref<64x128xf32, #tpu.memory_space<vmem>>
      %dma_wait3A_882 = arith.constant 0 : i32
      %dma_wait3A_883 = tpu.memref_slice %arg8[%dma_wait3A_877, %dma_wait3A_882] : memref<16x64xi32, #tpu.memory_space<vmem>> -> memref<1x64xi32, #tpu.memory_space<vmem>>
      %dma_wait3A_884 = tpu.memref_squeeze %dma_wait3A_883 : memref<1x64xi32, #tpu.memory_space<vmem>> -> memref<64xi32, #tpu.memory_space<vmem>>
      %dma_wait3A_885 = arith.constant 0 : i32
      %dma_wait3A_886 = arith.constant 0 : i32
      %dma_wait3A_887 = tpu.memref_slice %arg10[%dma_wait3A_885, %dma_wait3A_886] : memref<10112x128xf32, #tpu.memory_space<vmem_shared>> -> memref<10112x128xf32, #tpu.memory_space<vmem_shared>>
      tpu.wait_indirect_dma semaphore(%arg15 : memref<!tpu.dma_semaphore, #tpu.memory_space<semaphore_mem>>) src(%dma_wait3A_881 : memref<64x128xf32, #tpu.memory_space<vmem>>) dst(%dma_wait3A_887 : memref<10112x128xf32, #tpu.memory_space<vmem_shared>>)
      %dma_start3A_888 = arith.constant 3 : i32
      %dma_start3A_889 = arith.constant 15 : i32
      %dma_start3A_890 = arith.constant 0 : i32
      %dma_start3A_891 = arith.constant 0 : i32
      %dma_start3A_892 = tpu.memref_slice %arg9[%dma_start3A_888, %dma_start3A_890, %dma_start3A_891] : memref<4x64x128xf32, #tpu.memory_space<vmem>> -> memref<1x64x128xf32, #tpu.memory_space<vmem>>
      %dma_start3A_893 = tpu.memref_squeeze %dma_start3A_892 : memref<1x64x128xf32, #tpu.memory_space<vmem>> -> memref<64x128xf32, #tpu.memory_space<vmem>>
      %dma_start3A_894 = arith.constant 0 : i32
      %dma_start3A_895 = tpu.memref_slice %arg8[%dma_start3A_889, %dma_start3A_894] : memref<16x64xi32, #tpu.memory_space<vmem>> -> memref<1x64xi32, #tpu.memory_space<vmem>>
      %dma_start3A_896 = tpu.memref_squeeze %dma_start3A_895 : memref<1x64xi32, #tpu.memory_space<vmem>> -> memref<64xi32, #tpu.memory_space<vmem>>
      %dma_start3A_897 = arith.constant 0 : i32
      %dma_start3A_898 = arith.constant 0 : i32
      %dma_start3A_899 = tpu.memref_slice %arg10[%dma_start3A_897, %dma_start3A_898] : memref<10112x128xf32, #tpu.memory_space<vmem_shared>> -> memref<10112x128xf32, #tpu.memory_space<vmem_shared>>
      tpu.enqueue_indirect_dma source(%dma_start3A_893 : memref<64x128xf32, #tpu.memory_space<vmem>>) target(%dma_start3A_899 : memref<10112x128xf32, #tpu.memory_space<vmem_shared>>) offsets(%dma_start3A_896 : memref<64xi32, #tpu.memory_space<vmem>>) semaphore(%arg15 : memref<!tpu.dma_semaphore, #tpu.memory_space<semaphore_mem>>) {add = true}
      %dma_wait3A_900 = arith.constant 3 : i32
      %dma_wait3A_901 = arith.constant 15 : i32
      %dma_wait3A_902 = arith.constant 0 : i32
      %dma_wait3A_903 = arith.constant 0 : i32
      %dma_wait3A_904 = tpu.memref_slice %arg9[%dma_wait3A_900, %dma_wait3A_902, %dma_wait3A_903] : memref<4x64x128xf32, #tpu.memory_space<vmem>> -> memref<1x64x128xf32, #tpu.memory_space<vmem>>
      %dma_wait3A_905 = tpu.memref_squeeze %dma_wait3A_904 : memref<1x64x128xf32, #tpu.memory_space<vmem>> -> memref<64x128xf32, #tpu.memory_space<vmem>>
      %dma_wait3A_906 = arith.constant 0 : i32
      %dma_wait3A_907 = tpu.memref_slice %arg8[%dma_wait3A_901, %dma_wait3A_906] : memref<16x64xi32, #tpu.memory_space<vmem>> -> memref<1x64xi32, #tpu.memory_space<vmem>>
      %dma_wait3A_908 = tpu.memref_squeeze %dma_wait3A_907 : memref<1x64xi32, #tpu.memory_space<vmem>> -> memref<64xi32, #tpu.memory_space<vmem>>
      %dma_wait3A_909 = arith.constant 0 : i32
      %dma_wait3A_910 = arith.constant 0 : i32
      %dma_wait3A_911 = tpu.memref_slice %arg10[%dma_wait3A_909, %dma_wait3A_910] : memref<10112x128xf32, #tpu.memory_space<vmem_shared>> -> memref<10112x128xf32, #tpu.memory_space<vmem_shared>>
      tpu.wait_indirect_dma semaphore(%arg15 : memref<!tpu.dma_semaphore, #tpu.memory_space<semaphore_mem>>) src(%dma_wait3A_905 : memref<64x128xf32, #tpu.memory_space<vmem>>) dst(%dma_wait3A_911 : memref<10112x128xf32, #tpu.memory_space<vmem_shared>>)
    }
    %scan3A_10 = arith.constant 10 : i32
    %barrier3A_11 = arith.constant 0 : index
    tpu.barrier barrier_id(%barrier3A_11)
    %mul3A_12 = arith.constant 632 : i32
    %mul3A_13 = arith.muli %arg1, %mul3A_12 : i32
    "tpu.region"() ({
      %run_scoped3A = tpu.sem_alloc : memref<!tpu.dma_semaphore, #tpu.memory_space<semaphore_mem>>
      %dma_start3A = arith.constant 0 : i32
      %dma_start3A_14 = arith.constant 0 : i32
      %dma_start3A_15 = tpu.memref_slice %arg6[%arg0, %dma_start3A, %dma_start3A_14] : memref<2x10112x128xf32, #tpu.memory_space<hbm>> -> memref<1x10112x128xf32, #tpu.memory_space<hbm>>
      %dma_start3A_16 = tpu.memref_squeeze %dma_start3A_15 : memref<1x10112x128xf32, #tpu.memory_space<hbm>> -> memref<10112x128xf32, #tpu.memory_space<hbm>>
      %dma_start3A_17 = arith.constant 0 : i32
      %dma_start3A_18 = tpu.memref_slice %dma_start3A_16[%mul3A_13, %dma_start3A_17] : memref<10112x128xf32, #tpu.memory_space<hbm>> -> memref<632x128xf32, #tpu.memory_space<hbm>>
      %dma_start3A_19 = arith.constant 0 : i32
      %dma_start3A_20 = tpu.memref_slice %arg10[%mul3A_13, %dma_start3A_19] : memref<10112x128xf32, #tpu.memory_space<vmem_shared>> -> memref<632x128xf32, #tpu.memory_space<vmem_shared>>
      tpu.enqueue_dma source(%dma_start3A_20 : memref<632x128xf32, #tpu.memory_space<vmem_shared>>) target(%dma_start3A_18 : memref<632x128xf32, #tpu.memory_space<hbm>>) target_semaphore(%run_scoped3A : memref<!tpu.dma_semaphore, #tpu.memory_space<semaphore_mem>>)
      %dma_wait3A = arith.constant 0 : i32
      %dma_wait3A_21 = arith.constant 0 : i32
      %dma_wait3A_22 = tpu.memref_slice %arg6[%arg0, %dma_wait3A, %dma_wait3A_21] : memref<2x10112x128xf32, #tpu.memory_space<hbm>> -> memref<1x10112x128xf32, #tpu.memory_space<hbm>>
      %dma_wait3A_23 = tpu.memref_squeeze %dma_wait3A_22 : memref<1x10112x128xf32, #tpu.memory_space<hbm>> -> memref<10112x128xf32, #tpu.memory_space<hbm>>
      %dma_wait3A_24 = arith.constant 0 : i32
      %dma_wait3A_25 = tpu.memref_slice %dma_wait3A_23[%mul3A_13, %dma_wait3A_24] : memref<10112x128xf32, #tpu.memory_space<hbm>> -> memref<632x128xf32, #tpu.memory_space<hbm>>
      %dma_wait3A_26 = arith.constant 0 : i32
      %dma_wait3A_27 = tpu.memref_slice %arg10[%mul3A_13, %dma_wait3A_26] : memref<10112x128xf32, #tpu.memory_space<vmem_shared>> -> memref<632x128xf32, #tpu.memory_space<vmem_shared>>
      tpu.wait_dma2 semaphore(%run_scoped3A : memref<!tpu.dma_semaphore, #tpu.memory_space<semaphore_mem>>) src(%dma_wait3A_27 : memref<632x128xf32, #tpu.memory_space<vmem_shared>>) dst(%dma_wait3A_25 : memref<632x128xf32, #tpu.memory_space<hbm>>)
      tpu.yield
    }) : () -> ()
    return
  }
}

module attributes {stable_mosaic.version = 14 : i64} {
  func.func @_l1_body(%arg0: i32, %arg1: memref<1x1xf32, #tpu.memory_space<vmem>>, %arg2: memref<400x128xf32, #tpu.memory_space<vmem>>, %arg3: memref<2x400x128xf32, #tpu.memory_space<vmem>>, %arg4: memref<256x128xf32, #tpu.memory_space<vmem>>, %arg5: memref<256x128xf32, #tpu.memory_space<vmem>>, %arg6: memref<1x256xf32, #tpu.memory_space<vmem>>, %arg7: memref<2x400x128xf32, #tpu.memory_space<vmem>>) attributes {dimension_semantics = [#tpu.dimension_semantics<arbitrary>], iteration_bounds = array<i64: 25>, scalar_prefetch = 0 : i64, scratch_operands = 0 : i64, tpu.core_type = #tpu.core_type<tc>, window_params = [{pipeline_mode = #tpu.pipeline_mode<synchronous>, transform_indices = @transform_0, window_bounds = array<i64: 1, 1>}, {transform_indices = @transform_1, window_bounds = array<i64: 400, 128>}, {transform_indices = @transform_2, window_bounds = array<i64: 2, 400, 128>}, {pipeline_mode = #tpu.pipeline_mode<synchronous>, transform_indices = @transform_3, window_bounds = array<i64: 256, 128>}, {pipeline_mode = #tpu.pipeline_mode<synchronous>, transform_indices = @transform_4, window_bounds = array<i64: 256, 128>}, {pipeline_mode = #tpu.pipeline_mode<synchronous>, transform_indices = @transform_5, window_bounds = array<i64: 1, 256>}, {transform_indices = @transform_6, window_bounds = array<i64: 2, 400, 128>}]} {
    %get3A = arith.constant 0 : index
    %get3A_0 = arith.constant 0 : index
    %get3A_1 = vector.load %arg4[%get3A, %get3A_0] : memref<256x128xf32, #tpu.memory_space<vmem>>, vector<256x128xf32>
    %get3A_2 = arith.constant 0 : index
    %get3A_3 = arith.constant 0 : index
    %get3A_4 = vector.load %arg5[%get3A_2, %get3A_3] : memref<256x128xf32, #tpu.memory_space<vmem>>, vector<256x128xf32>
    %mul3A = arith.mulf %get3A_1, %get3A_4 : vector<256x128xf32>
    %get3A_5 = arith.constant 0 : index
    %get3A_6 = arith.constant 0 : index
    %get3A_7 = arith.constant 0 : index
    %get3A_8 = vector.load %arg3[%get3A_5, %get3A_6, %get3A_7] : memref<2x400x128xf32, #tpu.memory_space<vmem>>, vector<1x400x128xf32>
    %get3A_9 = vector.shape_cast %get3A_8 : vector<1x400x128xf32> to vector<400x128xf32>
    %get3A_10 = arith.constant 1 : index
    %get3A_11 = arith.constant 0 : index
    %get3A_12 = arith.constant 0 : index
    %get3A_13 = vector.load %arg3[%get3A_10, %get3A_11, %get3A_12] : memref<2x400x128xf32, #tpu.memory_space<vmem>>, vector<1x400x128xf32>
    %get3A_14 = vector.shape_cast %get3A_13 : vector<1x400x128xf32> to vector<400x128xf32>
    %add3A = arith.addf %get3A_9, %get3A_14 : vector<400x128xf32>
    %get3A_15 = arith.constant 0 : index
    %get3A_16 = arith.constant 0 : index
    %get3A_17 = vector.load %arg1[%get3A_15, %get3A_16] : memref<1x1xf32, #tpu.memory_space<vmem>>, vector<1x1xf32>
    %get3A_18 = vector.extract %get3A_17[0, 0] : f32 from vector<1x1xf32>
    %add3A_19 = arith.constant 1.000000e+00 : f32
    %add3A_20 = arith.addf %add3A_19, %get3A_18 : f32
    %get3A_21 = arith.constant 0 : index
    %get3A_22 = arith.constant 0 : index
    %get3A_23 = vector.load %arg2[%get3A_21, %get3A_22] : memref<400x128xf32, #tpu.memory_space<vmem>>, vector<400x128xf32>
    %mul3A_24 = vector.broadcast %add3A_20 : f32 to vector<400x128xf32>
    %mul3A_25 = arith.mulf %mul3A_24, %get3A_23 : vector<400x128xf32>
    %add3A_26 = arith.addf %mul3A_25, %add3A : vector<400x128xf32>
    %dot_general3A = arith.constant dense<0.000000e+00> : vector<400x256xf32>
    %dot_general3A_27 = tpu.matmul %add3A_26, %mul3A, %dot_general3A {dimension_numbers = #tpu.dot_dimension_numbers<[1], [1], [0], [0], [0, 0, 1, 0], [], []>, transpose_lhs_hint = false} : vector<400x128xf32>, vector<256x128xf32>, vector<400x256xf32> -> vector<400x256xf32>
    %get3A_28 = arith.constant 0 : index
    %get3A_29 = arith.constant 0 : index
    %get3A_30 = vector.load %arg6[%get3A_28, %get3A_29] : memref<1x256xf32, #tpu.memory_space<vmem>>, vector<1x256xf32>
    %add3A_31 = vector.broadcast %get3A_30 : vector<1x256xf32> to vector<400x256xf32>
    %add3A_32 = arith.addf %dot_general3A_27, %add3A_31 : vector<400x256xf32>
    %max3A = arith.constant 0.000000e+00 : f32
    %max3A_33 = vector.broadcast %max3A : f32 to vector<400x256xf32>
    %max3A_34 = arith.maximumf %add3A_32, %max3A_33 : vector<400x256xf32>
    %slice3A = vector.extract_strided_slice %max3A_34 {offsets = [0, 0], sizes = [400, 128], strides = [1, 1]} : vector<400x256xf32> to vector<400x128xf32>
    %swap3A = arith.constant 0 : index
    %swap3A_35 = arith.constant 0 : index
    %swap3A_36 = arith.constant 0 : index
    %swap3A_37 = vector.load %arg7[%swap3A, %swap3A_35, %swap3A_36] : memref<2x400x128xf32, #tpu.memory_space<vmem>>, vector<1x400x128xf32>
    %swap3A_38 = vector.shape_cast %swap3A_37 : vector<1x400x128xf32> to vector<400x128xf32>
    %swap3A_39 = vector.shape_cast %slice3A : vector<400x128xf32> to vector<1x400x128xf32>
    tpu.vector_store %arg7[%swap3A, %swap3A_35, %swap3A_36], %swap3A_39 {strides = array<i32>} : memref<2x400x128xf32, #tpu.memory_space<vmem>>, vector<1x400x128xf32>,
    %slice3A_40 = vector.extract_strided_slice %max3A_34 {offsets = [0, 128], sizes = [400, 128], strides = [1, 1]} : vector<400x256xf32> to vector<400x128xf32>
    %swap3A_41 = arith.constant 1 : index
    %swap3A_42 = arith.constant 0 : index
    %swap3A_43 = arith.constant 0 : index
    %swap3A_44 = vector.load %arg7[%swap3A_41, %swap3A_42, %swap3A_43] : memref<2x400x128xf32, #tpu.memory_space<vmem>>, vector<1x400x128xf32>
    %swap3A_45 = vector.shape_cast %swap3A_44 : vector<1x400x128xf32> to vector<400x128xf32>
    %swap3A_46 = vector.shape_cast %slice3A_40 : vector<400x128xf32> to vector<1x400x128xf32>
    tpu.vector_store %arg7[%swap3A_41, %swap3A_42, %swap3A_43], %swap3A_46 {strides = array<i32>} : memref<2x400x128xf32, #tpu.memory_space<vmem>>, vector<1x400x128xf32>,
    return
  }
  func.func @transform_0(%arg0: i32) -> (i32, i32) {
    %c0_i32 = arith.constant 0 : i32
    %c0_i32_0 = arith.constant 0 : i32
    %c0_i32_1 = arith.constant 0 : i32
    return %c0_i32, %c0_i32_0 : i32, i32
  }
  func.func @transform_1(%arg0: i32) -> (i32, i32) {
    %c0_i32 = arith.constant 0 : i32
    %c0_i32_0 = arith.constant 0 : i32
    return %arg0, %c0_i32 : i32, i32
  }
  func.func @transform_2(%arg0: i32) -> (i32, i32, i32) {
    %c0_i32 = arith.constant 0 : i32
    %c0_i32_0 = arith.constant 0 : i32
    %c0_i32_1 = arith.constant 0 : i32
    return %c0_i32, %arg0, %c0_i32_0 : i32, i32, i32
  }
  func.func @transform_3(%arg0: i32) -> (i32, i32) {
    %c0_i32 = arith.constant 0 : i32
    %c0_i32_0 = arith.constant 0 : i32
    %c0_i32_1 = arith.constant 0 : i32
    return %c0_i32, %c0_i32_0 : i32, i32
  }
  func.func @transform_4(%arg0: i32) -> (i32, i32) {
    %c0_i32 = arith.constant 0 : i32
    %c0_i32_0 = arith.constant 0 : i32
    %c0_i32_1 = arith.constant 0 : i32
    return %c0_i32, %c0_i32_0 : i32, i32
  }
  func.func @transform_5(%arg0: i32) -> (i32, i32) {
    %c0_i32 = arith.constant 0 : i32
    %c0_i32_0 = arith.constant 0 : i32
    %c0_i32_1 = arith.constant 0 : i32
    return %c0_i32, %c0_i32_0 : i32, i32
  }
  func.func @transform_6(%arg0: i32) -> (i32, i32, i32) {
    %c0_i32 = arith.constant 0 : i32
    %c0_i32_0 = arith.constant 0 : i32
    %c0_i32_1 = arith.constant 0 : i32
    return %c0_i32, %arg0, %c0_i32_0 : i32, i32, i32
  }
}

module attributes {stable_mosaic.version = 14 : i64} {
  func.func @_l2_body(%arg0: i32, %arg1: memref<1x1xf32, #tpu.memory_space<vmem>>, %arg2: memref<2x400x128xf32, #tpu.memory_space<vmem>>, %arg3: memref<2x400x128xf32, #tpu.memory_space<vmem>>, %arg4: memref<256x256xf32, #tpu.memory_space<vmem>>, %arg5: memref<256x256xf32, #tpu.memory_space<vmem>>, %arg6: memref<1x256xf32, #tpu.memory_space<vmem>>, %arg7: memref<1x1x400xi32, #tpu.memory_space<vmem>>, %arg8: memref<10x256xf32, #tpu.memory_space<vmem>>, %arg9: memref<1x10xf32, #tpu.memory_space<vmem>>, %arg10: memref<64x10xf32, #tpu.memory_space<vmem>>, %arg11: memref<64x256xf32, #tpu.memory_space<vmem>>, %arg12: memref<64x1xf32, #tpu.memory_space<vmem>>) attributes {dimension_semantics = [#tpu.dimension_semantics<arbitrary>], iteration_bounds = array<i64: 25>, scalar_prefetch = 0 : i64, scratch_operands = 2 : i64, tpu.core_type = #tpu.core_type<tc>, window_params = [{pipeline_mode = #tpu.pipeline_mode<synchronous>, transform_indices = @transform_0, window_bounds = array<i64: 1, 1>}, {transform_indices = @transform_1, window_bounds = array<i64: 2, 400, 128>}, {transform_indices = @transform_2, window_bounds = array<i64: 2, 400, 128>}, {pipeline_mode = #tpu.pipeline_mode<synchronous>, transform_indices = @transform_3, window_bounds = array<i64: 256, 256>}, {pipeline_mode = #tpu.pipeline_mode<synchronous>, transform_indices = @transform_4, window_bounds = array<i64: 256, 256>}, {pipeline_mode = #tpu.pipeline_mode<synchronous>, transform_indices = @transform_5, window_bounds = array<i64: 1, 256>}, {transform_indices = @transform_6, window_bounds = array<i64: 1, 1, 400>}, {pipeline_mode = #tpu.pipeline_mode<synchronous>, transform_indices = @transform_7, window_bounds = array<i64: 10, 256>}, {pipeline_mode = #tpu.pipeline_mode<synchronous>, transform_indices = @transform_8, window_bounds = array<i64: 1, 10>}, {pipeline_mode = #tpu.pipeline_mode<synchronous>, transform_indices = @transform_9, window_bounds = array<i64: 64, 10>}]} {
    %eq3A = arith.constant 0 : i32
    %eq3A_0 = arith.cmpi eq, %arg0, %eq3A : i32
    %convert_element_type3A = arith.extui %eq3A_0 : i1 to i32
    %cond3A = arith.constant 0 : i32
    %cond3A_1 = arith.cmpi ne, %convert_element_type3A, %cond3A : i32
    scf.if %cond3A_1 {
      %broadcast_in_dim3A_75 = arith.constant 0.000000e+00 : f32
      %broadcast_in_dim3A_76 = vector.broadcast %broadcast_in_dim3A_75 : f32 to vector<64x256xf32>
      %swap3A_77 = arith.constant 0 : index
      %swap3A_78 = arith.constant 0 : index
      %swap3A_79 = vector.load %arg11[%swap3A_77, %swap3A_78] : memref<64x256xf32, #tpu.memory_space<vmem>>, vector<64x256xf32>
      tpu.vector_store %arg11[%swap3A_77, %swap3A_78], %broadcast_in_dim3A_76 {strides = array<i32>} : memref<64x256xf32, #tpu.memory_space<vmem>>, vector<64x256xf32>,
      %broadcast_in_dim3A_80 = arith.constant 0.000000e+00 : f32
      %broadcast_in_dim3A_81 = vector.broadcast %broadcast_in_dim3A_80 : f32 to vector<64x1xf32>
      %swap3A_82 = arith.constant 0 : index
      %swap3A_83 = arith.constant 0 : index
      %swap3A_84 = vector.load %arg12[%swap3A_82, %swap3A_83] : memref<64x1xf32, #tpu.memory_space<vmem>>, vector<64x1xf32>
      tpu.vector_store %arg12[%swap3A_82, %swap3A_83], %broadcast_in_dim3A_81 {strides = array<i32>} : memref<64x1xf32, #tpu.memory_space<vmem>>, vector<64x1xf32>,
    } else {
    }
    %get3A = arith.constant 0 : index
    %get3A_2 = arith.constant 0 : index
    %get3A_3 = vector.load %arg4[%get3A, %get3A_2] : memref<256x256xf32, #tpu.memory_space<vmem>>, vector<256x256xf32>
    %get3A_4 = arith.constant 0 : index
    %get3A_5 = arith.constant 0 : index
    %get3A_6 = vector.load %arg5[%get3A_4, %get3A_5] : memref<256x256xf32, #tpu.memory_space<vmem>>, vector<256x256xf32>
    %mul3A = arith.mulf %get3A_3, %get3A_6 : vector<256x256xf32>
    %get3A_7 = arith.constant 0 : index
    %get3A_8 = arith.constant 0 : index
    %get3A_9 = arith.constant 0 : index
    %get3A_10 = vector.load %arg2[%get3A_7, %get3A_8, %get3A_9] : memref<2x400x128xf32, #tpu.memory_space<vmem>>, vector<1x400x128xf32>
    %get3A_11 = vector.shape_cast %get3A_10 : vector<1x400x128xf32> to vector<400x128xf32>
    %get3A_12 = arith.constant 1 : index
    %get3A_13 = arith.constant 0 : index
    %get3A_14 = arith.constant 0 : index
    %get3A_15 = vector.load %arg2[%get3A_12, %get3A_13, %get3A_14] : memref<2x400x128xf32, #tpu.memory_space<vmem>>, vector<1x400x128xf32>
    %get3A_16 = vector.shape_cast %get3A_15 : vector<1x400x128xf32> to vector<400x128xf32>
    %concatenate3A = tpu.concatenate %get3A_11, %get3A_16 in 1 : vector<400x128xf32>, vector<400x128xf32> -> vector<400x256xf32>
    %get3A_17 = arith.constant 0 : index
    %get3A_18 = arith.constant 0 : index
    %get3A_19 = arith.constant 0 : index
    %get3A_20 = vector.load %arg3[%get3A_17, %get3A_18, %get3A_19] : memref<2x400x128xf32, #tpu.memory_space<vmem>>, vector<1x400x128xf32>
    %get3A_21 = vector.shape_cast %get3A_20 : vector<1x400x128xf32> to vector<400x128xf32>
    %get3A_22 = arith.constant 1 : index
    %get3A_23 = arith.constant 0 : index
    %get3A_24 = arith.constant 0 : index
    %get3A_25 = vector.load %arg3[%get3A_22, %get3A_23, %get3A_24] : memref<2x400x128xf32, #tpu.memory_space<vmem>>, vector<1x400x128xf32>
    %get3A_26 = vector.shape_cast %get3A_25 : vector<1x400x128xf32> to vector<400x128xf32>
    %concatenate3A_27 = tpu.concatenate %get3A_21, %get3A_26 in 1 : vector<400x128xf32>, vector<400x128xf32> -> vector<400x256xf32>
    %get3A_28 = arith.constant 0 : index
    %get3A_29 = arith.constant 0 : index
    %get3A_30 = vector.load %arg1[%get3A_28, %get3A_29] : memref<1x1xf32, #tpu.memory_space<vmem>>, vector<1x1xf32>
    %get3A_31 = vector.extract %get3A_30[0, 0] : f32 from vector<1x1xf32>
    %add3A = arith.constant 1.000000e+00 : f32
    %add3A_32 = arith.addf %add3A, %get3A_31 : f32
    %mul3A_33 = vector.broadcast %add3A_32 : f32 to vector<400x256xf32>
    %mul3A_34 = arith.mulf %mul3A_33, %concatenate3A : vector<400x256xf32>
    %add3A_35 = arith.addf %mul3A_34, %concatenate3A_27 : vector<400x256xf32>
    %dot_general3A = arith.constant dense<0.000000e+00> : vector<400x256xf32>
    %dot_general3A_36 = tpu.matmul %add3A_35, %mul3A, %dot_general3A {dimension_numbers = #tpu.dot_dimension_numbers<[1], [1], [0], [0], [0, 0, 1, 0], [], []>, transpose_lhs_hint = false} : vector<400x256xf32>, vector<256x256xf32>, vector<400x256xf32> -> vector<400x256xf32>
    %get3A_37 = arith.constant 0 : index
    %get3A_38 = arith.constant 0 : index
    %get3A_39 = vector.load %arg6[%get3A_37, %get3A_38] : memref<1x256xf32, #tpu.memory_space<vmem>>, vector<1x256xf32>
    %add3A_40 = vector.broadcast %get3A_39 : vector<1x256xf32> to vector<400x256xf32>
    %add3A_41 = arith.addf %dot_general3A_36, %add3A_40 : vector<400x256xf32>
    %max3A = arith.constant 0.000000e+00 : f32
    %max3A_42 = vector.broadcast %max3A : f32 to vector<400x256xf32>
    %max3A_43 = arith.maximumf %add3A_41, %max3A_42 : vector<400x256xf32>
    %get3A_44 = arith.constant 0 : index
    %get3A_45 = arith.constant 0 : index
    %get3A_46 = arith.constant 0 : index
    %get3A_47 = vector.load %arg7[%get3A_44, %get3A_45, %get3A_46] : memref<1x1x400xi32, #tpu.memory_space<vmem>>, vector<1x1x400xi32>
    %get3A_48 = vector.shape_cast %get3A_47 : vector<1x1x400xi32> to vector<400xi32>
    %iota3A = tpu.iota {dimensions = array<i32: 0>} : vector<64x400xi32>
    %broadcast_in_dim3A = vector.shape_cast %get3A_48 : vector<400xi32> to vector<1x400xi32>
    %eq3A_49 = vector.broadcast %broadcast_in_dim3A : vector<1x400xi32> to vector<64x400xi32>
    %eq3A_50 = arith.cmpi eq, %iota3A, %eq3A_49 : vector<64x400xi32>
    %convert_element_type3A_51 = arith.extui %eq3A_50 : vector<64x400xi1> to vector<64x400xi32>
    %convert_element_type3A_52 = arith.sitofp %convert_element_type3A_51 : vector<64x400xi32> to vector<64x400xf32>
    %get3A_53 = arith.constant 0 : index
    %get3A_54 = arith.constant 0 : index
    %get3A_55 = vector.load %arg11[%get3A_53, %get3A_54] : memref<64x256xf32, #tpu.memory_space<vmem>>, vector<64x256xf32>
    %dot_general3A_56 = arith.constant dense<0.000000e+00> : vector<64x256xf32>
    %dot_general3A_57 = tpu.matmul %convert_element_type3A_52, %max3A_43, %dot_general3A_56 {dimension_numbers = #tpu.dot_dimension_numbers<[1], [0], [0], [1], [0, 0, 1, 1], [], []>, transpose_lhs_hint = false} : vector<64x400xf32>, vector<400x256xf32>, vector<64x256xf32> -> vector<64x256xf32>
    %add3A_58 = arith.addf %get3A_55, %dot_general3A_57 : vector<64x256xf32>
    %swap3A = arith.constant 0 : index
    %swap3A_59 = arith.constant 0 : index
    %swap3A_60 = vector.load %arg11[%swap3A, %swap3A_59] : memref<64x256xf32, #tpu.memory_space<vmem>>, vector<64x256xf32>
    tpu.vector_store %arg11[%swap3A, %swap3A_59], %add3A_58 {strides = array<i32>} : memref<64x256xf32, #tpu.memory_space<vmem>>, vector<64x256xf32>,
    %get3A_61 = arith.constant 0 : index
    %get3A_62 = arith.constant 0 : index
    %get3A_63 = vector.load %arg12[%get3A_61, %get3A_62] : memref<64x1xf32, #tpu.memory_space<vmem>>, vector<64x1xf32>
    %reduce_sum3A = arith.constant dense<0.000000e+00> : vector<64xf32>
    %reduce_sum3A_64 = vector.multi_reduction <add>, %convert_element_type3A_52, %reduce_sum3A [1] : vector<64x400xf32> to vector<64xf32>
    %broadcast_in_dim3A_65 = vector.shape_cast %reduce_sum3A_64 : vector<64xf32> to vector<64x1xf32>
    %add3A_66 = arith.addf %get3A_63, %broadcast_in_dim3A_65 : vector<64x1xf32>
    %swap3A_67 = arith.constant 0 : index
    %swap3A_68 = arith.constant 0 : index
    %swap3A_69 = vector.load %arg12[%swap3A_67, %swap3A_68] : memref<64x1xf32, #tpu.memory_space<vmem>>, vector<64x1xf32>
    tpu.vector_store %arg12[%swap3A_67, %swap3A_68], %add3A_66 {strides = array<i32>} : memref<64x1xf32, #tpu.memory_space<vmem>>, vector<64x1xf32>,
    %eq3A_70 = arith.constant 24 : i32
    %eq3A_71 = arith.cmpi eq, %arg0, %eq3A_70 : i32
    %convert_element_type3A_72 = arith.extui %eq3A_71 : i1 to i32
    %cond3A_73 = arith.constant 0 : i32
    %cond3A_74 = arith.cmpi ne, %convert_element_type3A_72, %cond3A_73 : i32
    scf.if %cond3A_74 {
      %get3A_75 = arith.constant 0 : index
      %get3A_76 = arith.constant 0 : index
      %get3A_77 = vector.load %arg11[%get3A_75, %get3A_76] : memref<64x256xf32, #tpu.memory_space<vmem>>, vector<64x256xf32>
      %get3A_78 = arith.constant 0 : index
      %get3A_79 = arith.constant 0 : index
      %get3A_80 = vector.load %arg12[%get3A_78, %get3A_79] : memref<64x1xf32, #tpu.memory_space<vmem>>, vector<64x1xf32>
      %max3A_81 = arith.constant 1.000000e+00 : f32
      %max3A_82 = vector.broadcast %max3A_81 : f32 to vector<64x1xf32>
      %max3A_83 = arith.maximumf %get3A_80, %max3A_82 : vector<64x1xf32>
      %div3A = vector.broadcast %max3A_83 : vector<64x1xf32> to vector<64x256xf32>
      %div3A_84 = arith.divf %get3A_77, %div3A : vector<64x256xf32>
      %get3A_85 = arith.constant 0 : index
      %get3A_86 = arith.constant 0 : index
      %get3A_87 = vector.load %arg8[%get3A_85, %get3A_86] : memref<10x256xf32, #tpu.memory_space<vmem>>, vector<10x256xf32>
      %dot_general3A_88 = arith.constant dense<0.000000e+00> : vector<64x10xf32>
      %dot_general3A_89 = tpu.matmul %div3A_84, %get3A_87, %dot_general3A_88 {dimension_numbers = #tpu.dot_dimension_numbers<[1], [1], [0], [0], [0, 0, 1, 0], [], []>, transpose_lhs_hint = false} : vector<64x256xf32>, vector<10x256xf32>, vector<64x10xf32> -> vector<64x10xf32>
      %get3A_90 = arith.constant 0 : index
      %get3A_91 = arith.constant 0 : index
      %get3A_92 = vector.load %arg9[%get3A_90, %get3A_91] : memref<1x10xf32, #tpu.memory_space<vmem>>, vector<1x10xf32>
      %add3A_93 = vector.broadcast %get3A_92 : vector<1x10xf32> to vector<64x10xf32>
      %add3A_94 = arith.addf %dot_general3A_89, %add3A_93 : vector<64x10xf32>
      %logistic3A = arith.negf %add3A_94 : vector<64x10xf32>
      %logistic3A_95 = math.exp %logistic3A : vector<64x10xf32>
      %logistic3A_96 = arith.constant 1.000000e+00 : f32
      %logistic3A_97 = vector.broadcast %logistic3A_96 : f32 to vector<64x10xf32>
      %logistic3A_98 = arith.addf %logistic3A_97, %logistic3A_95 : vector<64x10xf32>
      %logistic3A_99 = arith.divf %logistic3A_97, %logistic3A_98 : vector<64x10xf32>
      %swap3A_100 = arith.constant 0 : index
      %swap3A_101 = arith.constant 0 : index
      %swap3A_102 = vector.load %arg10[%swap3A_100, %swap3A_101] : memref<64x10xf32, #tpu.memory_space<vmem>>, vector<64x10xf32>
      tpu.vector_store %arg10[%swap3A_100, %swap3A_101], %logistic3A_99 {strides = array<i32>} : memref<64x10xf32, #tpu.memory_space<vmem>>, vector<64x10xf32>,
    } else {
    }
    return
  }
  func.func @transform_0(%arg0: i32) -> (i32, i32) {
    %c0_i32 = arith.constant 0 : i32
    %c0_i32_0 = arith.constant 0 : i32
    %c0_i32_1 = arith.constant 0 : i32
    return %c0_i32, %c0_i32_0 : i32, i32
  }
  func.func @transform_1(%arg0: i32) -> (i32, i32, i32) {
    %c0_i32 = arith.constant 0 : i32
    %c0_i32_0 = arith.constant 0 : i32
    %c0_i32_1 = arith.constant 0 : i32
    return %c0_i32, %arg0, %c0_i32_0 : i32, i32, i32
  }
  func.func @transform_2(%arg0: i32) -> (i32, i32, i32) {
    %c0_i32 = arith.constant 0 : i32
    %c0_i32_0 = arith.constant 0 : i32
    %c0_i32_1 = arith.constant 0 : i32
    return %c0_i32, %arg0, %c0_i32_0 : i32, i32, i32
  }
  func.func @transform_3(%arg0: i32) -> (i32, i32) {
    %c0_i32 = arith.constant 0 : i32
    %c0_i32_0 = arith.constant 0 : i32
    %c0_i32_1 = arith.constant 0 : i32
    return %c0_i32, %c0_i32_0 : i32, i32
  }
  func.func @transform_4(%arg0: i32) -> (i32, i32) {
    %c0_i32 = arith.constant 0 : i32
    %c0_i32_0 = arith.constant 0 : i32
    %c0_i32_1 = arith.constant 0 : i32
    return %c0_i32, %c0_i32_0 : i32, i32
  }
  func.func @transform_5(%arg0: i32) -> (i32, i32) {
    %c0_i32 = arith.constant 0 : i32
    %c0_i32_0 = arith.constant 0 : i32
    %c0_i32_1 = arith.constant 0 : i32
    return %c0_i32, %c0_i32_0 : i32, i32
  }
  func.func @transform_6(%arg0: i32) -> (i32, i32, i32) {
    %c0_i32 = arith.constant 0 : i32
    %c0_i32_0 = arith.constant 0 : i32
    %c0_i32_1 = arith.constant 0 : i32
    return %arg0, %c0_i32, %c0_i32_0 : i32, i32, i32
  }
  func.func @transform_7(%arg0: i32) -> (i32, i32) {
    %c0_i32 = arith.constant 0 : i32
    %c0_i32_0 = arith.constant 0 : i32
    %c0_i32_1 = arith.constant 0 : i32
    return %c0_i32, %c0_i32_0 : i32, i32
  }
  func.func @transform_8(%arg0: i32) -> (i32, i32) {
    %c0_i32 = arith.constant 0 : i32
    %c0_i32_0 = arith.constant 0 : i32
    %c0_i32_1 = arith.constant 0 : i32
    return %c0_i32, %c0_i32_0 : i32, i32
  }
  func.func @transform_9(%arg0: i32) -> (i32, i32) {
    %c0_i32 = arith.constant 0 : i32
    %c0_i32_0 = arith.constant 0 : i32
    %c0_i32_1 = arith.constant 0 : i32
    return %c0_i32, %c0_i32_0 : i32, i32
  }
}

</mosaic_0001>

<sc_bundles>
// kernel: kernel.6.cloned.1.call-start
scs
__scs_entry_jumppad:
0x0: {  	(pc) =	sbr.rel $0x88, $3  }
0x1: {  	(tag) =	ssettag $0x0;
	lr =	simm.s32 $0x1  }
0x2: {  	[smem:$0x3F94] =	sst lr;
	_ =	strace $0xD0000000  }
0x3: {  	_ = 	snop  }
0x4: {  	_ = 	snop  }
0x5: {  	_ = 	snop  }
0x6: {  	_ = 	snop  }
0x7: {  	_ = 	snop  }
__scs_overlays_trampoline_lowered:
0x8: {  	[smem:$0x3FA3] =	sst s0  }
0x9: {  	[smem:$0x3FA4] =	sst s1  }
0xa: {  	[smem:$0x3FA5] =	sst s2  }
0xb: {  	[smem:$0x3FA6] =	sst s3  }
0xc: {  	[smem:$0x3FA7] =	sst s4  }
0xd: {  	[smem:$0x3FA8] =	sst s5  }
0xe: {  	[smem:$0x3FA9] =	sst s6  }
0xf: {  	[smem:$0x3FAA] =	sst s7  }
0x10: {  	[smem:$0x3FAB] =	sst s8  }
0x11: {  	[smem:$0x3FAC] =	sst s9;
	s0 =	simm.s32 @!p0 $0x0  }
0x12: {  	s1 =	sld [smem:$0x3F92];
	s0 =	simm.s32 @p0 $0x1  }
0x13: {  	[smem:$0x3FAD] =	sst s0;
	s0 =	simm.s32 @!p1 $0x0  }
0x14: {  	s2 =	sld [smem:$0x3F91];
	s0 =	simm.s32 @p1 $0x1  }
0x15: {  	[smem:$0x3FAE] =	sst s0;
	s0 =	simm.s32 @!p2 $0x0  }
0x16: {  	s3 =	sld [smem:$0x3FDB];
	s0 =	simm.s32 @p2 $0x1  }
0x17: {  	s4 =	simm.s32 $0x1BF5;
	[smem:$0x3FB0] =	sst s0  }
0x18: {  	s0 =	sld [smem:$0x3F93];
	_ =	swait.ge [sflag:s4], $0x0  }
0x19: {  	s7 =	sld [smem:$0x3F94]  }
0x1a: {  	s8 =	sadd.s32 $0xFFFFE003, lr  }
0x1b: {  	s9 =	sadd.s32 $0xFFFFFEF7, lr;
	s5 =	simm.s32 $0xFFFFFFFF;
	p2 =	slt.u32 s8, $0xFFFFF086  }
0x1c: {  	p1 =	slt.u32 s9, $0xF7A;
	s5 =	simm.s32 @!p2 $0x0  }
0x1d: {  	s5 =	simm.s32 @p1 $0x1;
	p0 =	seq.s32 s7, s2  }
0x1e: {  	s7 =	smul.u32 @!p0 $0xF7A, s2;
	p2 =	seq.s32 @!p0 s5, $0x0  }
0x1f: {  	s9 =	smul.u32 $0xF7A, s1;
	s8 =	simm.s32 @!p0 $0x1BF5;
	p2 =	por !p2, p0  }
0x20: {  	[sflag:s8] =	ssyncset.s32 @!p0 $0xFFFFF086;
	s6 =	sadd.s32 @!p0 s3, s7;
	s7 =	simm.s32 @!p0 $0x108  }
0x21: {  	s3 =	sadd.s32 s3, s9;
	s6 =	sadd.s32 @!p0 $0x88, s6;
	s7 =	simm.s32 @p2 $0x1082  }
0x22: {  	[simem:s7], [sflag:s8] =	dma.local @!p0 [hbm:s6], $0xF7A  }
0x23: {  	s9 =	sor.u32 $0xD0000000, s2;
	s6 =	simm.s32 $0x108;
	_ =	swait.ge @!p0 [sflag:s8], $0x0  }
0x24: {  	s3 =	sadd.s32 $0x88, s3;
	s6 =	simm.s32 @!p1 $0x1082;
	[sflag:s4] =	ssyncset.s32 $0xFFFFF086  }
0x25: {  	[simem:s6], [sflag:s4] =	dma.local [hbm:s3], $0xF7A  }
0x26: {  	[smem:$0x3F94] =	sst s1;
	(tag) =	ssettag s2;
	_ =	strace s9  }
0x27: {  	s1 =	sld [smem:$0x3FA4]  }
0x28: {  	s2 =	sld [smem:$0x3FA5]  }
0x29: {  	s4 =	sld [smem:$0x3FA7]  }
0x2a: {  	p0 =	seq.s32 s5, $0x0;
	s5 =	sld [smem:$0x3FA8]  }
0x2b: {  	s6 =	sld [smem:$0x3FA9]  }
0x2c: {  	s7 =	sld [smem:$0x3FAA]  }
0x2d: {  	s3 =	simm.s32 $0x108;
	s8 =	sld [smem:$0x3FAB]  }
0x2e: {  	s3 =	simm.s32 @!p0 $0x1082;
	s9 =	sld [smem:$0x3FAC]  }
0x2f: {  	lr =	sadd.s32 s0, s3;
	s0 =	sld [smem:$0x3FA3]  }
0x30: {  	s3 =	sld [smem:$0x3FA6]  }
0x31: {  	[smem:$0x3FAF] =	sst s10  }
0x32: {  	s10 =	sld [smem:$0x3FAD];
	_ =	sdelay $0x3  }
0x33: {  	p0 =	seq.s32 s10, $0x1;
	s10 =	sld [smem:$0x3FAF];
	_ =	sdelay $0x3  }
0x34: {  	[smem:$0x3FAF] =	sst s10  }
0x35: {  	s10 =	sld [smem:$0x3FAE];
	_ =	sdelay $0x3  }
0x36: {  	p1 =	seq.s32 s10, $0x1;
	s10 =	sld [smem:$0x3FAF];
	_ =	sdelay $0x3  }
0x37: {  	[smem:$0x3FAF] =	sst s10  }
0x38: {  	s10 =	sld [smem:$0x3FB0]  }
0x39: {  	_ = 	snop;
	(pc) =	sbr.ind lr, $3  }
0x3a: {  	_ = 	snop  }
0x3b: {  	_ = 	snop  }
0x3c: {  	p2 =	seq.s32 s10, $0x1;
	s10 =	sld [smem:$0x3FAF]  }
0x3d: {  	_ =	shalt  }
0x3e: {  	_ =	shalt  }
0x3f: {  	_ =	shalt  }
0x40: {  	_ =	shalt  }
0x41: {  	_ =	shalt  }
0x42: {  	_ =	shalt  }
0x43: {  	_ =	shalt  }
0x44: {  	_ =	shalt  }
0x45: {  	_ =	shalt  }
0x46: {  	_ =	shalt  }
0x47: {  	_ =	shalt  }
0x48: {  	_ =	shalt  }
0x49: {  	_ =	shalt  }
0x4a: {  	_ =	shalt  }
0x4b: {  	_ =	shalt  }
0x4c: {  	_ =	shalt  }
0x4d: {  	_ =	shalt  }
0x4e: {  	_ =	shalt  }
0x4f: {  	_ =	shalt  }
0x50: {  	_ =	shalt  }
0x51: {  	_ =	shalt  }
0x52: {  	_ =	shalt  }
0x53: {  	_ =	shalt  }
0x54: {  	_ =	shalt  }
0x55: {  	_ =	shalt  }
0x56: {  	_ =	shalt  }
0x57: {  	_ =	shalt  }
0x58: {  	_ =	shalt  }
0x59: {  	_ =	shalt  }
0x5a: {  	_ =	shalt  }
0x5b: {  	_ =	shalt  }
0x5c: {  	_ =	shalt  }
0x5d: {  	_ =	shalt  }
0x5e: {  	_ =	shalt  }
0x5f: {  	_ =	shalt  }
0x60: {  	_ =	shalt  }
0x61: {  	_ =	shalt  }
0x62: {  	_ =	shalt  }
0x63: {  	_ =	shalt  }
0x64: {  	_ =	shalt  }
0x65: {  	_ =	shalt  }
0x66: {  	_ =	shalt  }
0x67: {  	_ =	shalt  }
0x68: {  	_ =	shalt  }
0x69: {  	_ =	shalt  }
0x6a: {  	_ =	shalt  }
0x6b: {  	_ =	shalt  }
0x6c: {  	_ =	shalt  }
0x6d: {  	_ =	shalt  }
0x6e: {  	_ =	shalt  }
0x6f: {  	_ =	shalt  }
0x70: {  	_ =	shalt  }
0x71: {  	_ =	shalt  }
0x72: {  	_ =	shalt  }
0x73: {  	_ =	shalt  }
0x74: {  	_ =	shalt  }
0x75: {  	_ =	shalt  }
0x76: {  	_ =	shalt  }
0x77: {  	_ =	shalt  }
0x78: {  	_ =	shalt  }
0x79: {  	_ =	shalt  }
0x7a: {  	_ =	shalt  }
0x7b: {  	_ =	shalt  }
0x7c: {  	_ =	shalt  }
0x7d: {  	_ =	shalt  }
0x7e: {  	_ =	shalt  }
0x7f: {  	_ =	shalt  }
0x80: {  	_ =	shalt  }
0x81: {  	_ =	shalt  }
0x82: {  	_ =	shalt  }
0x83: {  	_ =	shalt  }
0x84: {  	_ =	shalt  }
0x85: {  	_ =	shalt  }
0x86: {  	_ =	shalt  }
0x87: {  	_ =	shalt  }
.Lfunc_end0:
.L_simem_size_0:
called_computation_lowered:
.L_overlay_start_0:
0x88: {  	s2 =	sld [smem:$0x3FD9]  }
0x89: {  	s3 =	sld [smem:$0x3FFE];
	_ =	sdelay $0x1  }
0x8a: {  	s1 =	srdreg.scid  }
0x8b: {  	s0 =	sand.u32 $0x1, s1  }
0x8c: {  	s17 =	sshll.u32 s0, $0xA;
	s2 =	sadd.s32 s3, s2  }
0x8d: {  	s2 =	sadd.s32 s2, s17  }
0x8e: {  	[smem:$0x3FBB] =	sst s2  }
0x8f: {  	_ = 	snop  }
0x90: {  	s2 =	sld [smem:$0x3FC9];
	(tm) =	ssettm $0x1  }
0x91: {  	s18 =	sld [smem:$0x3FFB];
	_ =	sdelay $0x3  }
0x92: {  	_ =	strace s18  }
0x93: {  	s3 =	sld [smem:$0x3FFC];
	_ =	sdelay $0x3  }
0x94: {  	_ =	strace s3  }
0x95: {  	s3 =	sld [smem:$0x3FFD];
	_ =	sdelay $0x3  }
0x96: {  	_ =	strace s3  }
0x97: {  	_ =	strace $0x8FFFFFFF  }
0x98: {  	s19 =	sld [smem:$0x3FDB];
	_ =	sdelay $0x1  }
0x99: {  	s4 =	simm.s32 $_scs_section_size  }
0x9a: {  	s5 =	simm.s32 $_size__tile_overlayer_lowered;
	s6 =	simm.s32 $_tile_overlayer_lowered  }
0x9b: {  	s22 =	simm.s32 $0x1BFF;
	s21 =	sshll.u32 s6, $0x1;
	s3 =	sadd.s32 s4, s19  }
0x9c: {  	s7 =	simm.s32 $0x0;
	s20 =	sshll.u32 s5, $0x1;
	s5 =	sadd.s32 s21, s3  }
0x9d: {  	[timem:s7], [sflag:s22] =	dma.local [hbm:s5], s20  }
0x9e: {  	_ =	swait.ge [sflag:s22], s20  }
0x9f: {  	s4 =	ssub.s32 $0x0, s20;
	[sflag:s22] =	ssyncset.done $0x0  }
0xa0: {  	[sflag:s22] =	ssyncadd.s32 s4;
	_ =	sdelay $0x1  }
0xa1: {  	s23 =	simm.s32 $0x1B8B  }
0xa2: {  	_ =	swait.ge [sflag:s23], $0x1  }
0xa3: {  	[sflag:s23] =	ssyncset.done $0x0  }
0xa4: {  	s25 =	simm.s32 $0x1B8E;
	s24 =	sld [smem:$0x3FFE];
	[sflag:s23] =	ssyncadd.s32 $0xFFFFFFFF  }
0xa5: {  	s26 =	simm.s32 $execute0_lowered;
	[smem:$0x3FD2] =	sst s25  }
0xa6: {  	s5 =	sshll.u32 s26, $0x1;
	_ =	strace $0x80000046;
	[dreg:$0x1] =	wrdreg $0xFFFFFFFF  }
0xa7: {  	s28 =	simm.s32 $_size_execute0_lowered;
	s3 =	sadd.s32 s3, s5;
	[dreg:$0x0] =	wrdreg $0x0  }
0xa8: {  	s5 =	sshll.u32 s28, $0x1;
	[dreg:$0x2] =	wrdreg s3  }
0xa9: {  	[dreg:$0x3] =	wrdreg s5  }
0xaa: {  	[dreg:$0x4] =	wrdreg $0xC0  }
0xab: {  	_ =	task [dreg:s7], $0x5FFFF  }
0xac: {  	[dreg:$0x1] =	wrdreg $0xFFFFFFFF  }
0xad: {  	[dreg:$0x0] =	wrdreg $0x60  }
0xae: {  	[dreg:$0x2] =	wrdreg s2  }
0xaf: {  	[dreg:$0x3] =	wrdreg s24  }
0xb0: {  	[dreg:$0x4] =	wrdreg $0x90000  }
0xb1: {  	[dreg:$0x5] =	wrdreg $0x9  }
0xb2: {  	_ =	task.clear_ibuf [dreg:s7], $0x6FFFF;
	_ =	strace $0x90000046  }
0xb3: {  	s29 =	simm.s32 $0x9;
	_ =	strace $0x80000048  }
0xb4: {  	_ =	swait.ge [sflag:s29], $0x1  }
0xb5: {  	[sflag:s29] =	ssyncadd.s32 $0xFFFFFFFF  }
0xb6: {  	_ =	strace $0x90000048  }
0xb7: {  	_ =	sfence  }
0xb8: {  	s30 =	sld [smem:$0x0];
	_ =	sdelay $0x2  }
0xb9: {  	s31 =	sshll.u32 s1, $0xD;
	s1 =	sshrl.u32 s1, $0x2  }
0xba: {  	s3 =	sand.u32 $0x4000, s31;
	s1 =	sadd.s32 s1, s30  }
0xbb: {  	s0 =	sor.u32 s3, s0;
	s1 =	sshll.u32 s1, $0x11  }
0xbc: {  	s0 =	sor.u32 s1, s0  }
0xbd: {  	s0 =	sadd.s32 $0x8F2B, s0  }
0xbe: {  	[sflag:s0] =	ssyncadd.remote.s32 $0x1  }
0xbf: {  	_ =	sfence.sel $0xFFFF  }
0xc0: {  	[dreg:$0x0] =	wrdreg $0xFFFFFFFF;
	(pc) =	sbr.abs _section_cstart, $3  }
0xc1: {  	[dreg:$0x1] =	wrdreg $0xFFFFFFFF  }
0xc2: {  	_ =	task.clear_ibuf [dreg:s7], $0x2FFFF;
	_ =	strace $0x9FFFFFFF  }
0xc3: {  	(tm) =	ssettm $0x7FFFFFFF  }
tec
execute0_lowered:
.L_overlay_start_1:
0x0: {  	(tag) =	ssettag $0x1  }
0x1: {  	s1 =	rddreg [dreg:$0x0];
	s0 =	srdreg.scid  }
0x2: {  	s2 =	rddreg [dreg:$0x1];
	s8 =	stileid.u32  }
0x3: {  	s3 =	rddreg [dreg:$0x2];
	s4 =	simm.s32 $0x0;
	s22 =	simm.s32 $0x80  }
0x4: {  	s23 =	simm.s32 $0x100;
	s25 =	simm.s32 $0x180;
	s10 =	simm.s32 $0x880  }
0x5: {  	s11 =	simm.s32 $0x200;
	s12 =	simm.s32 $0x900;
	s13 =	simm.s32 $0x280  }
0x6: {  	s14 =	simm.s32 $0x980;
	[smem:$0x7FF] =	sst s4;
	s9 =	sadd.s32 $0x2A200, s2  }
0x7: {  	s15 =	simm.s32 $0x300;
	_ =	strace $0x80000047;
	[dreg:$0x18] =	wrdreg s9  }
0x8: {  	s16 =	simm.s32 $0xA00;
	s28 =	simm.s32 $0xD80;
	[dreg:$0x6] =	wrdreg s22  }
0x9: {  	s29 =	simm.s32 $0x700;
	s6 =	smul.u32 $0x5000, s8;
	[dreg:$0x7] =	wrdreg s23  }
0xa: {  	s30 =	simm.s32 $0xE00;
	s7 =	smul.u32 $0x4F000, s8;
	[dreg:$0x8] =	wrdreg s25  }
0xb: {  	s0 =	sand.u32 $0x1, s0;
	s26 =	smul.u32 $0x2780, s8;
	[dreg:$0x9] =	wrdreg s10  }
0xc: {  	s31 =	simm.s32 $0x780;
	s5 =	smul.u32 $0x50000, s0;
	[dreg:$0xa] =	wrdreg s11  }
0xd: {  	s21 =	sshll.u32 s8, $0x6;
	s17 =	smul.u32 $0x27800, s0;
	[dreg:$0xb] =	wrdreg s12  }
0xe: {  	s0 =	ssub.s32 $0x2, s0;
	s24 =	sor.u32 $0x1C06, s21;
	[dreg:$0xc] =	wrdreg s13  }
0xf: {  	s9 =	simm.s32 $0x6;
	s10 =	simm.s32 $0x800;
	[dreg:$0xd] =	wrdreg s14  }
0x10: {  	s11 =	simm.s32 $0x40;
	s12 =	simm.s32 $0x1000;
	[dreg:$0xe] =	wrdreg s15  }
0x11: {  	s13 =	simm.s32 $0x3000;
	[dreg:$0xf] =	wrdreg s16;
	s21 =	simm.s32 $0x480  }
0x12: {  	s14 =	simm.s32 $0x5000;
	s22 =	simm.s32 $0xB80;
	[dreg:$0x14] =	wrdreg s21  }
0x13: {  	s15 =	simm.s32 $0x1;
	s23 =	simm.s32 $0x500;
	[dreg:$0x15] =	wrdreg s22  }
0x14: {  	s16 =	simm.s32 $0x7000;
	s25 =	simm.s32 $0xC00;
	[dreg:$0x16] =	wrdreg s23  }
0x15: {  	s18 =	sshrl.u32 s0, $0x1;
	s19 =	sshrl.u32 s7, $0x2;
	[dreg:$0x17] =	wrdreg s25  }
0x16: {  	s21 =	simm.s32 $0x580;
	s22 =	simm.s32 $0xC80;
	s23 =	simm.s32 $0x600  }
0x17: {  	s25 =	simm.s32 $0xD00;
	s7 =	simm.s32 $0x0;
	[dreg:$0x19] =	wrdreg s24  }
0x18: {  	s5 =	sadd.s32 s6, s5;
	s0 =	ssub.s32 s0, s18;
	s6 =	sadd.s32 s19, s3  }
0x19: {  	s18 =	simm.s32 $0xA80;
	s19 =	simm.s32 $0x400;
	s5 =	sshrl.u32 s5, $0x3  }
0x1a: {  	s0 =	smax.u32 s0, $0x1;
	s8 =	sshrl.u32 s6, $0x3;
	[dreg:$0x11] =	wrdreg s18  }
0x1b: {  	[dreg:$0x12] =	wrdreg s19;
	s18 =	simm.s32 $0x5;
	s19 =	simm.s32 $0x3  }
0x1c: {  	s5 =	sadd.s32 s5, s2;
	s2 =	sadd.s32 s17, s2;
	[dreg:$0x1a] =	wrdreg s0  }
0x1d: {  	s17 =	simm.s32 $0x380;
	s0 =	simm.s32 $0xF00;
	[dreg:$0x1b] =	wrdreg s8  }
0x1e: {  	s20 =	sadd.s32 $0x2200, s5;
	s5 =	sadd.s32 $0x16200, s5;
	[dreg:$0x10] =	wrdreg s17  }
0x1f: {  	s2 =	sadd.s32 $0x2CA00, s2;
	s17 =	simm.s32 $0x2;
	[dreg:$0x4] =	wrdreg s20  }
0x20: {  	[dreg:$0x5] =	wrdreg s5;
	s20 =	simm.s32 $0xB00;
	s26 =	sadd.s32 s26, s2  }
0x21: {  	s2 =	simm.s32 $0xE80;
	s5 =	simm.s32 $0xF80;
	[dreg:$0x13] =	wrdreg s20  }
0x22: {  	s20 =	simm.s32 $0x4;
	[dreg:$0x1c] =	wrdreg s26;
	s26 =	simm.s32 $0x680  }
.LBB2_1:
0x23: {  	[dreg:$0x1d] =	wrdreg s7  }
0x24: {  	s6 =	rddreg [dreg:$0x18]  }
0x25: {  	[spmem:s8], [sflag:s24] =	dma.local [hbm:s6], $0x2780  }
0x26: {  	_ =	swait.ge [sflag:s9], $0x2780  }
0x27: {  	[sflag:s9] =	ssyncset.done $0x0  }
0x28: {  	[sflag:s9] =	ssyncadd.s32 $0xFFFFD880  }
0x29: {  	[bflag:$0x0] =	sbarrier.arrive $0xFFFF  }
0x2a: {  	s7 =	rddreg [dreg:$0x5]  }
0x2b: {  	s6 =	sadd.s32 $0x0, s7  }
0x2c: {  	[tilespmem:s4], [sflag:$0x6] =	stream.linear.gather [hbm4b:s6+s4], $0x800, $0x38;
	[tilespmem:$0x1CC00] =	vst v63  }
0x2d: {  	_ =	swait.ge [sflag:s9], $0x800  }
0x2e: {  	s8 =	rddreg [dreg:$0x4];
	[sflag:s9] =	ssyncset.done $0x0  }
0x2f: {  	[sflag:s9] =	ssyncadd.s32 $0xFFFFF800;
	s6 =	sadd.s32 $0x0, s8  }
0x30: {  	[tilespmem:s10], [sflag:$0x6] =	stream.linear.gather [hbm4b:s6+s4], $0x800, $0x38;
	[tilespmem:$0x1CC00] =	vst v63  }
0x31: {  	_ =	swait.ge [sflag:s9], $0x800  }
0x32: {  	[sflag:s9] =	ssyncset.done $0x0  }
0x33: {  	[sflag:s9] =	ssyncadd.s32 $0xFFFFF800  }
0x34: {  	[tilespmem:s12], [sflag:$0x1] =	stream.indirect.gather [hbm4b:s1+s11], $0x80, s4, s11, $0xb8;
	[tilespmem:$0x1CC00] =	vst v63  }
0x35: {  	s24 =	rddreg [dreg:$0x6]  }
0x36: {  	[tilespmem:s13], [sflag:$0x2] =	stream.indirect.gather [hbm4b:s1+s11], $0x80, s24, s11, $0xb8;
	[tilespmem:$0x1CC00] =	vst v63  }
0x37: {  	s7 =	rddreg [dreg:$0x7]  }
0x38: {  	[tilespmem:s14], [sflag:$0x3] =	stream.indirect.gather [hbm4b:s1+s11], $0x80, s7, s11, $0xb8;
	[tilespmem:$0x1CC00] =	vst v63  }
0x39: {  	_ =	swait.ge [sflag:s15], $0x2000  }
0x3a: {  	[sflag:s15] =	ssyncset.done $0x0  }
0x3b: {  	[sflag:s15] =	ssyncadd.s32 $0xFFFFE000  }
0x3c: {  	[spmem:s3] =	stream.indirect.scatter.add.f32 [tilespmem:s12], [sflag:$0x5], $0x80, s10, s11, $0xb8;
	[tilespmem:$0x1CC00] =	vst v63  }
0x3d: {  	s8 =	rddreg [dreg:$0x8]  }
0x3e: {  	[tilespmem:s16], [sflag:$0x4] =	stream.indirect.gather [hbm4b:s1+s11], $0x80, s8, s11, $0xb8;
	[tilespmem:$0x1CC00] =	vst v63  }
0x3f: {  	_ =	swait.ge [sflag:s17], $0x2000  }
0x40: {  	[sflag:s17] =	ssyncset.done $0x0  }
0x41: {  	[sflag:s17] =	ssyncadd.s32 $0xFFFFE000  }
0x42: {  	_ =	swait.ge [sflag:s18], $0x2000  }
0x43: {  	[sflag:s18] =	ssyncset.done $0x0  }
0x44: {  	s24 =	rddreg [dreg:$0x9];
	[sflag:s18] =	ssyncadd.s32 $0xFFFFE000  }
0x45: {  	[spmem:s3] =	stream.indirect.scatter.add.f32 [tilespmem:s13], [sflag:$0x5], $0x80, s24, s11, $0xb8;
	[tilespmem:$0x1CC00] =	vst v63  }
0x46: {  	s7 =	rddreg [dreg:$0xa]  }
0x47: {  	[tilespmem:s12], [sflag:$0x1] =	stream.indirect.gather [hbm4b:s1+s11], $0x80, s7, s11, $0xb8;
	[tilespmem:$0x1CC00] =	vst v63  }
0x48: {  	_ =	swait.ge [sflag:s19], $0x2000  }
0x49: {  	[sflag:s19] =	ssyncset.done $0x0  }
0x4a: {  	[sflag:s19] =	ssyncadd.s32 $0xFFFFE000  }
0x4b: {  	_ =	swait.ge [sflag:s18], $0x2000  }
0x4c: {  	[sflag:s18] =	ssyncset.done $0x0  }
0x4d: {  	s24 =	rddreg [dreg:$0xb];
	[sflag:s18] =	ssyncadd.s32 $0xFFFFE000  }
0x4e: {  	[spmem:s3] =	stream.indirect.scatter.add.f32 [tilespmem:s14], [sflag:$0x5], $0x80, s24, s11, $0xb8;
	[tilespmem:$0x1CC00] =	vst v63  }
0x4f: {  	s7 =	rddreg [dreg:$0xc]  }
0x50: {  	[tilespmem:s13], [sflag:$0x2] =	stream.indirect.gather [hbm4b:s1+s11], $0x80, s7, s11, $0xb8;
	[tilespmem:$0x1CC00] =	vst v63  }
0x51: {  	_ =	swait.ge [sflag:s20], $0x2000  }
0x52: {  	[sflag:s20] =	ssyncset.done $0x0  }
0x53: {  	[sflag:s20] =	ssyncadd.s32 $0xFFFFE000  }
0x54: {  	_ =	swait.ge [sflag:s18], $0x2000  }
0x55: {  	[sflag:s18] =	ssyncset.done $0x0  }
0x56: {  	s24 =	rddreg [dreg:$0xd];
	[sflag:s18] =	ssyncadd.s32 $0xFFFFE000  }
0x57: {  	[spmem:s3] =	stream.indirect.scatter.add.f32 [tilespmem:s16], [sflag:$0x5], $0x80, s24, s11, $0xb8;
	[tilespmem:$0x1CC00] =	vst v63  }
0x58: {  	s7 =	rddreg [dreg:$0xe]  }
0x59: {  	[tilespmem:s14], [sflag:$0x3] =	stream.indirect.gather [hbm4b:s1+s11], $0x80, s7, s11, $0xb8;
	[tilespmem:$0x1CC00] =	vst v63  }
0x5a: {  	_ =	swait.ge [sflag:s15], $0x2000  }
0x5b: {  	[sflag:s15] =	ssyncset.done $0x0  }
0x5c: {  	[sflag:s15] =	ssyncadd.s32 $0xFFFFE000  }
0x5d: {  	_ =	swait.ge [sflag:s18], $0x2000  }
0x5e: {  	[sflag:s18] =	ssyncset.done $0x0  }
0x5f: {  	s24 =	rddreg [dreg:$0xf];
	[sflag:s18] =	ssyncadd.s32 $0xFFFFE000  }
0x60: {  	[spmem:s3] =	stream.indirect.scatter.add.f32 [tilespmem:s12], [sflag:$0x5], $0x80, s24, s11, $0xb8;
	[tilespmem:$0x1CC00] =	vst v63  }
0x61: {  	s7 =	rddreg [dreg:$0x10]  }
0x62: {  	[tilespmem:s16], [sflag:$0x4] =	stream.indirect.gather [hbm4b:s1+s11], $0x80, s7, s11, $0xb8;
	[tilespmem:$0x1CC00] =	vst v63  }
0x63: {  	_ =	swait.ge [sflag:s17], $0x2000  }
0x64: {  	[sflag:s17] =	ssyncset.done $0x0  }
0x65: {  	[sflag:s17] =	ssyncadd.s32 $0xFFFFE000  }
0x66: {  	_ =	swait.ge [sflag:s18], $0x2000  }
0x67: {  	[sflag:s18] =	ssyncset.done $0x0  }
0x68: {  	s24 =	rddreg [dreg:$0x11];
	[sflag:s18] =	ssyncadd.s32 $0xFFFFE000  }
0x69: {  	[spmem:s3] =	stream.indirect.scatter.add.f32 [tilespmem:s13], [sflag:$0x5], $0x80, s24, s11, $0xb8;
	[tilespmem:$0x1CC00] =	vst v63  }
0x6a: {  	s7 =	rddreg [dreg:$0x12]  }
0x6b: {  	[tilespmem:s12], [sflag:$0x1] =	stream.indirect.gather [hbm4b:s1+s11], $0x80, s7, s11, $0xb8;
	[tilespmem:$0x1CC00] =	vst v63  }
0x6c: {  	_ =	swait.ge [sflag:s19], $0x2000  }
0x6d: {  	[sflag:s19] =	ssyncset.done $0x0  }
0x6e: {  	[sflag:s19] =	ssyncadd.s32 $0xFFFFE000  }
0x6f: {  	_ =	swait.ge [sflag:s18], $0x2000  }
0x70: {  	[sflag:s18] =	ssyncset.done $0x0  }
0x71: {  	s24 =	rddreg [dreg:$0x13];
	[sflag:s18] =	ssyncadd.s32 $0xFFFFE000  }
0x72: {  	[spmem:s3] =	stream.indirect.scatter.add.f32 [tilespmem:s14], [sflag:$0x5], $0x80, s24, s11, $0xb8;
	[tilespmem:$0x1CC00] =	vst v63  }
0x73: {  	s7 =	rddreg [dreg:$0x14]  }
0x74: {  	[tilespmem:s13], [sflag:$0x2] =	stream.indirect.gather [hbm4b:s1+s11], $0x80, s7, s11, $0xb8;
	[tilespmem:$0x1CC00] =	vst v63  }
0x75: {  	_ =	swait.ge [sflag:s20], $0x2000  }
0x76: {  	[sflag:s20] =	ssyncset.done $0x0  }
0x77: {  	[sflag:s20] =	ssyncadd.s32 $0xFFFFE000  }
0x78: {  	_ =	swait.ge [sflag:s18], $0x2000  }
0x79: {  	[sflag:s18] =	ssyncset.done $0x0  }
0x7a: {  	s24 =	rddreg [dreg:$0x15];
	[sflag:s18] =	ssyncadd.s32 $0xFFFFE000  }
0x7b: {  	[spmem:s3] =	stream.indirect.scatter.add.f32 [tilespmem:s16], [sflag:$0x5], $0x80, s24, s11, $0xb8;
	[tilespmem:$0x1CC00] =	vst v63  }
0x7c: {  	s7 =	rddreg [dreg:$0x16]  }
0x7d: {  	[tilespmem:s14], [sflag:$0x3] =	stream.indirect.gather [hbm4b:s1+s11], $0x80, s7, s11, $0xb8;
	[tilespmem:$0x1CC00] =	vst v63  }
0x7e: {  	_ =	swait.ge [sflag:s15], $0x2000  }
0x7f: {  	[sflag:s15] =	ssyncset.done $0x0  }
0x80: {  	[sflag:s15] =	ssyncadd.s32 $0xFFFFE000  }
0x81: {  	_ =	swait.ge [sflag:s18], $0x2000  }
0x82: {  	[sflag:s18] =	ssyncset.done $0x0  }
0x83: {  	s24 =	rddreg [dreg:$0x17];
	[sflag:s18] =	ssyncadd.s32 $0xFFFFE000  }
0x84: {  	[spmem:s3] =	stream.indirect.scatter.add.f32 [tilespmem:s12], [sflag:$0x5], $0x80, s24, s11, $0xb8;
	[tilespmem:$0x1CC00] =	vst v63  }
0x85: {  	_ = 	snop  }
0x86: {  	[tilespmem:s16], [sflag:$0x4] =	stream.indirect.gather [hbm4b:s1+s11], $0x80, s21, s11, $0xb8;
	[tilespmem:$0x1CC00] =	vst v63  }
0x87: {  	_ =	swait.ge [sflag:s17], $0x2000  }
0x88: {  	[sflag:s17] =	ssyncset.done $0x0  }
0x89: {  	[sflag:s17] =	ssyncadd.s32 $0xFFFFE000  }
0x8a: {  	_ =	swait.ge [sflag:s18], $0x2000  }
0x8b: {  	[sflag:s18] =	ssyncset.done $0x0  }
0x8c: {  	[sflag:s18] =	ssyncadd.s32 $0xFFFFE000  }
0x8d: {  	[spmem:s3] =	stream.indirect.scatter.add.f32 [tilespmem:s13], [sflag:$0x5], $0x80, s22, s11, $0xb8;
	[tilespmem:$0x1CC00] =	vst v63  }
0x8e: {  	_ = 	snop  }
0x8f: {  	[tilespmem:s12], [sflag:$0x1] =	stream.indirect.gather [hbm4b:s1+s11], $0x80, s23, s11, $0xb8;
	[tilespmem:$0x1CC00] =	vst v63  }
0x90: {  	_ =	swait.ge [sflag:s19], $0x2000  }
0x91: {  	[sflag:s19] =	ssyncset.done $0x0  }
0x92: {  	[sflag:s19] =	ssyncadd.s32 $0xFFFFE000  }
0x93: {  	_ =	swait.ge [sflag:s18], $0x2000  }
0x94: {  	[sflag:s18] =	ssyncset.done $0x0  }
0x95: {  	[sflag:s18] =	ssyncadd.s32 $0xFFFFE000  }
0x96: {  	[spmem:s3] =	stream.indirect.scatter.add.f32 [tilespmem:s14], [sflag:$0x5], $0x80, s25, s11, $0xb8;
	[tilespmem:$0x1CC00] =	vst v63  }
0x97: {  	_ = 	snop  }
0x98: {  	[tilespmem:s13], [sflag:$0x2] =	stream.indirect.gather [hbm4b:s1+s11], $0x80, s26, s11, $0xb8;
	[tilespmem:$0x1CC00] =	vst v63  }
0x99: {  	_ =	swait.ge [sflag:s20], $0x2000  }
0x9a: {  	[sflag:s20] =	ssyncset.done $0x0  }
0x9b: {  	[sflag:s20] =	ssyncadd.s32 $0xFFFFE000  }
0x9c: {  	_ =	swait.ge [sflag:s18], $0x2000  }
0x9d: {  	[sflag:s18] =	ssyncset.done $0x0  }
0x9e: {  	[sflag:s18] =	ssyncadd.s32 $0xFFFFE000  }
0x9f: {  	[spmem:s3] =	stream.indirect.scatter.add.f32 [tilespmem:s16], [sflag:$0x5], $0x80, s28, s11, $0xb8;
	[tilespmem:$0x1CC00] =	vst v63  }
0xa0: {  	_ = 	snop  }
0xa1: {  	[tilespmem:s14], [sflag:$0x3] =	stream.indirect.gather [hbm4b:s1+s11], $0x80, s29, s11, $0xb8;
	[tilespmem:$0x1CC00] =	vst v63  }
0xa2: {  	_ =	swait.ge [sflag:s15], $0x2000  }
0xa3: {  	[sflag:s15] =	ssyncset.done $0x0  }
0xa4: {  	[sflag:s15] =	ssyncadd.s32 $0xFFFFE000  }
0xa5: {  	_ =	swait.ge [sflag:s18], $0x2000  }
0xa6: {  	[sflag:s18] =	ssyncset.done $0x0  }
0xa7: {  	[sflag:s18] =	ssyncadd.s32 $0xFFFFE000  }
0xa8: {  	[spmem:s3] =	stream.indirect.scatter.add.f32 [tilespmem:s12], [sflag:$0x5], $0x80, s30, s11, $0xb8;
	[tilespmem:$0x1CC00] =	vst v63  }
0xa9: {  	_ = 	snop  }
0xaa: {  	[tilespmem:s16], [sflag:$0x4] =	stream.indirect.gather [hbm4b:s1+s11], $0x80, s31, s11, $0xb8;
	[tilespmem:$0x1CC00] =	vst v63  }
0xab: {  	_ =	swait.ge [sflag:s17], $0x2000  }
0xac: {  	[sflag:s17] =	ssyncset.done $0x0  }
0xad: {  	[sflag:s17] =	ssyncadd.s32 $0xFFFFE000  }
0xae: {  	_ =	swait.ge [sflag:s18], $0x2000  }
0xaf: {  	[sflag:s18] =	ssyncset.done $0x0  }
0xb0: {  	[sflag:s18] =	ssyncadd.s32 $0xFFFFE000  }
0xb1: {  	[spmem:s3] =	stream.indirect.scatter.add.f32 [tilespmem:s13], [sflag:$0x5], $0x80, s2, s11, $0xb8;
	[tilespmem:$0x1CC00] =	vst v63  }
0xb2: {  	_ =	swait.ge [sflag:s19], $0x2000  }
0xb3: {  	[sflag:s19] =	ssyncset.done $0x0  }
0xb4: {  	[sflag:s19] =	ssyncadd.s32 $0xFFFFE000  }
0xb5: {  	_ =	swait.ge [sflag:s18], $0x2000  }
0xb6: {  	[sflag:s18] =	ssyncset.done $0x0  }
0xb7: {  	[sflag:s18] =	ssyncadd.s32 $0xFFFFE000  }
0xb8: {  	[spmem:s3] =	stream.indirect.scatter.add.f32 [tilespmem:s14], [sflag:$0x5], $0x80, s0, s11, $0xb8;
	[tilespmem:$0x1CC00] =	vst v63  }
0xb9: {  	_ =	swait.ge [sflag:s20], $0x2000  }
0xba: {  	[sflag:s20] =	ssyncset.done $0x0  }
0xbb: {  	[sflag:s20] =	ssyncadd.s32 $0xFFFFE000  }
0xbc: {  	_ =	swait.ge [sflag:s18], $0x2000  }
0xbd: {  	[sflag:s18] =	ssyncset.done $0x0  }
0xbe: {  	[sflag:s18] =	ssyncadd.s32 $0xFFFFE000  }
0xbf: {  	[spmem:s3] =	stream.indirect.scatter.add.f32 [tilespmem:s16], [sflag:$0x5], $0x80, s5, s11, $0xb8;
	[tilespmem:$0x1CC00] =	vst v63  }
0xc0: {  	s6 =	simm.s32 $0x200;
	_ =	swait.ge [sflag:s18], $0x2000  }
0xc1: {  	s24 =	simm.s32 $0x100;
	s8 =	rddreg [dreg:$0x5];
	[sflag:s18] =	ssyncset.done $0x0  }
.LBB2_2:
0xc2: {  	[sflag:s18] =	ssyncadd.s32 $0xFFFFE000;
	s8 =	sadd.s32 s24, s8  }
0xc3: {  	[tilespmem:s4], [sflag:$0x6] =	stream.linear.gather [hbm4b:s8+s4], $0x800, $0x38;
	[tilespmem:$0x1CC00] =	vst v63  }
0xc4: {  	_ =	swait.ge [sflag:s9], $0x800  }
0xc5: {  	s8 =	rddreg [dreg:$0x4];
	[sflag:s9] =	ssyncset.done $0x0  }
0xc6: {  	[sflag:s9] =	ssyncadd.s32 $0xFFFFF800;
	s8 =	sadd.s32 s24, s8  }
0xc7: {  	[tilespmem:s10], [sflag:$0x6] =	stream.linear.gather [hbm4b:s8+s4], $0x800, $0x38;
	[tilespmem:$0x1CC00] =	vst v63  }
0xc8: {  	_ =	swait.ge [sflag:s9], $0x800  }
0xc9: {  	[sflag:s9] =	ssyncset.done $0x0  }
0xca: {  	s7 =	smov.u32 s6;
	[sflag:s9] =	ssyncadd.s32 $0xFFFFF800  }
0xcb: {  	[tilespmem:s12], [sflag:$0x1] =	stream.indirect.gather [hbm4b:s1+s11], $0x80, s4, s11, $0xb8;
	[tilespmem:$0x1CC00] =	vst v63  }
0xcc: {  	s24 =	smov.u32 s7;
	s7 =	rddreg [dreg:$0x6]  }
0xcd: {  	[tilespmem:s13], [sflag:$0x2] =	stream.indirect.gather [hbm4b:s1+s11], $0x80, s7, s11, $0xb8;
	[tilespmem:$0x1CC00] =	vst v63  }
0xce: {  	s8 =	rddreg [dreg:$0x7]  }
0xcf: {  	[tilespmem:s14], [sflag:$0x3] =	stream.indirect.gather [hbm4b:s1+s11], $0x80, s8, s11, $0xb8;
	[tilespmem:$0x1CC00] =	vst v63  }
0xd0: {  	_ =	swait.ge [sflag:s15], $0x2000  }
0xd1: {  	[sflag:s15] =	ssyncset.done $0x0  }
0xd2: {  	[sflag:s15] =	ssyncadd.s32 $0xFFFFE000  }
0xd3: {  	[spmem:s3] =	stream.indirect.scatter.add.f32 [tilespmem:s12], [sflag:$0x5], $0x80, s10, s11, $0xb8;
	[tilespmem:$0x1CC00] =	vst v63  }
0xd4: {  	s8 =	rddreg [dreg:$0x8]  }
0xd5: {  	[tilespmem:s16], [sflag:$0x4] =	stream.indirect.gather [hbm4b:s1+s11], $0x80, s8, s11, $0xb8;
	[tilespmem:$0x1CC00] =	vst v63  }
0xd6: {  	_ =	swait.ge [sflag:s17], $0x2000  }
0xd7: {  	[sflag:s17] =	ssyncset.done $0x0  }
0xd8: {  	[sflag:s17] =	ssyncadd.s32 $0xFFFFE000  }
0xd9: {  	_ =	swait.ge [sflag:s18], $0x2000  }
0xda: {  	[sflag:s18] =	ssyncset.done $0x0  }
0xdb: {  	s7 =	rddreg [dreg:$0x9];
	[sflag:s18] =	ssyncadd.s32 $0xFFFFE000  }
0xdc: {  	[spmem:s3] =	stream.indirect.scatter.add.f32 [tilespmem:s13], [sflag:$0x5], $0x80, s7, s11, $0xb8;
	[tilespmem:$0x1CC00] =	vst v63  }
0xdd: {  	s8 =	rddreg [dreg:$0xa]  }
0xde: {  	[tilespmem:s12], [sflag:$0x1] =	stream.indirect.gather [hbm4b:s1+s11], $0x80, s8, s11, $0xb8;
	[tilespmem:$0x1CC00] =	vst v63  }
0xdf: {  	_ =	swait.ge [sflag:s19], $0x2000  }
0xe0: {  	[sflag:s19] =	ssyncset.done $0x0  }
0xe1: {  	[sflag:s19] =	ssyncadd.s32 $0xFFFFE000  }
0xe2: {  	_ =	swait.ge [sflag:s18], $0x2000  }
0xe3: {  	[sflag:s18] =	ssyncset.done $0x0  }
0xe4: {  	s7 =	rddreg [dreg:$0xb];
	[sflag:s18] =	ssyncadd.s32 $0xFFFFE000  }
0xe5: {  	[spmem:s3] =	stream.indirect.scatter.add.f32 [tilespmem:s14], [sflag:$0x5], $0x80, s7, s11, $0xb8;
	[tilespmem:$0x1CC00] =	vst v63  }
0xe6: {  	s8 =	rddreg [dreg:$0xc]  }
0xe7: {  	[tilespmem:s13], [sflag:$0x2] =	stream.indirect.gather [hbm4b:s1+s11], $0x80, s8, s11, $0xb8;
	[tilespmem:$0x1CC00] =	vst v63  }
0xe8: {  	_ =	swait.ge [sflag:s20], $0x2000  }
0xe9: {  	[sflag:s20] =	ssyncset.done $0x0  }
0xea: {  	[sflag:s20] =	ssyncadd.s32 $0xFFFFE000  }
0xeb: {  	_ =	swait.ge [sflag:s18], $0x2000  }
0xec: {  	[sflag:s18] =	ssyncset.done $0x0  }
0xed: {  	s7 =	rddreg [dreg:$0xd];
	[sflag:s18] =	ssyncadd.s32 $0xFFFFE000  }
0xee: {  	[spmem:s3] =	stream.indirect.scatter.add.f32 [tilespmem:s16], [sflag:$0x5], $0x80, s7, s11, $0xb8;
	[tilespmem:$0x1CC00] =	vst v63  }
0xef: {  	s8 =	rddreg [dreg:$0xe]  }
0xf0: {  	[tilespmem:s14], [sflag:$0x3] =	stream.indirect.gather [hbm4b:s1+s11], $0x80, s8, s11, $0xb8;
	[tilespmem:$0x1CC00] =	vst v63  }
0xf1: {  	_ =	swait.ge [sflag:s15], $0x2000  }
0xf2: {  	[sflag:s15] =	ssyncset.done $0x0  }
0xf3: {  	[sflag:s15] =	ssyncadd.s32 $0xFFFFE000  }
0xf4: {  	_ =	swait.ge [sflag:s18], $0x2000  }
0xf5: {  	[sflag:s18] =	ssyncset.done $0x0  }
0xf6: {  	s7 =	rddreg [dreg:$0xf];
	[sflag:s18] =	ssyncadd.s32 $0xFFFFE000  }
0xf7: {  	[spmem:s3] =	stream.indirect.scatter.add.f32 [tilespmem:s12], [sflag:$0x5], $0x80, s7, s11, $0xb8;
	[tilespmem:$0x1CC00] =	vst v63  }
0xf8: {  	s8 =	rddreg [dreg:$0x10]  }
0xf9: {  	[tilespmem:s16], [sflag:$0x4] =	stream.indirect.gather [hbm4b:s1+s11], $0x80, s8, s11, $0xb8;
	[tilespmem:$0x1CC00] =	vst v63  }
0xfa: {  	_ =	swait.ge [sflag:s17], $0x2000  }
0xfb: {  	[sflag:s17] =	ssyncset.done $0x0  }
0xfc: {  	[sflag:s17] =	ssyncadd.s32 $0xFFFFE000  }
0xfd: {  	_ =	swait.ge [sflag:s18], $0x2000  }
0xfe: {  	[sflag:s18] =	ssyncset.done $0x0  }
0xff: {  	s7 =	rddreg [dreg:$0x11];
	[sflag:s18] =	ssyncadd.s32 $0xFFFFE000  }
0x100: {  	[spmem:s3] =	stream.indirect.scatter.add.f32 [tilespmem:s13], [sflag:$0x5], $0x80, s7, s11, $0xb8;
	[tilespmem:$0x1CC00] =	vst v63  }
0x101: {  	s8 =	rddreg [dreg:$0x12]  }
0x102: {  	[tilespmem:s12], [sflag:$0x1] =	stream.indirect.gather [hbm4b:s1+s11], $0x80, s8, s11, $0xb8;
	[tilespmem:$0x1CC00] =	vst v63  }
0x103: {  	_ =	swait.ge [sflag:s19], $0x2000  }
0x104: {  	[sflag:s19] =	ssyncset.done $0x0  }
0x105: {  	[sflag:s19] =	ssyncadd.s32 $0xFFFFE000  }
0x106: {  	_ =	swait.ge [sflag:s18], $0x2000  }
0x107: {  	[sflag:s18] =	ssyncset.done $0x0  }
0x108: {  	s7 =	rddreg [dreg:$0x13];
	[sflag:s18] =	ssyncadd.s32 $0xFFFFE000  }
0x109: {  	[spmem:s3] =	stream.indirect.scatter.add.f32 [tilespmem:s14], [sflag:$0x5], $0x80, s7, s11, $0xb8;
	[tilespmem:$0x1CC00] =	vst v63  }
0x10a: {  	s8 =	rddreg [dreg:$0x14]  }
0x10b: {  	[tilespmem:s13], [sflag:$0x2] =	stream.indirect.gather [hbm4b:s1+s11], $0x80, s8, s11, $0xb8;
	[tilespmem:$0x1CC00] =	vst v63  }
0x10c: {  	_ =	swait.ge [sflag:s20], $0x2000  }
0x10d: {  	[sflag:s20] =	ssyncset.done $0x0  }
0x10e: {  	[sflag:s20] =	ssyncadd.s32 $0xFFFFE000  }
0x10f: {  	_ =	swait.ge [sflag:s18], $0x2000  }
0x110: {  	[sflag:s18] =	ssyncset.done $0x0  }
0x111: {  	s7 =	rddreg [dreg:$0x15];
	[sflag:s18] =	ssyncadd.s32 $0xFFFFE000  }
0x112: {  	[spmem:s3] =	stream.indirect.scatter.add.f32 [tilespmem:s16], [sflag:$0x5], $0x80, s7, s11, $0xb8;
	[tilespmem:$0x1CC00] =	vst v63  }
0x113: {  	s8 =	rddreg [dreg:$0x16]  }
0x114: {  	[tilespmem:s14], [sflag:$0x3] =	stream.indirect.gather [hbm4b:s1+s11], $0x80, s8, s11, $0xb8;
	[tilespmem:$0x1CC00] =	vst v63  }
0x115: {  	_ =	swait.ge [sflag:s15], $0x2000  }
0x116: {  	[sflag:s15] =	ssyncset.done $0x0  }
0x117: {  	[sflag:s15] =	ssyncadd.s32 $0xFFFFE000  }
0x118: {  	_ =	swait.ge [sflag:s18], $0x2000  }
0x119: {  	[sflag:s18] =	ssyncset.done $0x0  }
0x11a: {  	s8 =	rddreg [dreg:$0x17];
	[sflag:s18] =	ssyncadd.s32 $0xFFFFE000  }
0x11b: {  	[spmem:s3] =	stream.indirect.scatter.add.f32 [tilespmem:s12], [sflag:$0x5], $0x80, s8, s11, $0xb8;
	[tilespmem:$0x1CC00] =	vst v63  }
0x11c: {  	_ = 	snop  }
0x11d: {  	[tilespmem:s16], [sflag:$0x4] =	stream.indirect.gather [hbm4b:s1+s11], $0x80, s21, s11, $0xb8;
	[tilespmem:$0x1CC00] =	vst v63  }
0x11e: {  	_ =	swait.ge [sflag:s17], $0x2000  }
0x11f: {  	[sflag:s17] =	ssyncset.done $0x0  }
0x120: {  	[sflag:s17] =	ssyncadd.s32 $0xFFFFE000  }
0x121: {  	_ =	swait.ge [sflag:s18], $0x2000  }
0x122: {  	[sflag:s18] =	ssyncset.done $0x0  }
0x123: {  	[sflag:s18] =	ssyncadd.s32 $0xFFFFE000  }
0x124: {  	[spmem:s3] =	stream.indirect.scatter.add.f32 [tilespmem:s13], [sflag:$0x5], $0x80, s22, s11, $0xb8;
	[tilespmem:$0x1CC00] =	vst v63  }
0x125: {  	_ = 	snop  }
0x126: {  	[tilespmem:s12], [sflag:$0x1] =	stream.indirect.gather [hbm4b:s1+s11], $0x80, s23, s11, $0xb8;
	[tilespmem:$0x1CC00] =	vst v63  }
0x127: {  	_ =	swait.ge [sflag:s19], $0x2000  }
0x128: {  	[sflag:s19] =	ssyncset.done $0x0  }
0x129: {  	[sflag:s19] =	ssyncadd.s32 $0xFFFFE000  }
0x12a: {  	_ =	swait.ge [sflag:s18], $0x2000  }
0x12b: {  	[sflag:s18] =	ssyncset.done $0x0  }
0x12c: {  	[sflag:s18] =	ssyncadd.s32 $0xFFFFE000  }
0x12d: {  	[spmem:s3] =	stream.indirect.scatter.add.f32 [tilespmem:s14], [sflag:$0x5], $0x80, s25, s11, $0xb8;
	[tilespmem:$0x1CC00] =	vst v63  }
0x12e: {  	_ = 	snop  }
0x12f: {  	[tilespmem:s13], [sflag:$0x2] =	stream.indirect.gather [hbm4b:s1+s11], $0x80, s26, s11, $0xb8;
	[tilespmem:$0x1CC00] =	vst v63  }
0x130: {  	_ =	swait.ge [sflag:s20], $0x2000  }
0x131: {  	[sflag:s20] =	ssyncset.done $0x0  }
0x132: {  	[sflag:s20] =	ssyncadd.s32 $0xFFFFE000  }
0x133: {  	_ =	swait.ge [sflag:s18], $0x2000  }
0x134: {  	[sflag:s18] =	ssyncset.done $0x0  }
0x135: {  	[sflag:s18] =	ssyncadd.s32 $0xFFFFE000  }
0x136: {  	[spmem:s3] =	stream.indirect.scatter.add.f32 [tilespmem:s16], [sflag:$0x5], $0x80, s28, s11, $0xb8;
	[tilespmem:$0x1CC00] =	vst v63  }
0x137: {  	_ = 	snop  }
0x138: {  	[tilespmem:s14], [sflag:$0x3] =	stream.indirect.gather [hbm4b:s1+s11], $0x80, s29, s11, $0xb8;
	[tilespmem:$0x1CC00] =	vst v63  }
0x139: {  	_ =	swait.ge [sflag:s15], $0x2000  }
0x13a: {  	[sflag:s15] =	ssyncset.done $0x0  }
0x13b: {  	[sflag:s15] =	ssyncadd.s32 $0xFFFFE000  }
0x13c: {  	_ =	swait.ge [sflag:s18], $0x2000  }
0x13d: {  	[sflag:s18] =	ssyncset.done $0x0  }
0x13e: {  	[sflag:s18] =	ssyncadd.s32 $0xFFFFE000  }
0x13f: {  	[spmem:s3] =	stream.indirect.scatter.add.f32 [tilespmem:s12], [sflag:$0x5], $0x80, s30, s11, $0xb8;
	[tilespmem:$0x1CC00] =	vst v63  }
0x140: {  	_ = 	snop  }
0x141: {  	[tilespmem:s16], [sflag:$0x4] =	stream.indirect.gather [hbm4b:s1+s11], $0x80, s31, s11, $0xb8;
	[tilespmem:$0x1CC00] =	vst v63  }
0x142: {  	_ =	swait.ge [sflag:s17], $0x2000  }
0x143: {  	[sflag:s17] =	ssyncset.done $0x0  }
0x144: {  	[sflag:s17] =	ssyncadd.s32 $0xFFFFE000  }
0x145: {  	_ =	swait.ge [sflag:s18], $0x2000  }
0x146: {  	[sflag:s18] =	ssyncset.done $0x0  }
0x147: {  	[sflag:s18] =	ssyncadd.s32 $0xFFFFE000  }
0x148: {  	[spmem:s3] =	stream.indirect.scatter.add.f32 [tilespmem:s13], [sflag:$0x5], $0x80, s2, s11, $0xb8;
	[tilespmem:$0x1CC00] =	vst v63  }
0x149: {  	_ =	swait.ge [sflag:s19], $0x2000  }
0x14a: {  	[sflag:s19] =	ssyncset.done $0x0  }
0x14b: {  	[sflag:s19] =	ssyncadd.s32 $0xFFFFE000  }
0x14c: {  	_ =	swait.ge [sflag:s18], $0x2000  }
0x14d: {  	[sflag:s18] =	ssyncset.done $0x0  }
0x14e: {  	[sflag:s18] =	ssyncadd.s32 $0xFFFFE000  }
0x14f: {  	[spmem:s3] =	stream.indirect.scatter.add.f32 [tilespmem:s14], [sflag:$0x5], $0x80, s0, s11, $0xb8;
	[tilespmem:$0x1CC00] =	vst v63  }
0x150: {  	_ =	swait.ge [sflag:s20], $0x2000  }
0x151: {  	[sflag:s20] =	ssyncset.done $0x0  }
0x152: {  	[sflag:s20] =	ssyncadd.s32 $0xFFFFE000  }
0x153: {  	p0 =	sne.s32 s6, $0x900;
	_ =	swait.ge [sflag:s18], $0x2000  }
.Ltmp0:
0x154: {  	[sflag:s18] =	ssyncset.done $0x0;
	(pc) =	sbr.rel @p0 .LBB2_2-.Ltmp0, $4  }
0x155: {  	[sflag:s18] =	ssyncadd.s32 $0xFFFFE000  }
0x156: {  	[spmem:s3] =	stream.indirect.scatter.add.f32 [tilespmem:s16], [sflag:$0x5], $0x80, s5, s11, $0xb8;
	[tilespmem:$0x1CC00] =	vst v63  }
0x157: {  	_ =	swait.ge [sflag:s18], $0x2000  }
0x158: {  	s6 =	sadd.s32 $0x100, s6;
	s8 =	rddreg [dreg:$0x5];
	[sflag:s18] =	ssyncset.done $0x0  }
0x159: {  	[sflag:s18] =	ssyncadd.s32 $0xFFFFE000;
	s6 =	sadd.s32 s24, s8  }
0x15a: {  	[tilespmem:s4], [sflag:$0x6] =	stream.linear.gather [hbm4b:s6+s4], $0x800, $0x38;
	[tilespmem:$0x1CC00] =	vst v63  }
0x15b: {  	_ =	swait.ge [sflag:s9], $0x800  }
0x15c: {  	s8 =	rddreg [dreg:$0x4];
	[sflag:s9] =	ssyncset.done $0x0  }
0x15d: {  	[sflag:s9] =	ssyncadd.s32 $0xFFFFF800;
	s6 =	sadd.s32 s24, s8  }
0x15e: {  	[tilespmem:s10], [sflag:$0x6] =	stream.linear.gather [hbm4b:s6+s4], $0x800, $0x38;
	[tilespmem:$0x1CC00] =	vst v63  }
0x15f: {  	_ =	swait.ge [sflag:s9], $0x800  }
0x160: {  	[sflag:s9] =	ssyncset.done $0x0  }
0x161: {  	[sflag:s9] =	ssyncadd.s32 $0xFFFFF800  }
0x162: {  	[tilespmem:s12], [sflag:$0x1] =	stream.indirect.gather [hbm4b:s1+s11], $0x80, s4, s11, $0xb8;
	[tilespmem:$0x1CC00] =	vst v63  }
0x163: {  	s24 =	rddreg [dreg:$0x6]  }
0x164: {  	[tilespmem:s13], [sflag:$0x2] =	stream.indirect.gather [hbm4b:s1+s11], $0x80, s24, s11, $0xb8;
	[tilespmem:$0x1CC00] =	vst v63  }
0x165: {  	s7 =	rddreg [dreg:$0x7]  }
0x166: {  	[tilespmem:s14], [sflag:$0x3] =	stream.indirect.gather [hbm4b:s1+s11], $0x80, s7, s11, $0xb8;
	[tilespmem:$0x1CC00] =	vst v63  }
0x167: {  	_ =	swait.ge [sflag:s15], $0x2000  }
0x168: {  	[sflag:s15] =	ssyncset.done $0x0  }
0x169: {  	[sflag:s15] =	ssyncadd.s32 $0xFFFFE000  }
0x16a: {  	[spmem:s3] =	stream.indirect.scatter.add.f32 [tilespmem:s12], [sflag:$0x5], $0x80, s10, s11, $0xb8;
	[tilespmem:$0x1CC00] =	vst v63  }
0x16b: {  	s7 =	rddreg [dreg:$0x8]  }
0x16c: {  	[tilespmem:s16], [sflag:$0x4] =	stream.indirect.gather [hbm4b:s1+s11], $0x80, s7, s11, $0xb8;
	[tilespmem:$0x1CC00] =	vst v63  }
0x16d: {  	_ =	swait.ge [sflag:s17], $0x2000  }
0x16e: {  	[sflag:s17] =	ssyncset.done $0x0  }
0x16f: {  	[sflag:s17] =	ssyncadd.s32 $0xFFFFE000  }
0x170: {  	_ =	swait.ge [sflag:s18], $0x2000  }
0x171: {  	[sflag:s18] =	ssyncset.done $0x0  }
0x172: {  	s8 =	rddreg [dreg:$0x9];
	[sflag:s18] =	ssyncadd.s32 $0xFFFFE000  }
0x173: {  	[spmem:s3] =	stream.indirect.scatter.add.f32 [tilespmem:s13], [sflag:$0x5], $0x80, s8, s11, $0xb8;
	[tilespmem:$0x1CC00] =	vst v63  }
0x174: {  	s24 =	rddreg [dreg:$0xa]  }
0x175: {  	[tilespmem:s12], [sflag:$0x1] =	stream.indirect.gather [hbm4b:s1+s11], $0x80, s24, s11, $0xb8;
	[tilespmem:$0x1CC00] =	vst v63  }
0x176: {  	_ =	swait.ge [sflag:s19], $0x2000  }
0x177: {  	[sflag:s19] =	ssyncset.done $0x0  }
0x178: {  	[sflag:s19] =	ssyncadd.s32 $0xFFFFE000  }
0x179: {  	_ =	swait.ge [sflag:s18], $0x2000  }
0x17a: {  	[sflag:s18] =	ssyncset.done $0x0  }
0x17b: {  	s8 =	rddreg [dreg:$0xb];
	[sflag:s18] =	ssyncadd.s32 $0xFFFFE000  }
0x17c: {  	[spmem:s3] =	stream.indirect.scatter.add.f32 [tilespmem:s14], [sflag:$0x5], $0x80, s8, s11, $0xb8;
	[tilespmem:$0x1CC00] =	vst v63  }
0x17d: {  	s24 =	rddreg [dreg:$0xc]  }
0x17e: {  	[tilespmem:s13], [sflag:$0x2] =	stream.indirect.gather [hbm4b:s1+s11], $0x80, s24, s11, $0xb8;
	[tilespmem:$0x1CC00] =	vst v63  }
0x17f: {  	_ =	swait.ge [sflag:s20], $0x2000  }
0x180: {  	[sflag:s20] =	ssyncset.done $0x0  }
0x181: {  	[sflag:s20] =	ssyncadd.s32 $0xFFFFE000  }
0x182: {  	_ =	swait.ge [sflag:s18], $0x2000  }
0x183: {  	[sflag:s18] =	ssyncset.done $0x0  }
0x184: {  	s8 =	rddreg [dreg:$0xd];
	[sflag:s18] =	ssyncadd.s32 $0xFFFFE000  }
0x185: {  	[spmem:s3] =	stream.indirect.scatter.add.f32 [tilespmem:s16], [sflag:$0x5], $0x80, s8, s11, $0xb8;
	[tilespmem:$0x1CC00] =	vst v63  }
0x186: {  	s24 =	rddreg [dreg:$0xe]  }
0x187: {  	[tilespmem:s14], [sflag:$0x3] =	stream.indirect.gather [hbm4b:s1+s11], $0x80, s24, s11, $0xb8;
	[tilespmem:$0x1CC00] =	vst v63  }
0x188: {  	_ =	swait.ge [sflag:s15], $0x2000  }
0x189: {  	[sflag:s15] =	ssyncset.done $0x0  }
0x18a: {  	[sflag:s15] =	ssyncadd.s32 $0xFFFFE000  }
0x18b: {  	_ =	swait.ge [sflag:s18], $0x2000  }
0x18c: {  	[sflag:s18] =	ssyncset.done $0x0  }
0x18d: {  	s8 =	rddreg [dreg:$0xf];
	[sflag:s18] =	ssyncadd.s32 $0xFFFFE000  }
0x18e: {  	[spmem:s3] =	stream.indirect.scatter.add.f32 [tilespmem:s12], [sflag:$0x5], $0x80, s8, s11, $0xb8;
	[tilespmem:$0x1CC00] =	vst v63  }
0x18f: {  	s24 =	rddreg [dreg:$0x10]  }
0x190: {  	[tilespmem:s16], [sflag:$0x4] =	stream.indirect.gather [hbm4b:s1+s11], $0x80, s24, s11, $0xb8;
	[tilespmem:$0x1CC00] =	vst v63  }
0x191: {  	_ =	swait.ge [sflag:s17], $0x2000  }
0x192: {  	[sflag:s17] =	ssyncset.done $0x0  }
0x193: {  	[sflag:s17] =	ssyncadd.s32 $0xFFFFE000  }
0x194: {  	_ =	swait.ge [sflag:s18], $0x2000  }
0x195: {  	[sflag:s18] =	ssyncset.done $0x0  }
0x196: {  	s8 =	rddreg [dreg:$0x11];
	[sflag:s18] =	ssyncadd.s32 $0xFFFFE000  }
0x197: {  	[spmem:s3] =	stream.indirect.scatter.add.f32 [tilespmem:s13], [sflag:$0x5], $0x80, s8, s11, $0xb8;
	[tilespmem:$0x1CC00] =	vst v63  }
0x198: {  	s24 =	rddreg [dreg:$0x12]  }
0x199: {  	[tilespmem:s12], [sflag:$0x1] =	stream.indirect.gather [hbm4b:s1+s11], $0x80, s24, s11, $0xb8;
	[tilespmem:$0x1CC00] =	vst v63  }
0x19a: {  	_ =	swait.ge [sflag:s19], $0x2000  }
0x19b: {  	[sflag:s19] =	ssyncset.done $0x0  }
0x19c: {  	[sflag:s19] =	ssyncadd.s32 $0xFFFFE000  }
0x19d: {  	_ =	swait.ge [sflag:s18], $0x2000  }
0x19e: {  	[sflag:s18] =	ssyncset.done $0x0  }
0x19f: {  	s8 =	rddreg [dreg:$0x13];
	[sflag:s18] =	ssyncadd.s32 $0xFFFFE000  }
0x1a0: {  	[spmem:s3] =	stream.indirect.scatter.add.f32 [tilespmem:s14], [sflag:$0x5], $0x80, s8, s11, $0xb8;
	[tilespmem:$0x1CC00] =	vst v63  }
0x1a1: {  	s24 =	rddreg [dreg:$0x14]  }
0x1a2: {  	[tilespmem:s13], [sflag:$0x2] =	stream.indirect.gather [hbm4b:s1+s11], $0x80, s24, s11, $0xb8;
	[tilespmem:$0x1CC00] =	vst v63  }
0x1a3: {  	_ =	swait.ge [sflag:s20], $0x2000  }
0x1a4: {  	[sflag:s20] =	ssyncset.done $0x0  }
0x1a5: {  	[sflag:s20] =	ssyncadd.s32 $0xFFFFE000  }
0x1a6: {  	_ =	swait.ge [sflag:s18], $0x2000  }
0x1a7: {  	[sflag:s18] =	ssyncset.done $0x0  }
0x1a8: {  	s7 =	rddreg [dreg:$0x15];
	[sflag:s18] =	ssyncadd.s32 $0xFFFFE000  }
0x1a9: {  	[spmem:s3] =	stream.indirect.scatter.add.f32 [tilespmem:s16], [sflag:$0x5], $0x80, s7, s11, $0xb8;
	[tilespmem:$0x1CC00] =	vst v63  }
0x1aa: {  	s8 =	rddreg [dreg:$0x16]  }
0x1ab: {  	[tilespmem:s14], [sflag:$0x3] =	stream.indirect.gather [hbm4b:s1+s11], $0x80, s8, s11, $0xb8;
	[tilespmem:$0x1CC00] =	vst v63  }
0x1ac: {  	_ =	swait.ge [sflag:s15], $0x2000  }
0x1ad: {  	[sflag:s15] =	ssyncset.done $0x0  }
0x1ae: {  	[sflag:s15] =	ssyncadd.s32 $0xFFFFE000  }
0x1af: {  	_ =	swait.ge [sflag:s18], $0x2000  }
0x1b0: {  	[sflag:s18] =	ssyncset.done $0x0  }
0x1b1: {  	s24 =	rddreg [dreg:$0x17];
	[sflag:s18] =	ssyncadd.s32 $0xFFFFE000  }
0x1b2: {  	[spmem:s3] =	stream.indirect.scatter.add.f32 [tilespmem:s12], [sflag:$0x5], $0x80, s24, s11, $0xb8;
	[tilespmem:$0x1CC00] =	vst v63  }
0x1b3: {  	_ = 	snop  }
0x1b4: {  	[tilespmem:s16], [sflag:$0x4] =	stream.indirect.gather [hbm4b:s1+s11], $0x80, s21, s11, $0xb8;
	[tilespmem:$0x1CC00] =	vst v63  }
0x1b5: {  	_ =	swait.ge [sflag:s17], $0x2000  }
0x1b6: {  	[sflag:s17] =	ssyncset.done $0x0  }
0x1b7: {  	[sflag:s17] =	ssyncadd.s32 $0xFFFFE000  }
0x1b8: {  	_ =	swait.ge [sflag:s18], $0x2000  }
0x1b9: {  	[sflag:s18] =	ssyncset.done $0x0  }
0x1ba: {  	[sflag:s18] =	ssyncadd.s32 $0xFFFFE000  }
0x1bb: {  	[spmem:s3] =	stream.indirect.scatter.add.f32 [tilespmem:s13], [sflag:$0x5], $0x80, s22, s11, $0xb8;
	[tilespmem:$0x1CC00] =	vst v63  }
0x1bc: {  	_ = 	snop  }
0x1bd: {  	[tilespmem:s12], [sflag:$0x1] =	stream.indirect.gather [hbm4b:s1+s11], $0x80, s23, s11, $0xb8;
	[tilespmem:$0x1CC00] =	vst v63  }
0x1be: {  	_ =	swait.ge [sflag:s19], $0x2000  }
0x1bf: {  	[sflag:s19] =	ssyncset.done $0x0  }
0x1c0: {  	[sflag:s19] =	ssyncadd.s32 $0xFFFFE000  }
0x1c1: {  	_ =	swait.ge [sflag:s18], $0x2000  }
0x1c2: {  	[sflag:s18] =	ssyncset.done $0x0  }
0x1c3: {  	[sflag:s18] =	ssyncadd.s32 $0xFFFFE000  }
0x1c4: {  	[spmem:s3] =	stream.indirect.scatter.add.f32 [tilespmem:s14], [sflag:$0x5], $0x80, s25, s11, $0xb8;
	[tilespmem:$0x1CC00] =	vst v63  }
0x1c5: {  	_ = 	snop  }
0x1c6: {  	[tilespmem:s13], [sflag:$0x2] =	stream.indirect.gather [hbm4b:s1+s11], $0x80, s26, s11, $0xb8;
	[tilespmem:$0x1CC00] =	vst v63  }
0x1c7: {  	_ =	swait.ge [sflag:s20], $0x2000  }
0x1c8: {  	[sflag:s20] =	ssyncset.done $0x0  }
0x1c9: {  	[sflag:s20] =	ssyncadd.s32 $0xFFFFE000  }
0x1ca: {  	_ =	swait.ge [sflag:s18], $0x2000  }
0x1cb: {  	[sflag:s18] =	ssyncset.done $0x0  }
0x1cc: {  	[sflag:s18] =	ssyncadd.s32 $0xFFFFE000  }
0x1cd: {  	[spmem:s3] =	stream.indirect.scatter.add.f32 [tilespmem:s16], [sflag:$0x5], $0x80, s28, s11, $0xb8;
	[tilespmem:$0x1CC00] =	vst v63  }
0x1ce: {  	_ = 	snop  }
0x1cf: {  	[tilespmem:s14], [sflag:$0x3] =	stream.indirect.gather [hbm4b:s1+s11], $0x80, s29, s11, $0xb8;
	[tilespmem:$0x1CC00] =	vst v63  }
0x1d0: {  	_ =	swait.ge [sflag:s15], $0x2000  }
0x1d1: {  	[sflag:s15] =	ssyncset.done $0x0  }
0x1d2: {  	[sflag:s15] =	ssyncadd.s32 $0xFFFFE000  }
0x1d3: {  	_ =	swait.ge [sflag:s18], $0x2000  }
0x1d4: {  	[sflag:s18] =	ssyncset.done $0x0  }
0x1d5: {  	[sflag:s18] =	ssyncadd.s32 $0xFFFFE000  }
0x1d6: {  	[spmem:s3] =	stream.indirect.scatter.add.f32 [tilespmem:s12], [sflag:$0x5], $0x80, s30, s11, $0xb8;
	[tilespmem:$0x1CC00] =	vst v63  }
0x1d7: {  	_ = 	snop  }
0x1d8: {  	[tilespmem:s16], [sflag:$0x4] =	stream.indirect.gather [hbm4b:s1+s11], $0x80, s31, s11, $0xb8;
	[tilespmem:$0x1CC00] =	vst v63  }
0x1d9: {  	_ =	swait.ge [sflag:s17], $0x2000  }
0x1da: {  	[sflag:s17] =	ssyncset.done $0x0  }
0x1db: {  	[sflag:s17] =	ssyncadd.s32 $0xFFFFE000  }
0x1dc: {  	_ =	swait.ge [sflag:s18], $0x2000  }
0x1dd: {  	[sflag:s18] =	ssyncset.done $0x0  }
0x1de: {  	[sflag:s18] =	ssyncadd.s32 $0xFFFFE000  }
0x1df: {  	[spmem:s3] =	stream.indirect.scatter.add.f32 [tilespmem:s13], [sflag:$0x5], $0x80, s2, s11, $0xb8;
	[tilespmem:$0x1CC00] =	vst v63  }
0x1e0: {  	_ =	swait.ge [sflag:s19], $0x2000  }
0x1e1: {  	[sflag:s19] =	ssyncset.done $0x0  }
0x1e2: {  	[sflag:s19] =	ssyncadd.s32 $0xFFFFE000  }
0x1e3: {  	_ =	swait.ge [sflag:s18], $0x2000  }
0x1e4: {  	[sflag:s18] =	ssyncset.done $0x0  }
0x1e5: {  	[sflag:s18] =	ssyncadd.s32 $0xFFFFE000  }
0x1e6: {  	[spmem:s3] =	stream.indirect.scatter.add.f32 [tilespmem:s14], [sflag:$0x5], $0x80, s0, s11, $0xb8;
	[tilespmem:$0x1CC00] =	vst v63  }
0x1e7: {  	_ =	swait.ge [sflag:s20], $0x2000  }
0x1e8: {  	[sflag:s20] =	ssyncset.done $0x0  }
0x1e9: {  	[sflag:s20] =	ssyncadd.s32 $0xFFFFE000  }
0x1ea: {  	_ =	swait.ge [sflag:s18], $0x2000  }
0x1eb: {  	[sflag:s18] =	ssyncset.done $0x0  }
0x1ec: {  	[sflag:s18] =	ssyncadd.s32 $0xFFFFE000  }
0x1ed: {  	[spmem:s3] =	stream.indirect.scatter.add.f32 [tilespmem:s16], [sflag:$0x5], $0x80, s5, s11, $0xb8;
	[tilespmem:$0x1CC00] =	vst v63  }
0x1ee: {  	_ =	swait.ge [sflag:s18], $0x2000  }
0x1ef: {  	[sflag:s18] =	ssyncset.done $0x0  }
0x1f0: {  	[sflag:s18] =	ssyncadd.s32 $0xFFFFE000  }
0x1f1: {  	[bflag:$0x0] =	sbarrier.arrive $0xFFFF  }
0x1f2: {  	s24 =	rddreg [dreg:$0x19]  }
0x1f3: {  	s8 =	rddreg [dreg:$0x1b]  }
0x1f4: {  	s7 =	rddreg [dreg:$0x1c]  }
0x1f5: {  	[hbm:s7], [sflag:s24] =	dma.local [spmem:s8], $0x2780  }
0x1f6: {  	_ =	swait.ge [sflag:s9], $0x2780  }
0x1f7: {  	s6 =	rddreg [dreg:$0x1d]  }
0x1f8: {  	s7 =	sadd.s32 $0x1, s6;
	s6 =	rddreg [dreg:$0x1a]  }
0x1f9: {  	p0 =	sne.s32 s7, s6  }
.Ltmp1:
0x1fa: {  	_ = 	snop;
	(pc) =	sbr.rel @p0 .LBB2_1-.Ltmp1, $3  }
0x1fb: {  	_ =	sdelay $0x1  }
0x1fc: {  	[sflag:s9] =	ssyncset.done $0x0  }
0x1fd: {  	[sflag:s9] =	ssyncadd.s32 $0xFFFFD880  }
0x1fe: {  	_ =	sfence.sel $0x180000  }
0x1ff: {  	[bflag:$0x0] =	sbarrier.arrive $0xFFFF  }
0x200: {  	_ =	strace $0x90000047  }
0x201: {  	s0 =	stileid.u32;
	[bflag:$0x2] =	sbarrier.arrive $0xFFFF  }
0x202: {  	p0 =	sne.s32 s0, $0x0;
	s0 =	rddreg [dreg:$0x3]  }
0x203: {  	s0 =	sadd.s32 @!p0 $0x100000, s0  }
0x204: {  	[sflag:s0] =	ssyncadd.tile.s32 @!p0 $0x1;
	_ =	shalt  }
.Lfunc_end2:
_tile_overlayer_lowered:
.L_overlay_start_2:
0x205: {  	(tag) =	ssettag $0x2  }
0x206: {  	s0 =	rddreg [dreg:$0x0];
	s2 =	stileid.u32  }
0x207: {  	s1 =	rddreg [dreg:$0x1];
	p0 =	sne.s32 s2, $0x0  }
0x208: {  	s3 =	rddreg [dreg:$0x2];
	[bflag:$0x3] =	sbarrier.arrive $0xFFFF;
	s2 =	simm.s32 @!p0 $0x1C06  }
0x209: {  	[timem:s3], [sflag:s2] =	dma.local @!p0 [hbm:s0], s1  }
0x20a: {  	s0 =	simm.s32 @!p0 $0x6  }
0x20b: {  	_ =	swait.ge @!p0 [sflag:s0], s1  }
0x20c: {  	s1 =	ssub.s32 @!p0 $0x0, s1;
	[sflag:s0] =	ssyncset.done @!p0 $0x0  }
0x20d: {  	[sflag:s0] =	ssyncadd.s32 @!p0 s1  }
0x20e: {  	[bflag:$0x3] =	sbarrier.arrive $0xFFFF  }
0x20f: {  	_ =	shalt  }

// kernel: kernel.9.cloned.1.call-start
scs
__scs_entry_jumppad:
0x0: {  	(pc) =	sbr.rel $0x88, $3  }
0x1: {  	(tag) =	ssettag $0x0;
	lr =	simm.s32 $0x1  }
0x2: {  	[smem:$0x3F94] =	sst lr;
	_ =	strace $0xD0000000  }
0x3: {  	_ = 	snop  }
0x4: {  	_ = 	snop  }
0x5: {  	_ = 	snop  }
0x6: {  	_ = 	snop  }
0x7: {  	_ = 	snop  }
__scs_overlays_trampoline_lowered:
0x8: {  	[smem:$0x3FA3] =	sst s0  }
0x9: {  	[smem:$0x3FA4] =	sst s1  }
0xa: {  	[smem:$0x3FA5] =	sst s2  }
0xb: {  	[smem:$0x3FA6] =	sst s3  }
0xc: {  	[smem:$0x3FA7] =	sst s4  }
0xd: {  	[smem:$0x3FA8] =	sst s5  }
0xe: {  	[smem:$0x3FA9] =	sst s6  }
0xf: {  	[smem:$0x3FAA] =	sst s7  }
0x10: {  	[smem:$0x3FAB] =	sst s8  }
0x11: {  	[smem:$0x3FAC] =	sst s9;
	s0 =	simm.s32 @!p0 $0x0  }
0x12: {  	s1 =	sld [smem:$0x3F92];
	s0 =	simm.s32 @p0 $0x1  }
0x13: {  	[smem:$0x3FAD] =	sst s0;
	s0 =	simm.s32 @!p1 $0x0  }
0x14: {  	s2 =	sld [smem:$0x3F91];
	s0 =	simm.s32 @p1 $0x1  }
0x15: {  	[smem:$0x3FAE] =	sst s0;
	s0 =	simm.s32 @!p2 $0x0  }
0x16: {  	s3 =	sld [smem:$0x3FDB];
	s0 =	simm.s32 @p2 $0x1  }
0x17: {  	s4 =	simm.s32 $0x1BF5;
	[smem:$0x3FB0] =	sst s0  }
0x18: {  	s0 =	sld [smem:$0x3F93];
	_ =	swait.ge [sflag:s4], $0x0  }
0x19: {  	s7 =	sld [smem:$0x3F94]  }
0x1a: {  	s8 =	sadd.s32 $0xFFFFE003, lr  }
0x1b: {  	s9 =	sadd.s32 $0xFFFFFEF7, lr;
	s5 =	simm.s32 $0xFFFFFFFF;
	p2 =	slt.u32 s8, $0xFFFFF086  }
0x1c: {  	p1 =	slt.u32 s9, $0xF7A;
	s5 =	simm.s32 @!p2 $0x0  }
0x1d: {  	s5 =	simm.s32 @p1 $0x1;
	p0 =	seq.s32 s7, s2  }
0x1e: {  	s7 =	smul.u32 @!p0 $0xF7A, s2;
	p2 =	seq.s32 @!p0 s5, $0x0  }
0x1f: {  	s9 =	smul.u32 $0xF7A, s1;
	s8 =	simm.s32 @!p0 $0x1BF5;
	p2 =	por !p2, p0  }
0x20: {  	[sflag:s8] =	ssyncset.s32 @!p0 $0xFFFFF086;
	s6 =	sadd.s32 @!p0 s3, s7;
	s7 =	simm.s32 @!p0 $0x108  }
0x21: {  	s3 =	sadd.s32 s3, s9;
	s6 =	sadd.s32 @!p0 $0x88, s6;
	s7 =	simm.s32 @p2 $0x1082  }
0x22: {  	[simem:s7], [sflag:s8] =	dma.local @!p0 [hbm:s6], $0xF7A  }
0x23: {  	s9 =	sor.u32 $0xD0000000, s2;
	s6 =	simm.s32 $0x108;
	_ =	swait.ge @!p0 [sflag:s8], $0x0  }
0x24: {  	s3 =	sadd.s32 $0x88, s3;
	s6 =	simm.s32 @!p1 $0x1082;
	[sflag:s4] =	ssyncset.s32 $0xFFFFF086  }
0x25: {  	[simem:s6], [sflag:s4] =	dma.local [hbm:s3], $0xF7A  }
0x26: {  	[smem:$0x3F94] =	sst s1;
	(tag) =	ssettag s2;
	_ =	strace s9  }
0x27: {  	s1 =	sld [smem:$0x3FA4]  }
0x28: {  	s2 =	sld [smem:$0x3FA5]  }
0x29: {  	s4 =	sld [smem:$0x3FA7]  }
0x2a: {  	p0 =	seq.s32 s5, $0x0;
	s5 =	sld [smem:$0x3FA8]  }
0x2b: {  	s6 =	sld [smem:$0x3FA9]  }
0x2c: {  	s7 =	sld [smem:$0x3FAA]  }
0x2d: {  	s3 =	simm.s32 $0x108;
	s8 =	sld [smem:$0x3FAB]  }
0x2e: {  	s3 =	simm.s32 @!p0 $0x1082;
	s9 =	sld [smem:$0x3FAC]  }
0x2f: {  	lr =	sadd.s32 s0, s3;
	s0 =	sld [smem:$0x3FA3]  }
0x30: {  	s3 =	sld [smem:$0x3FA6]  }
0x31: {  	[smem:$0x3FAF] =	sst s10  }
0x32: {  	s10 =	sld [smem:$0x3FAD];
	_ =	sdelay $0x3  }
0x33: {  	p0 =	seq.s32 s10, $0x1;
	s10 =	sld [smem:$0x3FAF];
	_ =	sdelay $0x3  }
0x34: {  	[smem:$0x3FAF] =	sst s10  }
0x35: {  	s10 =	sld [smem:$0x3FAE];
	_ =	sdelay $0x3  }
0x36: {  	p1 =	seq.s32 s10, $0x1;
	s10 =	sld [smem:$0x3FAF];
	_ =	sdelay $0x3  }
0x37: {  	[smem:$0x3FAF] =	sst s10  }
0x38: {  	s10 =	sld [smem:$0x3FB0]  }
0x39: {  	_ = 	snop;
	(pc) =	sbr.ind lr, $3  }
0x3a: {  	_ = 	snop  }
0x3b: {  	_ = 	snop  }
0x3c: {  	p2 =	seq.s32 s10, $0x1;
	s10 =	sld [smem:$0x3FAF]  }
0x3d: {  	_ =	shalt  }
0x3e: {  	_ =	shalt  }
0x3f: {  	_ =	shalt  }
0x40: {  	_ =	shalt  }
0x41: {  	_ =	shalt  }
0x42: {  	_ =	shalt  }
0x43: {  	_ =	shalt  }
0x44: {  	_ =	shalt  }
0x45: {  	_ =	shalt  }
0x46: {  	_ =	shalt  }
0x47: {  	_ =	shalt  }
0x48: {  	_ =	shalt  }
0x49: {  	_ =	shalt  }
0x4a: {  	_ =	shalt  }
0x4b: {  	_ =	shalt  }
0x4c: {  	_ =	shalt  }
0x4d: {  	_ =	shalt  }
0x4e: {  	_ =	shalt  }
0x4f: {  	_ =	shalt  }
0x50: {  	_ =	shalt  }
0x51: {  	_ =	shalt  }
0x52: {  	_ =	shalt  }
0x53: {  	_ =	shalt  }
0x54: {  	_ =	shalt  }
0x55: {  	_ =	shalt  }
0x56: {  	_ =	shalt  }
0x57: {  	_ =	shalt  }
0x58: {  	_ =	shalt  }
0x59: {  	_ =	shalt  }
0x5a: {  	_ =	shalt  }
0x5b: {  	_ =	shalt  }
0x5c: {  	_ =	shalt  }
0x5d: {  	_ =	shalt  }
0x5e: {  	_ =	shalt  }
0x5f: {  	_ =	shalt  }
0x60: {  	_ =	shalt  }
0x61: {  	_ =	shalt  }
0x62: {  	_ =	shalt  }
0x63: {  	_ =	shalt  }
0x64: {  	_ =	shalt  }
0x65: {  	_ =	shalt  }
0x66: {  	_ =	shalt  }
0x67: {  	_ =	shalt  }
0x68: {  	_ =	shalt  }
0x69: {  	_ =	shalt  }
0x6a: {  	_ =	shalt  }
0x6b: {  	_ =	shalt  }
0x6c: {  	_ =	shalt  }
0x6d: {  	_ =	shalt  }
0x6e: {  	_ =	shalt  }
0x6f: {  	_ =	shalt  }
0x70: {  	_ =	shalt  }
0x71: {  	_ =	shalt  }
0x72: {  	_ =	shalt  }
0x73: {  	_ =	shalt  }
0x74: {  	_ =	shalt  }
0x75: {  	_ =	shalt  }
0x76: {  	_ =	shalt  }
0x77: {  	_ =	shalt  }
0x78: {  	_ =	shalt  }
0x79: {  	_ =	shalt  }
0x7a: {  	_ =	shalt  }
0x7b: {  	_ =	shalt  }
0x7c: {  	_ =	shalt  }
0x7d: {  	_ =	shalt  }
0x7e: {  	_ =	shalt  }
0x7f: {  	_ =	shalt  }
0x80: {  	_ =	shalt  }
0x81: {  	_ =	shalt  }
0x82: {  	_ =	shalt  }
0x83: {  	_ =	shalt  }
0x84: {  	_ =	shalt  }
0x85: {  	_ =	shalt  }
0x86: {  	_ =	shalt  }
0x87: {  	_ =	shalt  }
.Lfunc_end0:
.L_simem_size_0:
called_computation.1_lowered:
.L_overlay_start_0:
0x88: {  	s2 =	sld [smem:$0x3FD9]  }
0x89: {  	s3 =	sld [smem:$0x3FFE];
	_ =	sdelay $0x1  }
0x8a: {  	s1 =	srdreg.scid  }
0x8b: {  	s0 =	sand.u32 $0x1, s1  }
0x8c: {  	s16 =	sshll.u32 s0, $0xA;
	s2 =	sadd.s32 s3, s2  }
0x8d: {  	s2 =	sadd.s32 s2, s16  }
0x8e: {  	[smem:$0x3FBB] =	sst s2  }
0x8f: {  	_ = 	snop  }
0x90: {  	(tm) =	ssettm $0x1  }
0x91: {  	s17 =	sld [smem:$0x3FFB];
	_ =	sdelay $0x3  }
0x92: {  	_ =	strace s17  }
0x93: {  	s2 =	sld [smem:$0x3FFC];
	_ =	sdelay $0x3  }
0x94: {  	_ =	strace s2  }
0x95: {  	s2 =	sld [smem:$0x3FFD];
	_ =	sdelay $0x3  }
0x96: {  	_ =	strace s2  }
0x97: {  	_ =	strace $0x8FFFFFFF  }
0x98: {  	s18 =	sld [smem:$0x3FDB];
	_ =	sdelay $0x1  }
0x99: {  	s19 =	simm.s32 $_scs_section_size  }
0x9a: {  	s4 =	simm.s32 $_size__tile_overlayer_lowered;
	s5 =	simm.s32 $_tile_overlayer_lowered  }
0x9b: {  	s22 =	simm.s32 $0x1BFF;
	s21 =	sshll.u32 s5, $0x1;
	s2 =	sadd.s32 s19, s18  }
0x9c: {  	s6 =	simm.s32 $0x0;
	s20 =	sshll.u32 s4, $0x1;
	s4 =	sadd.s32 s21, s2  }
0x9d: {  	[timem:s6], [sflag:s22] =	dma.local [hbm:s4], s20  }
0x9e: {  	_ =	swait.ge [sflag:s22], s20  }
0x9f: {  	s3 =	ssub.s32 $0x0, s20;
	[sflag:s22] =	ssyncset.done $0x0  }
0xa0: {  	[sflag:s22] =	ssyncadd.s32 s3;
	_ =	sdelay $0x1  }
0xa1: {  	s23 =	simm.s32 $0x1B8B  }
0xa2: {  	_ =	swait.ge [sflag:s23], $0x1  }
0xa3: {  	[sflag:s23] =	ssyncset.done $0x0  }
0xa4: {  	s25 =	simm.s32 $0x1B8E;
	s24 =	sld [smem:$0x3FFE];
	[sflag:s23] =	ssyncadd.s32 $0xFFFFFFFF  }
0xa5: {  	s26 =	simm.s32 $execute0_lowered;
	[smem:$0x3FD2] =	sst s25  }
0xa6: {  	s4 =	sshll.u32 s26, $0x1;
	_ =	strace $0x80000049;
	[dreg:$0x1] =	wrdreg $0xFFFFFFFF  }
0xa7: {  	s28 =	simm.s32 $_size_execute0_lowered;
	s2 =	sadd.s32 s2, s4;
	[dreg:$0x0] =	wrdreg $0x0  }
0xa8: {  	s4 =	sshll.u32 s28, $0x1;
	[dreg:$0x2] =	wrdreg s2  }
0xa9: {  	[dreg:$0x3] =	wrdreg s4  }
0xaa: {  	[dreg:$0x4] =	wrdreg $0xC0  }
0xab: {  	_ =	task [dreg:s6], $0x5FFFF  }
0xac: {  	[dreg:$0x1] =	wrdreg $0xFFFFFFFF  }
0xad: {  	[dreg:$0x0] =	wrdreg $0x60  }
0xae: {  	[dreg:$0x2] =	wrdreg s24  }
0xaf: {  	[dreg:$0x3] =	wrdreg $0x90000  }
0xb0: {  	[dreg:$0x4] =	wrdreg $0x9  }
0xb1: {  	_ =	task.clear_ibuf [dreg:s6], $0x5FFFF;
	_ =	strace $0x90000049  }
0xb2: {  	s29 =	simm.s32 $0x9;
	_ =	strace $0x8000004B  }
0xb3: {  	_ =	swait.ge [sflag:s29], $0x1  }
0xb4: {  	[sflag:s29] =	ssyncadd.s32 $0xFFFFFFFF  }
0xb5: {  	_ =	strace $0x9000004B  }
0xb6: {  	_ =	sfence  }
0xb7: {  	s30 =	sld [smem:$0x0];
	_ =	sdelay $0x2  }
0xb8: {  	s31 =	sshll.u32 s1, $0xD;
	s1 =	sshrl.u32 s1, $0x2  }
0xb9: {  	s3 =	sand.u32 $0x4000, s31;
	s1 =	sadd.s32 s1, s30  }
0xba: {  	s0 =	sor.u32 s3, s0;
	s1 =	sshll.u32 s1, $0x11  }
0xbb: {  	s0 =	sor.u32 s1, s0  }
0xbc: {  	s0 =	sadd.s32 $0x8F2B, s0  }
0xbd: {  	[sflag:s0] =	ssyncadd.remote.s32 $0x1  }
0xbe: {  	_ =	sfence.sel $0xFFFF  }
0xbf: {  	[dreg:$0x0] =	wrdreg $0xFFFFFFFF;
	(pc) =	sbr.abs _section_cstart, $3  }
0xc0: {  	[dreg:$0x1] =	wrdreg $0xFFFFFFFF  }
0xc1: {  	_ =	task.clear_ibuf [dreg:s6], $0x2FFFF;
	_ =	strace $0x9FFFFFFF  }
0xc2: {  	(tm) =	ssettm $0x7FFFFFFF  }
0xc3: {  	_ =	shalt  }
tec
execute0_lowered:
.L_overlay_start_1:
0x0: {  	(tag) =	ssettag $0x1  }
0x1: {  	s0 =	rddreg [dreg:$0x0]  }
0x2: {  	s1 =	srdreg.scid;
	s2 =	rddreg [dreg:$0x1]  }
0x3: {  	s9 =	stileid.u32;
	s3 =	simm.s32 $0x0;
	s26 =	simm.s32 $0x80  }
0x4: {  	s10 =	simm.s32 $0x100;
	s11 =	simm.s32 $0x180;
	s12 =	simm.s32 $0x880  }
0x5: {  	s13 =	simm.s32 $0x200;
	[smem:$0x7FF] =	sst s3;
	s8 =	sadd.s32 $0x2A200, s0  }
0x6: {  	s14 =	simm.s32 $0x900;
	_ =	strace $0x8000004A;
	[dreg:$0x17] =	wrdreg s8  }
0x7: {  	s15 =	simm.s32 $0x280;
	s16 =	simm.s32 $0x980;
	[dreg:$0x5] =	wrdreg s26  }
0x8: {  	s17 =	simm.s32 $0x300;
	s18 =	simm.s32 $0xA00;
	[dreg:$0x6] =	wrdreg s10  }
0x9: {  	s19 =	simm.s32 $0x380;
	s20 =	simm.s32 $0xA80;
	[dreg:$0x7] =	wrdreg s11  }
0xa: {  	s21 =	simm.s32 $0x400;
	s22 =	simm.s32 $0xB00;
	[dreg:$0x8] =	wrdreg s12  }
0xb: {  	s28 =	simm.s32 $0xD80;
	s29 =	simm.s32 $0x700;
	[dreg:$0x9] =	wrdreg s13  }
0xc: {  	s30 =	simm.s32 $0xE00;
	s5 =	smul.u32 $0x1400, s9;
	[dreg:$0xa] =	wrdreg s14  }
0xd: {  	s1 =	sand.u32 $0x1, s1;
	s7 =	smul.u32 $0x4F000, s9;
	[dreg:$0xb] =	wrdreg s15  }
0xe: {  	s31 =	simm.s32 $0x780;
	s4 =	smul.u32 $0x27100, s1;
	[dreg:$0xc] =	wrdreg s16  }
0xf: {  	s25 =	sshll.u32 s9, $0x6;
	s6 =	smul.u32 $0x27800, s1;
	[dreg:$0xd] =	wrdreg s17  }
0x10: {  	s1 =	ssub.s32 $0x2, s1;
	s8 =	sor.u32 $0x1C06, s25;
	[dreg:$0xe] =	wrdreg s18  }
0x11: {  	s10 =	simm.s32 $0x800;
	s11 =	simm.s32 $0x40;
	[dreg:$0xf] =	wrdreg s19  }
0x12: {  	s12 =	simm.s32 $0x1000;
	s13 =	simm.s32 $0x3000;
	[dreg:$0x10] =	wrdreg s20  }
0x13: {  	s14 =	simm.s32 $0x5000;
	s15 =	simm.s32 $0x1;
	[dreg:$0x11] =	wrdreg s21  }
0x14: {  	s16 =	simm.s32 $0x7000;
	s17 =	simm.s32 $0x2;
	[dreg:$0x12] =	wrdreg s22  }
0x15: {  	s18 =	simm.s32 $0x5;
	s19 =	simm.s32 $0x3;
	s25 =	simm.s32 $0x500  }
0x16: {  	s20 =	simm.s32 $0x4;
	s26 =	simm.s32 $0xC00;
	s21 =	simm.s32 $0x580  }
0x17: {  	s22 =	simm.s32 $0xC80;
	s5 =	sadd.s32 s5, s0;
	[dreg:$0x15] =	wrdreg s25  }
0x18: {  	s23 =	sshrl.u32 s1, $0x1;
	s7 =	sshrl.u32 s7, $0x2;
	[dreg:$0x16] =	wrdreg s26  }
0x19: {  	s25 =	simm.s32 $0xD00;
	s26 =	simm.s32 $0x680;
	[dreg:$0x18] =	wrdreg s8  }
0x1a: {  	s4 =	sadd.s32 s4, s0;
	s0 =	sadd.s32 s6, s0;
	s24 =	sadd.s32 $0x2200, s5  }
0x1b: {  	s1 =	ssub.s32 s1, s23;
	s5 =	sadd.s32 $0x16200, s5;
	[dreg:$0x3] =	wrdreg s24  }
0x1c: {  	s7 =	sadd.s32 s7, s2;
	s23 =	simm.s32 $0x480;
	[dreg:$0x4] =	wrdreg s5  }
0x1d: {  	s6 =	sadd.s32 $0x2CA00, s4;
	s0 =	sadd.s32 $0x7AC00, s0;
	s5 =	smul.u32 $0x2780, s9  }
0x1e: {  	s1 =	smax.u32 s1, $0x1;
	s7 =	sshrl.u32 s7, $0x3;
	[dreg:$0x13] =	wrdreg s23  }
0x1f: {  	s9 =	simm.s32 $0x6;
	s24 =	simm.s32 $0xB80;
	[dreg:$0x19] =	wrdreg s1  }
0x20: {  	s23 =	simm.s32 $0x600;
	s4 =	simm.s32 $0xF80;
	[dreg:$0x14] =	wrdreg s24  }
0x21: {  	s1 =	simm.s32 $0xF00;
	[dreg:$0x1a] =	wrdreg s7;
	s0 =	sadd.s32 s5, s0  }
0x22: {  	s24 =	simm.s32 $0x0;
	[dreg:$0x1b] =	wrdreg s0;
	s0 =	simm.s32 $0xE80  }
.LBB2_1:
0x23: {  	[dreg:$0x1c] =	wrdreg s24  }
0x24: {  	s5 =	rddreg [dreg:$0x17]  }
0x25: {  	[spmem:s7], [sflag:s8] =	dma.local [hbm:s5], $0x2780  }
0x26: {  	_ =	swait.ge [sflag:s9], $0x2780  }
0x27: {  	[sflag:s9] =	ssyncset.done $0x0  }
0x28: {  	[sflag:s9] =	ssyncadd.s32 $0xFFFFD880  }
0x29: {  	[bflag:$0x0] =	sbarrier.arrive $0xFFFF  }
0x2a: {  	s7 =	rddreg [dreg:$0x4]  }
0x2b: {  	s5 =	sadd.s32 $0x0, s7  }
0x2c: {  	[tilespmem:s3], [sflag:$0x6] =	stream.linear.gather [hbm4b:s5+s3], $0x800, $0x38;
	[tilespmem:$0x1CC00] =	vst v63  }
0x2d: {  	_ =	swait.ge [sflag:s9], $0x800  }
0x2e: {  	s8 =	rddreg [dreg:$0x3];
	[sflag:s9] =	ssyncset.done $0x0  }
0x2f: {  	[sflag:s9] =	ssyncadd.s32 $0xFFFFF800;
	s5 =	sadd.s32 $0x0, s8  }
0x30: {  	[tilespmem:s10], [sflag:$0x6] =	stream.linear.gather [hbm4b:s5+s3], $0x800, $0x38;
	[tilespmem:$0x1CC00] =	vst v63  }
0x31: {  	_ =	swait.ge [sflag:s9], $0x800  }
0x32: {  	[sflag:s9] =	ssyncset.done $0x0  }
0x33: {  	[sflag:s9] =	ssyncadd.s32 $0xFFFFF800  }
0x34: {  	[tilespmem:s12], [sflag:$0x1] =	stream.indirect.gather [hbm4b:s6+s11], $0x80, s3, s11, $0xb8;
	[tilespmem:$0x1CC00] =	vst v63  }
0x35: {  	s24 =	rddreg [dreg:$0x5]  }
0x36: {  	[tilespmem:s13], [sflag:$0x2] =	stream.indirect.gather [hbm4b:s6+s11], $0x80, s24, s11, $0xb8;
	[tilespmem:$0x1CC00] =	vst v63  }
0x37: {  	s7 =	rddreg [dreg:$0x6]  }
0x38: {  	[tilespmem:s14], [sflag:$0x3] =	stream.indirect.gather [hbm4b:s6+s11], $0x80, s7, s11, $0xb8;
	[tilespmem:$0x1CC00] =	vst v63  }
0x39: {  	_ =	swait.ge [sflag:s15], $0x2000  }
0x3a: {  	[sflag:s15] =	ssyncset.done $0x0  }
0x3b: {  	[sflag:s15] =	ssyncadd.s32 $0xFFFFE000  }
0x3c: {  	[spmem:s2] =	stream.indirect.scatter.add.f32 [tilespmem:s12], [sflag:$0x5], $0x80, s10, s11, $0xb8;
	[tilespmem:$0x1CC00] =	vst v63  }
0x3d: {  	s8 =	rddreg [dreg:$0x7]  }
0x3e: {  	[tilespmem:s16], [sflag:$0x4] =	stream.indirect.gather [hbm4b:s6+s11], $0x80, s8, s11, $0xb8;
	[tilespmem:$0x1CC00] =	vst v63  }
0x3f: {  	_ =	swait.ge [sflag:s17], $0x2000  }
0x40: {  	[sflag:s17] =	ssyncset.done $0x0  }
0x41: {  	[sflag:s17] =	ssyncadd.s32 $0xFFFFE000  }
0x42: {  	_ =	swait.ge [sflag:s18], $0x2000  }
0x43: {  	[sflag:s18] =	ssyncset.done $0x0  }
0x44: {  	s24 =	rddreg [dreg:$0x8];
	[sflag:s18] =	ssyncadd.s32 $0xFFFFE000  }
0x45: {  	[spmem:s2] =	stream.indirect.scatter.add.f32 [tilespmem:s13], [sflag:$0x5], $0x80, s24, s11, $0xb8;
	[tilespmem:$0x1CC00] =	vst v63  }
0x46: {  	s7 =	rddreg [dreg:$0x9]  }
0x47: {  	[tilespmem:s12], [sflag:$0x1] =	stream.indirect.gather [hbm4b:s6+s11], $0x80, s7, s11, $0xb8;
	[tilespmem:$0x1CC00] =	vst v63  }
0x48: {  	_ =	swait.ge [sflag:s19], $0x2000  }
0x49: {  	[sflag:s19] =	ssyncset.done $0x0  }
0x4a: {  	[sflag:s19] =	ssyncadd.s32 $0xFFFFE000  }
0x4b: {  	_ =	swait.ge [sflag:s18], $0x2000  }
0x4c: {  	[sflag:s18] =	ssyncset.done $0x0  }
0x4d: {  	s24 =	rddreg [dreg:$0xa];
	[sflag:s18] =	ssyncadd.s32 $0xFFFFE000  }
0x4e: {  	[spmem:s2] =	stream.indirect.scatter.add.f32 [tilespmem:s14], [sflag:$0x5], $0x80, s24, s11, $0xb8;
	[tilespmem:$0x1CC00] =	vst v63  }
0x4f: {  	s7 =	rddreg [dreg:$0xb]  }
0x50: {  	[tilespmem:s13], [sflag:$0x2] =	stream.indirect.gather [hbm4b:s6+s11], $0x80, s7, s11, $0xb8;
	[tilespmem:$0x1CC00] =	vst v63  }
0x51: {  	_ =	swait.ge [sflag:s20], $0x2000  }
0x52: {  	[sflag:s20] =	ssyncset.done $0x0  }
0x53: {  	[sflag:s20] =	ssyncadd.s32 $0xFFFFE000  }
0x54: {  	_ =	swait.ge [sflag:s18], $0x2000  }
0x55: {  	[sflag:s18] =	ssyncset.done $0x0  }
0x56: {  	s24 =	rddreg [dreg:$0xc];
	[sflag:s18] =	ssyncadd.s32 $0xFFFFE000  }
0x57: {  	[spmem:s2] =	stream.indirect.scatter.add.f32 [tilespmem:s16], [sflag:$0x5], $0x80, s24, s11, $0xb8;
	[tilespmem:$0x1CC00] =	vst v63  }
0x58: {  	s7 =	rddreg [dreg:$0xd]  }
0x59: {  	[tilespmem:s14], [sflag:$0x3] =	stream.indirect.gather [hbm4b:s6+s11], $0x80, s7, s11, $0xb8;
	[tilespmem:$0x1CC00] =	vst v63  }
0x5a: {  	_ =	swait.ge [sflag:s15], $0x2000  }
0x5b: {  	[sflag:s15] =	ssyncset.done $0x0  }
0x5c: {  	[sflag:s15] =	ssyncadd.s32 $0xFFFFE000  }
0x5d: {  	_ =	swait.ge [sflag:s18], $0x2000  }
0x5e: {  	[sflag:s18] =	ssyncset.done $0x0  }
0x5f: {  	s24 =	rddreg [dreg:$0xe];
	[sflag:s18] =	ssyncadd.s32 $0xFFFFE000  }
0x60: {  	[spmem:s2] =	stream.indirect.scatter.add.f32 [tilespmem:s12], [sflag:$0x5], $0x80, s24, s11, $0xb8;
	[tilespmem:$0x1CC00] =	vst v63  }
0x61: {  	s7 =	rddreg [dreg:$0xf]  }
0x62: {  	[tilespmem:s16], [sflag:$0x4] =	stream.indirect.gather [hbm4b:s6+s11], $0x80, s7, s11, $0xb8;
	[tilespmem:$0x1CC00] =	vst v63  }
0x63: {  	_ =	swait.ge [sflag:s17], $0x2000  }
0x64: {  	[sflag:s17] =	ssyncset.done $0x0  }
0x65: {  	[sflag:s17] =	ssyncadd.s32 $0xFFFFE000  }
0x66: {  	_ =	swait.ge [sflag:s18], $0x2000  }
0x67: {  	[sflag:s18] =	ssyncset.done $0x0  }
0x68: {  	s24 =	rddreg [dreg:$0x10];
	[sflag:s18] =	ssyncadd.s32 $0xFFFFE000  }
0x69: {  	[spmem:s2] =	stream.indirect.scatter.add.f32 [tilespmem:s13], [sflag:$0x5], $0x80, s24, s11, $0xb8;
	[tilespmem:$0x1CC00] =	vst v63  }
0x6a: {  	s7 =	rddreg [dreg:$0x11]  }
0x6b: {  	[tilespmem:s12], [sflag:$0x1] =	stream.indirect.gather [hbm4b:s6+s11], $0x80, s7, s11, $0xb8;
	[tilespmem:$0x1CC00] =	vst v63  }
0x6c: {  	_ =	swait.ge [sflag:s19], $0x2000  }
0x6d: {  	[sflag:s19] =	ssyncset.done $0x0  }
0x6e: {  	[sflag:s19] =	ssyncadd.s32 $0xFFFFE000  }
0x6f: {  	_ =	swait.ge [sflag:s18], $0x2000  }
0x70: {  	[sflag:s18] =	ssyncset.done $0x0  }
0x71: {  	s24 =	rddreg [dreg:$0x12];
	[sflag:s18] =	ssyncadd.s32 $0xFFFFE000  }
0x72: {  	[spmem:s2] =	stream.indirect.scatter.add.f32 [tilespmem:s14], [sflag:$0x5], $0x80, s24, s11, $0xb8;
	[tilespmem:$0x1CC00] =	vst v63  }
0x73: {  	s7 =	rddreg [dreg:$0x13]  }
0x74: {  	[tilespmem:s13], [sflag:$0x2] =	stream.indirect.gather [hbm4b:s6+s11], $0x80, s7, s11, $0xb8;
	[tilespmem:$0x1CC00] =	vst v63  }
0x75: {  	_ =	swait.ge [sflag:s20], $0x2000  }
0x76: {  	[sflag:s20] =	ssyncset.done $0x0  }
0x77: {  	[sflag:s20] =	ssyncadd.s32 $0xFFFFE000  }
0x78: {  	_ =	swait.ge [sflag:s18], $0x2000  }
0x79: {  	[sflag:s18] =	ssyncset.done $0x0  }
0x7a: {  	s24 =	rddreg [dreg:$0x14];
	[sflag:s18] =	ssyncadd.s32 $0xFFFFE000  }
0x7b: {  	[spmem:s2] =	stream.indirect.scatter.add.f32 [tilespmem:s16], [sflag:$0x5], $0x80, s24, s11, $0xb8;
	[tilespmem:$0x1CC00] =	vst v63  }
0x7c: {  	s7 =	rddreg [dreg:$0x15]  }
0x7d: {  	[tilespmem:s14], [sflag:$0x3] =	stream.indirect.gather [hbm4b:s6+s11], $0x80, s7, s11, $0xb8;
	[tilespmem:$0x1CC00] =	vst v63  }
0x7e: {  	_ =	swait.ge [sflag:s15], $0x2000  }
0x7f: {  	[sflag:s15] =	ssyncset.done $0x0  }
0x80: {  	[sflag:s15] =	ssyncadd.s32 $0xFFFFE000  }
0x81: {  	_ =	swait.ge [sflag:s18], $0x2000  }
0x82: {  	[sflag:s18] =	ssyncset.done $0x0  }
0x83: {  	s24 =	rddreg [dreg:$0x16];
	[sflag:s18] =	ssyncadd.s32 $0xFFFFE000  }
0x84: {  	[spmem:s2] =	stream.indirect.scatter.add.f32 [tilespmem:s12], [sflag:$0x5], $0x80, s24, s11, $0xb8;
	[tilespmem:$0x1CC00] =	vst v63  }
0x85: {  	_ = 	snop  }
0x86: {  	[tilespmem:s16], [sflag:$0x4] =	stream.indirect.gather [hbm4b:s6+s11], $0x80, s21, s11, $0xb8;
	[tilespmem:$0x1CC00] =	vst v63  }
0x87: {  	_ =	swait.ge [sflag:s17], $0x2000  }
0x88: {  	[sflag:s17] =	ssyncset.done $0x0  }
0x89: {  	[sflag:s17] =	ssyncadd.s32 $0xFFFFE000  }
0x8a: {  	_ =	swait.ge [sflag:s18], $0x2000  }
0x8b: {  	[sflag:s18] =	ssyncset.done $0x0  }
0x8c: {  	[sflag:s18] =	ssyncadd.s32 $0xFFFFE000  }
0x8d: {  	[spmem:s2] =	stream.indirect.scatter.add.f32 [tilespmem:s13], [sflag:$0x5], $0x80, s22, s11, $0xb8;
	[tilespmem:$0x1CC00] =	vst v63  }
0x8e: {  	_ = 	snop  }
0x8f: {  	[tilespmem:s12], [sflag:$0x1] =	stream.indirect.gather [hbm4b:s6+s11], $0x80, s23, s11, $0xb8;
	[tilespmem:$0x1CC00] =	vst v63  }
0x90: {  	_ =	swait.ge [sflag:s19], $0x2000  }
0x91: {  	[sflag:s19] =	ssyncset.done $0x0  }
0x92: {  	[sflag:s19] =	ssyncadd.s32 $0xFFFFE000  }
0x93: {  	_ =	swait.ge [sflag:s18], $0x2000  }
0x94: {  	[sflag:s18] =	ssyncset.done $0x0  }
0x95: {  	[sflag:s18] =	ssyncadd.s32 $0xFFFFE000  }
0x96: {  	[spmem:s2] =	stream.indirect.scatter.add.f32 [tilespmem:s14], [sflag:$0x5], $0x80, s25, s11, $0xb8;
	[tilespmem:$0x1CC00] =	vst v63  }
0x97: {  	_ = 	snop  }
0x98: {  	[tilespmem:s13], [sflag:$0x2] =	stream.indirect.gather [hbm4b:s6+s11], $0x80, s26, s11, $0xb8;
	[tilespmem:$0x1CC00] =	vst v63  }
0x99: {  	_ =	swait.ge [sflag:s20], $0x2000  }
0x9a: {  	[sflag:s20] =	ssyncset.done $0x0  }
0x9b: {  	[sflag:s20] =	ssyncadd.s32 $0xFFFFE000  }
0x9c: {  	_ =	swait.ge [sflag:s18], $0x2000  }
0x9d: {  	[sflag:s18] =	ssyncset.done $0x0  }
0x9e: {  	[sflag:s18] =	ssyncadd.s32 $0xFFFFE000  }
0x9f: {  	[spmem:s2] =	stream.indirect.scatter.add.f32 [tilespmem:s16], [sflag:$0x5], $0x80, s28, s11, $0xb8;
	[tilespmem:$0x1CC00] =	vst v63  }
0xa0: {  	_ = 	snop  }
0xa1: {  	[tilespmem:s14], [sflag:$0x3] =	stream.indirect.gather [hbm4b:s6+s11], $0x80, s29, s11, $0xb8;
	[tilespmem:$0x1CC00] =	vst v63  }
0xa2: {  	_ =	swait.ge [sflag:s15], $0x2000  }
0xa3: {  	[sflag:s15] =	ssyncset.done $0x0  }
0xa4: {  	[sflag:s15] =	ssyncadd.s32 $0xFFFFE000  }
0xa5: {  	_ =	swait.ge [sflag:s18], $0x2000  }
0xa6: {  	[sflag:s18] =	ssyncset.done $0x0  }
0xa7: {  	[sflag:s18] =	ssyncadd.s32 $0xFFFFE000  }
0xa8: {  	[spmem:s2] =	stream.indirect.scatter.add.f32 [tilespmem:s12], [sflag:$0x5], $0x80, s30, s11, $0xb8;
	[tilespmem:$0x1CC00] =	vst v63  }
0xa9: {  	_ = 	snop  }
0xaa: {  	[tilespmem:s16], [sflag:$0x4] =	stream.indirect.gather [hbm4b:s6+s11], $0x80, s31, s11, $0xb8;
	[tilespmem:$0x1CC00] =	vst v63  }
0xab: {  	_ =	swait.ge [sflag:s17], $0x2000  }
0xac: {  	[sflag:s17] =	ssyncset.done $0x0  }
0xad: {  	[sflag:s17] =	ssyncadd.s32 $0xFFFFE000  }
0xae: {  	_ =	swait.ge [sflag:s18], $0x2000  }
0xaf: {  	[sflag:s18] =	ssyncset.done $0x0  }
0xb0: {  	[sflag:s18] =	ssyncadd.s32 $0xFFFFE000  }
0xb1: {  	[spmem:s2] =	stream.indirect.scatter.add.f32 [tilespmem:s13], [sflag:$0x5], $0x80, s0, s11, $0xb8;
	[tilespmem:$0x1CC00] =	vst v63  }
0xb2: {  	_ =	swait.ge [sflag:s19], $0x2000  }
0xb3: {  	[sflag:s19] =	ssyncset.done $0x0  }
0xb4: {  	[sflag:s19] =	ssyncadd.s32 $0xFFFFE000  }
0xb5: {  	_ =	swait.ge [sflag:s18], $0x2000  }
0xb6: {  	[sflag:s18] =	ssyncset.done $0x0  }
0xb7: {  	[sflag:s18] =	ssyncadd.s32 $0xFFFFE000  }
0xb8: {  	[spmem:s2] =	stream.indirect.scatter.add.f32 [tilespmem:s14], [sflag:$0x5], $0x80, s1, s11, $0xb8;
	[tilespmem:$0x1CC00] =	vst v63  }
0xb9: {  	_ =	swait.ge [sflag:s20], $0x2000  }
0xba: {  	[sflag:s20] =	ssyncset.done $0x0  }
0xbb: {  	[sflag:s20] =	ssyncadd.s32 $0xFFFFE000  }
0xbc: {  	_ =	swait.ge [sflag:s18], $0x2000  }
0xbd: {  	[sflag:s18] =	ssyncset.done $0x0  }
0xbe: {  	[sflag:s18] =	ssyncadd.s32 $0xFFFFE000  }
0xbf: {  	[spmem:s2] =	stream.indirect.scatter.add.f32 [tilespmem:s16], [sflag:$0x5], $0x80, s4, s11, $0xb8;
	[tilespmem:$0x1CC00] =	vst v63  }
0xc0: {  	s5 =	simm.s32 $0x200;
	_ =	swait.ge [sflag:s18], $0x2000  }
0xc1: {  	s24 =	simm.s32 $0x100;
	s8 =	rddreg [dreg:$0x4];
	[sflag:s18] =	ssyncset.done $0x0  }
.LBB2_2:
0xc2: {  	[sflag:s18] =	ssyncadd.s32 $0xFFFFE000;
	s8 =	sadd.s32 s24, s8  }
0xc3: {  	[tilespmem:s3], [sflag:$0x6] =	stream.linear.gather [hbm4b:s8+s3], $0x800, $0x38;
	[tilespmem:$0x1CC00] =	vst v63  }
0xc4: {  	_ =	swait.ge [sflag:s9], $0x800  }
0xc5: {  	s8 =	rddreg [dreg:$0x3];
	[sflag:s9] =	ssyncset.done $0x0  }
0xc6: {  	[sflag:s9] =	ssyncadd.s32 $0xFFFFF800;
	s8 =	sadd.s32 s24, s8  }
0xc7: {  	[tilespmem:s10], [sflag:$0x6] =	stream.linear.gather [hbm4b:s8+s3], $0x800, $0x38;
	[tilespmem:$0x1CC00] =	vst v63  }
0xc8: {  	_ =	swait.ge [sflag:s9], $0x800  }
0xc9: {  	[sflag:s9] =	ssyncset.done $0x0  }
0xca: {  	s7 =	smov.u32 s5;
	[sflag:s9] =	ssyncadd.s32 $0xFFFFF800  }
0xcb: {  	[tilespmem:s12], [sflag:$0x1] =	stream.indirect.gather [hbm4b:s6+s11], $0x80, s3, s11, $0xb8;
	[tilespmem:$0x1CC00] =	vst v63  }
0xcc: {  	s24 =	smov.u32 s7;
	s7 =	rddreg [dreg:$0x5]  }
0xcd: {  	[tilespmem:s13], [sflag:$0x2] =	stream.indirect.gather [hbm4b:s6+s11], $0x80, s7, s11, $0xb8;
	[tilespmem:$0x1CC00] =	vst v63  }
0xce: {  	s8 =	rddreg [dreg:$0x6]  }
0xcf: {  	[tilespmem:s14], [sflag:$0x3] =	stream.indirect.gather [hbm4b:s6+s11], $0x80, s8, s11, $0xb8;
	[tilespmem:$0x1CC00] =	vst v63  }
0xd0: {  	_ =	swait.ge [sflag:s15], $0x2000  }
0xd1: {  	[sflag:s15] =	ssyncset.done $0x0  }
0xd2: {  	[sflag:s15] =	ssyncadd.s32 $0xFFFFE000  }
0xd3: {  	[spmem:s2] =	stream.indirect.scatter.add.f32 [tilespmem:s12], [sflag:$0x5], $0x80, s10, s11, $0xb8;
	[tilespmem:$0x1CC00] =	vst v63  }
0xd4: {  	s8 =	rddreg [dreg:$0x7]  }
0xd5: {  	[tilespmem:s16], [sflag:$0x4] =	stream.indirect.gather [hbm4b:s6+s11], $0x80, s8, s11, $0xb8;
	[tilespmem:$0x1CC00] =	vst v63  }
0xd6: {  	_ =	swait.ge [sflag:s17], $0x2000  }
0xd7: {  	[sflag:s17] =	ssyncset.done $0x0  }
0xd8: {  	[sflag:s17] =	ssyncadd.s32 $0xFFFFE000  }
0xd9: {  	_ =	swait.ge [sflag:s18], $0x2000  }
0xda: {  	[sflag:s18] =	ssyncset.done $0x0  }
0xdb: {  	s7 =	rddreg [dreg:$0x8];
	[sflag:s18] =	ssyncadd.s32 $0xFFFFE000  }
0xdc: {  	[spmem:s2] =	stream.indirect.scatter.add.f32 [tilespmem:s13], [sflag:$0x5], $0x80, s7, s11, $0xb8;
	[tilespmem:$0x1CC00] =	vst v63  }
0xdd: {  	s8 =	rddreg [dreg:$0x9]  }
0xde: {  	[tilespmem:s12], [sflag:$0x1] =	stream.indirect.gather [hbm4b:s6+s11], $0x80, s8, s11, $0xb8;
	[tilespmem:$0x1CC00] =	vst v63  }
0xdf: {  	_ =	swait.ge [sflag:s19], $0x2000  }
0xe0: {  	[sflag:s19] =	ssyncset.done $0x0  }
0xe1: {  	[sflag:s19] =	ssyncadd.s32 $0xFFFFE000  }
0xe2: {  	_ =	swait.ge [sflag:s18], $0x2000  }
0xe3: {  	[sflag:s18] =	ssyncset.done $0x0  }
0xe4: {  	s7 =	rddreg [dreg:$0xa];
	[sflag:s18] =	ssyncadd.s32 $0xFFFFE000  }
0xe5: {  	[spmem:s2] =	stream.indirect.scatter.add.f32 [tilespmem:s14], [sflag:$0x5], $0x80, s7, s11, $0xb8;
	[tilespmem:$0x1CC00] =	vst v63  }
0xe6: {  	s8 =	rddreg [dreg:$0xb]  }
0xe7: {  	[tilespmem:s13], [sflag:$0x2] =	stream.indirect.gather [hbm4b:s6+s11], $0x80, s8, s11, $0xb8;
	[tilespmem:$0x1CC00] =	vst v63  }
0xe8: {  	_ =	swait.ge [sflag:s20], $0x2000  }
0xe9: {  	[sflag:s20] =	ssyncset.done $0x0  }
0xea: {  	[sflag:s20] =	ssyncadd.s32 $0xFFFFE000  }
0xeb: {  	_ =	swait.ge [sflag:s18], $0x2000  }
0xec: {  	[sflag:s18] =	ssyncset.done $0x0  }
0xed: {  	s7 =	rddreg [dreg:$0xc];
	[sflag:s18] =	ssyncadd.s32 $0xFFFFE000  }
0xee: {  	[spmem:s2] =	stream.indirect.scatter.add.f32 [tilespmem:s16], [sflag:$0x5], $0x80, s7, s11, $0xb8;
	[tilespmem:$0x1CC00] =	vst v63  }
0xef: {  	s8 =	rddreg [dreg:$0xd]  }
0xf0: {  	[tilespmem:s14], [sflag:$0x3] =	stream.indirect.gather [hbm4b:s6+s11], $0x80, s8, s11, $0xb8;
	[tilespmem:$0x1CC00] =	vst v63  }
0xf1: {  	_ =	swait.ge [sflag:s15], $0x2000  }
0xf2: {  	[sflag:s15] =	ssyncset.done $0x0  }
0xf3: {  	[sflag:s15] =	ssyncadd.s32 $0xFFFFE000  }
0xf4: {  	_ =	swait.ge [sflag:s18], $0x2000  }
0xf5: {  	[sflag:s18] =	ssyncset.done $0x0  }
0xf6: {  	s7 =	rddreg [dreg:$0xe];
	[sflag:s18] =	ssyncadd.s32 $0xFFFFE000  }
0xf7: {  	[spmem:s2] =	stream.indirect.scatter.add.f32 [tilespmem:s12], [sflag:$0x5], $0x80, s7, s11, $0xb8;
	[tilespmem:$0x1CC00] =	vst v63  }
0xf8: {  	s8 =	rddreg [dreg:$0xf]  }
0xf9: {  	[tilespmem:s16], [sflag:$0x4] =	stream.indirect.gather [hbm4b:s6+s11], $0x80, s8, s11, $0xb8;
	[tilespmem:$0x1CC00] =	vst v63  }
0xfa: {  	_ =	swait.ge [sflag:s17], $0x2000  }
0xfb: {  	[sflag:s17] =	ssyncset.done $0x0  }
0xfc: {  	[sflag:s17] =	ssyncadd.s32 $0xFFFFE000  }
0xfd: {  	_ =	swait.ge [sflag:s18], $0x2000  }
0xfe: {  	[sflag:s18] =	ssyncset.done $0x0  }
0xff: {  	s7 =	rddreg [dreg:$0x10];
	[sflag:s18] =	ssyncadd.s32 $0xFFFFE000  }
0x100: {  	[spmem:s2] =	stream.indirect.scatter.add.f32 [tilespmem:s13], [sflag:$0x5], $0x80, s7, s11, $0xb8;
	[tilespmem:$0x1CC00] =	vst v63  }
0x101: {  	s8 =	rddreg [dreg:$0x11]  }
0x102: {  	[tilespmem:s12], [sflag:$0x1] =	stream.indirect.gather [hbm4b:s6+s11], $0x80, s8, s11, $0xb8;
	[tilespmem:$0x1CC00] =	vst v63  }
0x103: {  	_ =	swait.ge [sflag:s19], $0x2000  }
0x104: {  	[sflag:s19] =	ssyncset.done $0x0  }
0x105: {  	[sflag:s19] =	ssyncadd.s32 $0xFFFFE000  }
0x106: {  	_ =	swait.ge [sflag:s18], $0x2000  }
0x107: {  	[sflag:s18] =	ssyncset.done $0x0  }
0x108: {  	s7 =	rddreg [dreg:$0x12];
	[sflag:s18] =	ssyncadd.s32 $0xFFFFE000  }
0x109: {  	[spmem:s2] =	stream.indirect.scatter.add.f32 [tilespmem:s14], [sflag:$0x5], $0x80, s7, s11, $0xb8;
	[tilespmem:$0x1CC00] =	vst v63  }
0x10a: {  	s8 =	rddreg [dreg:$0x13]  }
0x10b: {  	[tilespmem:s13], [sflag:$0x2] =	stream.indirect.gather [hbm4b:s6+s11], $0x80, s8, s11, $0xb8;
	[tilespmem:$0x1CC00] =	vst v63  }
0x10c: {  	_ =	swait.ge [sflag:s20], $0x2000  }
0x10d: {  	[sflag:s20] =	ssyncset.done $0x0  }
0x10e: {  	[sflag:s20] =	ssyncadd.s32 $0xFFFFE000  }
0x10f: {  	_ =	swait.ge [sflag:s18], $0x2000  }
0x110: {  	[sflag:s18] =	ssyncset.done $0x0  }
0x111: {  	s7 =	rddreg [dreg:$0x14];
	[sflag:s18] =	ssyncadd.s32 $0xFFFFE000  }
0x112: {  	[spmem:s2] =	stream.indirect.scatter.add.f32 [tilespmem:s16], [sflag:$0x5], $0x80, s7, s11, $0xb8;
	[tilespmem:$0x1CC00] =	vst v63  }
0x113: {  	s8 =	rddreg [dreg:$0x15]  }
0x114: {  	[tilespmem:s14], [sflag:$0x3] =	stream.indirect.gather [hbm4b:s6+s11], $0x80, s8, s11, $0xb8;
	[tilespmem:$0x1CC00] =	vst v63  }
0x115: {  	_ =	swait.ge [sflag:s15], $0x2000  }
0x116: {  	[sflag:s15] =	ssyncset.done $0x0  }
0x117: {  	[sflag:s15] =	ssyncadd.s32 $0xFFFFE000  }
0x118: {  	_ =	swait.ge [sflag:s18], $0x2000  }
0x119: {  	[sflag:s18] =	ssyncset.done $0x0  }
0x11a: {  	s8 =	rddreg [dreg:$0x16];
	[sflag:s18] =	ssyncadd.s32 $0xFFFFE000  }
0x11b: {  	[spmem:s2] =	stream.indirect.scatter.add.f32 [tilespmem:s12], [sflag:$0x5], $0x80, s8, s11, $0xb8;
	[tilespmem:$0x1CC00] =	vst v63  }
0x11c: {  	_ = 	snop  }
0x11d: {  	[tilespmem:s16], [sflag:$0x4] =	stream.indirect.gather [hbm4b:s6+s11], $0x80, s21, s11, $0xb8;
	[tilespmem:$0x1CC00] =	vst v63  }
0x11e: {  	_ =	swait.ge [sflag:s17], $0x2000  }
0x11f: {  	[sflag:s17] =	ssyncset.done $0x0  }
0x120: {  	[sflag:s17] =	ssyncadd.s32 $0xFFFFE000  }
0x121: {  	_ =	swait.ge [sflag:s18], $0x2000  }
0x122: {  	[sflag:s18] =	ssyncset.done $0x0  }
0x123: {  	[sflag:s18] =	ssyncadd.s32 $0xFFFFE000  }
0x124: {  	[spmem:s2] =	stream.indirect.scatter.add.f32 [tilespmem:s13], [sflag:$0x5], $0x80, s22, s11, $0xb8;
	[tilespmem:$0x1CC00] =	vst v63  }
0x125: {  	_ = 	snop  }
0x126: {  	[tilespmem:s12], [sflag:$0x1] =	stream.indirect.gather [hbm4b:s6+s11], $0x80, s23, s11, $0xb8;
	[tilespmem:$0x1CC00] =	vst v63  }
0x127: {  	_ =	swait.ge [sflag:s19], $0x2000  }
0x128: {  	[sflag:s19] =	ssyncset.done $0x0  }
0x129: {  	[sflag:s19] =	ssyncadd.s32 $0xFFFFE000  }
0x12a: {  	_ =	swait.ge [sflag:s18], $0x2000  }
0x12b: {  	[sflag:s18] =	ssyncset.done $0x0  }
0x12c: {  	[sflag:s18] =	ssyncadd.s32 $0xFFFFE000  }
0x12d: {  	[spmem:s2] =	stream.indirect.scatter.add.f32 [tilespmem:s14], [sflag:$0x5], $0x80, s25, s11, $0xb8;
	[tilespmem:$0x1CC00] =	vst v63  }
0x12e: {  	_ = 	snop  }
0x12f: {  	[tilespmem:s13], [sflag:$0x2] =	stream.indirect.gather [hbm4b:s6+s11], $0x80, s26, s11, $0xb8;
	[tilespmem:$0x1CC00] =	vst v63  }
0x130: {  	_ =	swait.ge [sflag:s20], $0x2000  }
0x131: {  	[sflag:s20] =	ssyncset.done $0x0  }
0x132: {  	[sflag:s20] =	ssyncadd.s32 $0xFFFFE000  }
0x133: {  	_ =	swait.ge [sflag:s18], $0x2000  }
0x134: {  	[sflag:s18] =	ssyncset.done $0x0  }
0x135: {  	[sflag:s18] =	ssyncadd.s32 $0xFFFFE000  }
0x136: {  	[spmem:s2] =	stream.indirect.scatter.add.f32 [tilespmem:s16], [sflag:$0x5], $0x80, s28, s11, $0xb8;
	[tilespmem:$0x1CC00] =	vst v63  }
0x137: {  	_ = 	snop  }
0x138: {  	[tilespmem:s14], [sflag:$0x3] =	stream.indirect.gather [hbm4b:s6+s11], $0x80, s29, s11, $0xb8;
	[tilespmem:$0x1CC00] =	vst v63  }
0x139: {  	_ =	swait.ge [sflag:s15], $0x2000  }
0x13a: {  	[sflag:s15] =	ssyncset.done $0x0  }
0x13b: {  	[sflag:s15] =	ssyncadd.s32 $0xFFFFE000  }
0x13c: {  	_ =	swait.ge [sflag:s18], $0x2000  }
0x13d: {  	[sflag:s18] =	ssyncset.done $0x0  }
0x13e: {  	[sflag:s18] =	ssyncadd.s32 $0xFFFFE000  }
0x13f: {  	[spmem:s2] =	stream.indirect.scatter.add.f32 [tilespmem:s12], [sflag:$0x5], $0x80, s30, s11, $0xb8;
	[tilespmem:$0x1CC00] =	vst v63  }
0x140: {  	_ = 	snop  }
0x141: {  	[tilespmem:s16], [sflag:$0x4] =	stream.indirect.gather [hbm4b:s6+s11], $0x80, s31, s11, $0xb8;
	[tilespmem:$0x1CC00] =	vst v63  }
0x142: {  	_ =	swait.ge [sflag:s17], $0x2000  }
0x143: {  	[sflag:s17] =	ssyncset.done $0x0  }
0x144: {  	[sflag:s17] =	ssyncadd.s32 $0xFFFFE000  }
0x145: {  	_ =	swait.ge [sflag:s18], $0x2000  }
0x146: {  	[sflag:s18] =	ssyncset.done $0x0  }
0x147: {  	[sflag:s18] =	ssyncadd.s32 $0xFFFFE000  }
0x148: {  	[spmem:s2] =	stream.indirect.scatter.add.f32 [tilespmem:s13], [sflag:$0x5], $0x80, s0, s11, $0xb8;
	[tilespmem:$0x1CC00] =	vst v63  }
0x149: {  	_ =	swait.ge [sflag:s19], $0x2000  }
0x14a: {  	[sflag:s19] =	ssyncset.done $0x0  }
0x14b: {  	[sflag:s19] =	ssyncadd.s32 $0xFFFFE000  }
0x14c: {  	_ =	swait.ge [sflag:s18], $0x2000  }
0x14d: {  	[sflag:s18] =	ssyncset.done $0x0  }
0x14e: {  	[sflag:s18] =	ssyncadd.s32 $0xFFFFE000  }
0x14f: {  	[spmem:s2] =	stream.indirect.scatter.add.f32 [tilespmem:s14], [sflag:$0x5], $0x80, s1, s11, $0xb8;
	[tilespmem:$0x1CC00] =	vst v63  }
0x150: {  	_ =	swait.ge [sflag:s20], $0x2000  }
0x151: {  	[sflag:s20] =	ssyncset.done $0x0  }
0x152: {  	[sflag:s20] =	ssyncadd.s32 $0xFFFFE000  }
0x153: {  	p0 =	sne.s32 s5, $0x1300;
	_ =	swait.ge [sflag:s18], $0x2000  }
.Ltmp0:
0x154: {  	[sflag:s18] =	ssyncset.done $0x0;
	(pc) =	sbr.rel @p0 .LBB2_2-.Ltmp0, $4  }
0x155: {  	[sflag:s18] =	ssyncadd.s32 $0xFFFFE000  }
0x156: {  	[spmem:s2] =	stream.indirect.scatter.add.f32 [tilespmem:s16], [sflag:$0x5], $0x80, s4, s11, $0xb8;
	[tilespmem:$0x1CC00] =	vst v63  }
0x157: {  	_ =	swait.ge [sflag:s18], $0x2000  }
0x158: {  	s5 =	sadd.s32 $0x100, s5;
	s8 =	rddreg [dreg:$0x4];
	[sflag:s18] =	ssyncset.done $0x0  }
0x159: {  	[sflag:s18] =	ssyncadd.s32 $0xFFFFE000;
	s5 =	sadd.s32 s24, s8  }
0x15a: {  	[tilespmem:s3], [sflag:$0x6] =	stream.linear.gather [hbm4b:s5+s3], $0x800, $0x38;
	[tilespmem:$0x1CC00] =	vst v63  }
0x15b: {  	_ =	swait.ge [sflag:s9], $0x800  }
0x15c: {  	s8 =	rddreg [dreg:$0x3];
	[sflag:s9] =	ssyncset.done $0x0  }
0x15d: {  	[sflag:s9] =	ssyncadd.s32 $0xFFFFF800;
	s5 =	sadd.s32 s24, s8  }
0x15e: {  	[tilespmem:s10], [sflag:$0x6] =	stream.linear.gather [hbm4b:s5+s3], $0x800, $0x38;
	[tilespmem:$0x1CC00] =	vst v63  }
0x15f: {  	_ =	swait.ge [sflag:s9], $0x800  }
0x160: {  	[sflag:s9] =	ssyncset.done $0x0  }
0x161: {  	[sflag:s9] =	ssyncadd.s32 $0xFFFFF800  }
0x162: {  	[tilespmem:s12], [sflag:$0x1] =	stream.indirect.gather [hbm4b:s6+s11], $0x80, s3, s11, $0xb8;
	[tilespmem:$0x1CC00] =	vst v63  }
0x163: {  	s24 =	rddreg [dreg:$0x5]  }
0x164: {  	[tilespmem:s13], [sflag:$0x2] =	stream.indirect.gather [hbm4b:s6+s11], $0x80, s24, s11, $0xb8;
	[tilespmem:$0x1CC00] =	vst v63  }
0x165: {  	s7 =	rddreg [dreg:$0x6]  }
0x166: {  	[tilespmem:s14], [sflag:$0x3] =	stream.indirect.gather [hbm4b:s6+s11], $0x80, s7, s11, $0xb8;
	[tilespmem:$0x1CC00] =	vst v63  }
0x167: {  	_ =	swait.ge [sflag:s15], $0x2000  }
0x168: {  	[sflag:s15] =	ssyncset.done $0x0  }
0x169: {  	[sflag:s15] =	ssyncadd.s32 $0xFFFFE000  }
0x16a: {  	[spmem:s2] =	stream.indirect.scatter.add.f32 [tilespmem:s12], [sflag:$0x5], $0x80, s10, s11, $0xb8;
	[tilespmem:$0x1CC00] =	vst v63  }
0x16b: {  	s7 =	rddreg [dreg:$0x7]  }
0x16c: {  	[tilespmem:s16], [sflag:$0x4] =	stream.indirect.gather [hbm4b:s6+s11], $0x80, s7, s11, $0xb8;
	[tilespmem:$0x1CC00] =	vst v63  }
0x16d: {  	_ =	swait.ge [sflag:s17], $0x2000  }
0x16e: {  	[sflag:s17] =	ssyncset.done $0x0  }
0x16f: {  	[sflag:s17] =	ssyncadd.s32 $0xFFFFE000  }
0x170: {  	_ =	swait.ge [sflag:s18], $0x2000  }
0x171: {  	[sflag:s18] =	ssyncset.done $0x0  }
0x172: {  	s8 =	rddreg [dreg:$0x8];
	[sflag:s18] =	ssyncadd.s32 $0xFFFFE000  }
0x173: {  	[spmem:s2] =	stream.indirect.scatter.add.f32 [tilespmem:s13], [sflag:$0x5], $0x80, s8, s11, $0xb8;
	[tilespmem:$0x1CC00] =	vst v63  }
0x174: {  	s24 =	rddreg [dreg:$0x9]  }
0x175: {  	[tilespmem:s12], [sflag:$0x1] =	stream.indirect.gather [hbm4b:s6+s11], $0x80, s24, s11, $0xb8;
	[tilespmem:$0x1CC00] =	vst v63  }
0x176: {  	_ =	swait.ge [sflag:s19], $0x2000  }
0x177: {  	[sflag:s19] =	ssyncset.done $0x0  }
0x178: {  	[sflag:s19] =	ssyncadd.s32 $0xFFFFE000  }
0x179: {  	_ =	swait.ge [sflag:s18], $0x2000  }
0x17a: {  	[sflag:s18] =	ssyncset.done $0x0  }
0x17b: {  	s8 =	rddreg [dreg:$0xa];
	[sflag:s18] =	ssyncadd.s32 $0xFFFFE000  }
0x17c: {  	[spmem:s2] =	stream.indirect.scatter.add.f32 [tilespmem:s14], [sflag:$0x5], $0x80, s8, s11, $0xb8;
	[tilespmem:$0x1CC00] =	vst v63  }
0x17d: {  	s24 =	rddreg [dreg:$0xb]  }
0x17e: {  	[tilespmem:s13], [sflag:$0x2] =	stream.indirect.gather [hbm4b:s6+s11], $0x80, s24, s11, $0xb8;
	[tilespmem:$0x1CC00] =	vst v63  }
0x17f: {  	_ =	swait.ge [sflag:s20], $0x2000  }
0x180: {  	[sflag:s20] =	ssyncset.done $0x0  }
0x181: {  	[sflag:s20] =	ssyncadd.s32 $0xFFFFE000  }
0x182: {  	_ =	swait.ge [sflag:s18], $0x2000  }
0x183: {  	[sflag:s18] =	ssyncset.done $0x0  }
0x184: {  	s8 =	rddreg [dreg:$0xc];
	[sflag:s18] =	ssyncadd.s32 $0xFFFFE000  }
0x185: {  	[spmem:s2] =	stream.indirect.scatter.add.f32 [tilespmem:s16], [sflag:$0x5], $0x80, s8, s11, $0xb8;
	[tilespmem:$0x1CC00] =	vst v63  }
0x186: {  	s24 =	rddreg [dreg:$0xd]  }
0x187: {  	[tilespmem:s14], [sflag:$0x3] =	stream.indirect.gather [hbm4b:s6+s11], $0x80, s24, s11, $0xb8;
	[tilespmem:$0x1CC00] =	vst v63  }
0x188: {  	_ =	swait.ge [sflag:s15], $0x2000  }
0x189: {  	[sflag:s15] =	ssyncset.done $0x0  }
0x18a: {  	[sflag:s15] =	ssyncadd.s32 $0xFFFFE000  }
0x18b: {  	_ =	swait.ge [sflag:s18], $0x2000  }
0x18c: {  	[sflag:s18] =	ssyncset.done $0x0  }
0x18d: {  	s8 =	rddreg [dreg:$0xe];
	[sflag:s18] =	ssyncadd.s32 $0xFFFFE000  }
0x18e: {  	[spmem:s2] =	stream.indirect.scatter.add.f32 [tilespmem:s12], [sflag:$0x5], $0x80, s8, s11, $0xb8;
	[tilespmem:$0x1CC00] =	vst v63  }
0x18f: {  	s24 =	rddreg [dreg:$0xf]  }
0x190: {  	[tilespmem:s16], [sflag:$0x4] =	stream.indirect.gather [hbm4b:s6+s11], $0x80, s24, s11, $0xb8;
	[tilespmem:$0x1CC00] =	vst v63  }
0x191: {  	_ =	swait.ge [sflag:s17], $0x2000  }
0x192: {  	[sflag:s17] =	ssyncset.done $0x0  }
0x193: {  	[sflag:s17] =	ssyncadd.s32 $0xFFFFE000  }
0x194: {  	_ =	swait.ge [sflag:s18], $0x2000  }
0x195: {  	[sflag:s18] =	ssyncset.done $0x0  }
0x196: {  	s8 =	rddreg [dreg:$0x10];
	[sflag:s18] =	ssyncadd.s32 $0xFFFFE000  }
0x197: {  	[spmem:s2] =	stream.indirect.scatter.add.f32 [tilespmem:s13], [sflag:$0x5], $0x80, s8, s11, $0xb8;
	[tilespmem:$0x1CC00] =	vst v63  }
0x198: {  	s24 =	rddreg [dreg:$0x11]  }
0x199: {  	[tilespmem:s12], [sflag:$0x1] =	stream.indirect.gather [hbm4b:s6+s11], $0x80, s24, s11, $0xb8;
	[tilespmem:$0x1CC00] =	vst v63  }
0x19a: {  	_ =	swait.ge [sflag:s19], $0x2000  }
0x19b: {  	[sflag:s19] =	ssyncset.done $0x0  }
0x19c: {  	[sflag:s19] =	ssyncadd.s32 $0xFFFFE000  }
0x19d: {  	_ =	swait.ge [sflag:s18], $0x2000  }
0x19e: {  	[sflag:s18] =	ssyncset.done $0x0  }
0x19f: {  	s8 =	rddreg [dreg:$0x12];
	[sflag:s18] =	ssyncadd.s32 $0xFFFFE000  }
0x1a0: {  	[spmem:s2] =	stream.indirect.scatter.add.f32 [tilespmem:s14], [sflag:$0x5], $0x80, s8, s11, $0xb8;
	[tilespmem:$0x1CC00] =	vst v63  }
0x1a1: {  	s24 =	rddreg [dreg:$0x13]  }
0x1a2: {  	[tilespmem:s13], [sflag:$0x2] =	stream.indirect.gather [hbm4b:s6+s11], $0x80, s24, s11, $0xb8;
	[tilespmem:$0x1CC00] =	vst v63  }
0x1a3: {  	_ =	swait.ge [sflag:s20], $0x2000  }
0x1a4: {  	[sflag:s20] =	ssyncset.done $0x0  }
0x1a5: {  	[sflag:s20] =	ssyncadd.s32 $0xFFFFE000  }
0x1a6: {  	_ =	swait.ge [sflag:s18], $0x2000  }
0x1a7: {  	[sflag:s18] =	ssyncset.done $0x0  }
0x1a8: {  	s8 =	rddreg [dreg:$0x14];
	[sflag:s18] =	ssyncadd.s32 $0xFFFFE000  }
0x1a9: {  	[spmem:s2] =	stream.indirect.scatter.add.f32 [tilespmem:s16], [sflag:$0x5], $0x80, s8, s11, $0xb8;
	[tilespmem:$0x1CC00] =	vst v63  }
0x1aa: {  	s24 =	rddreg [dreg:$0x15]  }
0x1ab: {  	[tilespmem:s14], [sflag:$0x3] =	stream.indirect.gather [hbm4b:s6+s11], $0x80, s24, s11, $0xb8;
	[tilespmem:$0x1CC00] =	vst v63  }
0x1ac: {  	_ =	swait.ge [sflag:s15], $0x2000  }
0x1ad: {  	[sflag:s15] =	ssyncset.done $0x0  }
0x1ae: {  	[sflag:s15] =	ssyncadd.s32 $0xFFFFE000  }
0x1af: {  	_ =	swait.ge [sflag:s18], $0x2000  }
0x1b0: {  	[sflag:s18] =	ssyncset.done $0x0  }
0x1b1: {  	s8 =	rddreg [dreg:$0x16];
	[sflag:s18] =	ssyncadd.s32 $0xFFFFE000  }
0x1b2: {  	[spmem:s2] =	stream.indirect.scatter.add.f32 [tilespmem:s12], [sflag:$0x5], $0x80, s8, s11, $0xb8;
	[tilespmem:$0x1CC00] =	vst v63  }
0x1b3: {  	_ = 	snop  }
0x1b4: {  	[tilespmem:s16], [sflag:$0x4] =	stream.indirect.gather [hbm4b:s6+s11], $0x80, s21, s11, $0xb8;
	[tilespmem:$0x1CC00] =	vst v63  }
0x1b5: {  	_ =	swait.ge [sflag:s17], $0x2000  }
0x1b6: {  	[sflag:s17] =	ssyncset.done $0x0  }
0x1b7: {  	[sflag:s17] =	ssyncadd.s32 $0xFFFFE000  }
0x1b8: {  	_ =	swait.ge [sflag:s18], $0x2000  }
0x1b9: {  	[sflag:s18] =	ssyncset.done $0x0  }
0x1ba: {  	[sflag:s18] =	ssyncadd.s32 $0xFFFFE000  }
0x1bb: {  	[spmem:s2] =	stream.indirect.scatter.add.f32 [tilespmem:s13], [sflag:$0x5], $0x80, s22, s11, $0xb8;
	[tilespmem:$0x1CC00] =	vst v63  }
0x1bc: {  	_ = 	snop  }
0x1bd: {  	[tilespmem:s12], [sflag:$0x1] =	stream.indirect.gather [hbm4b:s6+s11], $0x80, s23, s11, $0xb8;
	[tilespmem:$0x1CC00] =	vst v63  }
0x1be: {  	_ =	swait.ge [sflag:s19], $0x2000  }
0x1bf: {  	[sflag:s19] =	ssyncset.done $0x0  }
0x1c0: {  	[sflag:s19] =	ssyncadd.s32 $0xFFFFE000  }
0x1c1: {  	_ =	swait.ge [sflag:s18], $0x2000  }
0x1c2: {  	[sflag:s18] =	ssyncset.done $0x0  }
0x1c3: {  	[sflag:s18] =	ssyncadd.s32 $0xFFFFE000  }
0x1c4: {  	[spmem:s2] =	stream.indirect.scatter.add.f32 [tilespmem:s14], [sflag:$0x5], $0x80, s25, s11, $0xb8;
	[tilespmem:$0x1CC00] =	vst v63  }
0x1c5: {  	_ = 	snop  }
0x1c6: {  	[tilespmem:s13], [sflag:$0x2] =	stream.indirect.gather [hbm4b:s6+s11], $0x80, s26, s11, $0xb8;
	[tilespmem:$0x1CC00] =	vst v63  }
0x1c7: {  	_ =	swait.ge [sflag:s20], $0x2000  }
0x1c8: {  	[sflag:s20] =	ssyncset.done $0x0  }
0x1c9: {  	[sflag:s20] =	ssyncadd.s32 $0xFFFFE000  }
0x1ca: {  	_ =	swait.ge [sflag:s18], $0x2000  }
0x1cb: {  	[sflag:s18] =	ssyncset.done $0x0  }
0x1cc: {  	[sflag:s18] =	ssyncadd.s32 $0xFFFFE000  }
0x1cd: {  	[spmem:s2] =	stream.indirect.scatter.add.f32 [tilespmem:s16], [sflag:$0x5], $0x80, s28, s11, $0xb8;
	[tilespmem:$0x1CC00] =	vst v63  }
0x1ce: {  	_ = 	snop  }
0x1cf: {  	[tilespmem:s14], [sflag:$0x3] =	stream.indirect.gather [hbm4b:s6+s11], $0x80, s29, s11, $0xb8;
	[tilespmem:$0x1CC00] =	vst v63  }
0x1d0: {  	_ =	swait.ge [sflag:s15], $0x2000  }
0x1d1: {  	[sflag:s15] =	ssyncset.done $0x0  }
0x1d2: {  	[sflag:s15] =	ssyncadd.s32 $0xFFFFE000  }
0x1d3: {  	_ =	swait.ge [sflag:s18], $0x2000  }
0x1d4: {  	[sflag:s18] =	ssyncset.done $0x0  }
0x1d5: {  	[sflag:s18] =	ssyncadd.s32 $0xFFFFE000  }
0x1d6: {  	[spmem:s2] =	stream.indirect.scatter.add.f32 [tilespmem:s12], [sflag:$0x5], $0x80, s30, s11, $0xb8;
	[tilespmem:$0x1CC00] =	vst v63  }
0x1d7: {  	_ = 	snop  }
0x1d8: {  	[tilespmem:s16], [sflag:$0x4] =	stream.indirect.gather [hbm4b:s6+s11], $0x80, s31, s11, $0xb8;
	[tilespmem:$0x1CC00] =	vst v63  }
0x1d9: {  	_ =	swait.ge [sflag:s17], $0x2000  }
0x1da: {  	[sflag:s17] =	ssyncset.done $0x0  }
0x1db: {  	[sflag:s17] =	ssyncadd.s32 $0xFFFFE000  }
0x1dc: {  	_ =	swait.ge [sflag:s18], $0x2000  }
0x1dd: {  	[sflag:s18] =	ssyncset.done $0x0  }
0x1de: {  	[sflag:s18] =	ssyncadd.s32 $0xFFFFE000  }
0x1df: {  	[spmem:s2] =	stream.indirect.scatter.add.f32 [tilespmem:s13], [sflag:$0x5], $0x80, s0, s11, $0xb8;
	[tilespmem:$0x1CC00] =	vst v63  }
0x1e0: {  	_ =	swait.ge [sflag:s19], $0x2000  }
0x1e1: {  	[sflag:s19] =	ssyncset.done $0x0  }
0x1e2: {  	[sflag:s19] =	ssyncadd.s32 $0xFFFFE000  }
0x1e3: {  	_ =	swait.ge [sflag:s18], $0x2000  }
0x1e4: {  	[sflag:s18] =	ssyncset.done $0x0  }
0x1e5: {  	[sflag:s18] =	ssyncadd.s32 $0xFFFFE000  }
0x1e6: {  	[spmem:s2] =	stream.indirect.scatter.add.f32 [tilespmem:s14], [sflag:$0x5], $0x80, s1, s11, $0xb8;
	[tilespmem:$0x1CC00] =	vst v63  }
0x1e7: {  	_ =	swait.ge [sflag:s20], $0x2000  }
0x1e8: {  	[sflag:s20] =	ssyncset.done $0x0  }
0x1e9: {  	[sflag:s20] =	ssyncadd.s32 $0xFFFFE000  }
0x1ea: {  	_ =	swait.ge [sflag:s18], $0x2000  }
0x1eb: {  	[sflag:s18] =	ssyncset.done $0x0  }
0x1ec: {  	[sflag:s18] =	ssyncadd.s32 $0xFFFFE000  }
0x1ed: {  	[spmem:s2] =	stream.indirect.scatter.add.f32 [tilespmem:s16], [sflag:$0x5], $0x80, s4, s11, $0xb8;
	[tilespmem:$0x1CC00] =	vst v63  }
0x1ee: {  	_ =	swait.ge [sflag:s18], $0x2000  }
0x1ef: {  	[sflag:s18] =	ssyncset.done $0x0  }
0x1f0: {  	[sflag:s18] =	ssyncadd.s32 $0xFFFFE000  }
0x1f1: {  	[bflag:$0x0] =	sbarrier.arrive $0xFFFF  }
0x1f2: {  	s8 =	rddreg [dreg:$0x18]  }
0x1f3: {  	s7 =	rddreg [dreg:$0x1a]  }
0x1f4: {  	s24 =	rddreg [dreg:$0x1b]  }
0x1f5: {  	[hbm:s24], [sflag:s8] =	dma.local [spmem:s7], $0x2780  }
0x1f6: {  	_ =	swait.ge [sflag:s9], $0x2780  }
0x1f7: {  	s5 =	rddreg [dreg:$0x1c]  }
0x1f8: {  	s24 =	sadd.s32 $0x1, s5;
	s5 =	rddreg [dreg:$0x19]  }
0x1f9: {  	p0 =	sne.s32 s24, s5  }
.Ltmp1:
0x1fa: {  	_ = 	snop;
	(pc) =	sbr.rel @p0 .LBB2_1-.Ltmp1, $3  }
0x1fb: {  	_ =	sdelay $0x1  }
0x1fc: {  	[sflag:s9] =	ssyncset.done $0x0  }
0x1fd: {  	[sflag:s9] =	ssyncadd.s32 $0xFFFFD880  }
0x1fe: {  	_ =	sfence.sel $0x180000  }
0x1ff: {  	[bflag:$0x0] =	sbarrier.arrive $0xFFFF  }
0x200: {  	_ =	strace $0x9000004A  }
0x201: {  	s0 =	stileid.u32;
	[bflag:$0x2] =	sbarrier.arrive $0xFFFF  }
0x202: {  	p0 =	sne.s32 s0, $0x0;
	s0 =	rddreg [dreg:$0x2]  }
0x203: {  	s0 =	sadd.s32 @!p0 $0x100000, s0  }
0x204: {  	[sflag:s0] =	ssyncadd.tile.s32 @!p0 $0x1;
	_ =	shalt  }
.Lfunc_end2:
_tile_overlayer_lowered:
.L_overlay_start_2:
0x205: {  	(tag) =	ssettag $0x2  }
0x206: {  	s0 =	rddreg [dreg:$0x0];
	s2 =	stileid.u32  }
0x207: {  	s1 =	rddreg [dreg:$0x1];
	p0 =	sne.s32 s2, $0x0  }
0x208: {  	s3 =	rddreg [dreg:$0x2];
	[bflag:$0x3] =	sbarrier.arrive $0xFFFF;
	s2 =	simm.s32 @!p0 $0x1C06  }
0x209: {  	[timem:s3], [sflag:s2] =	dma.local @!p0 [hbm:s0], s1  }
0x20a: {  	s0 =	simm.s32 @!p0 $0x6  }
0x20b: {  	_ =	swait.ge @!p0 [sflag:s0], s1  }
0x20c: {  	s1 =	ssub.s32 @!p0 $0x0, s1;
	[sflag:s0] =	ssyncset.done @!p0 $0x0  }
0x20d: {  	[sflag:s0] =	ssyncadd.s32 @!p0 s1  }
0x20e: {  	[bflag:$0x3] =	sbarrier.arrive $0xFFFF  }
0x20f: {  	_ =	shalt  }

</sc_bundles>
